<compile_context>
chip_gen: v7x
topology: tpu7x:2x2x1
jax: 0.10.2.dev20260603
libtpu: 0.0.44.dev20260713+nightly
codegen_flags: <defaults>
</compile_context>

<pallas_src>
import functools

import jax
import jax.numpy as jnp
from jax import lax
from jax.experimental import pallas as pl
from jax.experimental.pallas import tpu as pltpu
from jax.experimental.pallas import tpu_sc as plsc

N_NODES = 10000
HIDDEN = 40
HPAD = 48
NP = 10240
NODES_W = 320
NW = 32
E = 640000
ECHUNK = 4000
QCAP = 23040
GB = 128
NEG = -3.0e38
NCHUNK = 4
CW = 104
PC = 96


def _cnn_body(x_ref, we_ref, wo_ref, cb_ref, lw_ref, lb_ref, gw_ref,
              asv_ref, adv_ref, out_ref):
    M = x_ref.shape[0]
    acc = jnp.broadcast_to(lb_ref[...][None, :], (M, 80))
    for k in range(NCHUNK):
        xk = x_ref[:, 96 * k: 96 * k + CW]
        ye = xk @ we_ref[k] + cb_ref[...][None, :]
        yo = xk @ wo_ref[k] + cb_ref[...][None, :]
        zk = jnp.maximum(jnp.maximum(ye, yo), 0.0)
        acc = acc + zk @ lw_ref[k]
    feat = jnp.maximum(acc, 0.0)
    hl = feat @ gw_ref[...]
    a_s = jnp.sum(hl * asv_ref[...][None, :], axis=-1, keepdims=True)
    a_d = jnp.sum(hl * adv_ref[...][None, :], axis=-1, keepdims=True)
    out_ref[:, 0:HIDDEN] = hl
    out_ref[:, HIDDEN:HIDDEN + 1] = a_s
    out_ref[:, HIDDEN + 1:HIDDEN + 2] = a_d
    out_ref[:, HIDDEN + 2:HPAD] = jnp.zeros((M, HPAD - HIDDEN - 2),
                                            dtype=jnp.float32)


def _make_band_weights(conv_w):
    w = conv_w[:, 0, :]
    i = jnp.arange(392)[:, None]
    q = jnp.arange(48)[None, :]
    cols_c = jnp.arange(8)[None, :]

    def band(off):
        j = i - 8 * q - off
        valid = (j >= 0) & (j < 8)
        jc = jnp.clip(j, 0, 7)
        taps = w.T[jc]
        taps = jnp.where(valid[:, :, None], taps, 0.0)
        return taps.reshape(392, 48 * 8)

    return band(0), band(4)


def _cnn_stage(xs2, we, wo, cb_cols, lw_perm, lin_b, gat_w, att_src, att_dst):
    M = xs2.shape[0]
    B = 2000
    grid = (M // B,)
    full = lambda *s: pl.BlockSpec(s, lambda i: tuple(0 for _ in s))
    return pl.pallas_call(
        _cnn_body,
        grid=grid,
        in_specs=[
            pl.BlockSpec((B, 392), lambda i: (i, 0)),
            full(NCHUNK, CW, PC), full(NCHUNK, CW, PC), full(PC,),
            full(NCHUNK, PC, 80), full(80,), full(80, HIDDEN),
            full(HIDDEN,), full(HIDDEN,),
        ],
        out_specs=pl.BlockSpec((B, HPAD), lambda i: (i, 0)),
        out_shape=jax.ShapeDtypeStruct((M, HPAD), jnp.float32),
    )(xs2, we, wo, cb_cols, lw_perm, lin_b, gat_w, att_src, att_dst)


def _sc_edge_body(tbl, srcv, dstv, asp, adp, bias48, out,
                  qsrc, qdstl, qex, asv, adw, denw, acc, accb, srcc, dstc,
                  qrow, rows, biasv, sem, sem2):
    wid = lax.axis_index("s") * 2 + lax.axis_index("c")
    lo = wid * NODES_W
    lane = lax.broadcasted_iota(jnp.int32, (16,), 0)

    pltpu.sync_copy(bias48, biasv)

    def zi(i, _):
        z = jnp.zeros((16,), jnp.int32)
        qsrc[pl.ds(i * 16, 16)] = z
        qdstl[pl.ds(i * 16, 16)] = z
        return 0
    lax.fori_loop(0, QCAP // 16, zi, 0)

    def scan_chunk(ci, qn):
        off = ci * ECHUNK
        pltpu.sync_copy(srcv.at[pl.ds(off, ECHUNK)], srcc)
        pltpu.sync_copy(dstv.at[pl.ds(off, ECHUNK)], dstc)

        def grp(g, qn):
            vs = srcc[pl.ds(g * 16, 16)]
            vd = dstc[pl.ds(g * 16, 16)]
            vdl = vd - lo
            inb = vdl.astype(jnp.uint32) < jnp.uint32(NODES_W)
            plsc.store_compressed(qsrc.at[pl.ds(qn, 16)], vs, mask=inb)
            plsc.store_compressed(qdstl.at[pl.ds(qn, 16)], vdl, mask=inb)
            return qn + jnp.sum(inb.astype(jnp.int32))

        return lax.fori_loop(0, ECHUNK // 16, grp, qn)

    qn = lax.fori_loop(0, E // ECHUNK, scan_chunk, jnp.int32(0))
    ngrp = (qn + 15) // 16

    def channel(s, _):
        pltpu.sync_copy(asp.at[pl.ds(s * NP, NP)], asv)
        pltpu.sync_copy(adp.at[pl.ds(s * NP + lo, NODES_W)], adw)

        def zd(i, _):
            denw[pl.ds(i * 16, 16)] = jnp.zeros((16,), jnp.float32)
            return 0
        lax.fori_loop(0, NODES_W // 16, zd, 0)

        def za(i, _):
            acc[pl.ds(i * 16, 16)] = jnp.full((16,), NEG, jnp.float32)
            return 0
        lax.fori_loop(0, (NODES_W + 1) * HPAD // 16, za, 0)

        def p1(g, _):
            base = g * 16
            m = (base + lane) < qn
            vsrc = qsrc[pl.ds(base, 16)]
            vdl = qdstl[pl.ds(base, 16)]
            va = plsc.load_gather(asv, [vsrc])
            vb = plsc.load_gather(adw, [vdl])
            ve = va + vb
            ve = jnp.maximum(ve, 0.2 * ve)
            vex = jnp.exp(ve)
            qex[pl.ds(base, 16)] = vex
            plsc.addupdate_scatter(denw, [vdl], jnp.where(m, vex, 0.0))
            return 0
        lax.fori_loop(0, ngrp, p1, 0)

        def p2(g, _):
            base = g * 16
            vdl = qdstl[pl.ds(base, 16)]
            vden = plsc.load_gather(denw, [vdl])
            qex[pl.ds(base, 16)] = qex[pl.ds(base, 16)] / (vden + 1e-16)
            return 0
        lax.fori_loop(0, ngrp, p2, 0)

        nblk = (qn + GB - 1) // GB

        def bld(half, b):
            def bl(g, _):
                v = qsrc[pl.ds(b * GB + g * 16, 16)] * 5 + s
                qrow[half, pl.ds(g * 16, 16)] = v
                return 0
            lax.fori_loop(0, GB // 16, bl, 0)

        def proc(half, b):
            qb = b * GB

            def grp16(gi, _):
                base = qb + gi * 16
                valid = (base + lane) < qn
                alpha16 = qex[pl.ds(base, 16)]
                dl16 = jnp.where(valid, qdstl[pl.ds(base, 16)], NODES_W)
                for i in range(16):
                    a = alpha16[i]
                    ab = dl16[i] * HPAD
                    jj = gi * 16 + i
                    for t in range(3):
                        rv = rows[half, jj, pl.ds(t * 16, 16)]
                        av = acc[pl.ds(ab + t * 16, 16)]
                        acc[pl.ds(ab + t * 16, 16)] = jnp.maximum(av, a * rv)
                return 0
            lax.fori_loop(0, GB // 16, grp16, 0)

        def blk2(b2, _):
            b0 = b2 * 2
            b1 = b0 + 1
            bld(0, b0)
            cp0 = pltpu.async_copy(tbl.at[qrow.at[0]], rows.at[0], sem)

            @pl.when(b1 < nblk)
            def _():
                bld(1, b1)
                pltpu.async_copy(tbl.at[qrow.at[1]], rows.at[1], sem2)

            cp0.wait()
            proc(0, b0)

            @pl.when(b1 < nblk)
            def _():
                pltpu.make_async_copy(tbl.at[qrow.at[1]], rows.at[1],
                                      sem2).wait()
                proc(1, b1)
            return 0
        lax.fori_loop(0, (nblk + 1) // 2, blk2, 0)

        def ep(r, _):
            rb = r * HPAD
            for t in range(3):
                a = acc[pl.ds(rb + t * 16, 16)]
                bv = biasv[pl.ds(t * 16, 16)]
                v = jnp.where(a < -1.0e37, 0.0, a) + bv
                acc[pl.ds(rb + t * 16, 16)] = jnp.maximum(v, 0.0)
            return 0
        lax.fori_loop(0, NODES_W, ep, 0)

        def rp(g, _):
            x = g * 16 + lane
            q = (x * 52429) >> 21
            cidx = x - 40 * q
            accb[pl.ds(g * 16, 16)] = plsc.load_gather(acc, [q * HPAD + cidx])
            return 0
        lax.fori_loop(0, NODES_W * HIDDEN // 16, rp, 0)
        base = (s * N_NODES + lo) * HIDDEN

        @pl.when(lo + NODES_W <= N_NODES)
        def _():
            pltpu.sync_copy(accb.at[pl.ds(0, NODES_W * HIDDEN)],
                            out.at[pl.ds(base, NODES_W * HIDDEN)])

        @pl.when(lo + NODES_W > N_NODES)
        def _():
            pltpu.sync_copy(accb.at[pl.ds(0, 80 * HIDDEN)],
                            out.at[pl.ds(base, 80 * HIDDEN)])
        return 0

    lax.fori_loop(0, 5, channel, 0)


def _sc_edge_stage(tbl, srcv, dstv, asp, adp, bias48):
    mesh = plsc.VectorSubcoreMesh(core_axis_name="c", subcore_axis_name="s")
    f = functools.partial(
        pl.kernel,
        mesh=mesh,
        compiler_params=pltpu.CompilerParams(needs_layout_passes=False,
                                             use_tc_tiling_on_sc=False),
        out_type=jax.ShapeDtypeStruct((5 * N_NODES * HIDDEN,), jnp.float32),
        scratch_types=[
            pltpu.VMEM((QCAP,), jnp.int32),
            pltpu.VMEM((QCAP,), jnp.int32),
            pltpu.VMEM((QCAP,), jnp.float32),
            pltpu.VMEM((NP,), jnp.float32),
            pltpu.VMEM((NODES_W,), jnp.float32),
            pltpu.VMEM((NODES_W,), jnp.float32),
            pltpu.VMEM(((NODES_W + 1) * HPAD,), jnp.float32),
            pltpu.VMEM((NODES_W * HIDDEN,), jnp.float32),
            pltpu.VMEM((ECHUNK,), jnp.int32),
            pltpu.VMEM((ECHUNK,), jnp.int32),
            pltpu.VMEM((2, GB), jnp.int32),
            pltpu.VMEM((2, GB, HPAD), jnp.float32),
            pltpu.VMEM((HPAD,), jnp.float32),
            pltpu.SemaphoreType.DMA,
            pltpu.SemaphoreType.DMA,
        ],
    )(_sc_edge_body)
    return f(tbl, srcv, dstv, asp, adp, bias48)


def kernel(x, edge_index, conv_w, conv_b, lin_w, lin_b, gat_w, att_src,
           att_dst, gat_bias):
    n = x.shape[0]
    xs2 = x[:, :, 3:].reshape(n * 5, 392)
    w_even, w_odd = _make_band_weights(conv_w)
    we = jnp.stack([jax.lax.dynamic_slice(w_even, (96 * k, 96 * k), (CW, PC))
                    for k in range(NCHUNK)])
    wo = jnp.stack([jax.lax.dynamic_slice(w_odd, (96 * k, 96 * k), (CW, PC))
                    for k in range(NCHUNK)])
    cb_cols = jnp.tile(conv_b, PC // 8)
    q = jnp.arange(48)
    c = jnp.arange(8)
    rows = (c[None, :] * 48 + q[:, None]).reshape(-1)
    lw_perm = lin_w[rows].reshape(NCHUNK, PC, 80)

    out48 = _cnn_stage(xs2, we, wo, cb_cols, lw_perm, lin_b, gat_w,
                       att_src, att_dst)

    src = edge_index[0].astype(jnp.int32)
    dst = edge_index[1].astype(jnp.int32)
    asp = jnp.pad(out48[:, HIDDEN].reshape(n, 5).T, ((0, 0), (0, NP - n))).reshape(-1)
    adp = jnp.pad(out48[:, HIDDEN + 1].reshape(n, 5).T, ((0, 0), (0, NP - n))).reshape(-1)
    bias48 = jnp.pad(gat_bias, (0, HPAD - HIDDEN))

    outp = _sc_edge_stage(out48, src, dst, asp, adp, bias48)
    return outp.reshape(5, n, HIDDEN)

# --- scband reference (transcript-rebuilt; emitter-appended) ---
"""Pipeline reference for scband-cnn-gnn-15582141350517 (READ-ONLY COPY).

The authoritative reference and input builder live on the scoring server;
editing this copy changes nothing except your own understanding.
"""

import jax, jax.numpy as jnp
import numpy as np

N_NODES = 10000
N_EDGES = 640000
HIDDEN = 40


def feature_cnn(x, conv_w, conv_b, lin_w, lin_b):
    # x: [M, 1, 392] -> conv1d(1->8, k=8, stride=4) -> relu -> maxpool(2) -> flatten -> linear(384->80) -> relu
    y = jax.lax.conv_general_dilated(x, conv_w, window_strides=(4,), padding='VALID',
                                     dimension_numbers=('NCH', 'OIH', 'NCH'))
    y = y + conv_b[None, :, None]
    y = jax.nn.relu(y)
    y = jax.lax.reduce_window(y, -jnp.inf, jax.lax.max, (1, 1, 2), (1, 1, 2), 'VALID')
    y = y.reshape(y.shape[0], -1)
    return jax.nn.relu(y @ lin_w + lin_b)


def gat_layer(h, W, att_src, att_dst, bias, src, dst, n_nodes):
    # single-head GAT with softmax attention over incoming edges, aggr='max'
    hl = h @ W  # [N, H]
    a_s = (hl * att_src).sum(-1)  # [N]
    a_d = (hl * att_dst).sum(-1)  # [N]
    e = jax.nn.leaky_relu(a_s[src] + a_d[dst], 0.2)  # [E]
    e_max = jax.ops.segment_max(e, dst, num_segments=n_nodes)
    e_max = jnp.where(jnp.isfinite(e_max), e_max, 0.0)
    ex = jnp.exp(e - e_max[dst])
    denom = jax.ops.segment_sum(ex, dst, num_segments=n_nodes)
    alpha = ex / (denom[dst] + 1e-16)
    msg = hl[src] * alpha[:, None]  # [E, H]
    out = jax.ops.segment_max(msg, dst, num_segments=n_nodes)
    out = jnp.where(jnp.isfinite(out), out, 0.0)
    return out + bias


def setup_inputs(seed: int = 0) -> dict:
    key = jax.random.key(seed)
    ks = jax.random.split(key, 10)
    x = jax.random.normal(ks[0], (N_NODES, 5, 395), dtype=jnp.float32)
    edge_index = jax.random.randint(ks[1], (2, N_EDGES), 0, N_NODES, dtype=jnp.int64)
    # FeatureCNN params
    conv_w = jax.random.normal(ks[2], (8, 1, 8), dtype=jnp.float32) * 0.1
    conv_b = jnp.zeros((8,), dtype=jnp.float32)
    lin_w = jax.random.normal(ks[3], (384, 80), dtype=jnp.float32) * 0.05
    lin_b = jnp.zeros((80,), dtype=jnp.float32)
    # GATConv(80 -> 40, heads=1) params
    gat_w = jax.random.normal(ks[4], (80, HIDDEN), dtype=jnp.float32) * 0.1
    att_src = jax.random.normal(ks[5], (HIDDEN,), dtype=jnp.float32) * 0.1
    att_dst = jax.random.normal(ks[6], (HIDDEN,), dtype=jnp.float32) * 0.1
    gat_bias = jnp.zeros((HIDDEN,), dtype=jnp.float32)
    return {'x': x, 'edge_index': edge_index, 'conv_w': conv_w, 'conv_b': conv_b,
            'lin_w': lin_w, 'lin_b': lin_b, 'gat_w': gat_w, 'att_src': att_src,
            'att_dst': att_dst, 'gat_bias': gat_bias}


def reference(x, edge_index, conv_w, conv_b, lin_w, lin_b, gat_w, att_src, att_dst, gat_bias):
    n = x.shape[0]
    xs = x[:, :, 3:].reshape(-1, 1, 392)  # [N*5, 1, 392]
    feat = feature_cnn(xs, conv_w, conv_b, lin_w, lin_b)  # [N*5, 80]
    feat = jnp.transpose(feat.reshape(n, 5, 80), (1, 0, 2))  # [5, N, 80]
    src, dst = edge_index[0], edge_index[1]
    per = jax.vmap(lambda h: gat_layer(h, gat_w, att_src, att_dst, gat_bias, src, dst, n))(feat)
    return jax.nn.relu(per)  # [5, N, 40]

if __name__ == "__main__":
    import jax
    _d = setup_inputs()
    print(jax.jit(kernel)(*tuple(_d.values())))

</pallas_src>

<mosaic_0001>
#map = affine_map<(d0, d1) -> (0, 0)>
#map1 = affine_map<(d0, d1) -> (0)>
module attributes {stable_mosaic.version = 14 : i64} {
  func.func @_sc_edge_body(%arg0: i32, %arg1: i32, %arg2: memref<50000x48xf32, #tpu.memory_space<hbm>>, %arg3: memref<640000xi32, #tpu.memory_space<hbm>>, %arg4: memref<640000xi32, #tpu.memory_space<hbm>>, %arg5: memref<51200xf32, #tpu.memory_space<hbm>>, %arg6: memref<51200xf32, #tpu.memory_space<hbm>>, %arg7: memref<48xf32, #tpu.memory_space<hbm>>, %arg8: memref<2000000xf32, #tpu.memory_space<hbm>>, %arg9: memref<23040xi32, #tpu.memory_space<vmem>>, %arg10: memref<23040xi32, #tpu.memory_space<vmem>>, %arg11: memref<23040xf32, #tpu.memory_space<vmem>>, %arg12: memref<10240xf32, #tpu.memory_space<vmem>>, %arg13: memref<320xf32, #tpu.memory_space<vmem>>, %arg14: memref<320xf32, #tpu.memory_space<vmem>>, %arg15: memref<15408xf32, #tpu.memory_space<vmem>>, %arg16: memref<12800xf32, #tpu.memory_space<vmem>>, %arg17: memref<4000xi32, #tpu.memory_space<vmem>>, %arg18: memref<4000xi32, #tpu.memory_space<vmem>>, %arg19: memref<2x128xi32, #tpu.memory_space<vmem>>, %arg20: memref<2x128x48xf32, #tpu.memory_space<vmem>>, %arg21: memref<48xf32, #tpu.memory_space<vmem>>, %arg22: memref<!tpu.dma_semaphore, #tpu.memory_space<semaphore_mem>>, %arg23: memref<!tpu.dma_semaphore, #tpu.memory_space<semaphore_mem>>) attributes {dimension_semantics = [#tpu.dimension_semantics<core_parallel>, #tpu.dimension_semantics<subcore_parallel>], iteration_bounds = array<i64: 2, 16>, scalar_prefetch = 0 : i64, scratch_operands = 15 : i64, tpu.core_type = #tpu.core_type<sc_vector_subcore>, window_params = [{transform_indices = #map}, {transform_indices = #map1}, {transform_indices = #map1}, {transform_indices = #map1}, {transform_indices = #map1}, {transform_indices = #map1}, {transform_indices = #map1}]} {
    %mul3A = arith.constant 2 : i32
    %mul3A_0 = arith.muli %arg1, %mul3A : i32
    %add3A = arith.addi %mul3A_0, %arg0 : i32
    %mul3A_1 = arith.constant 320 : i32
    %mul3A_2 = arith.muli %add3A, %mul3A_1 : i32
    %iota3A = tpu.iota {dimensions = array<i32: 0>} : vector<16xi32>
    "tpu.region"() ({
      %run_scoped3A = tpu.sem_alloc : memref<!tpu.dma_semaphore, #tpu.memory_space<semaphore_mem>>
      tpu.enqueue_dma source(%arg7 : memref<48xf32, #tpu.memory_space<hbm>>) target(%arg21 : memref<48xf32, #tpu.memory_space<vmem>>) target_semaphore(%run_scoped3A : memref<!tpu.dma_semaphore, #tpu.memory_space<semaphore_mem>>)
      tpu.wait_dma2 semaphore(%run_scoped3A : memref<!tpu.dma_semaphore, #tpu.memory_space<semaphore_mem>>) src(%arg7 : memref<48xf32, #tpu.memory_space<hbm>>) dst(%arg21 : memref<48xf32, #tpu.memory_space<vmem>>)
      tpu.yield
    }) : () -> ()
    %scan3A = arith.constant 0 : i32
    %scan3A_3 = arith.constant 0 : i32
    %scan3A_4 = arith.constant 1440 : i32
    %scan3A_5 = arith.addi %scan3A_3, %scan3A_4 : i32
    %scan3A_6 = arith.constant 1 : i32
    %scan3A_7 = scf.for %scan3A_41 = %scan3A_3 to %scan3A_5 step %scan3A_6 iter_args(%scan3A_42 = %scan3A) -> (i32)  : i32 {
      %broadcast_in_dim3A = arith.constant 0 : i32
      %broadcast_in_dim3A_43 = vector.broadcast %broadcast_in_dim3A : i32 to vector<16xi32>
      %mul3A_44 = arith.constant 16 : i32
      %mul3A_45 = arith.muli %scan3A_41, %mul3A_44 : i32
      %swap3A = arith.index_cast %mul3A_45 : i32 to index
      %swap3A_46 = tpu.vector_load %arg9[%swap3A] {strides = array<i32>} : memref<23040xi32, #tpu.memory_space<vmem>>, vector<16xi32>,
      tpu.vector_store %arg9[%swap3A], %broadcast_in_dim3A_43 {strides = array<i32>} : memref<23040xi32, #tpu.memory_space<vmem>>, vector<16xi32>,
      %mul3A_47 = arith.constant 16 : i32
      %mul3A_48 = arith.muli %scan3A_41, %mul3A_47 : i32
      %swap3A_49 = arith.index_cast %mul3A_48 : i32 to index
      %swap3A_50 = tpu.vector_load %arg10[%swap3A_49] {strides = array<i32>} : memref<23040xi32, #tpu.memory_space<vmem>>, vector<16xi32>,
      tpu.vector_store %arg10[%swap3A_49], %broadcast_in_dim3A_43 {strides = array<i32>} : memref<23040xi32, #tpu.memory_space<vmem>>, vector<16xi32>,
      %scan3A_51 = arith.constant 0 : i32
      scf.yield %scan3A_51 : i32
    }
    %scan3A_8 = arith.constant 1440 : i32
    %scan3A_9 = arith.constant 0 : i32
    %scan3A_10 = arith.constant 0 : i32
    %scan3A_11 = arith.constant 160 : i32
    %scan3A_12 = arith.addi %scan3A_10, %scan3A_11 : i32
    %scan3A_13 = arith.constant 1 : i32
    %scan3A_14 = scf.for %scan3A_41 = %scan3A_10 to %scan3A_12 step %scan3A_13 iter_args(%scan3A_42 = %scan3A_9) -> (i32)  : i32 {
      %mul3A_43 = arith.constant 4000 : i32
      %mul3A_44 = arith.muli %scan3A_41, %mul3A_43 : i32
      "tpu.region"() ({
        %run_scoped3A = tpu.sem_alloc : memref<!tpu.dma_semaphore, #tpu.memory_space<semaphore_mem>>
        %dma_start3A = tpu.memref_slice %arg3[%mul3A_44] : memref<640000xi32, #tpu.memory_space<hbm>> -> memref<4000xi32, #tpu.memory_space<hbm>>
        %dma_start3A_51 = tpu.memref_slice %arg3[%mul3A_44] : memref<640000xi32, #tpu.memory_space<hbm>> -> memref<4000xi32, #tpu.memory_space<hbm>>
        tpu.enqueue_dma source(%dma_start3A_51 : memref<4000xi32, #tpu.memory_space<hbm>>) target(%arg17 : memref<4000xi32, #tpu.memory_space<vmem>>) target_semaphore(%run_scoped3A : memref<!tpu.dma_semaphore, #tpu.memory_space<semaphore_mem>>)
        %dma_wait3A = tpu.memref_slice %arg3[%mul3A_44] : memref<640000xi32, #tpu.memory_space<hbm>> -> memref<4000xi32, #tpu.memory_space<hbm>>
        %dma_wait3A_52 = tpu.memref_slice %arg3[%mul3A_44] : memref<640000xi32, #tpu.memory_space<hbm>> -> memref<4000xi32, #tpu.memory_space<hbm>>
        tpu.wait_dma2 semaphore(%run_scoped3A : memref<!tpu.dma_semaphore, #tpu.memory_space<semaphore_mem>>) src(%dma_wait3A_52 : memref<4000xi32, #tpu.memory_space<hbm>>) dst(%arg17 : memref<4000xi32, #tpu.memory_space<vmem>>)
        tpu.yield
      }) : () -> ()
      "tpu.region"() ({
        %run_scoped3A = tpu.sem_alloc : memref<!tpu.dma_semaphore, #tpu.memory_space<semaphore_mem>>
        %dma_start3A = tpu.memref_slice %arg4[%mul3A_44] : memref<640000xi32, #tpu.memory_space<hbm>> -> memref<4000xi32, #tpu.memory_space<hbm>>
        %dma_start3A_51 = tpu.memref_slice %arg4[%mul3A_44] : memref<640000xi32, #tpu.memory_space<hbm>> -> memref<4000xi32, #tpu.memory_space<hbm>>
        tpu.enqueue_dma source(%dma_start3A_51 : memref<4000xi32, #tpu.memory_space<hbm>>) target(%arg18 : memref<4000xi32, #tpu.memory_space<vmem>>) target_semaphore(%run_scoped3A : memref<!tpu.dma_semaphore, #tpu.memory_space<semaphore_mem>>)
        %dma_wait3A = tpu.memref_slice %arg4[%mul3A_44] : memref<640000xi32, #tpu.memory_space<hbm>> -> memref<4000xi32, #tpu.memory_space<hbm>>
        %dma_wait3A_52 = tpu.memref_slice %arg4[%mul3A_44] : memref<640000xi32, #tpu.memory_space<hbm>> -> memref<4000xi32, #tpu.memory_space<hbm>>
        tpu.wait_dma2 semaphore(%run_scoped3A : memref<!tpu.dma_semaphore, #tpu.memory_space<semaphore_mem>>) src(%dma_wait3A_52 : memref<4000xi32, #tpu.memory_space<hbm>>) dst(%arg18 : memref<4000xi32, #tpu.memory_space<vmem>>)
        tpu.yield
      }) : () -> ()
      %scan3A_45 = arith.constant 0 : i32
      %scan3A_46 = arith.constant 250 : i32
      %scan3A_47 = arith.addi %scan3A_45, %scan3A_46 : i32
      %scan3A_48 = arith.constant 1 : i32
      %scan3A_49 = scf.for %scan3A_51 = %scan3A_45 to %scan3A_47 step %scan3A_48 iter_args(%scan3A_52 = %scan3A_42) -> (i32)  : i32 {
        %mul3A_53 = arith.constant 16 : i32
        %mul3A_54 = arith.muli %scan3A_51, %mul3A_53 : i32
        %get3A = arith.index_cast %mul3A_54 : i32 to index
        %get3A_55 = tpu.vector_load %arg17[%get3A] {strides = array<i32>} : memref<4000xi32, #tpu.memory_space<vmem>>, vector<16xi32>,
        %mul3A_56 = arith.constant 16 : i32
        %mul3A_57 = arith.muli %scan3A_51, %mul3A_56 : i32
        %get3A_58 = arith.index_cast %mul3A_57 : i32 to index
        %get3A_59 = tpu.vector_load %arg18[%get3A_58] {strides = array<i32>} : memref<4000xi32, #tpu.memory_space<vmem>>, vector<16xi32>,
        %sub3A_60 = vector.broadcast %mul3A_2 : i32 to vector<16xi32>
        %sub3A_61 = arith.subi %get3A_59, %sub3A_60 : vector<16xi32>
        %lt3A = arith.constant 320 : i32
        %lt3A_62 = vector.broadcast %lt3A : i32 to vector<16xi32>
        %lt3A_63 = arith.cmpi ult, %sub3A_61, %lt3A_62 : vector<16xi32>
        %swap3A = arith.index_cast %scan3A_52 : i32 to index
        %swap3A_64 = tpu.vector_load %arg9[%swap3A] masked %lt3A_63 {strides = array<i32>} : memref<23040xi32, #tpu.memory_space<vmem>>, vector<16xi32>, vector<16xi1>
        tpu.vector_store %arg9[%swap3A], %get3A_55 masked %lt3A_63 {strides = array<i32>} : memref<23040xi32, #tpu.memory_space<vmem>>, vector<16xi32>, vector<16xi1>
        %swap3A_65 = arith.index_cast %scan3A_52 : i32 to index
        %swap3A_66 = tpu.vector_load %arg10[%swap3A_65] masked %lt3A_63 {strides = array<i32>} : memref<23040xi32, #tpu.memory_space<vmem>>, vector<16xi32>, vector<16xi1>
        tpu.vector_store %arg10[%swap3A_65], %sub3A_61 masked %lt3A_63 {strides = array<i32>} : memref<23040xi32, #tpu.memory_space<vmem>>, vector<16xi32>, vector<16xi1>
        %convert_element_type3A = arith.extui %lt3A_63 : vector<16xi1> to vector<16xi32>
        %reduce_sum3A = arith.constant true
        %reduce_sum3A_67 = vector.broadcast %reduce_sum3A : i1 to vector<16xi1>
        %reduce_sum3A_68 = tpu.scan <sum>, %convert_element_type3A masked %reduce_sum3A_67 : vector<16xi32>, vector<16xi1> -> vector<16xi32>
        %reduce_sum3A_69 = vector.extract %reduce_sum3A_68[15] : i32 from vector<16xi32>
        %add3A_70 = arith.addi %scan3A_52, %reduce_sum3A_69 : i32
        scf.yield %add3A_70 : i32
      }
      %scan3A_50 = arith.constant 250 : i32
      scf.yield %scan3A_49 : i32
    }
    %scan3A_15 = arith.constant 160 : i32
    %add3A_16 = arith.constant 15 : i32
    %add3A_17 = arith.addi %scan3A_14, %add3A_16 : i32
    %jit3A = arith.constant 16 : i32
    %div3A = arith.divsi %add3A_17, %jit3A : i32
    %sign3A = arith.constant 0 : i32
    %sign3A_18 = arith.cmpi sgt, %add3A_17, %sign3A : i32
    %sign3A_19 = arith.extui %sign3A_18 : i1 to i32
    %sign3A_20 = arith.constant 0 : i32
    %sign3A_21 = arith.cmpi slt, %add3A_17, %sign3A_20 : i32
    %sign3A_22 = arith.extui %sign3A_21 : i1 to i32
    %sign3A_23 = arith.subi %sign3A_19, %sign3A_22 : i32
    %sign3A_24 = arith.constant 0 : i32
    %sign3A_25 = arith.cmpi sgt, %jit3A, %sign3A_24 : i32
    %sign3A_26 = arith.extui %sign3A_25 : i1 to i32
    %sign3A_27 = arith.constant 0 : i32
    %sign3A_28 = arith.cmpi slt, %jit3A, %sign3A_27 : i32
    %sign3A_29 = arith.extui %sign3A_28 : i1 to i32
    %sign3A_30 = arith.subi %sign3A_26, %sign3A_29 : i32
    %ne3A = arith.cmpi ne, %sign3A_23, %sign3A_30 : i32
    %rem3A = arith.remsi %add3A_17, %jit3A : i32
    %ne3A_31 = arith.constant 0 : i32
    %ne3A_32 = arith.cmpi ne, %rem3A, %ne3A_31 : i32
    %and3A = arith.andi %ne3A, %ne3A_32 : i1
    %sub3A = arith.constant 1 : i32
    %sub3A_33 = arith.subi %div3A, %sub3A : i32
    %select_n3A = arith.select %and3A, %sub3A_33, %div3A : i32
    %scan3A_34 = arith.constant 0 : i32
    %scan3A_35 = arith.constant 0 : i32
    %scan3A_36 = arith.constant 5 : i32
    %scan3A_37 = arith.addi %scan3A_35, %scan3A_36 : i32
    %scan3A_38 = arith.constant 1 : i32
    %scan3A_39 = scf.for %scan3A_41 = %scan3A_35 to %scan3A_37 step %scan3A_38 iter_args(%scan3A_42 = %scan3A_34) -> (i32)  : i32 {
      %mul3A_43 = arith.constant 10240 : i32
      %mul3A_44 = arith.muli %scan3A_41, %mul3A_43 : i32
      "tpu.region"() ({
        %run_scoped3A = tpu.sem_alloc : memref<!tpu.dma_semaphore, #tpu.memory_space<semaphore_mem>>
        %dma_start3A = tpu.memref_slice %arg5[%mul3A_44] : memref<51200xf32, #tpu.memory_space<hbm>> -> memref<10240xf32, #tpu.memory_space<hbm>>
        %dma_start3A_181 = tpu.memref_slice %arg5[%mul3A_44] : memref<51200xf32, #tpu.memory_space<hbm>> -> memref<10240xf32, #tpu.memory_space<hbm>>
        tpu.enqueue_dma source(%dma_start3A_181 : memref<10240xf32, #tpu.memory_space<hbm>>) target(%arg12 : memref<10240xf32, #tpu.memory_space<vmem>>) target_semaphore(%run_scoped3A : memref<!tpu.dma_semaphore, #tpu.memory_space<semaphore_mem>>)
        %dma_wait3A = tpu.memref_slice %arg5[%mul3A_44] : memref<51200xf32, #tpu.memory_space<hbm>> -> memref<10240xf32, #tpu.memory_space<hbm>>
        %dma_wait3A_182 = tpu.memref_slice %arg5[%mul3A_44] : memref<51200xf32, #tpu.memory_space<hbm>> -> memref<10240xf32, #tpu.memory_space<hbm>>
        tpu.wait_dma2 semaphore(%run_scoped3A : memref<!tpu.dma_semaphore, #tpu.memory_space<semaphore_mem>>) src(%dma_wait3A_182 : memref<10240xf32, #tpu.memory_space<hbm>>) dst(%arg12 : memref<10240xf32, #tpu.memory_space<vmem>>)
        tpu.yield
      }) : () -> ()
      %mul3A_45 = arith.constant 10240 : i32
      %mul3A_46 = arith.muli %scan3A_41, %mul3A_45 : i32
      %add3A_47 = arith.addi %mul3A_46, %mul3A_2 : i32
      "tpu.region"() ({
        %run_scoped3A = tpu.sem_alloc : memref<!tpu.dma_semaphore, #tpu.memory_space<semaphore_mem>>
        %dma_start3A = tpu.memref_slice %arg6[%add3A_47] : memref<51200xf32, #tpu.memory_space<hbm>> -> memref<320xf32, #tpu.memory_space<hbm>>
        %dma_start3A_181 = tpu.memref_slice %arg6[%add3A_47] : memref<51200xf32, #tpu.memory_space<hbm>> -> memref<320xf32, #tpu.memory_space<hbm>>
        tpu.enqueue_dma source(%dma_start3A_181 : memref<320xf32, #tpu.memory_space<hbm>>) target(%arg13 : memref<320xf32, #tpu.memory_space<vmem>>) target_semaphore(%run_scoped3A : memref<!tpu.dma_semaphore, #tpu.memory_space<semaphore_mem>>)
        %dma_wait3A = tpu.memref_slice %arg6[%add3A_47] : memref<51200xf32, #tpu.memory_space<hbm>> -> memref<320xf32, #tpu.memory_space<hbm>>
        %dma_wait3A_182 = tpu.memref_slice %arg6[%add3A_47] : memref<51200xf32, #tpu.memory_space<hbm>> -> memref<320xf32, #tpu.memory_space<hbm>>
        tpu.wait_dma2 semaphore(%run_scoped3A : memref<!tpu.dma_semaphore, #tpu.memory_space<semaphore_mem>>) src(%dma_wait3A_182 : memref<320xf32, #tpu.memory_space<hbm>>) dst(%arg13 : memref<320xf32, #tpu.memory_space<vmem>>)
        tpu.yield
      }) : () -> ()
      %scan3A_48 = arith.constant 0 : i32
      %scan3A_49 = arith.constant 0 : i32
      %scan3A_50 = arith.constant 20 : i32
      %scan3A_51 = arith.addi %scan3A_49, %scan3A_50 : i32
      %scan3A_52 = arith.constant 1 : i32
      %scan3A_53 = scf.for %scan3A_181 = %scan3A_49 to %scan3A_51 step %scan3A_52 iter_args(%scan3A_182 = %scan3A_48) -> (i32)  : i32 {
        %broadcast_in_dim3A = arith.constant 0.000000e+00 : f32
        %broadcast_in_dim3A_183 = vector.broadcast %broadcast_in_dim3A : f32 to vector<16xf32>
        %mul3A_184 = arith.constant 16 : i32
        %mul3A_185 = arith.muli %scan3A_181, %mul3A_184 : i32
        %swap3A = arith.index_cast %mul3A_185 : i32 to index
        %swap3A_186 = tpu.vector_load %arg14[%swap3A] {strides = array<i32>} : memref<320xf32, #tpu.memory_space<vmem>>, vector<16xf32>,
        tpu.vector_store %arg14[%swap3A], %broadcast_in_dim3A_183 {strides = array<i32>} : memref<320xf32, #tpu.memory_space<vmem>>, vector<16xf32>,
        %scan3A_187 = arith.constant 0 : i32
        scf.yield %scan3A_187 : i32
      }
      %scan3A_54 = arith.constant 20 : i32
      %scan3A_55 = arith.constant 0 : i32
      %scan3A_56 = arith.constant 0 : i32
      %scan3A_57 = arith.constant 963 : i32
      %scan3A_58 = arith.addi %scan3A_56, %scan3A_57 : i32
      %scan3A_59 = arith.constant 1 : i32
      %scan3A_60 = scf.for %scan3A_181 = %scan3A_56 to %scan3A_58 step %scan3A_59 iter_args(%scan3A_182 = %scan3A_55) -> (i32)  : i32 {
        %broadcast_in_dim3A = arith.constant -3.000000e+38 : f32
        %broadcast_in_dim3A_183 = vector.broadcast %broadcast_in_dim3A : f32 to vector<16xf32>
        %mul3A_184 = arith.constant 16 : i32
        %mul3A_185 = arith.muli %scan3A_181, %mul3A_184 : i32
        %swap3A = arith.index_cast %mul3A_185 : i32 to index
        %swap3A_186 = tpu.vector_load %arg15[%swap3A] {strides = array<i32>} : memref<15408xf32, #tpu.memory_space<vmem>>, vector<16xf32>,
        tpu.vector_store %arg15[%swap3A], %broadcast_in_dim3A_183 {strides = array<i32>} : memref<15408xf32, #tpu.memory_space<vmem>>, vector<16xf32>,
        %scan3A_187 = arith.constant 0 : i32
        scf.yield %scan3A_187 : i32
      }
      %scan3A_61 = arith.constant 963 : i32
      %while3A = arith.constant 0 : i32
      %while3A_62 = arith.constant 0 : i32
      %while3A_63 = arith.subi %select_n3A, %while3A : i32
      %while3A_64 = arith.addi %while3A, %while3A_63 : i32
      %while3A_65 = arith.constant 1 : i32
      %while3A_66 = arith.divsi %while3A_63, %while3A_65 : i32
      %while3A_67 = arith.muli %while3A_66, %while3A_65 : i32
      %while3A_68 = arith.addi %while3A, %while3A_67 : i32
      %while3A_69 = arith.constant 1 : i32
      %while3A_70 = scf.for %while3A_181 = %while3A to %while3A_68 step %while3A_69 iter_args(%while3A_182 = %while3A_62) -> (i32)  : i32 {
        %mul3A_183 = arith.constant 16 : i32
        %mul3A_184 = arith.muli %while3A_181, %mul3A_183 : i32
        %add3A_185 = vector.broadcast %mul3A_184 : i32 to vector<16xi32>
        %add3A_186 = arith.addi %add3A_185, %iota3A : vector<16xi32>
        %lt3A = vector.broadcast %scan3A_14 : i32 to vector<16xi32>
        %lt3A_187 = arith.cmpi slt, %add3A_186, %lt3A : vector<16xi32>
        %get3A = arith.index_cast %mul3A_184 : i32 to index
        %get3A_188 = tpu.vector_load %arg9[%get3A] {strides = array<i32>} : memref<23040xi32, #tpu.memory_space<vmem>>, vector<16xi32>,
        %get3A_189 = arith.index_cast %mul3A_184 : i32 to index
        %get3A_190 = tpu.vector_load %arg10[%get3A_189] {strides = array<i32>} : memref<23040xi32, #tpu.memory_space<vmem>>, vector<16xi32>,
        %gather3A = tpu.vector_load_idx %arg12[%get3A_188] : memref<10240xf32, #tpu.memory_space<vmem>>[vector<16xi32>], vector<16xf32>,
        %gather3A_191 = tpu.vector_load_idx %arg13[%get3A_190] : memref<320xf32, #tpu.memory_space<vmem>>[vector<16xi32>], vector<16xf32>,
        %add3A_192 = arith.addf %gather3A, %gather3A_191 : vector<16xf32>
        %mul3A_193 = arith.constant 2.000000e-01 : f32
        %mul3A_194 = vector.broadcast %mul3A_193 : f32 to vector<16xf32>
        %mul3A_195 = arith.mulf %mul3A_194, %add3A_192 : vector<16xf32>
        %max3A = arith.maximumf %add3A_192, %mul3A_195 : vector<16xf32>
        %exp3A = math.exp %max3A : vector<16xf32>
        %swap3A = arith.index_cast %mul3A_184 : i32 to index
        %swap3A_196 = tpu.vector_load %arg11[%swap3A] {strides = array<i32>} : memref<23040xf32, #tpu.memory_space<vmem>>, vector<16xf32>,
        tpu.vector_store %arg11[%swap3A], %exp3A {strides = array<i32>} : memref<23040xf32, #tpu.memory_space<vmem>>, vector<16xf32>,
        %jit3A_197 = arith.constant 0.000000e+00 : f32
        %broadcast_in_dim3A = vector.broadcast %jit3A_197 : f32 to vector<16xf32>
        %select_n3A_198 = arith.select %lt3A_187, %exp3A, %broadcast_in_dim3A : vector<16xi1>, vector<16xf32>
        tpu.vector_store_idx %arg14[%get3A_190], %select_n3A_198 {add = true} : memref<320xf32, #tpu.memory_space<vmem>>[vector<16xi32>], vector<16xf32>,
        %while3A_199 = arith.constant 0 : i32
        scf.yield %while3A_199 : i32
      }
      %while3A_71 = arith.constant 1 : i32
      %while3A_72 = scf.for %while3A_181 = %while3A_68 to %while3A_64 step %while3A_71 iter_args(%while3A_182 = %while3A_70) -> (i32)  : i32 {
        %mul3A_183 = arith.constant 16 : i32
        %mul3A_184 = arith.muli %while3A_181, %mul3A_183 : i32
        %add3A_185 = vector.broadcast %mul3A_184 : i32 to vector<16xi32>
        %add3A_186 = arith.addi %add3A_185, %iota3A : vector<16xi32>
        %lt3A = vector.broadcast %scan3A_14 : i32 to vector<16xi32>
        %lt3A_187 = arith.cmpi slt, %add3A_186, %lt3A : vector<16xi32>
        %get3A = arith.index_cast %mul3A_184 : i32 to index
        %get3A_188 = tpu.vector_load %arg9[%get3A] {strides = array<i32>} : memref<23040xi32, #tpu.memory_space<vmem>>, vector<16xi32>,
        %get3A_189 = arith.index_cast %mul3A_184 : i32 to index
        %get3A_190 = tpu.vector_load %arg10[%get3A_189] {strides = array<i32>} : memref<23040xi32, #tpu.memory_space<vmem>>, vector<16xi32>,
        %gather3A = tpu.vector_load_idx %arg12[%get3A_188] : memref<10240xf32, #tpu.memory_space<vmem>>[vector<16xi32>], vector<16xf32>,
        %gather3A_191 = tpu.vector_load_idx %arg13[%get3A_190] : memref<320xf32, #tpu.memory_space<vmem>>[vector<16xi32>], vector<16xf32>,
        %add3A_192 = arith.addf %gather3A, %gather3A_191 : vector<16xf32>
        %mul3A_193 = arith.constant 2.000000e-01 : f32
        %mul3A_194 = vector.broadcast %mul3A_193 : f32 to vector<16xf32>
        %mul3A_195 = arith.mulf %mul3A_194, %add3A_192 : vector<16xf32>
        %max3A = arith.maximumf %add3A_192, %mul3A_195 : vector<16xf32>
        %exp3A = math.exp %max3A : vector<16xf32>
        %swap3A = arith.index_cast %mul3A_184 : i32 to index
        %swap3A_196 = tpu.vector_load %arg11[%swap3A] {strides = array<i32>} : memref<23040xf32, #tpu.memory_space<vmem>>, vector<16xf32>,
        tpu.vector_store %arg11[%swap3A], %exp3A {strides = array<i32>} : memref<23040xf32, #tpu.memory_space<vmem>>, vector<16xf32>,
        %jit3A_197 = arith.constant 0.000000e+00 : f32
        %broadcast_in_dim3A = vector.broadcast %jit3A_197 : f32 to vector<16xf32>
        %select_n3A_198 = arith.select %lt3A_187, %exp3A, %broadcast_in_dim3A : vector<16xi1>, vector<16xf32>
        tpu.vector_store_idx %arg14[%get3A_190], %select_n3A_198 {add = true} : memref<320xf32, #tpu.memory_space<vmem>>[vector<16xi32>], vector<16xf32>,
        %while3A_199 = arith.constant 0 : i32
        scf.yield %while3A_199 : i32
      }
      %while3A_73 = arith.constant 0 : i32
      %while3A_74 = arith.constant 0 : i32
      %while3A_75 = arith.subi %select_n3A, %while3A_73 : i32
      %while3A_76 = arith.addi %while3A_73, %while3A_75 : i32
      %while3A_77 = arith.constant 1 : i32
      %while3A_78 = arith.divsi %while3A_75, %while3A_77 : i32
      %while3A_79 = arith.muli %while3A_78, %while3A_77 : i32
      %while3A_80 = arith.addi %while3A_73, %while3A_79 : i32
      %while3A_81 = arith.constant 1 : i32
      %while3A_82 = scf.for %while3A_181 = %while3A_73 to %while3A_80 step %while3A_81 iter_args(%while3A_182 = %while3A_74) -> (i32)  : i32 {
        %mul3A_183 = arith.constant 16 : i32
        %mul3A_184 = arith.muli %while3A_181, %mul3A_183 : i32
        %get3A = arith.index_cast %mul3A_184 : i32 to index
        %get3A_185 = tpu.vector_load %arg10[%get3A] {strides = array<i32>} : memref<23040xi32, #tpu.memory_space<vmem>>, vector<16xi32>,
        %gather3A = tpu.vector_load_idx %arg14[%get3A_185] : memref<320xf32, #tpu.memory_space<vmem>>[vector<16xi32>], vector<16xf32>,
        %get3A_186 = arith.index_cast %mul3A_184 : i32 to index
        %get3A_187 = tpu.vector_load %arg11[%get3A_186] {strides = array<i32>} : memref<23040xf32, #tpu.memory_space<vmem>>, vector<16xf32>,
        %add3A_188 = arith.constant 1.000000e-16 : f32
        %add3A_189 = vector.broadcast %add3A_188 : f32 to vector<16xf32>
        %add3A_190 = arith.addf %gather3A, %add3A_189 : vector<16xf32>
        %div3A_191 = arith.divf %get3A_187, %add3A_190 : vector<16xf32>
        %swap3A = arith.index_cast %mul3A_184 : i32 to index
        %swap3A_192 = tpu.vector_load %arg11[%swap3A] {strides = array<i32>} : memref<23040xf32, #tpu.memory_space<vmem>>, vector<16xf32>,
        tpu.vector_store %arg11[%swap3A], %div3A_191 {strides = array<i32>} : memref<23040xf32, #tpu.memory_space<vmem>>, vector<16xf32>,
        %while3A_193 = arith.constant 0 : i32
        scf.yield %while3A_193 : i32
      }
      %while3A_83 = arith.constant 1 : i32
      %while3A_84 = scf.for %while3A_181 = %while3A_80 to %while3A_76 step %while3A_83 iter_args(%while3A_182 = %while3A_82) -> (i32)  : i32 {
        %mul3A_183 = arith.constant 16 : i32
        %mul3A_184 = arith.muli %while3A_181, %mul3A_183 : i32
        %get3A = arith.index_cast %mul3A_184 : i32 to index
        %get3A_185 = tpu.vector_load %arg10[%get3A] {strides = array<i32>} : memref<23040xi32, #tpu.memory_space<vmem>>, vector<16xi32>,
        %gather3A = tpu.vector_load_idx %arg14[%get3A_185] : memref<320xf32, #tpu.memory_space<vmem>>[vector<16xi32>], vector<16xf32>,
        %get3A_186 = arith.index_cast %mul3A_184 : i32 to index
        %get3A_187 = tpu.vector_load %arg11[%get3A_186] {strides = array<i32>} : memref<23040xf32, #tpu.memory_space<vmem>>, vector<16xf32>,
        %add3A_188 = arith.constant 1.000000e-16 : f32
        %add3A_189 = vector.broadcast %add3A_188 : f32 to vector<16xf32>
        %add3A_190 = arith.addf %gather3A, %add3A_189 : vector<16xf32>
        %div3A_191 = arith.divf %get3A_187, %add3A_190 : vector<16xf32>
        %swap3A = arith.index_cast %mul3A_184 : i32 to index
        %swap3A_192 = tpu.vector_load %arg11[%swap3A] {strides = array<i32>} : memref<23040xf32, #tpu.memory_space<vmem>>, vector<16xf32>,
        tpu.vector_store %arg11[%swap3A], %div3A_191 {strides = array<i32>} : memref<23040xf32, #tpu.memory_space<vmem>>, vector<16xf32>,
        %while3A_193 = arith.constant 0 : i32
        scf.yield %while3A_193 : i32
      }
      %add3A_85 = arith.constant 128 : i32
      %add3A_86 = arith.addi %scan3A_14, %add3A_85 : i32
      %sub3A_87 = arith.constant 1 : i32
      %sub3A_88 = arith.subi %add3A_86, %sub3A_87 : i32
      %jit3A_89 = arith.constant 128 : i32
      %div3A_90 = arith.divsi %sub3A_88, %jit3A_89 : i32
      %sign3A_91 = arith.constant 0 : i32
      %sign3A_92 = arith.cmpi sgt, %sub3A_88, %sign3A_91 : i32
      %sign3A_93 = arith.extui %sign3A_92 : i1 to i32
      %sign3A_94 = arith.constant 0 : i32
      %sign3A_95 = arith.cmpi slt, %sub3A_88, %sign3A_94 : i32
      %sign3A_96 = arith.extui %sign3A_95 : i1 to i32
      %sign3A_97 = arith.subi %sign3A_93, %sign3A_96 : i32
      %sign3A_98 = arith.constant 0 : i32
      %sign3A_99 = arith.cmpi sgt, %jit3A_89, %sign3A_98 : i32
      %sign3A_100 = arith.extui %sign3A_99 : i1 to i32
      %sign3A_101 = arith.constant 0 : i32
      %sign3A_102 = arith.cmpi slt, %jit3A_89, %sign3A_101 : i32
      %sign3A_103 = arith.extui %sign3A_102 : i1 to i32
      %sign3A_104 = arith.subi %sign3A_100, %sign3A_103 : i32
      %ne3A_105 = arith.cmpi ne, %sign3A_97, %sign3A_104 : i32
      %rem3A_106 = arith.remsi %sub3A_88, %jit3A_89 : i32
      %ne3A_107 = arith.constant 0 : i32
      %ne3A_108 = arith.cmpi ne, %rem3A_106, %ne3A_107 : i32
      %and3A_109 = arith.andi %ne3A_105, %ne3A_108 : i1
      %sub3A_110 = arith.constant 1 : i32
      %sub3A_111 = arith.subi %div3A_90, %sub3A_110 : i32
      %select_n3A_112 = arith.select %and3A_109, %sub3A_111, %div3A_90 : i32
      %add3A_113 = arith.constant 1 : i32
      %add3A_114 = arith.addi %select_n3A_112, %add3A_113 : i32
      %jit3A_115 = arith.constant 2 : i32
      %div3A_116 = arith.divsi %add3A_114, %jit3A_115 : i32
      %sign3A_117 = arith.constant 0 : i32
      %sign3A_118 = arith.cmpi sgt, %add3A_114, %sign3A_117 : i32
      %sign3A_119 = arith.extui %sign3A_118 : i1 to i32
      %sign3A_120 = arith.constant 0 : i32
      %sign3A_121 = arith.cmpi slt, %add3A_114, %sign3A_120 : i32
      %sign3A_122 = arith.extui %sign3A_121 : i1 to i32
      %sign3A_123 = arith.subi %sign3A_119, %sign3A_122 : i32
      %sign3A_124 = arith.constant 0 : i32
      %sign3A_125 = arith.cmpi sgt, %jit3A_115, %sign3A_124 : i32
      %sign3A_126 = arith.extui %sign3A_125 : i1 to i32
      %sign3A_127 = arith.constant 0 : i32
      %sign3A_128 = arith.cmpi slt, %jit3A_115, %sign3A_127 : i32
      %sign3A_129 = arith.extui %sign3A_128 : i1 to i32
      %sign3A_130 = arith.subi %sign3A_126, %sign3A_129 : i32
      %ne3A_131 = arith.cmpi ne, %sign3A_123, %sign3A_130 : i32
      %rem3A_132 = arith.remsi %add3A_114, %jit3A_115 : i32
      %ne3A_133 = arith.constant 0 : i32
      %ne3A_134 = arith.cmpi ne, %rem3A_132, %ne3A_133 : i32
      %and3A_135 = arith.andi %ne3A_131, %ne3A_134 : i1
      %sub3A_136 = arith.constant 1 : i32
      %sub3A_137 = arith.subi %div3A_116, %sub3A_136 : i32
      %select_n3A_138 = arith.select %and3A_135, %sub3A_137, %div3A_116 : i32
      %while3A_139 = arith.constant 0 : i32
      %while3A_140 = arith.constant 0 : i32
      %while3A_141 = arith.subi %select_n3A_138, %while3A_139 : i32
      %while3A_142 = arith.addi %while3A_139, %while3A_141 : i32
      %while3A_143 = arith.constant 1 : i32
      %while3A_144 = arith.divsi %while3A_141, %while3A_143 : i32
      %while3A_145 = arith.muli %while3A_144, %while3A_143 : i32
      %while3A_146 = arith.addi %while3A_139, %while3A_145 : i32
      %while3A_147 = arith.constant 1 : i32
      %while3A_148 = scf.for %while3A_181 = %while3A_139 to %while3A_146 step %while3A_147 iter_args(%while3A_182 = %while3A_140) -> (i32)  : i32 {
        %mul3A_183 = arith.constant 2 : i32
        %mul3A_184 = arith.muli %while3A_181, %mul3A_183 : i32
        %add3A_185 = arith.constant 1 : i32
        %add3A_186 = arith.addi %mul3A_184, %add3A_185 : i32
        %scan3A_187 = arith.constant 0 : i32
        %scan3A_188 = arith.constant 0 : i32
        %scan3A_189 = arith.constant 8 : i32
        %scan3A_190 = arith.addi %scan3A_188, %scan3A_189 : i32
        %scan3A_191 = arith.constant 1 : i32
        %scan3A_192 = scf.for %scan3A_233 = %scan3A_188 to %scan3A_190 step %scan3A_191 iter_args(%scan3A_234 = %scan3A_187) -> (i32)  : i32 {
          %mul3A_235 = arith.constant 128 : i32
          %mul3A_236 = arith.muli %mul3A_184, %mul3A_235 : i32
          %mul3A_237 = arith.constant 16 : i32
          %mul3A_238 = arith.muli %scan3A_233, %mul3A_237 : i32
          %add3A_239 = arith.addi %mul3A_236, %mul3A_238 : i32
          %get3A = arith.index_cast %add3A_239 : i32 to index
          %get3A_240 = tpu.vector_load %arg9[%get3A] {strides = array<i32>} : memref<23040xi32, #tpu.memory_space<vmem>>, vector<16xi32>,
          %mul3A_241 = arith.constant 5 : i32
          %mul3A_242 = vector.broadcast %mul3A_241 : i32 to vector<16xi32>
          %mul3A_243 = arith.muli %get3A_240, %mul3A_242 : vector<16xi32>
          %add3A_244 = vector.broadcast %scan3A_41 : i32 to vector<16xi32>
          %add3A_245 = arith.addi %mul3A_243, %add3A_244 : vector<16xi32>
          %mul3A_246 = arith.constant 16 : i32
          %mul3A_247 = arith.muli %scan3A_233, %mul3A_246 : i32
          %swap3A = arith.constant 0 : i32
          %swap3A_248 = arith.index_cast %swap3A : i32 to index
          %swap3A_249 = arith.index_cast %mul3A_247 : i32 to index
          %swap3A_250 = tpu.vector_load %arg19[%swap3A_248, %swap3A_249] {strides = array<i32>} : memref<2x128xi32, #tpu.memory_space<vmem>>, vector<16xi32>,
          tpu.vector_store %arg19[%swap3A_248, %swap3A_249], %add3A_245 {strides = array<i32>} : memref<2x128xi32, #tpu.memory_space<vmem>>, vector<16xi32>,
          %scan3A_251 = arith.constant 0 : i32
          scf.yield %scan3A_251 : i32
        }
        %scan3A_193 = arith.constant 8 : i32
        %dma_start3A = arith.constant 0 : i32
        %dma_start3A_194 = arith.constant 0 : i32
        %dma_start3A_195 = arith.constant 0 : i32
        %dma_start3A_196 = arith.constant 0 : i32
        %dma_start3A_197 = tpu.memref_slice %arg20[%dma_start3A_194, %dma_start3A_195, %dma_start3A_196] : memref<2x128x48xf32, #tpu.memory_space<vmem>> -> memref<1x128x48xf32, #tpu.memory_space<vmem>>
        %dma_start3A_198 = tpu.memref_squeeze %dma_start3A_197 : memref<1x128x48xf32, #tpu.memory_space<vmem>> -> memref<128x48xf32, #tpu.memory_space<vmem>>
        %dma_start3A_199 = arith.constant 0 : i32
        %dma_start3A_200 = tpu.memref_slice %arg19[%dma_start3A, %dma_start3A_199] : memref<2x128xi32, #tpu.memory_space<vmem>> -> memref<1x128xi32, #tpu.memory_space<vmem>>
        %dma_start3A_201 = tpu.memref_squeeze %dma_start3A_200 : memref<1x128xi32, #tpu.memory_space<vmem>> -> memref<128xi32, #tpu.memory_space<vmem>>
        %dma_start3A_202 = arith.constant 0 : i32
        %dma_start3A_203 = arith.constant 0 : i32
        %dma_start3A_204 = tpu.memref_slice %arg2[%dma_start3A_202, %dma_start3A_203] : memref<50000x48xf32, #tpu.memory_space<hbm>> -> memref<50000x48xf32, #tpu.memory_space<hbm>>
        tpu.enqueue_indirect_dma source(%dma_start3A_204 : memref<50000x48xf32, #tpu.memory_space<hbm>>) target(%dma_start3A_198 : memref<128x48xf32, #tpu.memory_space<vmem>>) offsets(%dma_start3A_201 : memref<128xi32, #tpu.memory_space<vmem>>) semaphore(%arg22 : memref<!tpu.dma_semaphore, #tpu.memory_space<semaphore_mem>>)
        %lt3A = arith.cmpi slt, %add3A_186, %select_n3A_112 : i32
        %convert_element_type3A_205 = arith.extui %lt3A : i1 to i32
        %cond3A_206 = arith.constant 0 : i32
        %cond3A_207 = arith.cmpi ne, %convert_element_type3A_205, %cond3A_206 : i32
        scf.if %cond3A_207 {
          %scan3A_233 = arith.constant 0 : i32
          %scan3A_234 = arith.constant 0 : i32
          %scan3A_235 = arith.constant 8 : i32
          %scan3A_236 = arith.addi %scan3A_234, %scan3A_235 : i32
          %scan3A_237 = arith.constant 1 : i32
          %scan3A_238 = scf.for %scan3A_252 = %scan3A_234 to %scan3A_236 step %scan3A_237 iter_args(%scan3A_253 = %scan3A_233) -> (i32)  : i32 {
            %mul3A_254 = arith.constant 128 : i32
            %mul3A_255 = arith.muli %add3A_186, %mul3A_254 : i32
            %mul3A_256 = arith.constant 16 : i32
            %mul3A_257 = arith.muli %scan3A_252, %mul3A_256 : i32
            %add3A_258 = arith.addi %mul3A_255, %mul3A_257 : i32
            %get3A = arith.index_cast %add3A_258 : i32 to index
            %get3A_259 = tpu.vector_load %arg9[%get3A] {strides = array<i32>} : memref<23040xi32, #tpu.memory_space<vmem>>, vector<16xi32>,
            %mul3A_260 = arith.constant 5 : i32
            %mul3A_261 = vector.broadcast %mul3A_260 : i32 to vector<16xi32>
            %mul3A_262 = arith.muli %get3A_259, %mul3A_261 : vector<16xi32>
            %add3A_263 = vector.broadcast %scan3A_41 : i32 to vector<16xi32>
            %add3A_264 = arith.addi %mul3A_262, %add3A_263 : vector<16xi32>
            %mul3A_265 = arith.constant 16 : i32
            %mul3A_266 = arith.muli %scan3A_252, %mul3A_265 : i32
            %swap3A = arith.constant 1 : i32
            %swap3A_267 = arith.index_cast %swap3A : i32 to index
            %swap3A_268 = arith.index_cast %mul3A_266 : i32 to index
            %swap3A_269 = tpu.vector_load %arg19[%swap3A_267, %swap3A_268] {strides = array<i32>} : memref<2x128xi32, #tpu.memory_space<vmem>>, vector<16xi32>,
            tpu.vector_store %arg19[%swap3A_267, %swap3A_268], %add3A_264 {strides = array<i32>} : memref<2x128xi32, #tpu.memory_space<vmem>>, vector<16xi32>,
            %scan3A_270 = arith.constant 0 : i32
            scf.yield %scan3A_270 : i32
          }
          %scan3A_239 = arith.constant 8 : i32
          %dma_start3A_240 = arith.constant 1 : i32
          %dma_start3A_241 = arith.constant 1 : i32
          %dma_start3A_242 = arith.constant 0 : i32
          %dma_start3A_243 = arith.constant 0 : i32
          %dma_start3A_244 = tpu.memref_slice %arg20[%dma_start3A_241, %dma_start3A_242, %dma_start3A_243] : memref<2x128x48xf32, #tpu.memory_space<vmem>> -> memref<1x128x48xf32, #tpu.memory_space<vmem>>
          %dma_start3A_245 = tpu.memref_squeeze %dma_start3A_244 : memref<1x128x48xf32, #tpu.memory_space<vmem>> -> memref<128x48xf32, #tpu.memory_space<vmem>>
          %dma_start3A_246 = arith.constant 0 : i32
          %dma_start3A_247 = tpu.memref_slice %arg19[%dma_start3A_240, %dma_start3A_246] : memref<2x128xi32, #tpu.memory_space<vmem>> -> memref<1x128xi32, #tpu.memory_space<vmem>>
          %dma_start3A_248 = tpu.memref_squeeze %dma_start3A_247 : memref<1x128xi32, #tpu.memory_space<vmem>> -> memref<128xi32, #tpu.memory_space<vmem>>
          %dma_start3A_249 = arith.constant 0 : i32
          %dma_start3A_250 = arith.constant 0 : i32
          %dma_start3A_251 = tpu.memref_slice %arg2[%dma_start3A_249, %dma_start3A_250] : memref<50000x48xf32, #tpu.memory_space<hbm>> -> memref<50000x48xf32, #tpu.memory_space<hbm>>
          tpu.enqueue_indirect_dma source(%dma_start3A_251 : memref<50000x48xf32, #tpu.memory_space<hbm>>) target(%dma_start3A_245 : memref<128x48xf32, #tpu.memory_space<vmem>>) offsets(%dma_start3A_248 : memref<128xi32, #tpu.memory_space<vmem>>) semaphore(%arg23 : memref<!tpu.dma_semaphore, #tpu.memory_space<semaphore_mem>>)
        } else {
        }
        %dma_wait3A = arith.constant 0 : i32
        %dma_wait3A_208 = arith.constant 0 : i32
        %dma_wait3A_209 = arith.constant 0 : i32
        %dma_wait3A_210 = arith.constant 0 : i32
        %dma_wait3A_211 = tpu.memref_slice %arg20[%dma_wait3A_208, %dma_wait3A_209, %dma_wait3A_210] : memref<2x128x48xf32, #tpu.memory_space<vmem>> -> memref<1x128x48xf32, #tpu.memory_space<vmem>>
        %dma_wait3A_212 = tpu.memref_squeeze %dma_wait3A_211 : memref<1x128x48xf32, #tpu.memory_space<vmem>> -> memref<128x48xf32, #tpu.memory_space<vmem>>
        %dma_wait3A_213 = arith.constant 0 : i32
        %dma_wait3A_214 = tpu.memref_slice %arg19[%dma_wait3A, %dma_wait3A_213] : memref<2x128xi32, #tpu.memory_space<vmem>> -> memref<1x128xi32, #tpu.memory_space<vmem>>
        %dma_wait3A_215 = tpu.memref_squeeze %dma_wait3A_214 : memref<1x128xi32, #tpu.memory_space<vmem>> -> memref<128xi32, #tpu.memory_space<vmem>>
        %dma_wait3A_216 = arith.constant 0 : i32
        %dma_wait3A_217 = arith.constant 0 : i32
        %dma_wait3A_218 = tpu.memref_slice %arg2[%dma_wait3A_216, %dma_wait3A_217] : memref<50000x48xf32, #tpu.memory_space<hbm>> -> memref<50000x48xf32, #tpu.memory_space<hbm>>
        tpu.wait_indirect_dma semaphore(%arg22 : memref<!tpu.dma_semaphore, #tpu.memory_space<semaphore_mem>>) src(%dma_wait3A_218 : memref<50000x48xf32, #tpu.memory_space<hbm>>) dst(%dma_wait3A_212 : memref<128x48xf32, #tpu.memory_space<vmem>>)
        %mul3A_219 = arith.constant 128 : i32
        %mul3A_220 = arith.muli %mul3A_184, %mul3A_219 : i32
        %scan3A_221 = arith.constant 0 : i32
        %scan3A_222 = arith.constant 0 : i32
        %scan3A_223 = arith.constant 8 : i32
        %scan3A_224 = arith.addi %scan3A_222, %scan3A_223 : i32
        %scan3A_225 = arith.constant 1 : i32
        %scan3A_226 = scf.for %scan3A_233 = %scan3A_222 to %scan3A_224 step %scan3A_225 iter_args(%scan3A_234 = %scan3A_221) -> (i32)  : i32 {
          %mul3A_235 = arith.constant 16 : i32
          %mul3A_236 = arith.muli %scan3A_233, %mul3A_235 : i32
          %add3A_237 = arith.addi %mul3A_220, %mul3A_236 : i32
          %add3A_238 = vector.broadcast %add3A_237 : i32 to vector<16xi32>
          %add3A_239 = arith.addi %add3A_238, %iota3A : vector<16xi32>
          %lt3A_240 = vector.broadcast %scan3A_14 : i32 to vector<16xi32>
          %lt3A_241 = arith.cmpi slt, %add3A_239, %lt3A_240 : vector<16xi32>
          %get3A = arith.index_cast %add3A_237 : i32 to index
          %get3A_242 = tpu.vector_load %arg11[%get3A] {strides = array<i32>} : memref<23040xf32, #tpu.memory_space<vmem>>, vector<16xf32>,
          %get3A_243 = arith.index_cast %add3A_237 : i32 to index
          %get3A_244 = tpu.vector_load %arg10[%get3A_243] {strides = array<i32>} : memref<23040xi32, #tpu.memory_space<vmem>>, vector<16xi32>,
          %jit3A_245 = arith.constant 320 : i32
          %broadcast_in_dim3A = vector.broadcast %jit3A_245 : i32 to vector<16xi32>
          %select_n3A_246 = arith.select %lt3A_241, %get3A_244, %broadcast_in_dim3A : vector<16xi1>, vector<16xi32>
          %slice3A = vector.extract_strided_slice %get3A_242 {offsets = [0], sizes = [1], strides = [1]} : vector<16xf32> to vector<1xf32>
          %squeeze3A = vector.extract %slice3A[0] : f32 from vector<1xf32>
          %slice3A_247 = vector.extract_strided_slice %select_n3A_246 {offsets = [0], sizes = [1], strides = [1]} : vector<16xi32> to vector<1xi32>
          %squeeze3A_248 = vector.extract %slice3A_247[0] : i32 from vector<1xi32>
          %mul3A_249 = arith.constant 48 : i32
          %mul3A_250 = arith.muli %squeeze3A_248, %mul3A_249 : i32
          %mul3A_251 = arith.constant 16 : i32
          %mul3A_252 = arith.muli %scan3A_233, %mul3A_251 : i32
          %add3A_253 = arith.constant 0 : i32
          %add3A_254 = arith.addi %mul3A_252, %add3A_253 : i32
          %get3A_255 = arith.constant 0 : i32
          %get3A_256 = arith.index_cast %get3A_255 : i32 to index
          %get3A_257 = arith.index_cast %add3A_254 : i32 to index
          %get3A_258 = arith.constant 0 : index
          %get3A_259 = tpu.vector_load %arg20[%get3A_256, %get3A_257, %get3A_258] {strides = array<i32>} : memref<2x128x48xf32, #tpu.memory_space<vmem>>, vector<16xf32>,
          %add3A_260 = arith.constant 0 : i32
          %add3A_261 = arith.addi %mul3A_250, %add3A_260 : i32
          %get3A_262 = arith.index_cast %add3A_261 : i32 to index
          %get3A_263 = tpu.vector_load %arg15[%get3A_262] {strides = array<i32>} : memref<15408xf32, #tpu.memory_space<vmem>>, vector<16xf32>,
          %mul3A_264 = vector.broadcast %squeeze3A : f32 to vector<16xf32>
          %mul3A_265 = arith.mulf %mul3A_264, %get3A_259 : vector<16xf32>
          %max3A = arith.maximumf %get3A_263, %mul3A_265 : vector<16xf32>
          %add3A_266 = arith.constant 0 : i32
          %add3A_267 = arith.addi %mul3A_250, %add3A_266 : i32
          %swap3A = arith.index_cast %add3A_267 : i32 to index
          %swap3A_268 = tpu.vector_load %arg15[%swap3A] {strides = array<i32>} : memref<15408xf32, #tpu.memory_space<vmem>>, vector<16xf32>,
          tpu.vector_store %arg15[%swap3A], %max3A {strides = array<i32>} : memref<15408xf32, #tpu.memory_space<vmem>>, vector<16xf32>,
          %get3A_269 = arith.constant 0 : i32
          %get3A_270 = arith.index_cast %get3A_269 : i32 to index
          %get3A_271 = arith.index_cast %add3A_254 : i32 to index
          %get3A_272 = arith.constant 16 : index
          %get3A_273 = tpu.vector_load %arg20[%get3A_270, %get3A_271, %get3A_272] {strides = array<i32>} : memref<2x128x48xf32, #tpu.memory_space<vmem>>, vector<16xf32>,
          %add3A_274 = arith.constant 16 : i32
          %add3A_275 = arith.addi %mul3A_250, %add3A_274 : i32
          %get3A_276 = arith.index_cast %add3A_275 : i32 to index
          %get3A_277 = tpu.vector_load %arg15[%get3A_276] {strides = array<i32>} : memref<15408xf32, #tpu.memory_space<vmem>>, vector<16xf32>,
          %mul3A_278 = vector.broadcast %squeeze3A : f32 to vector<16xf32>
          %mul3A_279 = arith.mulf %mul3A_278, %get3A_273 : vector<16xf32>
          %max3A_280 = arith.maximumf %get3A_277, %mul3A_279 : vector<16xf32>
          %add3A_281 = arith.constant 16 : i32
          %add3A_282 = arith.addi %mul3A_250, %add3A_281 : i32
          %swap3A_283 = arith.index_cast %add3A_282 : i32 to index
          %swap3A_284 = tpu.vector_load %arg15[%swap3A_283] {strides = array<i32>} : memref<15408xf32, #tpu.memory_space<vmem>>, vector<16xf32>,
          tpu.vector_store %arg15[%swap3A_283], %max3A_280 {strides = array<i32>} : memref<15408xf32, #tpu.memory_space<vmem>>, vector<16xf32>,
          %get3A_285 = arith.constant 0 : i32
          %get3A_286 = arith.index_cast %get3A_285 : i32 to index
          %get3A_287 = arith.index_cast %add3A_254 : i32 to index
          %get3A_288 = arith.constant 32 : index
          %get3A_289 = tpu.vector_load %arg20[%get3A_286, %get3A_287, %get3A_288] {strides = array<i32>} : memref<2x128x48xf32, #tpu.memory_space<vmem>>, vector<16xf32>,
          %add3A_290 = arith.constant 32 : i32
          %add3A_291 = arith.addi %mul3A_250, %add3A_290 : i32
          %get3A_292 = arith.index_cast %add3A_291 : i32 to index
          %get3A_293 = tpu.vector_load %arg15[%get3A_292] {strides = array<i32>} : memref<15408xf32, #tpu.memory_space<vmem>>, vector<16xf32>,
          %mul3A_294 = vector.broadcast %squeeze3A : f32 to vector<16xf32>
          %mul3A_295 = arith.mulf %mul3A_294, %get3A_289 : vector<16xf32>
          %max3A_296 = arith.maximumf %get3A_293, %mul3A_295 : vector<16xf32>
          %add3A_297 = arith.constant 32 : i32
          %add3A_298 = arith.addi %mul3A_250, %add3A_297 : i32
          %swap3A_299 = arith.index_cast %add3A_298 : i32 to index
          %swap3A_300 = tpu.vector_load %arg15[%swap3A_299] {strides = array<i32>} : memref<15408xf32, #tpu.memory_space<vmem>>, vector<16xf32>,
          tpu.vector_store %arg15[%swap3A_299], %max3A_296 {strides = array<i32>} : memref<15408xf32, #tpu.memory_space<vmem>>, vector<16xf32>,
          %slice3A_301 = vector.extract_strided_slice %get3A_242 {offsets = [1], sizes = [1], strides = [1]} : vector<16xf32> to vector<1xf32>
          %squeeze3A_302 = vector.extract %slice3A_301[0] : f32 from vector<1xf32>
          %slice3A_303 = vector.extract_strided_slice %select_n3A_246 {offsets = [1], sizes = [1], strides = [1]} : vector<16xi32> to vector<1xi32>
          %squeeze3A_304 = vector.extract %slice3A_303[0] : i32 from vector<1xi32>
          %mul3A_305 = arith.constant 48 : i32
          %mul3A_306 = arith.muli %squeeze3A_304, %mul3A_305 : i32
          %mul3A_307 = arith.constant 16 : i32
          %mul3A_308 = arith.muli %scan3A_233, %mul3A_307 : i32
          %add3A_309 = arith.constant 1 : i32
          %add3A_310 = arith.addi %mul3A_308, %add3A_309 : i32
          %get3A_311 = arith.constant 0 : i32
          %get3A_312 = arith.index_cast %get3A_311 : i32 to index
          %get3A_313 = arith.index_cast %add3A_310 : i32 to index
          %get3A_314 = arith.constant 0 : index
          %get3A_315 = tpu.vector_load %arg20[%get3A_312, %get3A_313, %get3A_314] {strides = array<i32>} : memref<2x128x48xf32, #tpu.memory_space<vmem>>, vector<16xf32>,
          %add3A_316 = arith.constant 0 : i32
          %add3A_317 = arith.addi %mul3A_306, %add3A_316 : i32
          %get3A_318 = arith.index_cast %add3A_317 : i32 to index
          %get3A_319 = tpu.vector_load %arg15[%get3A_318] {strides = array<i32>} : memref<15408xf32, #tpu.memory_space<vmem>>, vector<16xf32>,
          %mul3A_320 = vector.broadcast %squeeze3A_302 : f32 to vector<16xf32>
          %mul3A_321 = arith.mulf %mul3A_320, %get3A_315 : vector<16xf32>
          %max3A_322 = arith.maximumf %get3A_319, %mul3A_321 : vector<16xf32>
          %add3A_323 = arith.constant 0 : i32
          %add3A_324 = arith.addi %mul3A_306, %add3A_323 : i32
          %swap3A_325 = arith.index_cast %add3A_324 : i32 to index
          %swap3A_326 = tpu.vector_load %arg15[%swap3A_325] {strides = array<i32>} : memref<15408xf32, #tpu.memory_space<vmem>>, vector<16xf32>,
          tpu.vector_store %arg15[%swap3A_325], %max3A_322 {strides = array<i32>} : memref<15408xf32, #tpu.memory_space<vmem>>, vector<16xf32>,
          %get3A_327 = arith.constant 0 : i32
          %get3A_328 = arith.index_cast %get3A_327 : i32 to index
          %get3A_329 = arith.index_cast %add3A_310 : i32 to index
          %get3A_330 = arith.constant 16 : index
          %get3A_331 = tpu.vector_load %arg20[%get3A_328, %get3A_329, %get3A_330] {strides = array<i32>} : memref<2x128x48xf32, #tpu.memory_space<vmem>>, vector<16xf32>,
          %add3A_332 = arith.constant 16 : i32
          %add3A_333 = arith.addi %mul3A_306, %add3A_332 : i32
          %get3A_334 = arith.index_cast %add3A_333 : i32 to index
          %get3A_335 = tpu.vector_load %arg15[%get3A_334] {strides = array<i32>} : memref<15408xf32, #tpu.memory_space<vmem>>, vector<16xf32>,
          %mul3A_336 = vector.broadcast %squeeze3A_302 : f32 to vector<16xf32>
          %mul3A_337 = arith.mulf %mul3A_336, %get3A_331 : vector<16xf32>
          %max3A_338 = arith.maximumf %get3A_335, %mul3A_337 : vector<16xf32>
          %add3A_339 = arith.constant 16 : i32
          %add3A_340 = arith.addi %mul3A_306, %add3A_339 : i32
          %swap3A_341 = arith.index_cast %add3A_340 : i32 to index
          %swap3A_342 = tpu.vector_load %arg15[%swap3A_341] {strides = array<i32>} : memref<15408xf32, #tpu.memory_space<vmem>>, vector<16xf32>,
          tpu.vector_store %arg15[%swap3A_341], %max3A_338 {strides = array<i32>} : memref<15408xf32, #tpu.memory_space<vmem>>, vector<16xf32>,
          %get3A_343 = arith.constant 0 : i32
          %get3A_344 = arith.index_cast %get3A_343 : i32 to index
          %get3A_345 = arith.index_cast %add3A_310 : i32 to index
          %get3A_346 = arith.constant 32 : index
          %get3A_347 = tpu.vector_load %arg20[%get3A_344, %get3A_345, %get3A_346] {strides = array<i32>} : memref<2x128x48xf32, #tpu.memory_space<vmem>>, vector<16xf32>,
          %add3A_348 = arith.constant 32 : i32
          %add3A_349 = arith.addi %mul3A_306, %add3A_348 : i32
          %get3A_350 = arith.index_cast %add3A_349 : i32 to index
          %get3A_351 = tpu.vector_load %arg15[%get3A_350] {strides = array<i32>} : memref<15408xf32, #tpu.memory_space<vmem>>, vector<16xf32>,
          %mul3A_352 = vector.broadcast %squeeze3A_302 : f32 to vector<16xf32>
          %mul3A_353 = arith.mulf %mul3A_352, %get3A_347 : vector<16xf32>
          %max3A_354 = arith.maximumf %get3A_351, %mul3A_353 : vector<16xf32>
          %add3A_355 = arith.constant 32 : i32
          %add3A_356 = arith.addi %mul3A_306, %add3A_355 : i32
          %swap3A_357 = arith.index_cast %add3A_356 : i32 to index
          %swap3A_358 = tpu.vector_load %arg15[%swap3A_357] {strides = array<i32>} : memref<15408xf32, #tpu.memory_space<vmem>>, vector<16xf32>,
          tpu.vector_store %arg15[%swap3A_357], %max3A_354 {strides = array<i32>} : memref<15408xf32, #tpu.memory_space<vmem>>, vector<16xf32>,
          %slice3A_359 = vector.extract_strided_slice %get3A_242 {offsets = [2], sizes = [1], strides = [1]} : vector<16xf32> to vector<1xf32>
          %squeeze3A_360 = vector.extract %slice3A_359[0] : f32 from vector<1xf32>
          %slice3A_361 = vector.extract_strided_slice %select_n3A_246 {offsets = [2], sizes = [1], strides = [1]} : vector<16xi32> to vector<1xi32>
          %squeeze3A_362 = vector.extract %slice3A_361[0] : i32 from vector<1xi32>
          %mul3A_363 = arith.constant 48 : i32
          %mul3A_364 = arith.muli %squeeze3A_362, %mul3A_363 : i32
          %mul3A_365 = arith.constant 16 : i32
          %mul3A_366 = arith.muli %scan3A_233, %mul3A_365 : i32
          %add3A_367 = arith.constant 2 : i32
          %add3A_368 = arith.addi %mul3A_366, %add3A_367 : i32
          %get3A_369 = arith.constant 0 : i32
          %get3A_370 = arith.index_cast %get3A_369 : i32 to index
          %get3A_371 = arith.index_cast %add3A_368 : i32 to index
          %get3A_372 = arith.constant 0 : index
          %get3A_373 = tpu.vector_load %arg20[%get3A_370, %get3A_371, %get3A_372] {strides = array<i32>} : memref<2x128x48xf32, #tpu.memory_space<vmem>>, vector<16xf32>,
          %add3A_374 = arith.constant 0 : i32
          %add3A_375 = arith.addi %mul3A_364, %add3A_374 : i32
          %get3A_376 = arith.index_cast %add3A_375 : i32 to index
          %get3A_377 = tpu.vector_load %arg15[%get3A_376] {strides = array<i32>} : memref<15408xf32, #tpu.memory_space<vmem>>, vector<16xf32>,
          %mul3A_378 = vector.broadcast %squeeze3A_360 : f32 to vector<16xf32>
          %mul3A_379 = arith.mulf %mul3A_378, %get3A_373 : vector<16xf32>
          %max3A_380 = arith.maximumf %get3A_377, %mul3A_379 : vector<16xf32>
          %add3A_381 = arith.constant 0 : i32
          %add3A_382 = arith.addi %mul3A_364, %add3A_381 : i32
          %swap3A_383 = arith.index_cast %add3A_382 : i32 to index
          %swap3A_384 = tpu.vector_load %arg15[%swap3A_383] {strides = array<i32>} : memref<15408xf32, #tpu.memory_space<vmem>>, vector<16xf32>,
          tpu.vector_store %arg15[%swap3A_383], %max3A_380 {strides = array<i32>} : memref<15408xf32, #tpu.memory_space<vmem>>, vector<16xf32>,
          %get3A_385 = arith.constant 0 : i32
          %get3A_386 = arith.index_cast %get3A_385 : i32 to index
          %get3A_387 = arith.index_cast %add3A_368 : i32 to index
          %get3A_388 = arith.constant 16 : index
          %get3A_389 = tpu.vector_load %arg20[%get3A_386, %get3A_387, %get3A_388] {strides = array<i32>} : memref<2x128x48xf32, #tpu.memory_space<vmem>>, vector<16xf32>,
          %add3A_390 = arith.constant 16 : i32
          %add3A_391 = arith.addi %mul3A_364, %add3A_390 : i32
          %get3A_392 = arith.index_cast %add3A_391 : i32 to index
          %get3A_393 = tpu.vector_load %arg15[%get3A_392] {strides = array<i32>} : memref<15408xf32, #tpu.memory_space<vmem>>, vector<16xf32>,
          %mul3A_394 = vector.broadcast %squeeze3A_360 : f32 to vector<16xf32>
          %mul3A_395 = arith.mulf %mul3A_394, %get3A_389 : vector<16xf32>
          %max3A_396 = arith.maximumf %get3A_393, %mul3A_395 : vector<16xf32>
          %add3A_397 = arith.constant 16 : i32
          %add3A_398 = arith.addi %mul3A_364, %add3A_397 : i32
          %swap3A_399 = arith.index_cast %add3A_398 : i32 to index
          %swap3A_400 = tpu.vector_load %arg15[%swap3A_399] {strides = array<i32>} : memref<15408xf32, #tpu.memory_space<vmem>>, vector<16xf32>,
          tpu.vector_store %arg15[%swap3A_399], %max3A_396 {strides = array<i32>} : memref<15408xf32, #tpu.memory_space<vmem>>, vector<16xf32>,
          %get3A_401 = arith.constant 0 : i32
          %get3A_402 = arith.index_cast %get3A_401 : i32 to index
          %get3A_403 = arith.index_cast %add3A_368 : i32 to index
          %get3A_404 = arith.constant 32 : index
          %get3A_405 = tpu.vector_load %arg20[%get3A_402, %get3A_403, %get3A_404] {strides = array<i32>} : memref<2x128x48xf32, #tpu.memory_space<vmem>>, vector<16xf32>,
          %add3A_406 = arith.constant 32 : i32
          %add3A_407 = arith.addi %mul3A_364, %add3A_406 : i32
          %get3A_408 = arith.index_cast %add3A_407 : i32 to index
          %get3A_409 = tpu.vector_load %arg15[%get3A_408] {strides = array<i32>} : memref<15408xf32, #tpu.memory_space<vmem>>, vector<16xf32>,
          %mul3A_410 = vector.broadcast %squeeze3A_360 : f32 to vector<16xf32>
          %mul3A_411 = arith.mulf %mul3A_410, %get3A_405 : vector<16xf32>
          %max3A_412 = arith.maximumf %get3A_409, %mul3A_411 : vector<16xf32>
          %add3A_413 = arith.constant 32 : i32
          %add3A_414 = arith.addi %mul3A_364, %add3A_413 : i32
          %swap3A_415 = arith.index_cast %add3A_414 : i32 to index
          %swap3A_416 = tpu.vector_load %arg15[%swap3A_415] {strides = array<i32>} : memref<15408xf32, #tpu.memory_space<vmem>>, vector<16xf32>,
          tpu.vector_store %arg15[%swap3A_415], %max3A_412 {strides = array<i32>} : memref<15408xf32, #tpu.memory_space<vmem>>, vector<16xf32>,
          %slice3A_417 = vector.extract_strided_slice %get3A_242 {offsets = [3], sizes = [1], strides = [1]} : vector<16xf32> to vector<1xf32>
          %squeeze3A_418 = vector.extract %slice3A_417[0] : f32 from vector<1xf32>
          %slice3A_419 = vector.extract_strided_slice %select_n3A_246 {offsets = [3], sizes = [1], strides = [1]} : vector<16xi32> to vector<1xi32>
          %squeeze3A_420 = vector.extract %slice3A_419[0] : i32 from vector<1xi32>
          %mul3A_421 = arith.constant 48 : i32
          %mul3A_422 = arith.muli %squeeze3A_420, %mul3A_421 : i32
          %mul3A_423 = arith.constant 16 : i32
          %mul3A_424 = arith.muli %scan3A_233, %mul3A_423 : i32
          %add3A_425 = arith.constant 3 : i32
          %add3A_426 = arith.addi %mul3A_424, %add3A_425 : i32
          %get3A_427 = arith.constant 0 : i32
          %get3A_428 = arith.index_cast %get3A_427 : i32 to index
          %get3A_429 = arith.index_cast %add3A_426 : i32 to index
          %get3A_430 = arith.constant 0 : index
          %get3A_431 = tpu.vector_load %arg20[%get3A_428, %get3A_429, %get3A_430] {strides = array<i32>} : memref<2x128x48xf32, #tpu.memory_space<vmem>>, vector<16xf32>,
          %add3A_432 = arith.constant 0 : i32
          %add3A_433 = arith.addi %mul3A_422, %add3A_432 : i32
          %get3A_434 = arith.index_cast %add3A_433 : i32 to index
          %get3A_435 = tpu.vector_load %arg15[%get3A_434] {strides = array<i32>} : memref<15408xf32, #tpu.memory_space<vmem>>, vector<16xf32>,
          %mul3A_436 = vector.broadcast %squeeze3A_418 : f32 to vector<16xf32>
          %mul3A_437 = arith.mulf %mul3A_436, %get3A_431 : vector<16xf32>
          %max3A_438 = arith.maximumf %get3A_435, %mul3A_437 : vector<16xf32>
          %add3A_439 = arith.constant 0 : i32
          %add3A_440 = arith.addi %mul3A_422, %add3A_439 : i32
          %swap3A_441 = arith.index_cast %add3A_440 : i32 to index
          %swap3A_442 = tpu.vector_load %arg15[%swap3A_441] {strides = array<i32>} : memref<15408xf32, #tpu.memory_space<vmem>>, vector<16xf32>,
          tpu.vector_store %arg15[%swap3A_441], %max3A_438 {strides = array<i32>} : memref<15408xf32, #tpu.memory_space<vmem>>, vector<16xf32>,
          %get3A_443 = arith.constant 0 : i32
          %get3A_444 = arith.index_cast %get3A_443 : i32 to index
          %get3A_445 = arith.index_cast %add3A_426 : i32 to index
          %get3A_446 = arith.constant 16 : index
          %get3A_447 = tpu.vector_load %arg20[%get3A_444, %get3A_445, %get3A_446] {strides = array<i32>} : memref<2x128x48xf32, #tpu.memory_space<vmem>>, vector<16xf32>,
          %add3A_448 = arith.constant 16 : i32
          %add3A_449 = arith.addi %mul3A_422, %add3A_448 : i32
          %get3A_450 = arith.index_cast %add3A_449 : i32 to index
          %get3A_451 = tpu.vector_load %arg15[%get3A_450] {strides = array<i32>} : memref<15408xf32, #tpu.memory_space<vmem>>, vector<16xf32>,
          %mul3A_452 = vector.broadcast %squeeze3A_418 : f32 to vector<16xf32>
          %mul3A_453 = arith.mulf %mul3A_452, %get3A_447 : vector<16xf32>
          %max3A_454 = arith.maximumf %get3A_451, %mul3A_453 : vector<16xf32>
          %add3A_455 = arith.constant 16 : i32
          %add3A_456 = arith.addi %mul3A_422, %add3A_455 : i32
          %swap3A_457 = arith.index_cast %add3A_456 : i32 to index
          %swap3A_458 = tpu.vector_load %arg15[%swap3A_457] {strides = array<i32>} : memref<15408xf32, #tpu.memory_space<vmem>>, vector<16xf32>,
          tpu.vector_store %arg15[%swap3A_457], %max3A_454 {strides = array<i32>} : memref<15408xf32, #tpu.memory_space<vmem>>, vector<16xf32>,
          %get3A_459 = arith.constant 0 : i32
          %get3A_460 = arith.index_cast %get3A_459 : i32 to index
          %get3A_461 = arith.index_cast %add3A_426 : i32 to index
          %get3A_462 = arith.constant 32 : index
          %get3A_463 = tpu.vector_load %arg20[%get3A_460, %get3A_461, %get3A_462] {strides = array<i32>} : memref<2x128x48xf32, #tpu.memory_space<vmem>>, vector<16xf32>,
          %add3A_464 = arith.constant 32 : i32
          %add3A_465 = arith.addi %mul3A_422, %add3A_464 : i32
          %get3A_466 = arith.index_cast %add3A_465 : i32 to index
          %get3A_467 = tpu.vector_load %arg15[%get3A_466] {strides = array<i32>} : memref<15408xf32, #tpu.memory_space<vmem>>, vector<16xf32>,
          %mul3A_468 = vector.broadcast %squeeze3A_418 : f32 to vector<16xf32>
          %mul3A_469 = arith.mulf %mul3A_468, %get3A_463 : vector<16xf32>
          %max3A_470 = arith.maximumf %get3A_467, %mul3A_469 : vector<16xf32>
          %add3A_471 = arith.constant 32 : i32
          %add3A_472 = arith.addi %mul3A_422, %add3A_471 : i32
          %swap3A_473 = arith.index_cast %add3A_472 : i32 to index
          %swap3A_474 = tpu.vector_load %arg15[%swap3A_473] {strides = array<i32>} : memref<15408xf32, #tpu.memory_space<vmem>>, vector<16xf32>,
          tpu.vector_store %arg15[%swap3A_473], %max3A_470 {strides = array<i32>} : memref<15408xf32, #tpu.memory_space<vmem>>, vector<16xf32>,
          %slice3A_475 = vector.extract_strided_slice %get3A_242 {offsets = [4], sizes = [1], strides = [1]} : vector<16xf32> to vector<1xf32>
          %squeeze3A_476 = vector.extract %slice3A_475[0] : f32 from vector<1xf32>
          %slice3A_477 = vector.extract_strided_slice %select_n3A_246 {offsets = [4], sizes = [1], strides = [1]} : vector<16xi32> to vector<1xi32>
          %squeeze3A_478 = vector.extract %slice3A_477[0] : i32 from vector<1xi32>
          %mul3A_479 = arith.constant 48 : i32
          %mul3A_480 = arith.muli %squeeze3A_478, %mul3A_479 : i32
          %mul3A_481 = arith.constant 16 : i32
          %mul3A_482 = arith.muli %scan3A_233, %mul3A_481 : i32
          %add3A_483 = arith.constant 4 : i32
          %add3A_484 = arith.addi %mul3A_482, %add3A_483 : i32
          %get3A_485 = arith.constant 0 : i32
          %get3A_486 = arith.index_cast %get3A_485 : i32 to index
          %get3A_487 = arith.index_cast %add3A_484 : i32 to index
          %get3A_488 = arith.constant 0 : index
          %get3A_489 = tpu.vector_load %arg20[%get3A_486, %get3A_487, %get3A_488] {strides = array<i32>} : memref<2x128x48xf32, #tpu.memory_space<vmem>>, vector<16xf32>,
          %add3A_490 = arith.constant 0 : i32
          %add3A_491 = arith.addi %mul3A_480, %add3A_490 : i32
          %get3A_492 = arith.index_cast %add3A_491 : i32 to index
          %get3A_493 = tpu.vector_load %arg15[%get3A_492] {strides = array<i32>} : memref<15408xf32, #tpu.memory_space<vmem>>, vector<16xf32>,
          %mul3A_494 = vector.broadcast %squeeze3A_476 : f32 to vector<16xf32>
          %mul3A_495 = arith.mulf %mul3A_494, %get3A_489 : vector<16xf32>
          %max3A_496 = arith.maximumf %get3A_493, %mul3A_495 : vector<16xf32>
          %add3A_497 = arith.constant 0 : i32
          %add3A_498 = arith.addi %mul3A_480, %add3A_497 : i32
          %swap3A_499 = arith.index_cast %add3A_498 : i32 to index
          %swap3A_500 = tpu.vector_load %arg15[%swap3A_499] {strides = array<i32>} : memref<15408xf32, #tpu.memory_space<vmem>>, vector<16xf32>,
          tpu.vector_store %arg15[%swap3A_499], %max3A_496 {strides = array<i32>} : memref<15408xf32, #tpu.memory_space<vmem>>, vector<16xf32>,
          %get3A_501 = arith.constant 0 : i32
          %get3A_502 = arith.index_cast %get3A_501 : i32 to index
          %get3A_503 = arith.index_cast %add3A_484 : i32 to index
          %get3A_504 = arith.constant 16 : index
          %get3A_505 = tpu.vector_load %arg20[%get3A_502, %get3A_503, %get3A_504] {strides = array<i32>} : memref<2x128x48xf32, #tpu.memory_space<vmem>>, vector<16xf32>,
          %add3A_506 = arith.constant 16 : i32
          %add3A_507 = arith.addi %mul3A_480, %add3A_506 : i32
          %get3A_508 = arith.index_cast %add3A_507 : i32 to index
          %get3A_509 = tpu.vector_load %arg15[%get3A_508] {strides = array<i32>} : memref<15408xf32, #tpu.memory_space<vmem>>, vector<16xf32>,
          %mul3A_510 = vector.broadcast %squeeze3A_476 : f32 to vector<16xf32>
          %mul3A_511 = arith.mulf %mul3A_510, %get3A_505 : vector<16xf32>
          %max3A_512 = arith.maximumf %get3A_509, %mul3A_511 : vector<16xf32>
          %add3A_513 = arith.constant 16 : i32
          %add3A_514 = arith.addi %mul3A_480, %add3A_513 : i32
          %swap3A_515 = arith.index_cast %add3A_514 : i32 to index
          %swap3A_516 = tpu.vector_load %arg15[%swap3A_515] {strides = array<i32>} : memref<15408xf32, #tpu.memory_space<vmem>>, vector<16xf32>,
          tpu.vector_store %arg15[%swap3A_515], %max3A_512 {strides = array<i32>} : memref<15408xf32, #tpu.memory_space<vmem>>, vector<16xf32>,
          %get3A_517 = arith.constant 0 : i32
          %get3A_518 = arith.index_cast %get3A_517 : i32 to index
          %get3A_519 = arith.index_cast %add3A_484 : i32 to index
          %get3A_520 = arith.constant 32 : index
          %get3A_521 = tpu.vector_load %arg20[%get3A_518, %get3A_519, %get3A_520] {strides = array<i32>} : memref<2x128x48xf32, #tpu.memory_space<vmem>>, vector<16xf32>,
          %add3A_522 = arith.constant 32 : i32
          %add3A_523 = arith.addi %mul3A_480, %add3A_522 : i32
          %get3A_524 = arith.index_cast %add3A_523 : i32 to index
          %get3A_525 = tpu.vector_load %arg15[%get3A_524] {strides = array<i32>} : memref<15408xf32, #tpu.memory_space<vmem>>, vector<16xf32>,
          %mul3A_526 = vector.broadcast %squeeze3A_476 : f32 to vector<16xf32>
          %mul3A_527 = arith.mulf %mul3A_526, %get3A_521 : vector<16xf32>
          %max3A_528 = arith.maximumf %get3A_525, %mul3A_527 : vector<16xf32>
          %add3A_529 = arith.constant 32 : i32
          %add3A_530 = arith.addi %mul3A_480, %add3A_529 : i32
          %swap3A_531 = arith.index_cast %add3A_530 : i32 to index
          %swap3A_532 = tpu.vector_load %arg15[%swap3A_531] {strides = array<i32>} : memref<15408xf32, #tpu.memory_space<vmem>>, vector<16xf32>,
          tpu.vector_store %arg15[%swap3A_531], %max3A_528 {strides = array<i32>} : memref<15408xf32, #tpu.memory_space<vmem>>, vector<16xf32>,
          %slice3A_533 = vector.extract_strided_slice %get3A_242 {offsets = [5], sizes = [1], strides = [1]} : vector<16xf32> to vector<1xf32>
          %squeeze3A_534 = vector.extract %slice3A_533[0] : f32 from vector<1xf32>
          %slice3A_535 = vector.extract_strided_slice %select_n3A_246 {offsets = [5], sizes = [1], strides = [1]} : vector<16xi32> to vector<1xi32>
          %squeeze3A_536 = vector.extract %slice3A_535[0] : i32 from vector<1xi32>
          %mul3A_537 = arith.constant 48 : i32
          %mul3A_538 = arith.muli %squeeze3A_536, %mul3A_537 : i32
          %mul3A_539 = arith.constant 16 : i32
          %mul3A_540 = arith.muli %scan3A_233, %mul3A_539 : i32
          %add3A_541 = arith.constant 5 : i32
          %add3A_542 = arith.addi %mul3A_540, %add3A_541 : i32
          %get3A_543 = arith.constant 0 : i32
          %get3A_544 = arith.index_cast %get3A_543 : i32 to index
          %get3A_545 = arith.index_cast %add3A_542 : i32 to index
          %get3A_546 = arith.constant 0 : index
          %get3A_547 = tpu.vector_load %arg20[%get3A_544, %get3A_545, %get3A_546] {strides = array<i32>} : memref<2x128x48xf32, #tpu.memory_space<vmem>>, vector<16xf32>,
          %add3A_548 = arith.constant 0 : i32
          %add3A_549 = arith.addi %mul3A_538, %add3A_548 : i32
          %get3A_550 = arith.index_cast %add3A_549 : i32 to index
          %get3A_551 = tpu.vector_load %arg15[%get3A_550] {strides = array<i32>} : memref<15408xf32, #tpu.memory_space<vmem>>, vector<16xf32>,
          %mul3A_552 = vector.broadcast %squeeze3A_534 : f32 to vector<16xf32>
          %mul3A_553 = arith.mulf %mul3A_552, %get3A_547 : vector<16xf32>
          %max3A_554 = arith.maximumf %get3A_551, %mul3A_553 : vector<16xf32>
          %add3A_555 = arith.constant 0 : i32
          %add3A_556 = arith.addi %mul3A_538, %add3A_555 : i32
          %swap3A_557 = arith.index_cast %add3A_556 : i32 to index
          %swap3A_558 = tpu.vector_load %arg15[%swap3A_557] {strides = array<i32>} : memref<15408xf32, #tpu.memory_space<vmem>>, vector<16xf32>,
          tpu.vector_store %arg15[%swap3A_557], %max3A_554 {strides = array<i32>} : memref<15408xf32, #tpu.memory_space<vmem>>, vector<16xf32>,
          %get3A_559 = arith.constant 0 : i32
          %get3A_560 = arith.index_cast %get3A_559 : i32 to index
          %get3A_561 = arith.index_cast %add3A_542 : i32 to index
          %get3A_562 = arith.constant 16 : index
          %get3A_563 = tpu.vector_load %arg20[%get3A_560, %get3A_561, %get3A_562] {strides = array<i32>} : memref<2x128x48xf32, #tpu.memory_space<vmem>>, vector<16xf32>,
          %add3A_564 = arith.constant 16 : i32
          %add3A_565 = arith.addi %mul3A_538, %add3A_564 : i32
          %get3A_566 = arith.index_cast %add3A_565 : i32 to index
          %get3A_567 = tpu.vector_load %arg15[%get3A_566] {strides = array<i32>} : memref<15408xf32, #tpu.memory_space<vmem>>, vector<16xf32>,
          %mul3A_568 = vector.broadcast %squeeze3A_534 : f32 to vector<16xf32>
          %mul3A_569 = arith.mulf %mul3A_568, %get3A_563 : vector<16xf32>
          %max3A_570 = arith.maximumf %get3A_567, %mul3A_569 : vector<16xf32>
          %add3A_571 = arith.constant 16 : i32
          %add3A_572 = arith.addi %mul3A_538, %add3A_571 : i32
          %swap3A_573 = arith.index_cast %add3A_572 : i32 to index
          %swap3A_574 = tpu.vector_load %arg15[%swap3A_573] {strides = array<i32>} : memref<15408xf32, #tpu.memory_space<vmem>>, vector<16xf32>,
          tpu.vector_store %arg15[%swap3A_573], %max3A_570 {strides = array<i32>} : memref<15408xf32, #tpu.memory_space<vmem>>, vector<16xf32>,
          %get3A_575 = arith.constant 0 : i32
          %get3A_576 = arith.index_cast %get3A_575 : i32 to index
          %get3A_577 = arith.index_cast %add3A_542 : i32 to index
          %get3A_578 = arith.constant 32 : index
          %get3A_579 = tpu.vector_load %arg20[%get3A_576, %get3A_577, %get3A_578] {strides = array<i32>} : memref<2x128x48xf32, #tpu.memory_space<vmem>>, vector<16xf32>,
          %add3A_580 = arith.constant 32 : i32
          %add3A_581 = arith.addi %mul3A_538, %add3A_580 : i32
          %get3A_582 = arith.index_cast %add3A_581 : i32 to index
          %get3A_583 = tpu.vector_load %arg15[%get3A_582] {strides = array<i32>} : memref<15408xf32, #tpu.memory_space<vmem>>, vector<16xf32>,
          %mul3A_584 = vector.broadcast %squeeze3A_534 : f32 to vector<16xf32>
          %mul3A_585 = arith.mulf %mul3A_584, %get3A_579 : vector<16xf32>
          %max3A_586 = arith.maximumf %get3A_583, %mul3A_585 : vector<16xf32>
          %add3A_587 = arith.constant 32 : i32
          %add3A_588 = arith.addi %mul3A_538, %add3A_587 : i32
          %swap3A_589 = arith.index_cast %add3A_588 : i32 to index
          %swap3A_590 = tpu.vector_load %arg15[%swap3A_589] {strides = array<i32>} : memref<15408xf32, #tpu.memory_space<vmem>>, vector<16xf32>,
          tpu.vector_store %arg15[%swap3A_589], %max3A_586 {strides = array<i32>} : memref<15408xf32, #tpu.memory_space<vmem>>, vector<16xf32>,
          %slice3A_591 = vector.extract_strided_slice %get3A_242 {offsets = [6], sizes = [1], strides = [1]} : vector<16xf32> to vector<1xf32>
          %squeeze3A_592 = vector.extract %slice3A_591[0] : f32 from vector<1xf32>
          %slice3A_593 = vector.extract_strided_slice %select_n3A_246 {offsets = [6], sizes = [1], strides = [1]} : vector<16xi32> to vector<1xi32>
          %squeeze3A_594 = vector.extract %slice3A_593[0] : i32 from vector<1xi32>
          %mul3A_595 = arith.constant 48 : i32
          %mul3A_596 = arith.muli %squeeze3A_594, %mul3A_595 : i32
          %mul3A_597 = arith.constant 16 : i32
          %mul3A_598 = arith.muli %scan3A_233, %mul3A_597 : i32
          %add3A_599 = arith.constant 6 : i32
          %add3A_600 = arith.addi %mul3A_598, %add3A_599 : i32
          %get3A_601 = arith.constant 0 : i32
          %get3A_602 = arith.index_cast %get3A_601 : i32 to index
          %get3A_603 = arith.index_cast %add3A_600 : i32 to index
          %get3A_604 = arith.constant 0 : index
          %get3A_605 = tpu.vector_load %arg20[%get3A_602, %get3A_603, %get3A_604] {strides = array<i32>} : memref<2x128x48xf32, #tpu.memory_space<vmem>>, vector<16xf32>,
          %add3A_606 = arith.constant 0 : i32
          %add3A_607 = arith.addi %mul3A_596, %add3A_606 : i32
          %get3A_608 = arith.index_cast %add3A_607 : i32 to index
          %get3A_609 = tpu.vector_load %arg15[%get3A_608] {strides = array<i32>} : memref<15408xf32, #tpu.memory_space<vmem>>, vector<16xf32>,
          %mul3A_610 = vector.broadcast %squeeze3A_592 : f32 to vector<16xf32>
          %mul3A_611 = arith.mulf %mul3A_610, %get3A_605 : vector<16xf32>
          %max3A_612 = arith.maximumf %get3A_609, %mul3A_611 : vector<16xf32>
          %add3A_613 = arith.constant 0 : i32
          %add3A_614 = arith.addi %mul3A_596, %add3A_613 : i32
          %swap3A_615 = arith.index_cast %add3A_614 : i32 to index
          %swap3A_616 = tpu.vector_load %arg15[%swap3A_615] {strides = array<i32>} : memref<15408xf32, #tpu.memory_space<vmem>>, vector<16xf32>,
          tpu.vector_store %arg15[%swap3A_615], %max3A_612 {strides = array<i32>} : memref<15408xf32, #tpu.memory_space<vmem>>, vector<16xf32>,
          %get3A_617 = arith.constant 0 : i32
          %get3A_618 = arith.index_cast %get3A_617 : i32 to index
          %get3A_619 = arith.index_cast %add3A_600 : i32 to index
          %get3A_620 = arith.constant 16 : index
          %get3A_621 = tpu.vector_load %arg20[%get3A_618, %get3A_619, %get3A_620] {strides = array<i32>} : memref<2x128x48xf32, #tpu.memory_space<vmem>>, vector<16xf32>,
          %add3A_622 = arith.constant 16 : i32
          %add3A_623 = arith.addi %mul3A_596, %add3A_622 : i32
          %get3A_624 = arith.index_cast %add3A_623 : i32 to index
          %get3A_625 = tpu.vector_load %arg15[%get3A_624] {strides = array<i32>} : memref<15408xf32, #tpu.memory_space<vmem>>, vector<16xf32>,
          %mul3A_626 = vector.broadcast %squeeze3A_592 : f32 to vector<16xf32>
          %mul3A_627 = arith.mulf %mul3A_626, %get3A_621 : vector<16xf32>
          %max3A_628 = arith.maximumf %get3A_625, %mul3A_627 : vector<16xf32>
          %add3A_629 = arith.constant 16 : i32
          %add3A_630 = arith.addi %mul3A_596, %add3A_629 : i32
          %swap3A_631 = arith.index_cast %add3A_630 : i32 to index
          %swap3A_632 = tpu.vector_load %arg15[%swap3A_631] {strides = array<i32>} : memref<15408xf32, #tpu.memory_space<vmem>>, vector<16xf32>,
          tpu.vector_store %arg15[%swap3A_631], %max3A_628 {strides = array<i32>} : memref<15408xf32, #tpu.memory_space<vmem>>, vector<16xf32>,
          %get3A_633 = arith.constant 0 : i32
          %get3A_634 = arith.index_cast %get3A_633 : i32 to index
          %get3A_635 = arith.index_cast %add3A_600 : i32 to index
          %get3A_636 = arith.constant 32 : index
          %get3A_637 = tpu.vector_load %arg20[%get3A_634, %get3A_635, %get3A_636] {strides = array<i32>} : memref<2x128x48xf32, #tpu.memory_space<vmem>>, vector<16xf32>,
          %add3A_638 = arith.constant 32 : i32
          %add3A_639 = arith.addi %mul3A_596, %add3A_638 : i32
          %get3A_640 = arith.index_cast %add3A_639 : i32 to index
          %get3A_641 = tpu.vector_load %arg15[%get3A_640] {strides = array<i32>} : memref<15408xf32, #tpu.memory_space<vmem>>, vector<16xf32>,
          %mul3A_642 = vector.broadcast %squeeze3A_592 : f32 to vector<16xf32>
          %mul3A_643 = arith.mulf %mul3A_642, %get3A_637 : vector<16xf32>
          %max3A_644 = arith.maximumf %get3A_641, %mul3A_643 : vector<16xf32>
          %add3A_645 = arith.constant 32 : i32
          %add3A_646 = arith.addi %mul3A_596, %add3A_645 : i32
          %swap3A_647 = arith.index_cast %add3A_646 : i32 to index
          %swap3A_648 = tpu.vector_load %arg15[%swap3A_647] {strides = array<i32>} : memref<15408xf32, #tpu.memory_space<vmem>>, vector<16xf32>,
          tpu.vector_store %arg15[%swap3A_647], %max3A_644 {strides = array<i32>} : memref<15408xf32, #tpu.memory_space<vmem>>, vector<16xf32>,
          %slice3A_649 = vector.extract_strided_slice %get3A_242 {offsets = [7], sizes = [1], strides = [1]} : vector<16xf32> to vector<1xf32>
          %squeeze3A_650 = vector.extract %slice3A_649[0] : f32 from vector<1xf32>
          %slice3A_651 = vector.extract_strided_slice %select_n3A_246 {offsets = [7], sizes = [1], strides = [1]} : vector<16xi32> to vector<1xi32>
          %squeeze3A_652 = vector.extract %slice3A_651[0] : i32 from vector<1xi32>
          %mul3A_653 = arith.constant 48 : i32
          %mul3A_654 = arith.muli %squeeze3A_652, %mul3A_653 : i32
          %mul3A_655 = arith.constant 16 : i32
          %mul3A_656 = arith.muli %scan3A_233, %mul3A_655 : i32
          %add3A_657 = arith.constant 7 : i32
          %add3A_658 = arith.addi %mul3A_656, %add3A_657 : i32
          %get3A_659 = arith.constant 0 : i32
          %get3A_660 = arith.index_cast %get3A_659 : i32 to index
          %get3A_661 = arith.index_cast %add3A_658 : i32 to index
          %get3A_662 = arith.constant 0 : index
          %get3A_663 = tpu.vector_load %arg20[%get3A_660, %get3A_661, %get3A_662] {strides = array<i32>} : memref<2x128x48xf32, #tpu.memory_space<vmem>>, vector<16xf32>,
          %add3A_664 = arith.constant 0 : i32
          %add3A_665 = arith.addi %mul3A_654, %add3A_664 : i32
          %get3A_666 = arith.index_cast %add3A_665 : i32 to index
          %get3A_667 = tpu.vector_load %arg15[%get3A_666] {strides = array<i32>} : memref<15408xf32, #tpu.memory_space<vmem>>, vector<16xf32>,
          %mul3A_668 = vector.broadcast %squeeze3A_650 : f32 to vector<16xf32>
          %mul3A_669 = arith.mulf %mul3A_668, %get3A_663 : vector<16xf32>
          %max3A_670 = arith.maximumf %get3A_667, %mul3A_669 : vector<16xf32>
          %add3A_671 = arith.constant 0 : i32
          %add3A_672 = arith.addi %mul3A_654, %add3A_671 : i32
          %swap3A_673 = arith.index_cast %add3A_672 : i32 to index
          %swap3A_674 = tpu.vector_load %arg15[%swap3A_673] {strides = array<i32>} : memref<15408xf32, #tpu.memory_space<vmem>>, vector<16xf32>,
          tpu.vector_store %arg15[%swap3A_673], %max3A_670 {strides = array<i32>} : memref<15408xf32, #tpu.memory_space<vmem>>, vector<16xf32>,
          %get3A_675 = arith.constant 0 : i32
          %get3A_676 = arith.index_cast %get3A_675 : i32 to index
          %get3A_677 = arith.index_cast %add3A_658 : i32 to index
          %get3A_678 = arith.constant 16 : index
          %get3A_679 = tpu.vector_load %arg20[%get3A_676, %get3A_677, %get3A_678] {strides = array<i32>} : memref<2x128x48xf32, #tpu.memory_space<vmem>>, vector<16xf32>,
          %add3A_680 = arith.constant 16 : i32
          %add3A_681 = arith.addi %mul3A_654, %add3A_680 : i32
          %get3A_682 = arith.index_cast %add3A_681 : i32 to index
          %get3A_683 = tpu.vector_load %arg15[%get3A_682] {strides = array<i32>} : memref<15408xf32, #tpu.memory_space<vmem>>, vector<16xf32>,
          %mul3A_684 = vector.broadcast %squeeze3A_650 : f32 to vector<16xf32>
          %mul3A_685 = arith.mulf %mul3A_684, %get3A_679 : vector<16xf32>
          %max3A_686 = arith.maximumf %get3A_683, %mul3A_685 : vector<16xf32>
          %add3A_687 = arith.constant 16 : i32
          %add3A_688 = arith.addi %mul3A_654, %add3A_687 : i32
          %swap3A_689 = arith.index_cast %add3A_688 : i32 to index
          %swap3A_690 = tpu.vector_load %arg15[%swap3A_689] {strides = array<i32>} : memref<15408xf32, #tpu.memory_space<vmem>>, vector<16xf32>,
          tpu.vector_store %arg15[%swap3A_689], %max3A_686 {strides = array<i32>} : memref<15408xf32, #tpu.memory_space<vmem>>, vector<16xf32>,
          %get3A_691 = arith.constant 0 : i32
          %get3A_692 = arith.index_cast %get3A_691 : i32 to index
          %get3A_693 = arith.index_cast %add3A_658 : i32 to index
          %get3A_694 = arith.constant 32 : index
          %get3A_695 = tpu.vector_load %arg20[%get3A_692, %get3A_693, %get3A_694] {strides = array<i32>} : memref<2x128x48xf32, #tpu.memory_space<vmem>>, vector<16xf32>,
          %add3A_696 = arith.constant 32 : i32
          %add3A_697 = arith.addi %mul3A_654, %add3A_696 : i32
          %get3A_698 = arith.index_cast %add3A_697 : i32 to index
          %get3A_699 = tpu.vector_load %arg15[%get3A_698] {strides = array<i32>} : memref<15408xf32, #tpu.memory_space<vmem>>, vector<16xf32>,
          %mul3A_700 = vector.broadcast %squeeze3A_650 : f32 to vector<16xf32>
          %mul3A_701 = arith.mulf %mul3A_700, %get3A_695 : vector<16xf32>
          %max3A_702 = arith.maximumf %get3A_699, %mul3A_701 : vector<16xf32>
          %add3A_703 = arith.constant 32 : i32
          %add3A_704 = arith.addi %mul3A_654, %add3A_703 : i32
          %swap3A_705 = arith.index_cast %add3A_704 : i32 to index
          %swap3A_706 = tpu.vector_load %arg15[%swap3A_705] {strides = array<i32>} : memref<15408xf32, #tpu.memory_space<vmem>>, vector<16xf32>,
          tpu.vector_store %arg15[%swap3A_705], %max3A_702 {strides = array<i32>} : memref<15408xf32, #tpu.memory_space<vmem>>, vector<16xf32>,
          %slice3A_707 = vector.extract_strided_slice %get3A_242 {offsets = [8], sizes = [1], strides = [1]} : vector<16xf32> to vector<1xf32>
          %squeeze3A_708 = vector.extract %slice3A_707[0] : f32 from vector<1xf32>
          %slice3A_709 = vector.extract_strided_slice %select_n3A_246 {offsets = [8], sizes = [1], strides = [1]} : vector<16xi32> to vector<1xi32>
          %squeeze3A_710 = vector.extract %slice3A_709[0] : i32 from vector<1xi32>
          %mul3A_711 = arith.constant 48 : i32
          %mul3A_712 = arith.muli %squeeze3A_710, %mul3A_711 : i32
          %mul3A_713 = arith.constant 16 : i32
          %mul3A_714 = arith.muli %scan3A_233, %mul3A_713 : i32
          %add3A_715 = arith.constant 8 : i32
          %add3A_716 = arith.addi %mul3A_714, %add3A_715 : i32
          %get3A_717 = arith.constant 0 : i32
          %get3A_718 = arith.index_cast %get3A_717 : i32 to index
          %get3A_719 = arith.index_cast %add3A_716 : i32 to index
          %get3A_720 = arith.constant 0 : index
          %get3A_721 = tpu.vector_load %arg20[%get3A_718, %get3A_719, %get3A_720] {strides = array<i32>} : memref<2x128x48xf32, #tpu.memory_space<vmem>>, vector<16xf32>,
          %add3A_722 = arith.constant 0 : i32
          %add3A_723 = arith.addi %mul3A_712, %add3A_722 : i32
          %get3A_724 = arith.index_cast %add3A_723 : i32 to index
          %get3A_725 = tpu.vector_load %arg15[%get3A_724] {strides = array<i32>} : memref<15408xf32, #tpu.memory_space<vmem>>, vector<16xf32>,
          %mul3A_726 = vector.broadcast %squeeze3A_708 : f32 to vector<16xf32>
          %mul3A_727 = arith.mulf %mul3A_726, %get3A_721 : vector<16xf32>
          %max3A_728 = arith.maximumf %get3A_725, %mul3A_727 : vector<16xf32>
          %add3A_729 = arith.constant 0 : i32
          %add3A_730 = arith.addi %mul3A_712, %add3A_729 : i32
          %swap3A_731 = arith.index_cast %add3A_730 : i32 to index
          %swap3A_732 = tpu.vector_load %arg15[%swap3A_731] {strides = array<i32>} : memref<15408xf32, #tpu.memory_space<vmem>>, vector<16xf32>,
          tpu.vector_store %arg15[%swap3A_731], %max3A_728 {strides = array<i32>} : memref<15408xf32, #tpu.memory_space<vmem>>, vector<16xf32>,
          %get3A_733 = arith.constant 0 : i32
          %get3A_734 = arith.index_cast %get3A_733 : i32 to index
          %get3A_735 = arith.index_cast %add3A_716 : i32 to index
          %get3A_736 = arith.constant 16 : index
          %get3A_737 = tpu.vector_load %arg20[%get3A_734, %get3A_735, %get3A_736] {strides = array<i32>} : memref<2x128x48xf32, #tpu.memory_space<vmem>>, vector<16xf32>,
          %add3A_738 = arith.constant 16 : i32
          %add3A_739 = arith.addi %mul3A_712, %add3A_738 : i32
          %get3A_740 = arith.index_cast %add3A_739 : i32 to index
          %get3A_741 = tpu.vector_load %arg15[%get3A_740] {strides = array<i32>} : memref<15408xf32, #tpu.memory_space<vmem>>, vector<16xf32>,
          %mul3A_742 = vector.broadcast %squeeze3A_708 : f32 to vector<16xf32>
          %mul3A_743 = arith.mulf %mul3A_742, %get3A_737 : vector<16xf32>
          %max3A_744 = arith.maximumf %get3A_741, %mul3A_743 : vector<16xf32>
          %add3A_745 = arith.constant 16 : i32
          %add3A_746 = arith.addi %mul3A_712, %add3A_745 : i32
          %swap3A_747 = arith.index_cast %add3A_746 : i32 to index
          %swap3A_748 = tpu.vector_load %arg15[%swap3A_747] {strides = array<i32>} : memref<15408xf32, #tpu.memory_space<vmem>>, vector<16xf32>,
          tpu.vector_store %arg15[%swap3A_747], %max3A_744 {strides = array<i32>} : memref<15408xf32, #tpu.memory_space<vmem>>, vector<16xf32>,
          %get3A_749 = arith.constant 0 : i32
          %get3A_750 = arith.index_cast %get3A_749 : i32 to index
          %get3A_751 = arith.index_cast %add3A_716 : i32 to index
          %get3A_752 = arith.constant 32 : index
          %get3A_753 = tpu.vector_load %arg20[%get3A_750, %get3A_751, %get3A_752] {strides = array<i32>} : memref<2x128x48xf32, #tpu.memory_space<vmem>>, vector<16xf32>,
          %add3A_754 = arith.constant 32 : i32
          %add3A_755 = arith.addi %mul3A_712, %add3A_754 : i32
          %get3A_756 = arith.index_cast %add3A_755 : i32 to index
          %get3A_757 = tpu.vector_load %arg15[%get3A_756] {strides = array<i32>} : memref<15408xf32, #tpu.memory_space<vmem>>, vector<16xf32>,
          %mul3A_758 = vector.broadcast %squeeze3A_708 : f32 to vector<16xf32>
          %mul3A_759 = arith.mulf %mul3A_758, %get3A_753 : vector<16xf32>
          %max3A_760 = arith.maximumf %get3A_757, %mul3A_759 : vector<16xf32>
          %add3A_761 = arith.constant 32 : i32
          %add3A_762 = arith.addi %mul3A_712, %add3A_761 : i32
          %swap3A_763 = arith.index_cast %add3A_762 : i32 to index
          %swap3A_764 = tpu.vector_load %arg15[%swap3A_763] {strides = array<i32>} : memref<15408xf32, #tpu.memory_space<vmem>>, vector<16xf32>,
          tpu.vector_store %arg15[%swap3A_763], %max3A_760 {strides = array<i32>} : memref<15408xf32, #tpu.memory_space<vmem>>, vector<16xf32>,
          %slice3A_765 = vector.extract_strided_slice %get3A_242 {offsets = [9], sizes = [1], strides = [1]} : vector<16xf32> to vector<1xf32>
          %squeeze3A_766 = vector.extract %slice3A_765[0] : f32 from vector<1xf32>
          %slice3A_767 = vector.extract_strided_slice %select_n3A_246 {offsets = [9], sizes = [1], strides = [1]} : vector<16xi32> to vector<1xi32>
          %squeeze3A_768 = vector.extract %slice3A_767[0] : i32 from vector<1xi32>
          %mul3A_769 = arith.constant 48 : i32
          %mul3A_770 = arith.muli %squeeze3A_768, %mul3A_769 : i32
          %mul3A_771 = arith.constant 16 : i32
          %mul3A_772 = arith.muli %scan3A_233, %mul3A_771 : i32
          %add3A_773 = arith.constant 9 : i32
          %add3A_774 = arith.addi %mul3A_772, %add3A_773 : i32
          %get3A_775 = arith.constant 0 : i32
          %get3A_776 = arith.index_cast %get3A_775 : i32 to index
          %get3A_777 = arith.index_cast %add3A_774 : i32 to index
          %get3A_778 = arith.constant 0 : index
          %get3A_779 = tpu.vector_load %arg20[%get3A_776, %get3A_777, %get3A_778] {strides = array<i32>} : memref<2x128x48xf32, #tpu.memory_space<vmem>>, vector<16xf32>,
          %add3A_780 = arith.constant 0 : i32
          %add3A_781 = arith.addi %mul3A_770, %add3A_780 : i32
          %get3A_782 = arith.index_cast %add3A_781 : i32 to index
          %get3A_783 = tpu.vector_load %arg15[%get3A_782] {strides = array<i32>} : memref<15408xf32, #tpu.memory_space<vmem>>, vector<16xf32>,
          %mul3A_784 = vector.broadcast %squeeze3A_766 : f32 to vector<16xf32>
          %mul3A_785 = arith.mulf %mul3A_784, %get3A_779 : vector<16xf32>
          %max3A_786 = arith.maximumf %get3A_783, %mul3A_785 : vector<16xf32>
          %add3A_787 = arith.constant 0 : i32
          %add3A_788 = arith.addi %mul3A_770, %add3A_787 : i32
          %swap3A_789 = arith.index_cast %add3A_788 : i32 to index
          %swap3A_790 = tpu.vector_load %arg15[%swap3A_789] {strides = array<i32>} : memref<15408xf32, #tpu.memory_space<vmem>>, vector<16xf32>,
          tpu.vector_store %arg15[%swap3A_789], %max3A_786 {strides = array<i32>} : memref<15408xf32, #tpu.memory_space<vmem>>, vector<16xf32>,
          %get3A_791 = arith.constant 0 : i32
          %get3A_792 = arith.index_cast %get3A_791 : i32 to index
          %get3A_793 = arith.index_cast %add3A_774 : i32 to index
          %get3A_794 = arith.constant 16 : index
          %get3A_795 = tpu.vector_load %arg20[%get3A_792, %get3A_793, %get3A_794] {strides = array<i32>} : memref<2x128x48xf32, #tpu.memory_space<vmem>>, vector<16xf32>,
          %add3A_796 = arith.constant 16 : i32
          %add3A_797 = arith.addi %mul3A_770, %add3A_796 : i32
          %get3A_798 = arith.index_cast %add3A_797 : i32 to index
          %get3A_799 = tpu.vector_load %arg15[%get3A_798] {strides = array<i32>} : memref<15408xf32, #tpu.memory_space<vmem>>, vector<16xf32>,
          %mul3A_800 = vector.broadcast %squeeze3A_766 : f32 to vector<16xf32>
          %mul3A_801 = arith.mulf %mul3A_800, %get3A_795 : vector<16xf32>
          %max3A_802 = arith.maximumf %get3A_799, %mul3A_801 : vector<16xf32>
          %add3A_803 = arith.constant 16 : i32
          %add3A_804 = arith.addi %mul3A_770, %add3A_803 : i32
          %swap3A_805 = arith.index_cast %add3A_804 : i32 to index
          %swap3A_806 = tpu.vector_load %arg15[%swap3A_805] {strides = array<i32>} : memref<15408xf32, #tpu.memory_space<vmem>>, vector<16xf32>,
          tpu.vector_store %arg15[%swap3A_805], %max3A_802 {strides = array<i32>} : memref<15408xf32, #tpu.memory_space<vmem>>, vector<16xf32>,
          %get3A_807 = arith.constant 0 : i32
          %get3A_808 = arith.index_cast %get3A_807 : i32 to index
          %get3A_809 = arith.index_cast %add3A_774 : i32 to index
          %get3A_810 = arith.constant 32 : index
          %get3A_811 = tpu.vector_load %arg20[%get3A_808, %get3A_809, %get3A_810] {strides = array<i32>} : memref<2x128x48xf32, #tpu.memory_space<vmem>>, vector<16xf32>,
          %add3A_812 = arith.constant 32 : i32
          %add3A_813 = arith.addi %mul3A_770, %add3A_812 : i32
          %get3A_814 = arith.index_cast %add3A_813 : i32 to index
          %get3A_815 = tpu.vector_load %arg15[%get3A_814] {strides = array<i32>} : memref<15408xf32, #tpu.memory_space<vmem>>, vector<16xf32>,
          %mul3A_816 = vector.broadcast %squeeze3A_766 : f32 to vector<16xf32>
          %mul3A_817 = arith.mulf %mul3A_816, %get3A_811 : vector<16xf32>
          %max3A_818 = arith.maximumf %get3A_815, %mul3A_817 : vector<16xf32>
          %add3A_819 = arith.constant 32 : i32
          %add3A_820 = arith.addi %mul3A_770, %add3A_819 : i32
          %swap3A_821 = arith.index_cast %add3A_820 : i32 to index
          %swap3A_822 = tpu.vector_load %arg15[%swap3A_821] {strides = array<i32>} : memref<15408xf32, #tpu.memory_space<vmem>>, vector<16xf32>,
          tpu.vector_store %arg15[%swap3A_821], %max3A_818 {strides = array<i32>} : memref<15408xf32, #tpu.memory_space<vmem>>, vector<16xf32>,
          %slice3A_823 = vector.extract_strided_slice %get3A_242 {offsets = [10], sizes = [1], strides = [1]} : vector<16xf32> to vector<1xf32>
          %squeeze3A_824 = vector.extract %slice3A_823[0] : f32 from vector<1xf32>
          %slice3A_825 = vector.extract_strided_slice %select_n3A_246 {offsets = [10], sizes = [1], strides = [1]} : vector<16xi32> to vector<1xi32>
          %squeeze3A_826 = vector.extract %slice3A_825[0] : i32 from vector<1xi32>
          %mul3A_827 = arith.constant 48 : i32
          %mul3A_828 = arith.muli %squeeze3A_826, %mul3A_827 : i32
          %mul3A_829 = arith.constant 16 : i32
          %mul3A_830 = arith.muli %scan3A_233, %mul3A_829 : i32
          %add3A_831 = arith.constant 10 : i32
          %add3A_832 = arith.addi %mul3A_830, %add3A_831 : i32
          %get3A_833 = arith.constant 0 : i32
          %get3A_834 = arith.index_cast %get3A_833 : i32 to index
          %get3A_835 = arith.index_cast %add3A_832 : i32 to index
          %get3A_836 = arith.constant 0 : index
          %get3A_837 = tpu.vector_load %arg20[%get3A_834, %get3A_835, %get3A_836] {strides = array<i32>} : memref<2x128x48xf32, #tpu.memory_space<vmem>>, vector<16xf32>,
          %add3A_838 = arith.constant 0 : i32
          %add3A_839 = arith.addi %mul3A_828, %add3A_838 : i32
          %get3A_840 = arith.index_cast %add3A_839 : i32 to index
          %get3A_841 = tpu.vector_load %arg15[%get3A_840] {strides = array<i32>} : memref<15408xf32, #tpu.memory_space<vmem>>, vector<16xf32>,
          %mul3A_842 = vector.broadcast %squeeze3A_824 : f32 to vector<16xf32>
          %mul3A_843 = arith.mulf %mul3A_842, %get3A_837 : vector<16xf32>
          %max3A_844 = arith.maximumf %get3A_841, %mul3A_843 : vector<16xf32>
          %add3A_845 = arith.constant 0 : i32
          %add3A_846 = arith.addi %mul3A_828, %add3A_845 : i32
          %swap3A_847 = arith.index_cast %add3A_846 : i32 to index
          %swap3A_848 = tpu.vector_load %arg15[%swap3A_847] {strides = array<i32>} : memref<15408xf32, #tpu.memory_space<vmem>>, vector<16xf32>,
          tpu.vector_store %arg15[%swap3A_847], %max3A_844 {strides = array<i32>} : memref<15408xf32, #tpu.memory_space<vmem>>, vector<16xf32>,
          %get3A_849 = arith.constant 0 : i32
          %get3A_850 = arith.index_cast %get3A_849 : i32 to index
          %get3A_851 = arith.index_cast %add3A_832 : i32 to index
          %get3A_852 = arith.constant 16 : index
          %get3A_853 = tpu.vector_load %arg20[%get3A_850, %get3A_851, %get3A_852] {strides = array<i32>} : memref<2x128x48xf32, #tpu.memory_space<vmem>>, vector<16xf32>,
          %add3A_854 = arith.constant 16 : i32
          %add3A_855 = arith.addi %mul3A_828, %add3A_854 : i32
          %get3A_856 = arith.index_cast %add3A_855 : i32 to index
          %get3A_857 = tpu.vector_load %arg15[%get3A_856] {strides = array<i32>} : memref<15408xf32, #tpu.memory_space<vmem>>, vector<16xf32>,
          %mul3A_858 = vector.broadcast %squeeze3A_824 : f32 to vector<16xf32>
          %mul3A_859 = arith.mulf %mul3A_858, %get3A_853 : vector<16xf32>
          %max3A_860 = arith.maximumf %get3A_857, %mul3A_859 : vector<16xf32>
          %add3A_861 = arith.constant 16 : i32
          %add3A_862 = arith.addi %mul3A_828, %add3A_861 : i32
          %swap3A_863 = arith.index_cast %add3A_862 : i32 to index
          %swap3A_864 = tpu.vector_load %arg15[%swap3A_863] {strides = array<i32>} : memref<15408xf32, #tpu.memory_space<vmem>>, vector<16xf32>,
          tpu.vector_store %arg15[%swap3A_863], %max3A_860 {strides = array<i32>} : memref<15408xf32, #tpu.memory_space<vmem>>, vector<16xf32>,
          %get3A_865 = arith.constant 0 : i32
          %get3A_866 = arith.index_cast %get3A_865 : i32 to index
          %get3A_867 = arith.index_cast %add3A_832 : i32 to index
          %get3A_868 = arith.constant 32 : index
          %get3A_869 = tpu.vector_load %arg20[%get3A_866, %get3A_867, %get3A_868] {strides = array<i32>} : memref<2x128x48xf32, #tpu.memory_space<vmem>>, vector<16xf32>,
          %add3A_870 = arith.constant 32 : i32
          %add3A_871 = arith.addi %mul3A_828, %add3A_870 : i32
          %get3A_872 = arith.index_cast %add3A_871 : i32 to index
          %get3A_873 = tpu.vector_load %arg15[%get3A_872] {strides = array<i32>} : memref<15408xf32, #tpu.memory_space<vmem>>, vector<16xf32>,
          %mul3A_874 = vector.broadcast %squeeze3A_824 : f32 to vector<16xf32>
          %mul3A_875 = arith.mulf %mul3A_874, %get3A_869 : vector<16xf32>
          %max3A_876 = arith.maximumf %get3A_873, %mul3A_875 : vector<16xf32>
          %add3A_877 = arith.constant 32 : i32
          %add3A_878 = arith.addi %mul3A_828, %add3A_877 : i32
          %swap3A_879 = arith.index_cast %add3A_878 : i32 to index
          %swap3A_880 = tpu.vector_load %arg15[%swap3A_879] {strides = array<i32>} : memref<15408xf32, #tpu.memory_space<vmem>>, vector<16xf32>,
          tpu.vector_store %arg15[%swap3A_879], %max3A_876 {strides = array<i32>} : memref<15408xf32, #tpu.memory_space<vmem>>, vector<16xf32>,
          %slice3A_881 = vector.extract_strided_slice %get3A_242 {offsets = [11], sizes = [1], strides = [1]} : vector<16xf32> to vector<1xf32>
          %squeeze3A_882 = vector.extract %slice3A_881[0] : f32 from vector<1xf32>
          %slice3A_883 = vector.extract_strided_slice %select_n3A_246 {offsets = [11], sizes = [1], strides = [1]} : vector<16xi32> to vector<1xi32>
          %squeeze3A_884 = vector.extract %slice3A_883[0] : i32 from vector<1xi32>
          %mul3A_885 = arith.constant 48 : i32
          %mul3A_886 = arith.muli %squeeze3A_884, %mul3A_885 : i32
          %mul3A_887 = arith.constant 16 : i32
          %mul3A_888 = arith.muli %scan3A_233, %mul3A_887 : i32
          %add3A_889 = arith.constant 11 : i32
          %add3A_890 = arith.addi %mul3A_888, %add3A_889 : i32
          %get3A_891 = arith.constant 0 : i32
          %get3A_892 = arith.index_cast %get3A_891 : i32 to index
          %get3A_893 = arith.index_cast %add3A_890 : i32 to index
          %get3A_894 = arith.constant 0 : index
          %get3A_895 = tpu.vector_load %arg20[%get3A_892, %get3A_893, %get3A_894] {strides = array<i32>} : memref<2x128x48xf32, #tpu.memory_space<vmem>>, vector<16xf32>,
          %add3A_896 = arith.constant 0 : i32
          %add3A_897 = arith.addi %mul3A_886, %add3A_896 : i32
          %get3A_898 = arith.index_cast %add3A_897 : i32 to index
          %get3A_899 = tpu.vector_load %arg15[%get3A_898] {strides = array<i32>} : memref<15408xf32, #tpu.memory_space<vmem>>, vector<16xf32>,
          %mul3A_900 = vector.broadcast %squeeze3A_882 : f32 to vector<16xf32>
          %mul3A_901 = arith.mulf %mul3A_900, %get3A_895 : vector<16xf32>
          %max3A_902 = arith.maximumf %get3A_899, %mul3A_901 : vector<16xf32>
          %add3A_903 = arith.constant 0 : i32
          %add3A_904 = arith.addi %mul3A_886, %add3A_903 : i32
          %swap3A_905 = arith.index_cast %add3A_904 : i32 to index
          %swap3A_906 = tpu.vector_load %arg15[%swap3A_905] {strides = array<i32>} : memref<15408xf32, #tpu.memory_space<vmem>>, vector<16xf32>,
          tpu.vector_store %arg15[%swap3A_905], %max3A_902 {strides = array<i32>} : memref<15408xf32, #tpu.memory_space<vmem>>, vector<16xf32>,
          %get3A_907 = arith.constant 0 : i32
          %get3A_908 = arith.index_cast %get3A_907 : i32 to index
          %get3A_909 = arith.index_cast %add3A_890 : i32 to index
          %get3A_910 = arith.constant 16 : index
          %get3A_911 = tpu.vector_load %arg20[%get3A_908, %get3A_909, %get3A_910] {strides = array<i32>} : memref<2x128x48xf32, #tpu.memory_space<vmem>>, vector<16xf32>,
          %add3A_912 = arith.constant 16 : i32
          %add3A_913 = arith.addi %mul3A_886, %add3A_912 : i32
          %get3A_914 = arith.index_cast %add3A_913 : i32 to index
          %get3A_915 = tpu.vector_load %arg15[%get3A_914] {strides = array<i32>} : memref<15408xf32, #tpu.memory_space<vmem>>, vector<16xf32>,
          %mul3A_916 = vector.broadcast %squeeze3A_882 : f32 to vector<16xf32>
          %mul3A_917 = arith.mulf %mul3A_916, %get3A_911 : vector<16xf32>
          %max3A_918 = arith.maximumf %get3A_915, %mul3A_917 : vector<16xf32>
          %add3A_919 = arith.constant 16 : i32
          %add3A_920 = arith.addi %mul3A_886, %add3A_919 : i32
          %swap3A_921 = arith.index_cast %add3A_920 : i32 to index
          %swap3A_922 = tpu.vector_load %arg15[%swap3A_921] {strides = array<i32>} : memref<15408xf32, #tpu.memory_space<vmem>>, vector<16xf32>,
          tpu.vector_store %arg15[%swap3A_921], %max3A_918 {strides = array<i32>} : memref<15408xf32, #tpu.memory_space<vmem>>, vector<16xf32>,
          %get3A_923 = arith.constant 0 : i32
          %get3A_924 = arith.index_cast %get3A_923 : i32 to index
          %get3A_925 = arith.index_cast %add3A_890 : i32 to index
          %get3A_926 = arith.constant 32 : index
          %get3A_927 = tpu.vector_load %arg20[%get3A_924, %get3A_925, %get3A_926] {strides = array<i32>} : memref<2x128x48xf32, #tpu.memory_space<vmem>>, vector<16xf32>,
          %add3A_928 = arith.constant 32 : i32
          %add3A_929 = arith.addi %mul3A_886, %add3A_928 : i32
          %get3A_930 = arith.index_cast %add3A_929 : i32 to index
          %get3A_931 = tpu.vector_load %arg15[%get3A_930] {strides = array<i32>} : memref<15408xf32, #tpu.memory_space<vmem>>, vector<16xf32>,
          %mul3A_932 = vector.broadcast %squeeze3A_882 : f32 to vector<16xf32>
          %mul3A_933 = arith.mulf %mul3A_932, %get3A_927 : vector<16xf32>
          %max3A_934 = arith.maximumf %get3A_931, %mul3A_933 : vector<16xf32>
          %add3A_935 = arith.constant 32 : i32
          %add3A_936 = arith.addi %mul3A_886, %add3A_935 : i32
          %swap3A_937 = arith.index_cast %add3A_936 : i32 to index
          %swap3A_938 = tpu.vector_load %arg15[%swap3A_937] {strides = array<i32>} : memref<15408xf32, #tpu.memory_space<vmem>>, vector<16xf32>,
          tpu.vector_store %arg15[%swap3A_937], %max3A_934 {strides = array<i32>} : memref<15408xf32, #tpu.memory_space<vmem>>, vector<16xf32>,
          %slice3A_939 = vector.extract_strided_slice %get3A_242 {offsets = [12], sizes = [1], strides = [1]} : vector<16xf32> to vector<1xf32>
          %squeeze3A_940 = vector.extract %slice3A_939[0] : f32 from vector<1xf32>
          %slice3A_941 = vector.extract_strided_slice %select_n3A_246 {offsets = [12], sizes = [1], strides = [1]} : vector<16xi32> to vector<1xi32>
          %squeeze3A_942 = vector.extract %slice3A_941[0] : i32 from vector<1xi32>
          %mul3A_943 = arith.constant 48 : i32
          %mul3A_944 = arith.muli %squeeze3A_942, %mul3A_943 : i32
          %mul3A_945 = arith.constant 16 : i32
          %mul3A_946 = arith.muli %scan3A_233, %mul3A_945 : i32
          %add3A_947 = arith.constant 12 : i32
          %add3A_948 = arith.addi %mul3A_946, %add3A_947 : i32
          %get3A_949 = arith.constant 0 : i32
          %get3A_950 = arith.index_cast %get3A_949 : i32 to index
          %get3A_951 = arith.index_cast %add3A_948 : i32 to index
          %get3A_952 = arith.constant 0 : index
          %get3A_953 = tpu.vector_load %arg20[%get3A_950, %get3A_951, %get3A_952] {strides = array<i32>} : memref<2x128x48xf32, #tpu.memory_space<vmem>>, vector<16xf32>,
          %add3A_954 = arith.constant 0 : i32
          %add3A_955 = arith.addi %mul3A_944, %add3A_954 : i32
          %get3A_956 = arith.index_cast %add3A_955 : i32 to index
          %get3A_957 = tpu.vector_load %arg15[%get3A_956] {strides = array<i32>} : memref<15408xf32, #tpu.memory_space<vmem>>, vector<16xf32>,
          %mul3A_958 = vector.broadcast %squeeze3A_940 : f32 to vector<16xf32>
          %mul3A_959 = arith.mulf %mul3A_958, %get3A_953 : vector<16xf32>
          %max3A_960 = arith.maximumf %get3A_957, %mul3A_959 : vector<16xf32>
          %add3A_961 = arith.constant 0 : i32
          %add3A_962 = arith.addi %mul3A_944, %add3A_961 : i32
          %swap3A_963 = arith.index_cast %add3A_962 : i32 to index
          %swap3A_964 = tpu.vector_load %arg15[%swap3A_963] {strides = array<i32>} : memref<15408xf32, #tpu.memory_space<vmem>>, vector<16xf32>,
          tpu.vector_store %arg15[%swap3A_963], %max3A_960 {strides = array<i32>} : memref<15408xf32, #tpu.memory_space<vmem>>, vector<16xf32>,
          %get3A_965 = arith.constant 0 : i32
          %get3A_966 = arith.index_cast %get3A_965 : i32 to index
          %get3A_967 = arith.index_cast %add3A_948 : i32 to index
          %get3A_968 = arith.constant 16 : index
          %get3A_969 = tpu.vector_load %arg20[%get3A_966, %get3A_967, %get3A_968] {strides = array<i32>} : memref<2x128x48xf32, #tpu.memory_space<vmem>>, vector<16xf32>,
          %add3A_970 = arith.constant 16 : i32
          %add3A_971 = arith.addi %mul3A_944, %add3A_970 : i32
          %get3A_972 = arith.index_cast %add3A_971 : i32 to index
          %get3A_973 = tpu.vector_load %arg15[%get3A_972] {strides = array<i32>} : memref<15408xf32, #tpu.memory_space<vmem>>, vector<16xf32>,
          %mul3A_974 = vector.broadcast %squeeze3A_940 : f32 to vector<16xf32>
          %mul3A_975 = arith.mulf %mul3A_974, %get3A_969 : vector<16xf32>
          %max3A_976 = arith.maximumf %get3A_973, %mul3A_975 : vector<16xf32>
          %add3A_977 = arith.constant 16 : i32
          %add3A_978 = arith.addi %mul3A_944, %add3A_977 : i32
          %swap3A_979 = arith.index_cast %add3A_978 : i32 to index
          %swap3A_980 = tpu.vector_load %arg15[%swap3A_979] {strides = array<i32>} : memref<15408xf32, #tpu.memory_space<vmem>>, vector<16xf32>,
          tpu.vector_store %arg15[%swap3A_979], %max3A_976 {strides = array<i32>} : memref<15408xf32, #tpu.memory_space<vmem>>, vector<16xf32>,
          %get3A_981 = arith.constant 0 : i32
          %get3A_982 = arith.index_cast %get3A_981 : i32 to index
          %get3A_983 = arith.index_cast %add3A_948 : i32 to index
          %get3A_984 = arith.constant 32 : index
          %get3A_985 = tpu.vector_load %arg20[%get3A_982, %get3A_983, %get3A_984] {strides = array<i32>} : memref<2x128x48xf32, #tpu.memory_space<vmem>>, vector<16xf32>,
          %add3A_986 = arith.constant 32 : i32
          %add3A_987 = arith.addi %mul3A_944, %add3A_986 : i32
          %get3A_988 = arith.index_cast %add3A_987 : i32 to index
          %get3A_989 = tpu.vector_load %arg15[%get3A_988] {strides = array<i32>} : memref<15408xf32, #tpu.memory_space<vmem>>, vector<16xf32>,
          %mul3A_990 = vector.broadcast %squeeze3A_940 : f32 to vector<16xf32>
          %mul3A_991 = arith.mulf %mul3A_990, %get3A_985 : vector<16xf32>
          %max3A_992 = arith.maximumf %get3A_989, %mul3A_991 : vector<16xf32>
          %add3A_993 = arith.constant 32 : i32
          %add3A_994 = arith.addi %mul3A_944, %add3A_993 : i32
          %swap3A_995 = arith.index_cast %add3A_994 : i32 to index
          %swap3A_996 = tpu.vector_load %arg15[%swap3A_995] {strides = array<i32>} : memref<15408xf32, #tpu.memory_space<vmem>>, vector<16xf32>,
          tpu.vector_store %arg15[%swap3A_995], %max3A_992 {strides = array<i32>} : memref<15408xf32, #tpu.memory_space<vmem>>, vector<16xf32>,
          %slice3A_997 = vector.extract_strided_slice %get3A_242 {offsets = [13], sizes = [1], strides = [1]} : vector<16xf32> to vector<1xf32>
          %squeeze3A_998 = vector.extract %slice3A_997[0] : f32 from vector<1xf32>
          %slice3A_999 = vector.extract_strided_slice %select_n3A_246 {offsets = [13], sizes = [1], strides = [1]} : vector<16xi32> to vector<1xi32>
          %squeeze3A_1000 = vector.extract %slice3A_999[0] : i32 from vector<1xi32>
          %mul3A_1001 = arith.constant 48 : i32
          %mul3A_1002 = arith.muli %squeeze3A_1000, %mul3A_1001 : i32
          %mul3A_1003 = arith.constant 16 : i32
          %mul3A_1004 = arith.muli %scan3A_233, %mul3A_1003 : i32
          %add3A_1005 = arith.constant 13 : i32
          %add3A_1006 = arith.addi %mul3A_1004, %add3A_1005 : i32
          %get3A_1007 = arith.constant 0 : i32
          %get3A_1008 = arith.index_cast %get3A_1007 : i32 to index
          %get3A_1009 = arith.index_cast %add3A_1006 : i32 to index
          %get3A_1010 = arith.constant 0 : index
          %get3A_1011 = tpu.vector_load %arg20[%get3A_1008, %get3A_1009, %get3A_1010] {strides = array<i32>} : memref<2x128x48xf32, #tpu.memory_space<vmem>>, vector<16xf32>,
          %add3A_1012 = arith.constant 0 : i32
          %add3A_1013 = arith.addi %mul3A_1002, %add3A_1012 : i32
          %get3A_1014 = arith.index_cast %add3A_1013 : i32 to index
          %get3A_1015 = tpu.vector_load %arg15[%get3A_1014] {strides = array<i32>} : memref<15408xf32, #tpu.memory_space<vmem>>, vector<16xf32>,
          %mul3A_1016 = vector.broadcast %squeeze3A_998 : f32 to vector<16xf32>
          %mul3A_1017 = arith.mulf %mul3A_1016, %get3A_1011 : vector<16xf32>
          %max3A_1018 = arith.maximumf %get3A_1015, %mul3A_1017 : vector<16xf32>
          %add3A_1019 = arith.constant 0 : i32
          %add3A_1020 = arith.addi %mul3A_1002, %add3A_1019 : i32
          %swap3A_1021 = arith.index_cast %add3A_1020 : i32 to index
          %swap3A_1022 = tpu.vector_load %arg15[%swap3A_1021] {strides = array<i32>} : memref<15408xf32, #tpu.memory_space<vmem>>, vector<16xf32>,
          tpu.vector_store %arg15[%swap3A_1021], %max3A_1018 {strides = array<i32>} : memref<15408xf32, #tpu.memory_space<vmem>>, vector<16xf32>,
          %get3A_1023 = arith.constant 0 : i32
          %get3A_1024 = arith.index_cast %get3A_1023 : i32 to index
          %get3A_1025 = arith.index_cast %add3A_1006 : i32 to index
          %get3A_1026 = arith.constant 16 : index
          %get3A_1027 = tpu.vector_load %arg20[%get3A_1024, %get3A_1025, %get3A_1026] {strides = array<i32>} : memref<2x128x48xf32, #tpu.memory_space<vmem>>, vector<16xf32>,
          %add3A_1028 = arith.constant 16 : i32
          %add3A_1029 = arith.addi %mul3A_1002, %add3A_1028 : i32
          %get3A_1030 = arith.index_cast %add3A_1029 : i32 to index
          %get3A_1031 = tpu.vector_load %arg15[%get3A_1030] {strides = array<i32>} : memref<15408xf32, #tpu.memory_space<vmem>>, vector<16xf32>,
          %mul3A_1032 = vector.broadcast %squeeze3A_998 : f32 to vector<16xf32>
          %mul3A_1033 = arith.mulf %mul3A_1032, %get3A_1027 : vector<16xf32>
          %max3A_1034 = arith.maximumf %get3A_1031, %mul3A_1033 : vector<16xf32>
          %add3A_1035 = arith.constant 16 : i32
          %add3A_1036 = arith.addi %mul3A_1002, %add3A_1035 : i32
          %swap3A_1037 = arith.index_cast %add3A_1036 : i32 to index
          %swap3A_1038 = tpu.vector_load %arg15[%swap3A_1037] {strides = array<i32>} : memref<15408xf32, #tpu.memory_space<vmem>>, vector<16xf32>,
          tpu.vector_store %arg15[%swap3A_1037], %max3A_1034 {strides = array<i32>} : memref<15408xf32, #tpu.memory_space<vmem>>, vector<16xf32>,
          %get3A_1039 = arith.constant 0 : i32
          %get3A_1040 = arith.index_cast %get3A_1039 : i32 to index
          %get3A_1041 = arith.index_cast %add3A_1006 : i32 to index
          %get3A_1042 = arith.constant 32 : index
          %get3A_1043 = tpu.vector_load %arg20[%get3A_1040, %get3A_1041, %get3A_1042] {strides = array<i32>} : memref<2x128x48xf32, #tpu.memory_space<vmem>>, vector<16xf32>,
          %add3A_1044 = arith.constant 32 : i32
          %add3A_1045 = arith.addi %mul3A_1002, %add3A_1044 : i32
          %get3A_1046 = arith.index_cast %add3A_1045 : i32 to index
          %get3A_1047 = tpu.vector_load %arg15[%get3A_1046] {strides = array<i32>} : memref<15408xf32, #tpu.memory_space<vmem>>, vector<16xf32>,
          %mul3A_1048 = vector.broadcast %squeeze3A_998 : f32 to vector<16xf32>
          %mul3A_1049 = arith.mulf %mul3A_1048, %get3A_1043 : vector<16xf32>
          %max3A_1050 = arith.maximumf %get3A_1047, %mul3A_1049 : vector<16xf32>
          %add3A_1051 = arith.constant 32 : i32
          %add3A_1052 = arith.addi %mul3A_1002, %add3A_1051 : i32
          %swap3A_1053 = arith.index_cast %add3A_1052 : i32 to index
          %swap3A_1054 = tpu.vector_load %arg15[%swap3A_1053] {strides = array<i32>} : memref<15408xf32, #tpu.memory_space<vmem>>, vector<16xf32>,
          tpu.vector_store %arg15[%swap3A_1053], %max3A_1050 {strides = array<i32>} : memref<15408xf32, #tpu.memory_space<vmem>>, vector<16xf32>,
          %slice3A_1055 = vector.extract_strided_slice %get3A_242 {offsets = [14], sizes = [1], strides = [1]} : vector<16xf32> to vector<1xf32>
          %squeeze3A_1056 = vector.extract %slice3A_1055[0] : f32 from vector<1xf32>
          %slice3A_1057 = vector.extract_strided_slice %select_n3A_246 {offsets = [14], sizes = [1], strides = [1]} : vector<16xi32> to vector<1xi32>
          %squeeze3A_1058 = vector.extract %slice3A_1057[0] : i32 from vector<1xi32>
          %mul3A_1059 = arith.constant 48 : i32
          %mul3A_1060 = arith.muli %squeeze3A_1058, %mul3A_1059 : i32
          %mul3A_1061 = arith.constant 16 : i32
          %mul3A_1062 = arith.muli %scan3A_233, %mul3A_1061 : i32
          %add3A_1063 = arith.constant 14 : i32
          %add3A_1064 = arith.addi %mul3A_1062, %add3A_1063 : i32
          %get3A_1065 = arith.constant 0 : i32
          %get3A_1066 = arith.index_cast %get3A_1065 : i32 to index
          %get3A_1067 = arith.index_cast %add3A_1064 : i32 to index
          %get3A_1068 = arith.constant 0 : index
          %get3A_1069 = tpu.vector_load %arg20[%get3A_1066, %get3A_1067, %get3A_1068] {strides = array<i32>} : memref<2x128x48xf32, #tpu.memory_space<vmem>>, vector<16xf32>,
          %add3A_1070 = arith.constant 0 : i32
          %add3A_1071 = arith.addi %mul3A_1060, %add3A_1070 : i32
          %get3A_1072 = arith.index_cast %add3A_1071 : i32 to index
          %get3A_1073 = tpu.vector_load %arg15[%get3A_1072] {strides = array<i32>} : memref<15408xf32, #tpu.memory_space<vmem>>, vector<16xf32>,
          %mul3A_1074 = vector.broadcast %squeeze3A_1056 : f32 to vector<16xf32>
          %mul3A_1075 = arith.mulf %mul3A_1074, %get3A_1069 : vector<16xf32>
          %max3A_1076 = arith.maximumf %get3A_1073, %mul3A_1075 : vector<16xf32>
          %add3A_1077 = arith.constant 0 : i32
          %add3A_1078 = arith.addi %mul3A_1060, %add3A_1077 : i32
          %swap3A_1079 = arith.index_cast %add3A_1078 : i32 to index
          %swap3A_1080 = tpu.vector_load %arg15[%swap3A_1079] {strides = array<i32>} : memref<15408xf32, #tpu.memory_space<vmem>>, vector<16xf32>,
          tpu.vector_store %arg15[%swap3A_1079], %max3A_1076 {strides = array<i32>} : memref<15408xf32, #tpu.memory_space<vmem>>, vector<16xf32>,
          %get3A_1081 = arith.constant 0 : i32
          %get3A_1082 = arith.index_cast %get3A_1081 : i32 to index
          %get3A_1083 = arith.index_cast %add3A_1064 : i32 to index
          %get3A_1084 = arith.constant 16 : index
          %get3A_1085 = tpu.vector_load %arg20[%get3A_1082, %get3A_1083, %get3A_1084] {strides = array<i32>} : memref<2x128x48xf32, #tpu.memory_space<vmem>>, vector<16xf32>,
          %add3A_1086 = arith.constant 16 : i32
          %add3A_1087 = arith.addi %mul3A_1060, %add3A_1086 : i32
          %get3A_1088 = arith.index_cast %add3A_1087 : i32 to index
          %get3A_1089 = tpu.vector_load %arg15[%get3A_1088] {strides = array<i32>} : memref<15408xf32, #tpu.memory_space<vmem>>, vector<16xf32>,
          %mul3A_1090 = vector.broadcast %squeeze3A_1056 : f32 to vector<16xf32>
          %mul3A_1091 = arith.mulf %mul3A_1090, %get3A_1085 : vector<16xf32>
          %max3A_1092 = arith.maximumf %get3A_1089, %mul3A_1091 : vector<16xf32>
          %add3A_1093 = arith.constant 16 : i32
          %add3A_1094 = arith.addi %mul3A_1060, %add3A_1093 : i32
          %swap3A_1095 = arith.index_cast %add3A_1094 : i32 to index
          %swap3A_1096 = tpu.vector_load %arg15[%swap3A_1095] {strides = array<i32>} : memref<15408xf32, #tpu.memory_space<vmem>>, vector<16xf32>,
          tpu.vector_store %arg15[%swap3A_1095], %max3A_1092 {strides = array<i32>} : memref<15408xf32, #tpu.memory_space<vmem>>, vector<16xf32>,
          %get3A_1097 = arith.constant 0 : i32
          %get3A_1098 = arith.index_cast %get3A_1097 : i32 to index
          %get3A_1099 = arith.index_cast %add3A_1064 : i32 to index
          %get3A_1100 = arith.constant 32 : index
          %get3A_1101 = tpu.vector_load %arg20[%get3A_1098, %get3A_1099, %get3A_1100] {strides = array<i32>} : memref<2x128x48xf32, #tpu.memory_space<vmem>>, vector<16xf32>,
          %add3A_1102 = arith.constant 32 : i32
          %add3A_1103 = arith.addi %mul3A_1060, %add3A_1102 : i32
          %get3A_1104 = arith.index_cast %add3A_1103 : i32 to index
          %get3A_1105 = tpu.vector_load %arg15[%get3A_1104] {strides = array<i32>} : memref<15408xf32, #tpu.memory_space<vmem>>, vector<16xf32>,
          %mul3A_1106 = vector.broadcast %squeeze3A_1056 : f32 to vector<16xf32>
          %mul3A_1107 = arith.mulf %mul3A_1106, %get3A_1101 : vector<16xf32>
          %max3A_1108 = arith.maximumf %get3A_1105, %mul3A_1107 : vector<16xf32>
          %add3A_1109 = arith.constant 32 : i32
          %add3A_1110 = arith.addi %mul3A_1060, %add3A_1109 : i32
          %swap3A_1111 = arith.index_cast %add3A_1110 : i32 to index
          %swap3A_1112 = tpu.vector_load %arg15[%swap3A_1111] {strides = array<i32>} : memref<15408xf32, #tpu.memory_space<vmem>>, vector<16xf32>,
          tpu.vector_store %arg15[%swap3A_1111], %max3A_1108 {strides = array<i32>} : memref<15408xf32, #tpu.memory_space<vmem>>, vector<16xf32>,
          %slice3A_1113 = vector.extract_strided_slice %get3A_242 {offsets = [15], sizes = [1], strides = [1]} : vector<16xf32> to vector<1xf32>
          %squeeze3A_1114 = vector.extract %slice3A_1113[0] : f32 from vector<1xf32>
          %slice3A_1115 = vector.extract_strided_slice %select_n3A_246 {offsets = [15], sizes = [1], strides = [1]} : vector<16xi32> to vector<1xi32>
          %squeeze3A_1116 = vector.extract %slice3A_1115[0] : i32 from vector<1xi32>
          %mul3A_1117 = arith.constant 48 : i32
          %mul3A_1118 = arith.muli %squeeze3A_1116, %mul3A_1117 : i32
          %mul3A_1119 = arith.constant 16 : i32
          %mul3A_1120 = arith.muli %scan3A_233, %mul3A_1119 : i32
          %add3A_1121 = arith.constant 15 : i32
          %add3A_1122 = arith.addi %mul3A_1120, %add3A_1121 : i32
          %get3A_1123 = arith.constant 0 : i32
          %get3A_1124 = arith.index_cast %get3A_1123 : i32 to index
          %get3A_1125 = arith.index_cast %add3A_1122 : i32 to index
          %get3A_1126 = arith.constant 0 : index
          %get3A_1127 = tpu.vector_load %arg20[%get3A_1124, %get3A_1125, %get3A_1126] {strides = array<i32>} : memref<2x128x48xf32, #tpu.memory_space<vmem>>, vector<16xf32>,
          %add3A_1128 = arith.constant 0 : i32
          %add3A_1129 = arith.addi %mul3A_1118, %add3A_1128 : i32
          %get3A_1130 = arith.index_cast %add3A_1129 : i32 to index
          %get3A_1131 = tpu.vector_load %arg15[%get3A_1130] {strides = array<i32>} : memref<15408xf32, #tpu.memory_space<vmem>>, vector<16xf32>,
          %mul3A_1132 = vector.broadcast %squeeze3A_1114 : f32 to vector<16xf32>
          %mul3A_1133 = arith.mulf %mul3A_1132, %get3A_1127 : vector<16xf32>
          %max3A_1134 = arith.maximumf %get3A_1131, %mul3A_1133 : vector<16xf32>
          %add3A_1135 = arith.constant 0 : i32
          %add3A_1136 = arith.addi %mul3A_1118, %add3A_1135 : i32
          %swap3A_1137 = arith.index_cast %add3A_1136 : i32 to index
          %swap3A_1138 = tpu.vector_load %arg15[%swap3A_1137] {strides = array<i32>} : memref<15408xf32, #tpu.memory_space<vmem>>, vector<16xf32>,
          tpu.vector_store %arg15[%swap3A_1137], %max3A_1134 {strides = array<i32>} : memref<15408xf32, #tpu.memory_space<vmem>>, vector<16xf32>,
          %get3A_1139 = arith.constant 0 : i32
          %get3A_1140 = arith.index_cast %get3A_1139 : i32 to index
          %get3A_1141 = arith.index_cast %add3A_1122 : i32 to index
          %get3A_1142 = arith.constant 16 : index
          %get3A_1143 = tpu.vector_load %arg20[%get3A_1140, %get3A_1141, %get3A_1142] {strides = array<i32>} : memref<2x128x48xf32, #tpu.memory_space<vmem>>, vector<16xf32>,
          %add3A_1144 = arith.constant 16 : i32
          %add3A_1145 = arith.addi %mul3A_1118, %add3A_1144 : i32
          %get3A_1146 = arith.index_cast %add3A_1145 : i32 to index
          %get3A_1147 = tpu.vector_load %arg15[%get3A_1146] {strides = array<i32>} : memref<15408xf32, #tpu.memory_space<vmem>>, vector<16xf32>,
          %mul3A_1148 = vector.broadcast %squeeze3A_1114 : f32 to vector<16xf32>
          %mul3A_1149 = arith.mulf %mul3A_1148, %get3A_1143 : vector<16xf32>
          %max3A_1150 = arith.maximumf %get3A_1147, %mul3A_1149 : vector<16xf32>
          %add3A_1151 = arith.constant 16 : i32
          %add3A_1152 = arith.addi %mul3A_1118, %add3A_1151 : i32
          %swap3A_1153 = arith.index_cast %add3A_1152 : i32 to index
          %swap3A_1154 = tpu.vector_load %arg15[%swap3A_1153] {strides = array<i32>} : memref<15408xf32, #tpu.memory_space<vmem>>, vector<16xf32>,
          tpu.vector_store %arg15[%swap3A_1153], %max3A_1150 {strides = array<i32>} : memref<15408xf32, #tpu.memory_space<vmem>>, vector<16xf32>,
          %get3A_1155 = arith.constant 0 : i32
          %get3A_1156 = arith.index_cast %get3A_1155 : i32 to index
          %get3A_1157 = arith.index_cast %add3A_1122 : i32 to index
          %get3A_1158 = arith.constant 32 : index
          %get3A_1159 = tpu.vector_load %arg20[%get3A_1156, %get3A_1157, %get3A_1158] {strides = array<i32>} : memref<2x128x48xf32, #tpu.memory_space<vmem>>, vector<16xf32>,
          %add3A_1160 = arith.constant 32 : i32
          %add3A_1161 = arith.addi %mul3A_1118, %add3A_1160 : i32
          %get3A_1162 = arith.index_cast %add3A_1161 : i32 to index
          %get3A_1163 = tpu.vector_load %arg15[%get3A_1162] {strides = array<i32>} : memref<15408xf32, #tpu.memory_space<vmem>>, vector<16xf32>,
          %mul3A_1164 = vector.broadcast %squeeze3A_1114 : f32 to vector<16xf32>
          %mul3A_1165 = arith.mulf %mul3A_1164, %get3A_1159 : vector<16xf32>
          %max3A_1166 = arith.maximumf %get3A_1163, %mul3A_1165 : vector<16xf32>
          %add3A_1167 = arith.constant 32 : i32
          %add3A_1168 = arith.addi %mul3A_1118, %add3A_1167 : i32
          %swap3A_1169 = arith.index_cast %add3A_1168 : i32 to index
          %swap3A_1170 = tpu.vector_load %arg15[%swap3A_1169] {strides = array<i32>} : memref<15408xf32, #tpu.memory_space<vmem>>, vector<16xf32>,
          tpu.vector_store %arg15[%swap3A_1169], %max3A_1166 {strides = array<i32>} : memref<15408xf32, #tpu.memory_space<vmem>>, vector<16xf32>,
          %scan3A_1171 = arith.constant 0 : i32
          scf.yield %scan3A_1171 : i32
        }
        %scan3A_227 = arith.constant 8 : i32
        %lt3A_228 = arith.cmpi slt, %add3A_186, %select_n3A_112 : i32
        %convert_element_type3A_229 = arith.extui %lt3A_228 : i1 to i32
        %cond3A_230 = arith.constant 0 : i32
        %cond3A_231 = arith.cmpi ne, %convert_element_type3A_229, %cond3A_230 : i32
        scf.if %cond3A_231 {
          %dma_wait3A_233 = arith.constant 1 : i32
          %dma_wait3A_234 = arith.constant 1 : i32
          %dma_wait3A_235 = arith.constant 0 : i32
          %dma_wait3A_236 = arith.constant 0 : i32
          %dma_wait3A_237 = tpu.memref_slice %arg20[%dma_wait3A_234, %dma_wait3A_235, %dma_wait3A_236] : memref<2x128x48xf32, #tpu.memory_space<vmem>> -> memref<1x128x48xf32, #tpu.memory_space<vmem>>
          %dma_wait3A_238 = tpu.memref_squeeze %dma_wait3A_237 : memref<1x128x48xf32, #tpu.memory_space<vmem>> -> memref<128x48xf32, #tpu.memory_space<vmem>>
          %dma_wait3A_239 = arith.constant 0 : i32
          %dma_wait3A_240 = tpu.memref_slice %arg19[%dma_wait3A_233, %dma_wait3A_239] : memref<2x128xi32, #tpu.memory_space<vmem>> -> memref<1x128xi32, #tpu.memory_space<vmem>>
          %dma_wait3A_241 = tpu.memref_squeeze %dma_wait3A_240 : memref<1x128xi32, #tpu.memory_space<vmem>> -> memref<128xi32, #tpu.memory_space<vmem>>
          %dma_wait3A_242 = arith.constant 0 : i32
          %dma_wait3A_243 = arith.constant 0 : i32
          %dma_wait3A_244 = tpu.memref_slice %arg2[%dma_wait3A_242, %dma_wait3A_243] : memref<50000x48xf32, #tpu.memory_space<hbm>> -> memref<50000x48xf32, #tpu.memory_space<hbm>>
          tpu.wait_indirect_dma semaphore(%arg23 : memref<!tpu.dma_semaphore, #tpu.memory_space<semaphore_mem>>) src(%dma_wait3A_244 : memref<50000x48xf32, #tpu.memory_space<hbm>>) dst(%dma_wait3A_238 : memref<128x48xf32, #tpu.memory_space<vmem>>)
          %mul3A_245 = arith.constant 128 : i32
          %mul3A_246 = arith.muli %add3A_186, %mul3A_245 : i32
          %scan3A_247 = arith.constant 0 : i32
          %scan3A_248 = arith.constant 0 : i32
          %scan3A_249 = arith.constant 8 : i32
          %scan3A_250 = arith.addi %scan3A_248, %scan3A_249 : i32
          %scan3A_251 = arith.constant 1 : i32
          %scan3A_252 = scf.for %scan3A_254 = %scan3A_248 to %scan3A_250 step %scan3A_251 iter_args(%scan3A_255 = %scan3A_247) -> (i32)  : i32 {
            %mul3A_256 = arith.constant 16 : i32
            %mul3A_257 = arith.muli %scan3A_254, %mul3A_256 : i32
            %add3A_258 = arith.addi %mul3A_246, %mul3A_257 : i32
            %add3A_259 = vector.broadcast %add3A_258 : i32 to vector<16xi32>
            %add3A_260 = arith.addi %add3A_259, %iota3A : vector<16xi32>
            %lt3A_261 = vector.broadcast %scan3A_14 : i32 to vector<16xi32>
            %lt3A_262 = arith.cmpi slt, %add3A_260, %lt3A_261 : vector<16xi32>
            %get3A = arith.index_cast %add3A_258 : i32 to index
            %get3A_263 = tpu.vector_load %arg11[%get3A] {strides = array<i32>} : memref<23040xf32, #tpu.memory_space<vmem>>, vector<16xf32>,
            %get3A_264 = arith.index_cast %add3A_258 : i32 to index
            %get3A_265 = tpu.vector_load %arg10[%get3A_264] {strides = array<i32>} : memref<23040xi32, #tpu.memory_space<vmem>>, vector<16xi32>,
            %jit3A_266 = arith.constant 320 : i32
            %broadcast_in_dim3A = vector.broadcast %jit3A_266 : i32 to vector<16xi32>
            %select_n3A_267 = arith.select %lt3A_262, %get3A_265, %broadcast_in_dim3A : vector<16xi1>, vector<16xi32>
            %slice3A = vector.extract_strided_slice %get3A_263 {offsets = [0], sizes = [1], strides = [1]} : vector<16xf32> to vector<1xf32>
            %squeeze3A = vector.extract %slice3A[0] : f32 from vector<1xf32>
            %slice3A_268 = vector.extract_strided_slice %select_n3A_267 {offsets = [0], sizes = [1], strides = [1]} : vector<16xi32> to vector<1xi32>
            %squeeze3A_269 = vector.extract %slice3A_268[0] : i32 from vector<1xi32>
            %mul3A_270 = arith.constant 48 : i32
            %mul3A_271 = arith.muli %squeeze3A_269, %mul3A_270 : i32
            %mul3A_272 = arith.constant 16 : i32
            %mul3A_273 = arith.muli %scan3A_254, %mul3A_272 : i32
            %add3A_274 = arith.constant 0 : i32
            %add3A_275 = arith.addi %mul3A_273, %add3A_274 : i32
            %get3A_276 = arith.constant 1 : i32
            %get3A_277 = arith.index_cast %get3A_276 : i32 to index
            %get3A_278 = arith.index_cast %add3A_275 : i32 to index
            %get3A_279 = arith.constant 0 : index
            %get3A_280 = tpu.vector_load %arg20[%get3A_277, %get3A_278, %get3A_279] {strides = array<i32>} : memref<2x128x48xf32, #tpu.memory_space<vmem>>, vector<16xf32>,
            %add3A_281 = arith.constant 0 : i32
            %add3A_282 = arith.addi %mul3A_271, %add3A_281 : i32
            %get3A_283 = arith.index_cast %add3A_282 : i32 to index
            %get3A_284 = tpu.vector_load %arg15[%get3A_283] {strides = array<i32>} : memref<15408xf32, #tpu.memory_space<vmem>>, vector<16xf32>,
            %mul3A_285 = vector.broadcast %squeeze3A : f32 to vector<16xf32>
            %mul3A_286 = arith.mulf %mul3A_285, %get3A_280 : vector<16xf32>
            %max3A = arith.maximumf %get3A_284, %mul3A_286 : vector<16xf32>
            %add3A_287 = arith.constant 0 : i32
            %add3A_288 = arith.addi %mul3A_271, %add3A_287 : i32
            %swap3A = arith.index_cast %add3A_288 : i32 to index
            %swap3A_289 = tpu.vector_load %arg15[%swap3A] {strides = array<i32>} : memref<15408xf32, #tpu.memory_space<vmem>>, vector<16xf32>,
            tpu.vector_store %arg15[%swap3A], %max3A {strides = array<i32>} : memref<15408xf32, #tpu.memory_space<vmem>>, vector<16xf32>,
            %get3A_290 = arith.constant 1 : i32
            %get3A_291 = arith.index_cast %get3A_290 : i32 to index
            %get3A_292 = arith.index_cast %add3A_275 : i32 to index
            %get3A_293 = arith.constant 16 : index
            %get3A_294 = tpu.vector_load %arg20[%get3A_291, %get3A_292, %get3A_293] {strides = array<i32>} : memref<2x128x48xf32, #tpu.memory_space<vmem>>, vector<16xf32>,
            %add3A_295 = arith.constant 16 : i32
            %add3A_296 = arith.addi %mul3A_271, %add3A_295 : i32
            %get3A_297 = arith.index_cast %add3A_296 : i32 to index
            %get3A_298 = tpu.vector_load %arg15[%get3A_297] {strides = array<i32>} : memref<15408xf32, #tpu.memory_space<vmem>>, vector<16xf32>,
            %mul3A_299 = vector.broadcast %squeeze3A : f32 to vector<16xf32>
            %mul3A_300 = arith.mulf %mul3A_299, %get3A_294 : vector<16xf32>
            %max3A_301 = arith.maximumf %get3A_298, %mul3A_300 : vector<16xf32>
            %add3A_302 = arith.constant 16 : i32
            %add3A_303 = arith.addi %mul3A_271, %add3A_302 : i32
            %swap3A_304 = arith.index_cast %add3A_303 : i32 to index
            %swap3A_305 = tpu.vector_load %arg15[%swap3A_304] {strides = array<i32>} : memref<15408xf32, #tpu.memory_space<vmem>>, vector<16xf32>,
            tpu.vector_store %arg15[%swap3A_304], %max3A_301 {strides = array<i32>} : memref<15408xf32, #tpu.memory_space<vmem>>, vector<16xf32>,
            %get3A_306 = arith.constant 1 : i32
            %get3A_307 = arith.index_cast %get3A_306 : i32 to index
            %get3A_308 = arith.index_cast %add3A_275 : i32 to index
            %get3A_309 = arith.constant 32 : index
            %get3A_310 = tpu.vector_load %arg20[%get3A_307, %get3A_308, %get3A_309] {strides = array<i32>} : memref<2x128x48xf32, #tpu.memory_space<vmem>>, vector<16xf32>,
            %add3A_311 = arith.constant 32 : i32
            %add3A_312 = arith.addi %mul3A_271, %add3A_311 : i32
            %get3A_313 = arith.index_cast %add3A_312 : i32 to index
            %get3A_314 = tpu.vector_load %arg15[%get3A_313] {strides = array<i32>} : memref<15408xf32, #tpu.memory_space<vmem>>, vector<16xf32>,
            %mul3A_315 = vector.broadcast %squeeze3A : f32 to vector<16xf32>
            %mul3A_316 = arith.mulf %mul3A_315, %get3A_310 : vector<16xf32>
            %max3A_317 = arith.maximumf %get3A_314, %mul3A_316 : vector<16xf32>
            %add3A_318 = arith.constant 32 : i32
            %add3A_319 = arith.addi %mul3A_271, %add3A_318 : i32
            %swap3A_320 = arith.index_cast %add3A_319 : i32 to index
            %swap3A_321 = tpu.vector_load %arg15[%swap3A_320] {strides = array<i32>} : memref<15408xf32, #tpu.memory_space<vmem>>, vector<16xf32>,
            tpu.vector_store %arg15[%swap3A_320], %max3A_317 {strides = array<i32>} : memref<15408xf32, #tpu.memory_space<vmem>>, vector<16xf32>,
            %slice3A_322 = vector.extract_strided_slice %get3A_263 {offsets = [1], sizes = [1], strides = [1]} : vector<16xf32> to vector<1xf32>
            %squeeze3A_323 = vector.extract %slice3A_322[0] : f32 from vector<1xf32>
            %slice3A_324 = vector.extract_strided_slice %select_n3A_267 {offsets = [1], sizes = [1], strides = [1]} : vector<16xi32> to vector<1xi32>
            %squeeze3A_325 = vector.extract %slice3A_324[0] : i32 from vector<1xi32>
            %mul3A_326 = arith.constant 48 : i32
            %mul3A_327 = arith.muli %squeeze3A_325, %mul3A_326 : i32
            %mul3A_328 = arith.constant 16 : i32
            %mul3A_329 = arith.muli %scan3A_254, %mul3A_328 : i32
            %add3A_330 = arith.constant 1 : i32
            %add3A_331 = arith.addi %mul3A_329, %add3A_330 : i32
            %get3A_332 = arith.constant 1 : i32
            %get3A_333 = arith.index_cast %get3A_332 : i32 to index
            %get3A_334 = arith.index_cast %add3A_331 : i32 to index
            %get3A_335 = arith.constant 0 : index
            %get3A_336 = tpu.vector_load %arg20[%get3A_333, %get3A_334, %get3A_335] {strides = array<i32>} : memref<2x128x48xf32, #tpu.memory_space<vmem>>, vector<16xf32>,
            %add3A_337 = arith.constant 0 : i32
            %add3A_338 = arith.addi %mul3A_327, %add3A_337 : i32
            %get3A_339 = arith.index_cast %add3A_338 : i32 to index
            %get3A_340 = tpu.vector_load %arg15[%get3A_339] {strides = array<i32>} : memref<15408xf32, #tpu.memory_space<vmem>>, vector<16xf32>,
            %mul3A_341 = vector.broadcast %squeeze3A_323 : f32 to vector<16xf32>
            %mul3A_342 = arith.mulf %mul3A_341, %get3A_336 : vector<16xf32>
            %max3A_343 = arith.maximumf %get3A_340, %mul3A_342 : vector<16xf32>
            %add3A_344 = arith.constant 0 : i32
            %add3A_345 = arith.addi %mul3A_327, %add3A_344 : i32
            %swap3A_346 = arith.index_cast %add3A_345 : i32 to index
            %swap3A_347 = tpu.vector_load %arg15[%swap3A_346] {strides = array<i32>} : memref<15408xf32, #tpu.memory_space<vmem>>, vector<16xf32>,
            tpu.vector_store %arg15[%swap3A_346], %max3A_343 {strides = array<i32>} : memref<15408xf32, #tpu.memory_space<vmem>>, vector<16xf32>,
            %get3A_348 = arith.constant 1 : i32
            %get3A_349 = arith.index_cast %get3A_348 : i32 to index
            %get3A_350 = arith.index_cast %add3A_331 : i32 to index
            %get3A_351 = arith.constant 16 : index
            %get3A_352 = tpu.vector_load %arg20[%get3A_349, %get3A_350, %get3A_351] {strides = array<i32>} : memref<2x128x48xf32, #tpu.memory_space<vmem>>, vector<16xf32>,
            %add3A_353 = arith.constant 16 : i32
            %add3A_354 = arith.addi %mul3A_327, %add3A_353 : i32
            %get3A_355 = arith.index_cast %add3A_354 : i32 to index
            %get3A_356 = tpu.vector_load %arg15[%get3A_355] {strides = array<i32>} : memref<15408xf32, #tpu.memory_space<vmem>>, vector<16xf32>,
            %mul3A_357 = vector.broadcast %squeeze3A_323 : f32 to vector<16xf32>
            %mul3A_358 = arith.mulf %mul3A_357, %get3A_352 : vector<16xf32>
            %max3A_359 = arith.maximumf %get3A_356, %mul3A_358 : vector<16xf32>
            %add3A_360 = arith.constant 16 : i32
            %add3A_361 = arith.addi %mul3A_327, %add3A_360 : i32
            %swap3A_362 = arith.index_cast %add3A_361 : i32 to index
            %swap3A_363 = tpu.vector_load %arg15[%swap3A_362] {strides = array<i32>} : memref<15408xf32, #tpu.memory_space<vmem>>, vector<16xf32>,
            tpu.vector_store %arg15[%swap3A_362], %max3A_359 {strides = array<i32>} : memref<15408xf32, #tpu.memory_space<vmem>>, vector<16xf32>,
            %get3A_364 = arith.constant 1 : i32
            %get3A_365 = arith.index_cast %get3A_364 : i32 to index
            %get3A_366 = arith.index_cast %add3A_331 : i32 to index
            %get3A_367 = arith.constant 32 : index
            %get3A_368 = tpu.vector_load %arg20[%get3A_365, %get3A_366, %get3A_367] {strides = array<i32>} : memref<2x128x48xf32, #tpu.memory_space<vmem>>, vector<16xf32>,
            %add3A_369 = arith.constant 32 : i32
            %add3A_370 = arith.addi %mul3A_327, %add3A_369 : i32
            %get3A_371 = arith.index_cast %add3A_370 : i32 to index
            %get3A_372 = tpu.vector_load %arg15[%get3A_371] {strides = array<i32>} : memref<15408xf32, #tpu.memory_space<vmem>>, vector<16xf32>,
            %mul3A_373 = vector.broadcast %squeeze3A_323 : f32 to vector<16xf32>
            %mul3A_374 = arith.mulf %mul3A_373, %get3A_368 : vector<16xf32>
            %max3A_375 = arith.maximumf %get3A_372, %mul3A_374 : vector<16xf32>
            %add3A_376 = arith.constant 32 : i32
            %add3A_377 = arith.addi %mul3A_327, %add3A_376 : i32
            %swap3A_378 = arith.index_cast %add3A_377 : i32 to index
            %swap3A_379 = tpu.vector_load %arg15[%swap3A_378] {strides = array<i32>} : memref<15408xf32, #tpu.memory_space<vmem>>, vector<16xf32>,
            tpu.vector_store %arg15[%swap3A_378], %max3A_375 {strides = array<i32>} : memref<15408xf32, #tpu.memory_space<vmem>>, vector<16xf32>,
            %slice3A_380 = vector.extract_strided_slice %get3A_263 {offsets = [2], sizes = [1], strides = [1]} : vector<16xf32> to vector<1xf32>
            %squeeze3A_381 = vector.extract %slice3A_380[0] : f32 from vector<1xf32>
            %slice3A_382 = vector.extract_strided_slice %select_n3A_267 {offsets = [2], sizes = [1], strides = [1]} : vector<16xi32> to vector<1xi32>
            %squeeze3A_383 = vector.extract %slice3A_382[0] : i32 from vector<1xi32>
            %mul3A_384 = arith.constant 48 : i32
            %mul3A_385 = arith.muli %squeeze3A_383, %mul3A_384 : i32
            %mul3A_386 = arith.constant 16 : i32
            %mul3A_387 = arith.muli %scan3A_254, %mul3A_386 : i32
            %add3A_388 = arith.constant 2 : i32
            %add3A_389 = arith.addi %mul3A_387, %add3A_388 : i32
            %get3A_390 = arith.constant 1 : i32
            %get3A_391 = arith.index_cast %get3A_390 : i32 to index
            %get3A_392 = arith.index_cast %add3A_389 : i32 to index
            %get3A_393 = arith.constant 0 : index
            %get3A_394 = tpu.vector_load %arg20[%get3A_391, %get3A_392, %get3A_393] {strides = array<i32>} : memref<2x128x48xf32, #tpu.memory_space<vmem>>, vector<16xf32>,
            %add3A_395 = arith.constant 0 : i32
            %add3A_396 = arith.addi %mul3A_385, %add3A_395 : i32
            %get3A_397 = arith.index_cast %add3A_396 : i32 to index
            %get3A_398 = tpu.vector_load %arg15[%get3A_397] {strides = array<i32>} : memref<15408xf32, #tpu.memory_space<vmem>>, vector<16xf32>,
            %mul3A_399 = vector.broadcast %squeeze3A_381 : f32 to vector<16xf32>
            %mul3A_400 = arith.mulf %mul3A_399, %get3A_394 : vector<16xf32>
            %max3A_401 = arith.maximumf %get3A_398, %mul3A_400 : vector<16xf32>
            %add3A_402 = arith.constant 0 : i32
            %add3A_403 = arith.addi %mul3A_385, %add3A_402 : i32
            %swap3A_404 = arith.index_cast %add3A_403 : i32 to index
            %swap3A_405 = tpu.vector_load %arg15[%swap3A_404] {strides = array<i32>} : memref<15408xf32, #tpu.memory_space<vmem>>, vector<16xf32>,
            tpu.vector_store %arg15[%swap3A_404], %max3A_401 {strides = array<i32>} : memref<15408xf32, #tpu.memory_space<vmem>>, vector<16xf32>,
            %get3A_406 = arith.constant 1 : i32
            %get3A_407 = arith.index_cast %get3A_406 : i32 to index
            %get3A_408 = arith.index_cast %add3A_389 : i32 to index
            %get3A_409 = arith.constant 16 : index
            %get3A_410 = tpu.vector_load %arg20[%get3A_407, %get3A_408, %get3A_409] {strides = array<i32>} : memref<2x128x48xf32, #tpu.memory_space<vmem>>, vector<16xf32>,
            %add3A_411 = arith.constant 16 : i32
            %add3A_412 = arith.addi %mul3A_385, %add3A_411 : i32
            %get3A_413 = arith.index_cast %add3A_412 : i32 to index
            %get3A_414 = tpu.vector_load %arg15[%get3A_413] {strides = array<i32>} : memref<15408xf32, #tpu.memory_space<vmem>>, vector<16xf32>,
            %mul3A_415 = vector.broadcast %squeeze3A_381 : f32 to vector<16xf32>
            %mul3A_416 = arith.mulf %mul3A_415, %get3A_410 : vector<16xf32>
            %max3A_417 = arith.maximumf %get3A_414, %mul3A_416 : vector<16xf32>
            %add3A_418 = arith.constant 16 : i32
            %add3A_419 = arith.addi %mul3A_385, %add3A_418 : i32
            %swap3A_420 = arith.index_cast %add3A_419 : i32 to index
            %swap3A_421 = tpu.vector_load %arg15[%swap3A_420] {strides = array<i32>} : memref<15408xf32, #tpu.memory_space<vmem>>, vector<16xf32>,
            tpu.vector_store %arg15[%swap3A_420], %max3A_417 {strides = array<i32>} : memref<15408xf32, #tpu.memory_space<vmem>>, vector<16xf32>,
            %get3A_422 = arith.constant 1 : i32
            %get3A_423 = arith.index_cast %get3A_422 : i32 to index
            %get3A_424 = arith.index_cast %add3A_389 : i32 to index
            %get3A_425 = arith.constant 32 : index
            %get3A_426 = tpu.vector_load %arg20[%get3A_423, %get3A_424, %get3A_425] {strides = array<i32>} : memref<2x128x48xf32, #tpu.memory_space<vmem>>, vector<16xf32>,
            %add3A_427 = arith.constant 32 : i32
            %add3A_428 = arith.addi %mul3A_385, %add3A_427 : i32
            %get3A_429 = arith.index_cast %add3A_428 : i32 to index
            %get3A_430 = tpu.vector_load %arg15[%get3A_429] {strides = array<i32>} : memref<15408xf32, #tpu.memory_space<vmem>>, vector<16xf32>,
            %mul3A_431 = vector.broadcast %squeeze3A_381 : f32 to vector<16xf32>
            %mul3A_432 = arith.mulf %mul3A_431, %get3A_426 : vector<16xf32>
            %max3A_433 = arith.maximumf %get3A_430, %mul3A_432 : vector<16xf32>
            %add3A_434 = arith.constant 32 : i32
            %add3A_435 = arith.addi %mul3A_385, %add3A_434 : i32
            %swap3A_436 = arith.index_cast %add3A_435 : i32 to index
            %swap3A_437 = tpu.vector_load %arg15[%swap3A_436] {strides = array<i32>} : memref<15408xf32, #tpu.memory_space<vmem>>, vector<16xf32>,
            tpu.vector_store %arg15[%swap3A_436], %max3A_433 {strides = array<i32>} : memref<15408xf32, #tpu.memory_space<vmem>>, vector<16xf32>,
            %slice3A_438 = vector.extract_strided_slice %get3A_263 {offsets = [3], sizes = [1], strides = [1]} : vector<16xf32> to vector<1xf32>
            %squeeze3A_439 = vector.extract %slice3A_438[0] : f32 from vector<1xf32>
            %slice3A_440 = vector.extract_strided_slice %select_n3A_267 {offsets = [3], sizes = [1], strides = [1]} : vector<16xi32> to vector<1xi32>
            %squeeze3A_441 = vector.extract %slice3A_440[0] : i32 from vector<1xi32>
            %mul3A_442 = arith.constant 48 : i32
            %mul3A_443 = arith.muli %squeeze3A_441, %mul3A_442 : i32
            %mul3A_444 = arith.constant 16 : i32
            %mul3A_445 = arith.muli %scan3A_254, %mul3A_444 : i32
            %add3A_446 = arith.constant 3 : i32
            %add3A_447 = arith.addi %mul3A_445, %add3A_446 : i32
            %get3A_448 = arith.constant 1 : i32
            %get3A_449 = arith.index_cast %get3A_448 : i32 to index
            %get3A_450 = arith.index_cast %add3A_447 : i32 to index
            %get3A_451 = arith.constant 0 : index
            %get3A_452 = tpu.vector_load %arg20[%get3A_449, %get3A_450, %get3A_451] {strides = array<i32>} : memref<2x128x48xf32, #tpu.memory_space<vmem>>, vector<16xf32>,
            %add3A_453 = arith.constant 0 : i32
            %add3A_454 = arith.addi %mul3A_443, %add3A_453 : i32
            %get3A_455 = arith.index_cast %add3A_454 : i32 to index
            %get3A_456 = tpu.vector_load %arg15[%get3A_455] {strides = array<i32>} : memref<15408xf32, #tpu.memory_space<vmem>>, vector<16xf32>,
            %mul3A_457 = vector.broadcast %squeeze3A_439 : f32 to vector<16xf32>
            %mul3A_458 = arith.mulf %mul3A_457, %get3A_452 : vector<16xf32>
            %max3A_459 = arith.maximumf %get3A_456, %mul3A_458 : vector<16xf32>
            %add3A_460 = arith.constant 0 : i32
            %add3A_461 = arith.addi %mul3A_443, %add3A_460 : i32
            %swap3A_462 = arith.index_cast %add3A_461 : i32 to index
            %swap3A_463 = tpu.vector_load %arg15[%swap3A_462] {strides = array<i32>} : memref<15408xf32, #tpu.memory_space<vmem>>, vector<16xf32>,
            tpu.vector_store %arg15[%swap3A_462], %max3A_459 {strides = array<i32>} : memref<15408xf32, #tpu.memory_space<vmem>>, vector<16xf32>,
            %get3A_464 = arith.constant 1 : i32
            %get3A_465 = arith.index_cast %get3A_464 : i32 to index
            %get3A_466 = arith.index_cast %add3A_447 : i32 to index
            %get3A_467 = arith.constant 16 : index
            %get3A_468 = tpu.vector_load %arg20[%get3A_465, %get3A_466, %get3A_467] {strides = array<i32>} : memref<2x128x48xf32, #tpu.memory_space<vmem>>, vector<16xf32>,
            %add3A_469 = arith.constant 16 : i32
            %add3A_470 = arith.addi %mul3A_443, %add3A_469 : i32
            %get3A_471 = arith.index_cast %add3A_470 : i32 to index
            %get3A_472 = tpu.vector_load %arg15[%get3A_471] {strides = array<i32>} : memref<15408xf32, #tpu.memory_space<vmem>>, vector<16xf32>,
            %mul3A_473 = vector.broadcast %squeeze3A_439 : f32 to vector<16xf32>
            %mul3A_474 = arith.mulf %mul3A_473, %get3A_468 : vector<16xf32>
            %max3A_475 = arith.maximumf %get3A_472, %mul3A_474 : vector<16xf32>
            %add3A_476 = arith.constant 16 : i32
            %add3A_477 = arith.addi %mul3A_443, %add3A_476 : i32
            %swap3A_478 = arith.index_cast %add3A_477 : i32 to index
            %swap3A_479 = tpu.vector_load %arg15[%swap3A_478] {strides = array<i32>} : memref<15408xf32, #tpu.memory_space<vmem>>, vector<16xf32>,
            tpu.vector_store %arg15[%swap3A_478], %max3A_475 {strides = array<i32>} : memref<15408xf32, #tpu.memory_space<vmem>>, vector<16xf32>,
            %get3A_480 = arith.constant 1 : i32
            %get3A_481 = arith.index_cast %get3A_480 : i32 to index
            %get3A_482 = arith.index_cast %add3A_447 : i32 to index
            %get3A_483 = arith.constant 32 : index
            %get3A_484 = tpu.vector_load %arg20[%get3A_481, %get3A_482, %get3A_483] {strides = array<i32>} : memref<2x128x48xf32, #tpu.memory_space<vmem>>, vector<16xf32>,
            %add3A_485 = arith.constant 32 : i32
            %add3A_486 = arith.addi %mul3A_443, %add3A_485 : i32
            %get3A_487 = arith.index_cast %add3A_486 : i32 to index
            %get3A_488 = tpu.vector_load %arg15[%get3A_487] {strides = array<i32>} : memref<15408xf32, #tpu.memory_space<vmem>>, vector<16xf32>,
            %mul3A_489 = vector.broadcast %squeeze3A_439 : f32 to vector<16xf32>
            %mul3A_490 = arith.mulf %mul3A_489, %get3A_484 : vector<16xf32>
            %max3A_491 = arith.maximumf %get3A_488, %mul3A_490 : vector<16xf32>
            %add3A_492 = arith.constant 32 : i32
            %add3A_493 = arith.addi %mul3A_443, %add3A_492 : i32
            %swap3A_494 = arith.index_cast %add3A_493 : i32 to index
            %swap3A_495 = tpu.vector_load %arg15[%swap3A_494] {strides = array<i32>} : memref<15408xf32, #tpu.memory_space<vmem>>, vector<16xf32>,
            tpu.vector_store %arg15[%swap3A_494], %max3A_491 {strides = array<i32>} : memref<15408xf32, #tpu.memory_space<vmem>>, vector<16xf32>,
            %slice3A_496 = vector.extract_strided_slice %get3A_263 {offsets = [4], sizes = [1], strides = [1]} : vector<16xf32> to vector<1xf32>
            %squeeze3A_497 = vector.extract %slice3A_496[0] : f32 from vector<1xf32>
            %slice3A_498 = vector.extract_strided_slice %select_n3A_267 {offsets = [4], sizes = [1], strides = [1]} : vector<16xi32> to vector<1xi32>
            %squeeze3A_499 = vector.extract %slice3A_498[0] : i32 from vector<1xi32>
            %mul3A_500 = arith.constant 48 : i32
            %mul3A_501 = arith.muli %squeeze3A_499, %mul3A_500 : i32
            %mul3A_502 = arith.constant 16 : i32
            %mul3A_503 = arith.muli %scan3A_254, %mul3A_502 : i32
            %add3A_504 = arith.constant 4 : i32
            %add3A_505 = arith.addi %mul3A_503, %add3A_504 : i32
            %get3A_506 = arith.constant 1 : i32
            %get3A_507 = arith.index_cast %get3A_506 : i32 to index
            %get3A_508 = arith.index_cast %add3A_505 : i32 to index
            %get3A_509 = arith.constant 0 : index
            %get3A_510 = tpu.vector_load %arg20[%get3A_507, %get3A_508, %get3A_509] {strides = array<i32>} : memref<2x128x48xf32, #tpu.memory_space<vmem>>, vector<16xf32>,
            %add3A_511 = arith.constant 0 : i32
            %add3A_512 = arith.addi %mul3A_501, %add3A_511 : i32
            %get3A_513 = arith.index_cast %add3A_512 : i32 to index
            %get3A_514 = tpu.vector_load %arg15[%get3A_513] {strides = array<i32>} : memref<15408xf32, #tpu.memory_space<vmem>>, vector<16xf32>,
            %mul3A_515 = vector.broadcast %squeeze3A_497 : f32 to vector<16xf32>
            %mul3A_516 = arith.mulf %mul3A_515, %get3A_510 : vector<16xf32>
            %max3A_517 = arith.maximumf %get3A_514, %mul3A_516 : vector<16xf32>
            %add3A_518 = arith.constant 0 : i32
            %add3A_519 = arith.addi %mul3A_501, %add3A_518 : i32
            %swap3A_520 = arith.index_cast %add3A_519 : i32 to index
            %swap3A_521 = tpu.vector_load %arg15[%swap3A_520] {strides = array<i32>} : memref<15408xf32, #tpu.memory_space<vmem>>, vector<16xf32>,
            tpu.vector_store %arg15[%swap3A_520], %max3A_517 {strides = array<i32>} : memref<15408xf32, #tpu.memory_space<vmem>>, vector<16xf32>,
            %get3A_522 = arith.constant 1 : i32
            %get3A_523 = arith.index_cast %get3A_522 : i32 to index
            %get3A_524 = arith.index_cast %add3A_505 : i32 to index
            %get3A_525 = arith.constant 16 : index
            %get3A_526 = tpu.vector_load %arg20[%get3A_523, %get3A_524, %get3A_525] {strides = array<i32>} : memref<2x128x48xf32, #tpu.memory_space<vmem>>, vector<16xf32>,
            %add3A_527 = arith.constant 16 : i32
            %add3A_528 = arith.addi %mul3A_501, %add3A_527 : i32
            %get3A_529 = arith.index_cast %add3A_528 : i32 to index
            %get3A_530 = tpu.vector_load %arg15[%get3A_529] {strides = array<i32>} : memref<15408xf32, #tpu.memory_space<vmem>>, vector<16xf32>,
            %mul3A_531 = vector.broadcast %squeeze3A_497 : f32 to vector<16xf32>
            %mul3A_532 = arith.mulf %mul3A_531, %get3A_526 : vector<16xf32>
            %max3A_533 = arith.maximumf %get3A_530, %mul3A_532 : vector<16xf32>
            %add3A_534 = arith.constant 16 : i32
            %add3A_535 = arith.addi %mul3A_501, %add3A_534 : i32
            %swap3A_536 = arith.index_cast %add3A_535 : i32 to index
            %swap3A_537 = tpu.vector_load %arg15[%swap3A_536] {strides = array<i32>} : memref<15408xf32, #tpu.memory_space<vmem>>, vector<16xf32>,
            tpu.vector_store %arg15[%swap3A_536], %max3A_533 {strides = array<i32>} : memref<15408xf32, #tpu.memory_space<vmem>>, vector<16xf32>,
            %get3A_538 = arith.constant 1 : i32
            %get3A_539 = arith.index_cast %get3A_538 : i32 to index
            %get3A_540 = arith.index_cast %add3A_505 : i32 to index
            %get3A_541 = arith.constant 32 : index
            %get3A_542 = tpu.vector_load %arg20[%get3A_539, %get3A_540, %get3A_541] {strides = array<i32>} : memref<2x128x48xf32, #tpu.memory_space<vmem>>, vector<16xf32>,
            %add3A_543 = arith.constant 32 : i32
            %add3A_544 = arith.addi %mul3A_501, %add3A_543 : i32
            %get3A_545 = arith.index_cast %add3A_544 : i32 to index
            %get3A_546 = tpu.vector_load %arg15[%get3A_545] {strides = array<i32>} : memref<15408xf32, #tpu.memory_space<vmem>>, vector<16xf32>,
            %mul3A_547 = vector.broadcast %squeeze3A_497 : f32 to vector<16xf32>
            %mul3A_548 = arith.mulf %mul3A_547, %get3A_542 : vector<16xf32>
            %max3A_549 = arith.maximumf %get3A_546, %mul3A_548 : vector<16xf32>
            %add3A_550 = arith.constant 32 : i32
            %add3A_551 = arith.addi %mul3A_501, %add3A_550 : i32
            %swap3A_552 = arith.index_cast %add3A_551 : i32 to index
            %swap3A_553 = tpu.vector_load %arg15[%swap3A_552] {strides = array<i32>} : memref<15408xf32, #tpu.memory_space<vmem>>, vector<16xf32>,
            tpu.vector_store %arg15[%swap3A_552], %max3A_549 {strides = array<i32>} : memref<15408xf32, #tpu.memory_space<vmem>>, vector<16xf32>,
            %slice3A_554 = vector.extract_strided_slice %get3A_263 {offsets = [5], sizes = [1], strides = [1]} : vector<16xf32> to vector<1xf32>
            %squeeze3A_555 = vector.extract %slice3A_554[0] : f32 from vector<1xf32>
            %slice3A_556 = vector.extract_strided_slice %select_n3A_267 {offsets = [5], sizes = [1], strides = [1]} : vector<16xi32> to vector<1xi32>
            %squeeze3A_557 = vector.extract %slice3A_556[0] : i32 from vector<1xi32>
            %mul3A_558 = arith.constant 48 : i32
            %mul3A_559 = arith.muli %squeeze3A_557, %mul3A_558 : i32
            %mul3A_560 = arith.constant 16 : i32
            %mul3A_561 = arith.muli %scan3A_254, %mul3A_560 : i32
            %add3A_562 = arith.constant 5 : i32
            %add3A_563 = arith.addi %mul3A_561, %add3A_562 : i32
            %get3A_564 = arith.constant 1 : i32
            %get3A_565 = arith.index_cast %get3A_564 : i32 to index
            %get3A_566 = arith.index_cast %add3A_563 : i32 to index
            %get3A_567 = arith.constant 0 : index
            %get3A_568 = tpu.vector_load %arg20[%get3A_565, %get3A_566, %get3A_567] {strides = array<i32>} : memref<2x128x48xf32, #tpu.memory_space<vmem>>, vector<16xf32>,
            %add3A_569 = arith.constant 0 : i32
            %add3A_570 = arith.addi %mul3A_559, %add3A_569 : i32
            %get3A_571 = arith.index_cast %add3A_570 : i32 to index
            %get3A_572 = tpu.vector_load %arg15[%get3A_571] {strides = array<i32>} : memref<15408xf32, #tpu.memory_space<vmem>>, vector<16xf32>,
            %mul3A_573 = vector.broadcast %squeeze3A_555 : f32 to vector<16xf32>
            %mul3A_574 = arith.mulf %mul3A_573, %get3A_568 : vector<16xf32>
            %max3A_575 = arith.maximumf %get3A_572, %mul3A_574 : vector<16xf32>
            %add3A_576 = arith.constant 0 : i32
            %add3A_577 = arith.addi %mul3A_559, %add3A_576 : i32
            %swap3A_578 = arith.index_cast %add3A_577 : i32 to index
            %swap3A_579 = tpu.vector_load %arg15[%swap3A_578] {strides = array<i32>} : memref<15408xf32, #tpu.memory_space<vmem>>, vector<16xf32>,
            tpu.vector_store %arg15[%swap3A_578], %max3A_575 {strides = array<i32>} : memref<15408xf32, #tpu.memory_space<vmem>>, vector<16xf32>,
            %get3A_580 = arith.constant 1 : i32
            %get3A_581 = arith.index_cast %get3A_580 : i32 to index
            %get3A_582 = arith.index_cast %add3A_563 : i32 to index
            %get3A_583 = arith.constant 16 : index
            %get3A_584 = tpu.vector_load %arg20[%get3A_581, %get3A_582, %get3A_583] {strides = array<i32>} : memref<2x128x48xf32, #tpu.memory_space<vmem>>, vector<16xf32>,
            %add3A_585 = arith.constant 16 : i32
            %add3A_586 = arith.addi %mul3A_559, %add3A_585 : i32
            %get3A_587 = arith.index_cast %add3A_586 : i32 to index
            %get3A_588 = tpu.vector_load %arg15[%get3A_587] {strides = array<i32>} : memref<15408xf32, #tpu.memory_space<vmem>>, vector<16xf32>,
            %mul3A_589 = vector.broadcast %squeeze3A_555 : f32 to vector<16xf32>
            %mul3A_590 = arith.mulf %mul3A_589, %get3A_584 : vector<16xf32>
            %max3A_591 = arith.maximumf %get3A_588, %mul3A_590 : vector<16xf32>
            %add3A_592 = arith.constant 16 : i32
            %add3A_593 = arith.addi %mul3A_559, %add3A_592 : i32
            %swap3A_594 = arith.index_cast %add3A_593 : i32 to index
            %swap3A_595 = tpu.vector_load %arg15[%swap3A_594] {strides = array<i32>} : memref<15408xf32, #tpu.memory_space<vmem>>, vector<16xf32>,
            tpu.vector_store %arg15[%swap3A_594], %max3A_591 {strides = array<i32>} : memref<15408xf32, #tpu.memory_space<vmem>>, vector<16xf32>,
            %get3A_596 = arith.constant 1 : i32
            %get3A_597 = arith.index_cast %get3A_596 : i32 to index
            %get3A_598 = arith.index_cast %add3A_563 : i32 to index
            %get3A_599 = arith.constant 32 : index
            %get3A_600 = tpu.vector_load %arg20[%get3A_597, %get3A_598, %get3A_599] {strides = array<i32>} : memref<2x128x48xf32, #tpu.memory_space<vmem>>, vector<16xf32>,
            %add3A_601 = arith.constant 32 : i32
            %add3A_602 = arith.addi %mul3A_559, %add3A_601 : i32
            %get3A_603 = arith.index_cast %add3A_602 : i32 to index
            %get3A_604 = tpu.vector_load %arg15[%get3A_603] {strides = array<i32>} : memref<15408xf32, #tpu.memory_space<vmem>>, vector<16xf32>,
            %mul3A_605 = vector.broadcast %squeeze3A_555 : f32 to vector<16xf32>
            %mul3A_606 = arith.mulf %mul3A_605, %get3A_600 : vector<16xf32>
            %max3A_607 = arith.maximumf %get3A_604, %mul3A_606 : vector<16xf32>
            %add3A_608 = arith.constant 32 : i32
            %add3A_609 = arith.addi %mul3A_559, %add3A_608 : i32
            %swap3A_610 = arith.index_cast %add3A_609 : i32 to index
            %swap3A_611 = tpu.vector_load %arg15[%swap3A_610] {strides = array<i32>} : memref<15408xf32, #tpu.memory_space<vmem>>, vector<16xf32>,
            tpu.vector_store %arg15[%swap3A_610], %max3A_607 {strides = array<i32>} : memref<15408xf32, #tpu.memory_space<vmem>>, vector<16xf32>,
            %slice3A_612 = vector.extract_strided_slice %get3A_263 {offsets = [6], sizes = [1], strides = [1]} : vector<16xf32> to vector<1xf32>
            %squeeze3A_613 = vector.extract %slice3A_612[0] : f32 from vector<1xf32>
            %slice3A_614 = vector.extract_strided_slice %select_n3A_267 {offsets = [6], sizes = [1], strides = [1]} : vector<16xi32> to vector<1xi32>
            %squeeze3A_615 = vector.extract %slice3A_614[0] : i32 from vector<1xi32>
            %mul3A_616 = arith.constant 48 : i32
            %mul3A_617 = arith.muli %squeeze3A_615, %mul3A_616 : i32
            %mul3A_618 = arith.constant 16 : i32
            %mul3A_619 = arith.muli %scan3A_254, %mul3A_618 : i32
            %add3A_620 = arith.constant 6 : i32
            %add3A_621 = arith.addi %mul3A_619, %add3A_620 : i32
            %get3A_622 = arith.constant 1 : i32
            %get3A_623 = arith.index_cast %get3A_622 : i32 to index
            %get3A_624 = arith.index_cast %add3A_621 : i32 to index
            %get3A_625 = arith.constant 0 : index
            %get3A_626 = tpu.vector_load %arg20[%get3A_623, %get3A_624, %get3A_625] {strides = array<i32>} : memref<2x128x48xf32, #tpu.memory_space<vmem>>, vector<16xf32>,
            %add3A_627 = arith.constant 0 : i32
            %add3A_628 = arith.addi %mul3A_617, %add3A_627 : i32
            %get3A_629 = arith.index_cast %add3A_628 : i32 to index
            %get3A_630 = tpu.vector_load %arg15[%get3A_629] {strides = array<i32>} : memref<15408xf32, #tpu.memory_space<vmem>>, vector<16xf32>,
            %mul3A_631 = vector.broadcast %squeeze3A_613 : f32 to vector<16xf32>
            %mul3A_632 = arith.mulf %mul3A_631, %get3A_626 : vector<16xf32>
            %max3A_633 = arith.maximumf %get3A_630, %mul3A_632 : vector<16xf32>
            %add3A_634 = arith.constant 0 : i32
            %add3A_635 = arith.addi %mul3A_617, %add3A_634 : i32
            %swap3A_636 = arith.index_cast %add3A_635 : i32 to index
            %swap3A_637 = tpu.vector_load %arg15[%swap3A_636] {strides = array<i32>} : memref<15408xf32, #tpu.memory_space<vmem>>, vector<16xf32>,
            tpu.vector_store %arg15[%swap3A_636], %max3A_633 {strides = array<i32>} : memref<15408xf32, #tpu.memory_space<vmem>>, vector<16xf32>,
            %get3A_638 = arith.constant 1 : i32
            %get3A_639 = arith.index_cast %get3A_638 : i32 to index
            %get3A_640 = arith.index_cast %add3A_621 : i32 to index
            %get3A_641 = arith.constant 16 : index
            %get3A_642 = tpu.vector_load %arg20[%get3A_639, %get3A_640, %get3A_641] {strides = array<i32>} : memref<2x128x48xf32, #tpu.memory_space<vmem>>, vector<16xf32>,
            %add3A_643 = arith.constant 16 : i32
            %add3A_644 = arith.addi %mul3A_617, %add3A_643 : i32
            %get3A_645 = arith.index_cast %add3A_644 : i32 to index
            %get3A_646 = tpu.vector_load %arg15[%get3A_645] {strides = array<i32>} : memref<15408xf32, #tpu.memory_space<vmem>>, vector<16xf32>,
            %mul3A_647 = vector.broadcast %squeeze3A_613 : f32 to vector<16xf32>
            %mul3A_648 = arith.mulf %mul3A_647, %get3A_642 : vector<16xf32>
            %max3A_649 = arith.maximumf %get3A_646, %mul3A_648 : vector<16xf32>
            %add3A_650 = arith.constant 16 : i32
            %add3A_651 = arith.addi %mul3A_617, %add3A_650 : i32
            %swap3A_652 = arith.index_cast %add3A_651 : i32 to index
            %swap3A_653 = tpu.vector_load %arg15[%swap3A_652] {strides = array<i32>} : memref<15408xf32, #tpu.memory_space<vmem>>, vector<16xf32>,
            tpu.vector_store %arg15[%swap3A_652], %max3A_649 {strides = array<i32>} : memref<15408xf32, #tpu.memory_space<vmem>>, vector<16xf32>,
            %get3A_654 = arith.constant 1 : i32
            %get3A_655 = arith.index_cast %get3A_654 : i32 to index
            %get3A_656 = arith.index_cast %add3A_621 : i32 to index
            %get3A_657 = arith.constant 32 : index
            %get3A_658 = tpu.vector_load %arg20[%get3A_655, %get3A_656, %get3A_657] {strides = array<i32>} : memref<2x128x48xf32, #tpu.memory_space<vmem>>, vector<16xf32>,
            %add3A_659 = arith.constant 32 : i32
            %add3A_660 = arith.addi %mul3A_617, %add3A_659 : i32
            %get3A_661 = arith.index_cast %add3A_660 : i32 to index
            %get3A_662 = tpu.vector_load %arg15[%get3A_661] {strides = array<i32>} : memref<15408xf32, #tpu.memory_space<vmem>>, vector<16xf32>,
            %mul3A_663 = vector.broadcast %squeeze3A_613 : f32 to vector<16xf32>
            %mul3A_664 = arith.mulf %mul3A_663, %get3A_658 : vector<16xf32>
            %max3A_665 = arith.maximumf %get3A_662, %mul3A_664 : vector<16xf32>
            %add3A_666 = arith.constant 32 : i32
            %add3A_667 = arith.addi %mul3A_617, %add3A_666 : i32
            %swap3A_668 = arith.index_cast %add3A_667 : i32 to index
            %swap3A_669 = tpu.vector_load %arg15[%swap3A_668] {strides = array<i32>} : memref<15408xf32, #tpu.memory_space<vmem>>, vector<16xf32>,
            tpu.vector_store %arg15[%swap3A_668], %max3A_665 {strides = array<i32>} : memref<15408xf32, #tpu.memory_space<vmem>>, vector<16xf32>,
            %slice3A_670 = vector.extract_strided_slice %get3A_263 {offsets = [7], sizes = [1], strides = [1]} : vector<16xf32> to vector<1xf32>
            %squeeze3A_671 = vector.extract %slice3A_670[0] : f32 from vector<1xf32>
            %slice3A_672 = vector.extract_strided_slice %select_n3A_267 {offsets = [7], sizes = [1], strides = [1]} : vector<16xi32> to vector<1xi32>
            %squeeze3A_673 = vector.extract %slice3A_672[0] : i32 from vector<1xi32>
            %mul3A_674 = arith.constant 48 : i32
            %mul3A_675 = arith.muli %squeeze3A_673, %mul3A_674 : i32
            %mul3A_676 = arith.constant 16 : i32
            %mul3A_677 = arith.muli %scan3A_254, %mul3A_676 : i32
            %add3A_678 = arith.constant 7 : i32
            %add3A_679 = arith.addi %mul3A_677, %add3A_678 : i32
            %get3A_680 = arith.constant 1 : i32
            %get3A_681 = arith.index_cast %get3A_680 : i32 to index
            %get3A_682 = arith.index_cast %add3A_679 : i32 to index
            %get3A_683 = arith.constant 0 : index
            %get3A_684 = tpu.vector_load %arg20[%get3A_681, %get3A_682, %get3A_683] {strides = array<i32>} : memref<2x128x48xf32, #tpu.memory_space<vmem>>, vector<16xf32>,
            %add3A_685 = arith.constant 0 : i32
            %add3A_686 = arith.addi %mul3A_675, %add3A_685 : i32
            %get3A_687 = arith.index_cast %add3A_686 : i32 to index
            %get3A_688 = tpu.vector_load %arg15[%get3A_687] {strides = array<i32>} : memref<15408xf32, #tpu.memory_space<vmem>>, vector<16xf32>,
            %mul3A_689 = vector.broadcast %squeeze3A_671 : f32 to vector<16xf32>
            %mul3A_690 = arith.mulf %mul3A_689, %get3A_684 : vector<16xf32>
            %max3A_691 = arith.maximumf %get3A_688, %mul3A_690 : vector<16xf32>
            %add3A_692 = arith.constant 0 : i32
            %add3A_693 = arith.addi %mul3A_675, %add3A_692 : i32
            %swap3A_694 = arith.index_cast %add3A_693 : i32 to index
            %swap3A_695 = tpu.vector_load %arg15[%swap3A_694] {strides = array<i32>} : memref<15408xf32, #tpu.memory_space<vmem>>, vector<16xf32>,
            tpu.vector_store %arg15[%swap3A_694], %max3A_691 {strides = array<i32>} : memref<15408xf32, #tpu.memory_space<vmem>>, vector<16xf32>,
            %get3A_696 = arith.constant 1 : i32
            %get3A_697 = arith.index_cast %get3A_696 : i32 to index
            %get3A_698 = arith.index_cast %add3A_679 : i32 to index
            %get3A_699 = arith.constant 16 : index
            %get3A_700 = tpu.vector_load %arg20[%get3A_697, %get3A_698, %get3A_699] {strides = array<i32>} : memref<2x128x48xf32, #tpu.memory_space<vmem>>, vector<16xf32>,
            %add3A_701 = arith.constant 16 : i32
            %add3A_702 = arith.addi %mul3A_675, %add3A_701 : i32
            %get3A_703 = arith.index_cast %add3A_702 : i32 to index
            %get3A_704 = tpu.vector_load %arg15[%get3A_703] {strides = array<i32>} : memref<15408xf32, #tpu.memory_space<vmem>>, vector<16xf32>,
            %mul3A_705 = vector.broadcast %squeeze3A_671 : f32 to vector<16xf32>
            %mul3A_706 = arith.mulf %mul3A_705, %get3A_700 : vector<16xf32>
            %max3A_707 = arith.maximumf %get3A_704, %mul3A_706 : vector<16xf32>
            %add3A_708 = arith.constant 16 : i32
            %add3A_709 = arith.addi %mul3A_675, %add3A_708 : i32
            %swap3A_710 = arith.index_cast %add3A_709 : i32 to index
            %swap3A_711 = tpu.vector_load %arg15[%swap3A_710] {strides = array<i32>} : memref<15408xf32, #tpu.memory_space<vmem>>, vector<16xf32>,
            tpu.vector_store %arg15[%swap3A_710], %max3A_707 {strides = array<i32>} : memref<15408xf32, #tpu.memory_space<vmem>>, vector<16xf32>,
            %get3A_712 = arith.constant 1 : i32
            %get3A_713 = arith.index_cast %get3A_712 : i32 to index
            %get3A_714 = arith.index_cast %add3A_679 : i32 to index
            %get3A_715 = arith.constant 32 : index
            %get3A_716 = tpu.vector_load %arg20[%get3A_713, %get3A_714, %get3A_715] {strides = array<i32>} : memref<2x128x48xf32, #tpu.memory_space<vmem>>, vector<16xf32>,
            %add3A_717 = arith.constant 32 : i32
            %add3A_718 = arith.addi %mul3A_675, %add3A_717 : i32
            %get3A_719 = arith.index_cast %add3A_718 : i32 to index
            %get3A_720 = tpu.vector_load %arg15[%get3A_719] {strides = array<i32>} : memref<15408xf32, #tpu.memory_space<vmem>>, vector<16xf32>,
            %mul3A_721 = vector.broadcast %squeeze3A_671 : f32 to vector<16xf32>
            %mul3A_722 = arith.mulf %mul3A_721, %get3A_716 : vector<16xf32>
            %max3A_723 = arith.maximumf %get3A_720, %mul3A_722 : vector<16xf32>
            %add3A_724 = arith.constant 32 : i32
            %add3A_725 = arith.addi %mul3A_675, %add3A_724 : i32
            %swap3A_726 = arith.index_cast %add3A_725 : i32 to index
            %swap3A_727 = tpu.vector_load %arg15[%swap3A_726] {strides = array<i32>} : memref<15408xf32, #tpu.memory_space<vmem>>, vector<16xf32>,
            tpu.vector_store %arg15[%swap3A_726], %max3A_723 {strides = array<i32>} : memref<15408xf32, #tpu.memory_space<vmem>>, vector<16xf32>,
            %slice3A_728 = vector.extract_strided_slice %get3A_263 {offsets = [8], sizes = [1], strides = [1]} : vector<16xf32> to vector<1xf32>
            %squeeze3A_729 = vector.extract %slice3A_728[0] : f32 from vector<1xf32>
            %slice3A_730 = vector.extract_strided_slice %select_n3A_267 {offsets = [8], sizes = [1], strides = [1]} : vector<16xi32> to vector<1xi32>
            %squeeze3A_731 = vector.extract %slice3A_730[0] : i32 from vector<1xi32>
            %mul3A_732 = arith.constant 48 : i32
            %mul3A_733 = arith.muli %squeeze3A_731, %mul3A_732 : i32
            %mul3A_734 = arith.constant 16 : i32
            %mul3A_735 = arith.muli %scan3A_254, %mul3A_734 : i32
            %add3A_736 = arith.constant 8 : i32
            %add3A_737 = arith.addi %mul3A_735, %add3A_736 : i32
            %get3A_738 = arith.constant 1 : i32
            %get3A_739 = arith.index_cast %get3A_738 : i32 to index
            %get3A_740 = arith.index_cast %add3A_737 : i32 to index
            %get3A_741 = arith.constant 0 : index
            %get3A_742 = tpu.vector_load %arg20[%get3A_739, %get3A_740, %get3A_741] {strides = array<i32>} : memref<2x128x48xf32, #tpu.memory_space<vmem>>, vector<16xf32>,
            %add3A_743 = arith.constant 0 : i32
            %add3A_744 = arith.addi %mul3A_733, %add3A_743 : i32
            %get3A_745 = arith.index_cast %add3A_744 : i32 to index
            %get3A_746 = tpu.vector_load %arg15[%get3A_745] {strides = array<i32>} : memref<15408xf32, #tpu.memory_space<vmem>>, vector<16xf32>,
            %mul3A_747 = vector.broadcast %squeeze3A_729 : f32 to vector<16xf32>
            %mul3A_748 = arith.mulf %mul3A_747, %get3A_742 : vector<16xf32>
            %max3A_749 = arith.maximumf %get3A_746, %mul3A_748 : vector<16xf32>
            %add3A_750 = arith.constant 0 : i32
            %add3A_751 = arith.addi %mul3A_733, %add3A_750 : i32
            %swap3A_752 = arith.index_cast %add3A_751 : i32 to index
            %swap3A_753 = tpu.vector_load %arg15[%swap3A_752] {strides = array<i32>} : memref<15408xf32, #tpu.memory_space<vmem>>, vector<16xf32>,
            tpu.vector_store %arg15[%swap3A_752], %max3A_749 {strides = array<i32>} : memref<15408xf32, #tpu.memory_space<vmem>>, vector<16xf32>,
            %get3A_754 = arith.constant 1 : i32
            %get3A_755 = arith.index_cast %get3A_754 : i32 to index
            %get3A_756 = arith.index_cast %add3A_737 : i32 to index
            %get3A_757 = arith.constant 16 : index
            %get3A_758 = tpu.vector_load %arg20[%get3A_755, %get3A_756, %get3A_757] {strides = array<i32>} : memref<2x128x48xf32, #tpu.memory_space<vmem>>, vector<16xf32>,
            %add3A_759 = arith.constant 16 : i32
            %add3A_760 = arith.addi %mul3A_733, %add3A_759 : i32
            %get3A_761 = arith.index_cast %add3A_760 : i32 to index
            %get3A_762 = tpu.vector_load %arg15[%get3A_761] {strides = array<i32>} : memref<15408xf32, #tpu.memory_space<vmem>>, vector<16xf32>,
            %mul3A_763 = vector.broadcast %squeeze3A_729 : f32 to vector<16xf32>
            %mul3A_764 = arith.mulf %mul3A_763, %get3A_758 : vector<16xf32>
            %max3A_765 = arith.maximumf %get3A_762, %mul3A_764 : vector<16xf32>
            %add3A_766 = arith.constant 16 : i32
            %add3A_767 = arith.addi %mul3A_733, %add3A_766 : i32
            %swap3A_768 = arith.index_cast %add3A_767 : i32 to index
            %swap3A_769 = tpu.vector_load %arg15[%swap3A_768] {strides = array<i32>} : memref<15408xf32, #tpu.memory_space<vmem>>, vector<16xf32>,
            tpu.vector_store %arg15[%swap3A_768], %max3A_765 {strides = array<i32>} : memref<15408xf32, #tpu.memory_space<vmem>>, vector<16xf32>,
            %get3A_770 = arith.constant 1 : i32
            %get3A_771 = arith.index_cast %get3A_770 : i32 to index
            %get3A_772 = arith.index_cast %add3A_737 : i32 to index
            %get3A_773 = arith.constant 32 : index
            %get3A_774 = tpu.vector_load %arg20[%get3A_771, %get3A_772, %get3A_773] {strides = array<i32>} : memref<2x128x48xf32, #tpu.memory_space<vmem>>, vector<16xf32>,
            %add3A_775 = arith.constant 32 : i32
            %add3A_776 = arith.addi %mul3A_733, %add3A_775 : i32
            %get3A_777 = arith.index_cast %add3A_776 : i32 to index
            %get3A_778 = tpu.vector_load %arg15[%get3A_777] {strides = array<i32>} : memref<15408xf32, #tpu.memory_space<vmem>>, vector<16xf32>,
            %mul3A_779 = vector.broadcast %squeeze3A_729 : f32 to vector<16xf32>
            %mul3A_780 = arith.mulf %mul3A_779, %get3A_774 : vector<16xf32>
            %max3A_781 = arith.maximumf %get3A_778, %mul3A_780 : vector<16xf32>
            %add3A_782 = arith.constant 32 : i32
            %add3A_783 = arith.addi %mul3A_733, %add3A_782 : i32
            %swap3A_784 = arith.index_cast %add3A_783 : i32 to index
            %swap3A_785 = tpu.vector_load %arg15[%swap3A_784] {strides = array<i32>} : memref<15408xf32, #tpu.memory_space<vmem>>, vector<16xf32>,
            tpu.vector_store %arg15[%swap3A_784], %max3A_781 {strides = array<i32>} : memref<15408xf32, #tpu.memory_space<vmem>>, vector<16xf32>,
            %slice3A_786 = vector.extract_strided_slice %get3A_263 {offsets = [9], sizes = [1], strides = [1]} : vector<16xf32> to vector<1xf32>
            %squeeze3A_787 = vector.extract %slice3A_786[0] : f32 from vector<1xf32>
            %slice3A_788 = vector.extract_strided_slice %select_n3A_267 {offsets = [9], sizes = [1], strides = [1]} : vector<16xi32> to vector<1xi32>
            %squeeze3A_789 = vector.extract %slice3A_788[0] : i32 from vector<1xi32>
            %mul3A_790 = arith.constant 48 : i32
            %mul3A_791 = arith.muli %squeeze3A_789, %mul3A_790 : i32
            %mul3A_792 = arith.constant 16 : i32
            %mul3A_793 = arith.muli %scan3A_254, %mul3A_792 : i32
            %add3A_794 = arith.constant 9 : i32
            %add3A_795 = arith.addi %mul3A_793, %add3A_794 : i32
            %get3A_796 = arith.constant 1 : i32
            %get3A_797 = arith.index_cast %get3A_796 : i32 to index
            %get3A_798 = arith.index_cast %add3A_795 : i32 to index
            %get3A_799 = arith.constant 0 : index
            %get3A_800 = tpu.vector_load %arg20[%get3A_797, %get3A_798, %get3A_799] {strides = array<i32>} : memref<2x128x48xf32, #tpu.memory_space<vmem>>, vector<16xf32>,
            %add3A_801 = arith.constant 0 : i32
            %add3A_802 = arith.addi %mul3A_791, %add3A_801 : i32
            %get3A_803 = arith.index_cast %add3A_802 : i32 to index
            %get3A_804 = tpu.vector_load %arg15[%get3A_803] {strides = array<i32>} : memref<15408xf32, #tpu.memory_space<vmem>>, vector<16xf32>,
            %mul3A_805 = vector.broadcast %squeeze3A_787 : f32 to vector<16xf32>
            %mul3A_806 = arith.mulf %mul3A_805, %get3A_800 : vector<16xf32>
            %max3A_807 = arith.maximumf %get3A_804, %mul3A_806 : vector<16xf32>
            %add3A_808 = arith.constant 0 : i32
            %add3A_809 = arith.addi %mul3A_791, %add3A_808 : i32
            %swap3A_810 = arith.index_cast %add3A_809 : i32 to index
            %swap3A_811 = tpu.vector_load %arg15[%swap3A_810] {strides = array<i32>} : memref<15408xf32, #tpu.memory_space<vmem>>, vector<16xf32>,
            tpu.vector_store %arg15[%swap3A_810], %max3A_807 {strides = array<i32>} : memref<15408xf32, #tpu.memory_space<vmem>>, vector<16xf32>,
            %get3A_812 = arith.constant 1 : i32
            %get3A_813 = arith.index_cast %get3A_812 : i32 to index
            %get3A_814 = arith.index_cast %add3A_795 : i32 to index
            %get3A_815 = arith.constant 16 : index
            %get3A_816 = tpu.vector_load %arg20[%get3A_813, %get3A_814, %get3A_815] {strides = array<i32>} : memref<2x128x48xf32, #tpu.memory_space<vmem>>, vector<16xf32>,
            %add3A_817 = arith.constant 16 : i32
            %add3A_818 = arith.addi %mul3A_791, %add3A_817 : i32
            %get3A_819 = arith.index_cast %add3A_818 : i32 to index
            %get3A_820 = tpu.vector_load %arg15[%get3A_819] {strides = array<i32>} : memref<15408xf32, #tpu.memory_space<vmem>>, vector<16xf32>,
            %mul3A_821 = vector.broadcast %squeeze3A_787 : f32 to vector<16xf32>
            %mul3A_822 = arith.mulf %mul3A_821, %get3A_816 : vector<16xf32>
            %max3A_823 = arith.maximumf %get3A_820, %mul3A_822 : vector<16xf32>
            %add3A_824 = arith.constant 16 : i32
            %add3A_825 = arith.addi %mul3A_791, %add3A_824 : i32
            %swap3A_826 = arith.index_cast %add3A_825 : i32 to index
            %swap3A_827 = tpu.vector_load %arg15[%swap3A_826] {strides = array<i32>} : memref<15408xf32, #tpu.memory_space<vmem>>, vector<16xf32>,
            tpu.vector_store %arg15[%swap3A_826], %max3A_823 {strides = array<i32>} : memref<15408xf32, #tpu.memory_space<vmem>>, vector<16xf32>,
            %get3A_828 = arith.constant 1 : i32
            %get3A_829 = arith.index_cast %get3A_828 : i32 to index
            %get3A_830 = arith.index_cast %add3A_795 : i32 to index
            %get3A_831 = arith.constant 32 : index
            %get3A_832 = tpu.vector_load %arg20[%get3A_829, %get3A_830, %get3A_831] {strides = array<i32>} : memref<2x128x48xf32, #tpu.memory_space<vmem>>, vector<16xf32>,
            %add3A_833 = arith.constant 32 : i32
            %add3A_834 = arith.addi %mul3A_791, %add3A_833 : i32
            %get3A_835 = arith.index_cast %add3A_834 : i32 to index
            %get3A_836 = tpu.vector_load %arg15[%get3A_835] {strides = array<i32>} : memref<15408xf32, #tpu.memory_space<vmem>>, vector<16xf32>,
            %mul3A_837 = vector.broadcast %squeeze3A_787 : f32 to vector<16xf32>
            %mul3A_838 = arith.mulf %mul3A_837, %get3A_832 : vector<16xf32>
            %max3A_839 = arith.maximumf %get3A_836, %mul3A_838 : vector<16xf32>
            %add3A_840 = arith.constant 32 : i32
            %add3A_841 = arith.addi %mul3A_791, %add3A_840 : i32
            %swap3A_842 = arith.index_cast %add3A_841 : i32 to index
            %swap3A_843 = tpu.vector_load %arg15[%swap3A_842] {strides = array<i32>} : memref<15408xf32, #tpu.memory_space<vmem>>, vector<16xf32>,
            tpu.vector_store %arg15[%swap3A_842], %max3A_839 {strides = array<i32>} : memref<15408xf32, #tpu.memory_space<vmem>>, vector<16xf32>,
            %slice3A_844 = vector.extract_strided_slice %get3A_263 {offsets = [10], sizes = [1], strides = [1]} : vector<16xf32> to vector<1xf32>
            %squeeze3A_845 = vector.extract %slice3A_844[0] : f32 from vector<1xf32>
            %slice3A_846 = vector.extract_strided_slice %select_n3A_267 {offsets = [10], sizes = [1], strides = [1]} : vector<16xi32> to vector<1xi32>
            %squeeze3A_847 = vector.extract %slice3A_846[0] : i32 from vector<1xi32>
            %mul3A_848 = arith.constant 48 : i32
            %mul3A_849 = arith.muli %squeeze3A_847, %mul3A_848 : i32
            %mul3A_850 = arith.constant 16 : i32
            %mul3A_851 = arith.muli %scan3A_254, %mul3A_850 : i32
            %add3A_852 = arith.constant 10 : i32
            %add3A_853 = arith.addi %mul3A_851, %add3A_852 : i32
            %get3A_854 = arith.constant 1 : i32
            %get3A_855 = arith.index_cast %get3A_854 : i32 to index
            %get3A_856 = arith.index_cast %add3A_853 : i32 to index
            %get3A_857 = arith.constant 0 : index
            %get3A_858 = tpu.vector_load %arg20[%get3A_855, %get3A_856, %get3A_857] {strides = array<i32>} : memref<2x128x48xf32, #tpu.memory_space<vmem>>, vector<16xf32>,
            %add3A_859 = arith.constant 0 : i32
            %add3A_860 = arith.addi %mul3A_849, %add3A_859 : i32
            %get3A_861 = arith.index_cast %add3A_860 : i32 to index
            %get3A_862 = tpu.vector_load %arg15[%get3A_861] {strides = array<i32>} : memref<15408xf32, #tpu.memory_space<vmem>>, vector<16xf32>,
            %mul3A_863 = vector.broadcast %squeeze3A_845 : f32 to vector<16xf32>
            %mul3A_864 = arith.mulf %mul3A_863, %get3A_858 : vector<16xf32>
            %max3A_865 = arith.maximumf %get3A_862, %mul3A_864 : vector<16xf32>
            %add3A_866 = arith.constant 0 : i32
            %add3A_867 = arith.addi %mul3A_849, %add3A_866 : i32
            %swap3A_868 = arith.index_cast %add3A_867 : i32 to index
            %swap3A_869 = tpu.vector_load %arg15[%swap3A_868] {strides = array<i32>} : memref<15408xf32, #tpu.memory_space<vmem>>, vector<16xf32>,
            tpu.vector_store %arg15[%swap3A_868], %max3A_865 {strides = array<i32>} : memref<15408xf32, #tpu.memory_space<vmem>>, vector<16xf32>,
            %get3A_870 = arith.constant 1 : i32
            %get3A_871 = arith.index_cast %get3A_870 : i32 to index
            %get3A_872 = arith.index_cast %add3A_853 : i32 to index
            %get3A_873 = arith.constant 16 : index
            %get3A_874 = tpu.vector_load %arg20[%get3A_871, %get3A_872, %get3A_873] {strides = array<i32>} : memref<2x128x48xf32, #tpu.memory_space<vmem>>, vector<16xf32>,
            %add3A_875 = arith.constant 16 : i32
            %add3A_876 = arith.addi %mul3A_849, %add3A_875 : i32
            %get3A_877 = arith.index_cast %add3A_876 : i32 to index
            %get3A_878 = tpu.vector_load %arg15[%get3A_877] {strides = array<i32>} : memref<15408xf32, #tpu.memory_space<vmem>>, vector<16xf32>,
            %mul3A_879 = vector.broadcast %squeeze3A_845 : f32 to vector<16xf32>
            %mul3A_880 = arith.mulf %mul3A_879, %get3A_874 : vector<16xf32>
            %max3A_881 = arith.maximumf %get3A_878, %mul3A_880 : vector<16xf32>
            %add3A_882 = arith.constant 16 : i32
            %add3A_883 = arith.addi %mul3A_849, %add3A_882 : i32
            %swap3A_884 = arith.index_cast %add3A_883 : i32 to index
            %swap3A_885 = tpu.vector_load %arg15[%swap3A_884] {strides = array<i32>} : memref<15408xf32, #tpu.memory_space<vmem>>, vector<16xf32>,
            tpu.vector_store %arg15[%swap3A_884], %max3A_881 {strides = array<i32>} : memref<15408xf32, #tpu.memory_space<vmem>>, vector<16xf32>,
            %get3A_886 = arith.constant 1 : i32
            %get3A_887 = arith.index_cast %get3A_886 : i32 to index
            %get3A_888 = arith.index_cast %add3A_853 : i32 to index
            %get3A_889 = arith.constant 32 : index
            %get3A_890 = tpu.vector_load %arg20[%get3A_887, %get3A_888, %get3A_889] {strides = array<i32>} : memref<2x128x48xf32, #tpu.memory_space<vmem>>, vector<16xf32>,
            %add3A_891 = arith.constant 32 : i32
            %add3A_892 = arith.addi %mul3A_849, %add3A_891 : i32
            %get3A_893 = arith.index_cast %add3A_892 : i32 to index
            %get3A_894 = tpu.vector_load %arg15[%get3A_893] {strides = array<i32>} : memref<15408xf32, #tpu.memory_space<vmem>>, vector<16xf32>,
            %mul3A_895 = vector.broadcast %squeeze3A_845 : f32 to vector<16xf32>
            %mul3A_896 = arith.mulf %mul3A_895, %get3A_890 : vector<16xf32>
            %max3A_897 = arith.maximumf %get3A_894, %mul3A_896 : vector<16xf32>
            %add3A_898 = arith.constant 32 : i32
            %add3A_899 = arith.addi %mul3A_849, %add3A_898 : i32
            %swap3A_900 = arith.index_cast %add3A_899 : i32 to index
            %swap3A_901 = tpu.vector_load %arg15[%swap3A_900] {strides = array<i32>} : memref<15408xf32, #tpu.memory_space<vmem>>, vector<16xf32>,
            tpu.vector_store %arg15[%swap3A_900], %max3A_897 {strides = array<i32>} : memref<15408xf32, #tpu.memory_space<vmem>>, vector<16xf32>,
            %slice3A_902 = vector.extract_strided_slice %get3A_263 {offsets = [11], sizes = [1], strides = [1]} : vector<16xf32> to vector<1xf32>
            %squeeze3A_903 = vector.extract %slice3A_902[0] : f32 from vector<1xf32>
            %slice3A_904 = vector.extract_strided_slice %select_n3A_267 {offsets = [11], sizes = [1], strides = [1]} : vector<16xi32> to vector<1xi32>
            %squeeze3A_905 = vector.extract %slice3A_904[0] : i32 from vector<1xi32>
            %mul3A_906 = arith.constant 48 : i32
            %mul3A_907 = arith.muli %squeeze3A_905, %mul3A_906 : i32
            %mul3A_908 = arith.constant 16 : i32
            %mul3A_909 = arith.muli %scan3A_254, %mul3A_908 : i32
            %add3A_910 = arith.constant 11 : i32
            %add3A_911 = arith.addi %mul3A_909, %add3A_910 : i32
            %get3A_912 = arith.constant 1 : i32
            %get3A_913 = arith.index_cast %get3A_912 : i32 to index
            %get3A_914 = arith.index_cast %add3A_911 : i32 to index
            %get3A_915 = arith.constant 0 : index
            %get3A_916 = tpu.vector_load %arg20[%get3A_913, %get3A_914, %get3A_915] {strides = array<i32>} : memref<2x128x48xf32, #tpu.memory_space<vmem>>, vector<16xf32>,
            %add3A_917 = arith.constant 0 : i32
            %add3A_918 = arith.addi %mul3A_907, %add3A_917 : i32
            %get3A_919 = arith.index_cast %add3A_918 : i32 to index
            %get3A_920 = tpu.vector_load %arg15[%get3A_919] {strides = array<i32>} : memref<15408xf32, #tpu.memory_space<vmem>>, vector<16xf32>,
            %mul3A_921 = vector.broadcast %squeeze3A_903 : f32 to vector<16xf32>
            %mul3A_922 = arith.mulf %mul3A_921, %get3A_916 : vector<16xf32>
            %max3A_923 = arith.maximumf %get3A_920, %mul3A_922 : vector<16xf32>
            %add3A_924 = arith.constant 0 : i32
            %add3A_925 = arith.addi %mul3A_907, %add3A_924 : i32
            %swap3A_926 = arith.index_cast %add3A_925 : i32 to index
            %swap3A_927 = tpu.vector_load %arg15[%swap3A_926] {strides = array<i32>} : memref<15408xf32, #tpu.memory_space<vmem>>, vector<16xf32>,
            tpu.vector_store %arg15[%swap3A_926], %max3A_923 {strides = array<i32>} : memref<15408xf32, #tpu.memory_space<vmem>>, vector<16xf32>,
            %get3A_928 = arith.constant 1 : i32
            %get3A_929 = arith.index_cast %get3A_928 : i32 to index
            %get3A_930 = arith.index_cast %add3A_911 : i32 to index
            %get3A_931 = arith.constant 16 : index
            %get3A_932 = tpu.vector_load %arg20[%get3A_929, %get3A_930, %get3A_931] {strides = array<i32>} : memref<2x128x48xf32, #tpu.memory_space<vmem>>, vector<16xf32>,
            %add3A_933 = arith.constant 16 : i32
            %add3A_934 = arith.addi %mul3A_907, %add3A_933 : i32
            %get3A_935 = arith.index_cast %add3A_934 : i32 to index
            %get3A_936 = tpu.vector_load %arg15[%get3A_935] {strides = array<i32>} : memref<15408xf32, #tpu.memory_space<vmem>>, vector<16xf32>,
            %mul3A_937 = vector.broadcast %squeeze3A_903 : f32 to vector<16xf32>
            %mul3A_938 = arith.mulf %mul3A_937, %get3A_932 : vector<16xf32>
            %max3A_939 = arith.maximumf %get3A_936, %mul3A_938 : vector<16xf32>
            %add3A_940 = arith.constant 16 : i32
            %add3A_941 = arith.addi %mul3A_907, %add3A_940 : i32
            %swap3A_942 = arith.index_cast %add3A_941 : i32 to index
            %swap3A_943 = tpu.vector_load %arg15[%swap3A_942] {strides = array<i32>} : memref<15408xf32, #tpu.memory_space<vmem>>, vector<16xf32>,
            tpu.vector_store %arg15[%swap3A_942], %max3A_939 {strides = array<i32>} : memref<15408xf32, #tpu.memory_space<vmem>>, vector<16xf32>,
            %get3A_944 = arith.constant 1 : i32
            %get3A_945 = arith.index_cast %get3A_944 : i32 to index
            %get3A_946 = arith.index_cast %add3A_911 : i32 to index
            %get3A_947 = arith.constant 32 : index
            %get3A_948 = tpu.vector_load %arg20[%get3A_945, %get3A_946, %get3A_947] {strides = array<i32>} : memref<2x128x48xf32, #tpu.memory_space<vmem>>, vector<16xf32>,
            %add3A_949 = arith.constant 32 : i32
            %add3A_950 = arith.addi %mul3A_907, %add3A_949 : i32
            %get3A_951 = arith.index_cast %add3A_950 : i32 to index
            %get3A_952 = tpu.vector_load %arg15[%get3A_951] {strides = array<i32>} : memref<15408xf32, #tpu.memory_space<vmem>>, vector<16xf32>,
            %mul3A_953 = vector.broadcast %squeeze3A_903 : f32 to vector<16xf32>
            %mul3A_954 = arith.mulf %mul3A_953, %get3A_948 : vector<16xf32>
            %max3A_955 = arith.maximumf %get3A_952, %mul3A_954 : vector<16xf32>
            %add3A_956 = arith.constant 32 : i32
            %add3A_957 = arith.addi %mul3A_907, %add3A_956 : i32
            %swap3A_958 = arith.index_cast %add3A_957 : i32 to index
            %swap3A_959 = tpu.vector_load %arg15[%swap3A_958] {strides = array<i32>} : memref<15408xf32, #tpu.memory_space<vmem>>, vector<16xf32>,
            tpu.vector_store %arg15[%swap3A_958], %max3A_955 {strides = array<i32>} : memref<15408xf32, #tpu.memory_space<vmem>>, vector<16xf32>,
            %slice3A_960 = vector.extract_strided_slice %get3A_263 {offsets = [12], sizes = [1], strides = [1]} : vector<16xf32> to vector<1xf32>
            %squeeze3A_961 = vector.extract %slice3A_960[0] : f32 from vector<1xf32>
            %slice3A_962 = vector.extract_strided_slice %select_n3A_267 {offsets = [12], sizes = [1], strides = [1]} : vector<16xi32> to vector<1xi32>
            %squeeze3A_963 = vector.extract %slice3A_962[0] : i32 from vector<1xi32>
            %mul3A_964 = arith.constant 48 : i32
            %mul3A_965 = arith.muli %squeeze3A_963, %mul3A_964 : i32
            %mul3A_966 = arith.constant 16 : i32
            %mul3A_967 = arith.muli %scan3A_254, %mul3A_966 : i32
            %add3A_968 = arith.constant 12 : i32
            %add3A_969 = arith.addi %mul3A_967, %add3A_968 : i32
            %get3A_970 = arith.constant 1 : i32
            %get3A_971 = arith.index_cast %get3A_970 : i32 to index
            %get3A_972 = arith.index_cast %add3A_969 : i32 to index
            %get3A_973 = arith.constant 0 : index
            %get3A_974 = tpu.vector_load %arg20[%get3A_971, %get3A_972, %get3A_973] {strides = array<i32>} : memref<2x128x48xf32, #tpu.memory_space<vmem>>, vector<16xf32>,
            %add3A_975 = arith.constant 0 : i32
            %add3A_976 = arith.addi %mul3A_965, %add3A_975 : i32
            %get3A_977 = arith.index_cast %add3A_976 : i32 to index
            %get3A_978 = tpu.vector_load %arg15[%get3A_977] {strides = array<i32>} : memref<15408xf32, #tpu.memory_space<vmem>>, vector<16xf32>,
            %mul3A_979 = vector.broadcast %squeeze3A_961 : f32 to vector<16xf32>
            %mul3A_980 = arith.mulf %mul3A_979, %get3A_974 : vector<16xf32>
            %max3A_981 = arith.maximumf %get3A_978, %mul3A_980 : vector<16xf32>
            %add3A_982 = arith.constant 0 : i32
            %add3A_983 = arith.addi %mul3A_965, %add3A_982 : i32
            %swap3A_984 = arith.index_cast %add3A_983 : i32 to index
            %swap3A_985 = tpu.vector_load %arg15[%swap3A_984] {strides = array<i32>} : memref<15408xf32, #tpu.memory_space<vmem>>, vector<16xf32>,
            tpu.vector_store %arg15[%swap3A_984], %max3A_981 {strides = array<i32>} : memref<15408xf32, #tpu.memory_space<vmem>>, vector<16xf32>,
            %get3A_986 = arith.constant 1 : i32
            %get3A_987 = arith.index_cast %get3A_986 : i32 to index
            %get3A_988 = arith.index_cast %add3A_969 : i32 to index
            %get3A_989 = arith.constant 16 : index
            %get3A_990 = tpu.vector_load %arg20[%get3A_987, %get3A_988, %get3A_989] {strides = array<i32>} : memref<2x128x48xf32, #tpu.memory_space<vmem>>, vector<16xf32>,
            %add3A_991 = arith.constant 16 : i32
            %add3A_992 = arith.addi %mul3A_965, %add3A_991 : i32
            %get3A_993 = arith.index_cast %add3A_992 : i32 to index
            %get3A_994 = tpu.vector_load %arg15[%get3A_993] {strides = array<i32>} : memref<15408xf32, #tpu.memory_space<vmem>>, vector<16xf32>,
            %mul3A_995 = vector.broadcast %squeeze3A_961 : f32 to vector<16xf32>
            %mul3A_996 = arith.mulf %mul3A_995, %get3A_990 : vector<16xf32>
            %max3A_997 = arith.maximumf %get3A_994, %mul3A_996 : vector<16xf32>
            %add3A_998 = arith.constant 16 : i32
            %add3A_999 = arith.addi %mul3A_965, %add3A_998 : i32
            %swap3A_1000 = arith.index_cast %add3A_999 : i32 to index
            %swap3A_1001 = tpu.vector_load %arg15[%swap3A_1000] {strides = array<i32>} : memref<15408xf32, #tpu.memory_space<vmem>>, vector<16xf32>,
            tpu.vector_store %arg15[%swap3A_1000], %max3A_997 {strides = array<i32>} : memref<15408xf32, #tpu.memory_space<vmem>>, vector<16xf32>,
            %get3A_1002 = arith.constant 1 : i32
            %get3A_1003 = arith.index_cast %get3A_1002 : i32 to index
            %get3A_1004 = arith.index_cast %add3A_969 : i32 to index
            %get3A_1005 = arith.constant 32 : index
            %get3A_1006 = tpu.vector_load %arg20[%get3A_1003, %get3A_1004, %get3A_1005] {strides = array<i32>} : memref<2x128x48xf32, #tpu.memory_space<vmem>>, vector<16xf32>,
            %add3A_1007 = arith.constant 32 : i32
            %add3A_1008 = arith.addi %mul3A_965, %add3A_1007 : i32
            %get3A_1009 = arith.index_cast %add3A_1008 : i32 to index
            %get3A_1010 = tpu.vector_load %arg15[%get3A_1009] {strides = array<i32>} : memref<15408xf32, #tpu.memory_space<vmem>>, vector<16xf32>,
            %mul3A_1011 = vector.broadcast %squeeze3A_961 : f32 to vector<16xf32>
            %mul3A_1012 = arith.mulf %mul3A_1011, %get3A_1006 : vector<16xf32>
            %max3A_1013 = arith.maximumf %get3A_1010, %mul3A_1012 : vector<16xf32>
            %add3A_1014 = arith.constant 32 : i32
            %add3A_1015 = arith.addi %mul3A_965, %add3A_1014 : i32
            %swap3A_1016 = arith.index_cast %add3A_1015 : i32 to index
            %swap3A_1017 = tpu.vector_load %arg15[%swap3A_1016] {strides = array<i32>} : memref<15408xf32, #tpu.memory_space<vmem>>, vector<16xf32>,
            tpu.vector_store %arg15[%swap3A_1016], %max3A_1013 {strides = array<i32>} : memref<15408xf32, #tpu.memory_space<vmem>>, vector<16xf32>,
            %slice3A_1018 = vector.extract_strided_slice %get3A_263 {offsets = [13], sizes = [1], strides = [1]} : vector<16xf32> to vector<1xf32>
            %squeeze3A_1019 = vector.extract %slice3A_1018[0] : f32 from vector<1xf32>
            %slice3A_1020 = vector.extract_strided_slice %select_n3A_267 {offsets = [13], sizes = [1], strides = [1]} : vector<16xi32> to vector<1xi32>
            %squeeze3A_1021 = vector.extract %slice3A_1020[0] : i32 from vector<1xi32>
            %mul3A_1022 = arith.constant 48 : i32
            %mul3A_1023 = arith.muli %squeeze3A_1021, %mul3A_1022 : i32
            %mul3A_1024 = arith.constant 16 : i32
            %mul3A_1025 = arith.muli %scan3A_254, %mul3A_1024 : i32
            %add3A_1026 = arith.constant 13 : i32
            %add3A_1027 = arith.addi %mul3A_1025, %add3A_1026 : i32
            %get3A_1028 = arith.constant 1 : i32
            %get3A_1029 = arith.index_cast %get3A_1028 : i32 to index
            %get3A_1030 = arith.index_cast %add3A_1027 : i32 to index
            %get3A_1031 = arith.constant 0 : index
            %get3A_1032 = tpu.vector_load %arg20[%get3A_1029, %get3A_1030, %get3A_1031] {strides = array<i32>} : memref<2x128x48xf32, #tpu.memory_space<vmem>>, vector<16xf32>,
            %add3A_1033 = arith.constant 0 : i32
            %add3A_1034 = arith.addi %mul3A_1023, %add3A_1033 : i32
            %get3A_1035 = arith.index_cast %add3A_1034 : i32 to index
            %get3A_1036 = tpu.vector_load %arg15[%get3A_1035] {strides = array<i32>} : memref<15408xf32, #tpu.memory_space<vmem>>, vector<16xf32>,
            %mul3A_1037 = vector.broadcast %squeeze3A_1019 : f32 to vector<16xf32>
            %mul3A_1038 = arith.mulf %mul3A_1037, %get3A_1032 : vector<16xf32>
            %max3A_1039 = arith.maximumf %get3A_1036, %mul3A_1038 : vector<16xf32>
            %add3A_1040 = arith.constant 0 : i32
            %add3A_1041 = arith.addi %mul3A_1023, %add3A_1040 : i32
            %swap3A_1042 = arith.index_cast %add3A_1041 : i32 to index
            %swap3A_1043 = tpu.vector_load %arg15[%swap3A_1042] {strides = array<i32>} : memref<15408xf32, #tpu.memory_space<vmem>>, vector<16xf32>,
            tpu.vector_store %arg15[%swap3A_1042], %max3A_1039 {strides = array<i32>} : memref<15408xf32, #tpu.memory_space<vmem>>, vector<16xf32>,
            %get3A_1044 = arith.constant 1 : i32
            %get3A_1045 = arith.index_cast %get3A_1044 : i32 to index
            %get3A_1046 = arith.index_cast %add3A_1027 : i32 to index
            %get3A_1047 = arith.constant 16 : index
            %get3A_1048 = tpu.vector_load %arg20[%get3A_1045, %get3A_1046, %get3A_1047] {strides = array<i32>} : memref<2x128x48xf32, #tpu.memory_space<vmem>>, vector<16xf32>,
            %add3A_1049 = arith.constant 16 : i32
            %add3A_1050 = arith.addi %mul3A_1023, %add3A_1049 : i32
            %get3A_1051 = arith.index_cast %add3A_1050 : i32 to index
            %get3A_1052 = tpu.vector_load %arg15[%get3A_1051] {strides = array<i32>} : memref<15408xf32, #tpu.memory_space<vmem>>, vector<16xf32>,
            %mul3A_1053 = vector.broadcast %squeeze3A_1019 : f32 to vector<16xf32>
            %mul3A_1054 = arith.mulf %mul3A_1053, %get3A_1048 : vector<16xf32>
            %max3A_1055 = arith.maximumf %get3A_1052, %mul3A_1054 : vector<16xf32>
            %add3A_1056 = arith.constant 16 : i32
            %add3A_1057 = arith.addi %mul3A_1023, %add3A_1056 : i32
            %swap3A_1058 = arith.index_cast %add3A_1057 : i32 to index
            %swap3A_1059 = tpu.vector_load %arg15[%swap3A_1058] {strides = array<i32>} : memref<15408xf32, #tpu.memory_space<vmem>>, vector<16xf32>,
            tpu.vector_store %arg15[%swap3A_1058], %max3A_1055 {strides = array<i32>} : memref<15408xf32, #tpu.memory_space<vmem>>, vector<16xf32>,
            %get3A_1060 = arith.constant 1 : i32
            %get3A_1061 = arith.index_cast %get3A_1060 : i32 to index
            %get3A_1062 = arith.index_cast %add3A_1027 : i32 to index
            %get3A_1063 = arith.constant 32 : index
            %get3A_1064 = tpu.vector_load %arg20[%get3A_1061, %get3A_1062, %get3A_1063] {strides = array<i32>} : memref<2x128x48xf32, #tpu.memory_space<vmem>>, vector<16xf32>,
            %add3A_1065 = arith.constant 32 : i32
            %add3A_1066 = arith.addi %mul3A_1023, %add3A_1065 : i32
            %get3A_1067 = arith.index_cast %add3A_1066 : i32 to index
            %get3A_1068 = tpu.vector_load %arg15[%get3A_1067] {strides = array<i32>} : memref<15408xf32, #tpu.memory_space<vmem>>, vector<16xf32>,
            %mul3A_1069 = vector.broadcast %squeeze3A_1019 : f32 to vector<16xf32>
            %mul3A_1070 = arith.mulf %mul3A_1069, %get3A_1064 : vector<16xf32>
            %max3A_1071 = arith.maximumf %get3A_1068, %mul3A_1070 : vector<16xf32>
            %add3A_1072 = arith.constant 32 : i32
            %add3A_1073 = arith.addi %mul3A_1023, %add3A_1072 : i32
            %swap3A_1074 = arith.index_cast %add3A_1073 : i32 to index
            %swap3A_1075 = tpu.vector_load %arg15[%swap3A_1074] {strides = array<i32>} : memref<15408xf32, #tpu.memory_space<vmem>>, vector<16xf32>,
            tpu.vector_store %arg15[%swap3A_1074], %max3A_1071 {strides = array<i32>} : memref<15408xf32, #tpu.memory_space<vmem>>, vector<16xf32>,
            %slice3A_1076 = vector.extract_strided_slice %get3A_263 {offsets = [14], sizes = [1], strides = [1]} : vector<16xf32> to vector<1xf32>
            %squeeze3A_1077 = vector.extract %slice3A_1076[0] : f32 from vector<1xf32>
            %slice3A_1078 = vector.extract_strided_slice %select_n3A_267 {offsets = [14], sizes = [1], strides = [1]} : vector<16xi32> to vector<1xi32>
            %squeeze3A_1079 = vector.extract %slice3A_1078[0] : i32 from vector<1xi32>
            %mul3A_1080 = arith.constant 48 : i32
            %mul3A_1081 = arith.muli %squeeze3A_1079, %mul3A_1080 : i32
            %mul3A_1082 = arith.constant 16 : i32
            %mul3A_1083 = arith.muli %scan3A_254, %mul3A_1082 : i32
            %add3A_1084 = arith.constant 14 : i32
            %add3A_1085 = arith.addi %mul3A_1083, %add3A_1084 : i32
            %get3A_1086 = arith.constant 1 : i32
            %get3A_1087 = arith.index_cast %get3A_1086 : i32 to index
            %get3A_1088 = arith.index_cast %add3A_1085 : i32 to index
            %get3A_1089 = arith.constant 0 : index
            %get3A_1090 = tpu.vector_load %arg20[%get3A_1087, %get3A_1088, %get3A_1089] {strides = array<i32>} : memref<2x128x48xf32, #tpu.memory_space<vmem>>, vector<16xf32>,
            %add3A_1091 = arith.constant 0 : i32
            %add3A_1092 = arith.addi %mul3A_1081, %add3A_1091 : i32
            %get3A_1093 = arith.index_cast %add3A_1092 : i32 to index
            %get3A_1094 = tpu.vector_load %arg15[%get3A_1093] {strides = array<i32>} : memref<15408xf32, #tpu.memory_space<vmem>>, vector<16xf32>,
            %mul3A_1095 = vector.broadcast %squeeze3A_1077 : f32 to vector<16xf32>
            %mul3A_1096 = arith.mulf %mul3A_1095, %get3A_1090 : vector<16xf32>
            %max3A_1097 = arith.maximumf %get3A_1094, %mul3A_1096 : vector<16xf32>
            %add3A_1098 = arith.constant 0 : i32
            %add3A_1099 = arith.addi %mul3A_1081, %add3A_1098 : i32
            %swap3A_1100 = arith.index_cast %add3A_1099 : i32 to index
            %swap3A_1101 = tpu.vector_load %arg15[%swap3A_1100] {strides = array<i32>} : memref<15408xf32, #tpu.memory_space<vmem>>, vector<16xf32>,
            tpu.vector_store %arg15[%swap3A_1100], %max3A_1097 {strides = array<i32>} : memref<15408xf32, #tpu.memory_space<vmem>>, vector<16xf32>,
            %get3A_1102 = arith.constant 1 : i32
            %get3A_1103 = arith.index_cast %get3A_1102 : i32 to index
            %get3A_1104 = arith.index_cast %add3A_1085 : i32 to index
            %get3A_1105 = arith.constant 16 : index
            %get3A_1106 = tpu.vector_load %arg20[%get3A_1103, %get3A_1104, %get3A_1105] {strides = array<i32>} : memref<2x128x48xf32, #tpu.memory_space<vmem>>, vector<16xf32>,
            %add3A_1107 = arith.constant 16 : i32
            %add3A_1108 = arith.addi %mul3A_1081, %add3A_1107 : i32
            %get3A_1109 = arith.index_cast %add3A_1108 : i32 to index
            %get3A_1110 = tpu.vector_load %arg15[%get3A_1109] {strides = array<i32>} : memref<15408xf32, #tpu.memory_space<vmem>>, vector<16xf32>,
            %mul3A_1111 = vector.broadcast %squeeze3A_1077 : f32 to vector<16xf32>
            %mul3A_1112 = arith.mulf %mul3A_1111, %get3A_1106 : vector<16xf32>
            %max3A_1113 = arith.maximumf %get3A_1110, %mul3A_1112 : vector<16xf32>
            %add3A_1114 = arith.constant 16 : i32
            %add3A_1115 = arith.addi %mul3A_1081, %add3A_1114 : i32
            %swap3A_1116 = arith.index_cast %add3A_1115 : i32 to index
            %swap3A_1117 = tpu.vector_load %arg15[%swap3A_1116] {strides = array<i32>} : memref<15408xf32, #tpu.memory_space<vmem>>, vector<16xf32>,
            tpu.vector_store %arg15[%swap3A_1116], %max3A_1113 {strides = array<i32>} : memref<15408xf32, #tpu.memory_space<vmem>>, vector<16xf32>,
            %get3A_1118 = arith.constant 1 : i32
            %get3A_1119 = arith.index_cast %get3A_1118 : i32 to index
            %get3A_1120 = arith.index_cast %add3A_1085 : i32 to index
            %get3A_1121 = arith.constant 32 : index
            %get3A_1122 = tpu.vector_load %arg20[%get3A_1119, %get3A_1120, %get3A_1121] {strides = array<i32>} : memref<2x128x48xf32, #tpu.memory_space<vmem>>, vector<16xf32>,
            %add3A_1123 = arith.constant 32 : i32
            %add3A_1124 = arith.addi %mul3A_1081, %add3A_1123 : i32
            %get3A_1125 = arith.index_cast %add3A_1124 : i32 to index
            %get3A_1126 = tpu.vector_load %arg15[%get3A_1125] {strides = array<i32>} : memref<15408xf32, #tpu.memory_space<vmem>>, vector<16xf32>,
            %mul3A_1127 = vector.broadcast %squeeze3A_1077 : f32 to vector<16xf32>
            %mul3A_1128 = arith.mulf %mul3A_1127, %get3A_1122 : vector<16xf32>
            %max3A_1129 = arith.maximumf %get3A_1126, %mul3A_1128 : vector<16xf32>
            %add3A_1130 = arith.constant 32 : i32
            %add3A_1131 = arith.addi %mul3A_1081, %add3A_1130 : i32
            %swap3A_1132 = arith.index_cast %add3A_1131 : i32 to index
            %swap3A_1133 = tpu.vector_load %arg15[%swap3A_1132] {strides = array<i32>} : memref<15408xf32, #tpu.memory_space<vmem>>, vector<16xf32>,
            tpu.vector_store %arg15[%swap3A_1132], %max3A_1129 {strides = array<i32>} : memref<15408xf32, #tpu.memory_space<vmem>>, vector<16xf32>,
            %slice3A_1134 = vector.extract_strided_slice %get3A_263 {offsets = [15], sizes = [1], strides = [1]} : vector<16xf32> to vector<1xf32>
            %squeeze3A_1135 = vector.extract %slice3A_1134[0] : f32 from vector<1xf32>
            %slice3A_1136 = vector.extract_strided_slice %select_n3A_267 {offsets = [15], sizes = [1], strides = [1]} : vector<16xi32> to vector<1xi32>
            %squeeze3A_1137 = vector.extract %slice3A_1136[0] : i32 from vector<1xi32>
            %mul3A_1138 = arith.constant 48 : i32
            %mul3A_1139 = arith.muli %squeeze3A_1137, %mul3A_1138 : i32
            %mul3A_1140 = arith.constant 16 : i32
            %mul3A_1141 = arith.muli %scan3A_254, %mul3A_1140 : i32
            %add3A_1142 = arith.constant 15 : i32
            %add3A_1143 = arith.addi %mul3A_1141, %add3A_1142 : i32
            %get3A_1144 = arith.constant 1 : i32
            %get3A_1145 = arith.index_cast %get3A_1144 : i32 to index
            %get3A_1146 = arith.index_cast %add3A_1143 : i32 to index
            %get3A_1147 = arith.constant 0 : index
            %get3A_1148 = tpu.vector_load %arg20[%get3A_1145, %get3A_1146, %get3A_1147] {strides = array<i32>} : memref<2x128x48xf32, #tpu.memory_space<vmem>>, vector<16xf32>,
            %add3A_1149 = arith.constant 0 : i32
            %add3A_1150 = arith.addi %mul3A_1139, %add3A_1149 : i32
            %get3A_1151 = arith.index_cast %add3A_1150 : i32 to index
            %get3A_1152 = tpu.vector_load %arg15[%get3A_1151] {strides = array<i32>} : memref<15408xf32, #tpu.memory_space<vmem>>, vector<16xf32>,
            %mul3A_1153 = vector.broadcast %squeeze3A_1135 : f32 to vector<16xf32>
            %mul3A_1154 = arith.mulf %mul3A_1153, %get3A_1148 : vector<16xf32>
            %max3A_1155 = arith.maximumf %get3A_1152, %mul3A_1154 : vector<16xf32>
            %add3A_1156 = arith.constant 0 : i32
            %add3A_1157 = arith.addi %mul3A_1139, %add3A_1156 : i32
            %swap3A_1158 = arith.index_cast %add3A_1157 : i32 to index
            %swap3A_1159 = tpu.vector_load %arg15[%swap3A_1158] {strides = array<i32>} : memref<15408xf32, #tpu.memory_space<vmem>>, vector<16xf32>,
            tpu.vector_store %arg15[%swap3A_1158], %max3A_1155 {strides = array<i32>} : memref<15408xf32, #tpu.memory_space<vmem>>, vector<16xf32>,
            %get3A_1160 = arith.constant 1 : i32
            %get3A_1161 = arith.index_cast %get3A_1160 : i32 to index
            %get3A_1162 = arith.index_cast %add3A_1143 : i32 to index
            %get3A_1163 = arith.constant 16 : index
            %get3A_1164 = tpu.vector_load %arg20[%get3A_1161, %get3A_1162, %get3A_1163] {strides = array<i32>} : memref<2x128x48xf32, #tpu.memory_space<vmem>>, vector<16xf32>,
            %add3A_1165 = arith.constant 16 : i32
            %add3A_1166 = arith.addi %mul3A_1139, %add3A_1165 : i32
            %get3A_1167 = arith.index_cast %add3A_1166 : i32 to index
            %get3A_1168 = tpu.vector_load %arg15[%get3A_1167] {strides = array<i32>} : memref<15408xf32, #tpu.memory_space<vmem>>, vector<16xf32>,
            %mul3A_1169 = vector.broadcast %squeeze3A_1135 : f32 to vector<16xf32>
            %mul3A_1170 = arith.mulf %mul3A_1169, %get3A_1164 : vector<16xf32>
            %max3A_1171 = arith.maximumf %get3A_1168, %mul3A_1170 : vector<16xf32>
            %add3A_1172 = arith.constant 16 : i32
            %add3A_1173 = arith.addi %mul3A_1139, %add3A_1172 : i32
            %swap3A_1174 = arith.index_cast %add3A_1173 : i32 to index
            %swap3A_1175 = tpu.vector_load %arg15[%swap3A_1174] {strides = array<i32>} : memref<15408xf32, #tpu.memory_space<vmem>>, vector<16xf32>,
            tpu.vector_store %arg15[%swap3A_1174], %max3A_1171 {strides = array<i32>} : memref<15408xf32, #tpu.memory_space<vmem>>, vector<16xf32>,
            %get3A_1176 = arith.constant 1 : i32
            %get3A_1177 = arith.index_cast %get3A_1176 : i32 to index
            %get3A_1178 = arith.index_cast %add3A_1143 : i32 to index
            %get3A_1179 = arith.constant 32 : index
            %get3A_1180 = tpu.vector_load %arg20[%get3A_1177, %get3A_1178, %get3A_1179] {strides = array<i32>} : memref<2x128x48xf32, #tpu.memory_space<vmem>>, vector<16xf32>,
            %add3A_1181 = arith.constant 32 : i32
            %add3A_1182 = arith.addi %mul3A_1139, %add3A_1181 : i32
            %get3A_1183 = arith.index_cast %add3A_1182 : i32 to index
            %get3A_1184 = tpu.vector_load %arg15[%get3A_1183] {strides = array<i32>} : memref<15408xf32, #tpu.memory_space<vmem>>, vector<16xf32>,
            %mul3A_1185 = vector.broadcast %squeeze3A_1135 : f32 to vector<16xf32>
            %mul3A_1186 = arith.mulf %mul3A_1185, %get3A_1180 : vector<16xf32>
            %max3A_1187 = arith.maximumf %get3A_1184, %mul3A_1186 : vector<16xf32>
            %add3A_1188 = arith.constant 32 : i32
            %add3A_1189 = arith.addi %mul3A_1139, %add3A_1188 : i32
            %swap3A_1190 = arith.index_cast %add3A_1189 : i32 to index
            %swap3A_1191 = tpu.vector_load %arg15[%swap3A_1190] {strides = array<i32>} : memref<15408xf32, #tpu.memory_space<vmem>>, vector<16xf32>,
            tpu.vector_store %arg15[%swap3A_1190], %max3A_1187 {strides = array<i32>} : memref<15408xf32, #tpu.memory_space<vmem>>, vector<16xf32>,
            %scan3A_1192 = arith.constant 0 : i32
            scf.yield %scan3A_1192 : i32
          }
          %scan3A_253 = arith.constant 8 : i32
        } else {
        }
        %while3A_232 = arith.constant 0 : i32
        scf.yield %while3A_232 : i32
      }
      %while3A_149 = arith.constant 1 : i32
      %while3A_150 = scf.for %while3A_181 = %while3A_146 to %while3A_142 step %while3A_149 iter_args(%while3A_182 = %while3A_148) -> (i32)  : i32 {
        %mul3A_183 = arith.constant 2 : i32
        %mul3A_184 = arith.muli %while3A_181, %mul3A_183 : i32
        %add3A_185 = arith.constant 1 : i32
        %add3A_186 = arith.addi %mul3A_184, %add3A_185 : i32
        %scan3A_187 = arith.constant 0 : i32
        %scan3A_188 = arith.constant 0 : i32
        %scan3A_189 = arith.constant 8 : i32
        %scan3A_190 = arith.addi %scan3A_188, %scan3A_189 : i32
        %scan3A_191 = arith.constant 1 : i32
        %scan3A_192 = scf.for %scan3A_233 = %scan3A_188 to %scan3A_190 step %scan3A_191 iter_args(%scan3A_234 = %scan3A_187) -> (i32)  : i32 {
          %mul3A_235 = arith.constant 128 : i32
          %mul3A_236 = arith.muli %mul3A_184, %mul3A_235 : i32
          %mul3A_237 = arith.constant 16 : i32
          %mul3A_238 = arith.muli %scan3A_233, %mul3A_237 : i32
          %add3A_239 = arith.addi %mul3A_236, %mul3A_238 : i32
          %get3A = arith.index_cast %add3A_239 : i32 to index
          %get3A_240 = tpu.vector_load %arg9[%get3A] {strides = array<i32>} : memref<23040xi32, #tpu.memory_space<vmem>>, vector<16xi32>,
          %mul3A_241 = arith.constant 5 : i32
          %mul3A_242 = vector.broadcast %mul3A_241 : i32 to vector<16xi32>
          %mul3A_243 = arith.muli %get3A_240, %mul3A_242 : vector<16xi32>
          %add3A_244 = vector.broadcast %scan3A_41 : i32 to vector<16xi32>
          %add3A_245 = arith.addi %mul3A_243, %add3A_244 : vector<16xi32>
          %mul3A_246 = arith.constant 16 : i32
          %mul3A_247 = arith.muli %scan3A_233, %mul3A_246 : i32
          %swap3A = arith.constant 0 : i32
          %swap3A_248 = arith.index_cast %swap3A : i32 to index
          %swap3A_249 = arith.index_cast %mul3A_247 : i32 to index
          %swap3A_250 = tpu.vector_load %arg19[%swap3A_248, %swap3A_249] {strides = array<i32>} : memref<2x128xi32, #tpu.memory_space<vmem>>, vector<16xi32>,
          tpu.vector_store %arg19[%swap3A_248, %swap3A_249], %add3A_245 {strides = array<i32>} : memref<2x128xi32, #tpu.memory_space<vmem>>, vector<16xi32>,
          %scan3A_251 = arith.constant 0 : i32
          scf.yield %scan3A_251 : i32
        }
        %scan3A_193 = arith.constant 8 : i32
        %dma_start3A = arith.constant 0 : i32
        %dma_start3A_194 = arith.constant 0 : i32
        %dma_start3A_195 = arith.constant 0 : i32
        %dma_start3A_196 = arith.constant 0 : i32
        %dma_start3A_197 = tpu.memref_slice %arg20[%dma_start3A_194, %dma_start3A_195, %dma_start3A_196] : memref<2x128x48xf32, #tpu.memory_space<vmem>> -> memref<1x128x48xf32, #tpu.memory_space<vmem>>
        %dma_start3A_198 = tpu.memref_squeeze %dma_start3A_197 : memref<1x128x48xf32, #tpu.memory_space<vmem>> -> memref<128x48xf32, #tpu.memory_space<vmem>>
        %dma_start3A_199 = arith.constant 0 : i32
        %dma_start3A_200 = tpu.memref_slice %arg19[%dma_start3A, %dma_start3A_199] : memref<2x128xi32, #tpu.memory_space<vmem>> -> memref<1x128xi32, #tpu.memory_space<vmem>>
        %dma_start3A_201 = tpu.memref_squeeze %dma_start3A_200 : memref<1x128xi32, #tpu.memory_space<vmem>> -> memref<128xi32, #tpu.memory_space<vmem>>
        %dma_start3A_202 = arith.constant 0 : i32
        %dma_start3A_203 = arith.constant 0 : i32
        %dma_start3A_204 = tpu.memref_slice %arg2[%dma_start3A_202, %dma_start3A_203] : memref<50000x48xf32, #tpu.memory_space<hbm>> -> memref<50000x48xf32, #tpu.memory_space<hbm>>
        tpu.enqueue_indirect_dma source(%dma_start3A_204 : memref<50000x48xf32, #tpu.memory_space<hbm>>) target(%dma_start3A_198 : memref<128x48xf32, #tpu.memory_space<vmem>>) offsets(%dma_start3A_201 : memref<128xi32, #tpu.memory_space<vmem>>) semaphore(%arg22 : memref<!tpu.dma_semaphore, #tpu.memory_space<semaphore_mem>>)
        %lt3A = arith.cmpi slt, %add3A_186, %select_n3A_112 : i32
        %convert_element_type3A_205 = arith.extui %lt3A : i1 to i32
        %cond3A_206 = arith.constant 0 : i32
        %cond3A_207 = arith.cmpi ne, %convert_element_type3A_205, %cond3A_206 : i32
        scf.if %cond3A_207 {
          %scan3A_233 = arith.constant 0 : i32
          %scan3A_234 = arith.constant 0 : i32
          %scan3A_235 = arith.constant 8 : i32
          %scan3A_236 = arith.addi %scan3A_234, %scan3A_235 : i32
          %scan3A_237 = arith.constant 1 : i32
          %scan3A_238 = scf.for %scan3A_252 = %scan3A_234 to %scan3A_236 step %scan3A_237 iter_args(%scan3A_253 = %scan3A_233) -> (i32)  : i32 {
            %mul3A_254 = arith.constant 128 : i32
            %mul3A_255 = arith.muli %add3A_186, %mul3A_254 : i32
            %mul3A_256 = arith.constant 16 : i32
            %mul3A_257 = arith.muli %scan3A_252, %mul3A_256 : i32
            %add3A_258 = arith.addi %mul3A_255, %mul3A_257 : i32
            %get3A = arith.index_cast %add3A_258 : i32 to index
            %get3A_259 = tpu.vector_load %arg9[%get3A] {strides = array<i32>} : memref<23040xi32, #tpu.memory_space<vmem>>, vector<16xi32>,
            %mul3A_260 = arith.constant 5 : i32
            %mul3A_261 = vector.broadcast %mul3A_260 : i32 to vector<16xi32>
            %mul3A_262 = arith.muli %get3A_259, %mul3A_261 : vector<16xi32>
            %add3A_263 = vector.broadcast %scan3A_41 : i32 to vector<16xi32>
            %add3A_264 = arith.addi %mul3A_262, %add3A_263 : vector<16xi32>
            %mul3A_265 = arith.constant 16 : i32
            %mul3A_266 = arith.muli %scan3A_252, %mul3A_265 : i32
            %swap3A = arith.constant 1 : i32
            %swap3A_267 = arith.index_cast %swap3A : i32 to index
            %swap3A_268 = arith.index_cast %mul3A_266 : i32 to index
            %swap3A_269 = tpu.vector_load %arg19[%swap3A_267, %swap3A_268] {strides = array<i32>} : memref<2x128xi32, #tpu.memory_space<vmem>>, vector<16xi32>,
            tpu.vector_store %arg19[%swap3A_267, %swap3A_268], %add3A_264 {strides = array<i32>} : memref<2x128xi32, #tpu.memory_space<vmem>>, vector<16xi32>,
            %scan3A_270 = arith.constant 0 : i32
            scf.yield %scan3A_270 : i32
          }
          %scan3A_239 = arith.constant 8 : i32
          %dma_start3A_240 = arith.constant 1 : i32
          %dma_start3A_241 = arith.constant 1 : i32
          %dma_start3A_242 = arith.constant 0 : i32
          %dma_start3A_243 = arith.constant 0 : i32
          %dma_start3A_244 = tpu.memref_slice %arg20[%dma_start3A_241, %dma_start3A_242, %dma_start3A_243] : memref<2x128x48xf32, #tpu.memory_space<vmem>> -> memref<1x128x48xf32, #tpu.memory_space<vmem>>
          %dma_start3A_245 = tpu.memref_squeeze %dma_start3A_244 : memref<1x128x48xf32, #tpu.memory_space<vmem>> -> memref<128x48xf32, #tpu.memory_space<vmem>>
          %dma_start3A_246 = arith.constant 0 : i32
          %dma_start3A_247 = tpu.memref_slice %arg19[%dma_start3A_240, %dma_start3A_246] : memref<2x128xi32, #tpu.memory_space<vmem>> -> memref<1x128xi32, #tpu.memory_space<vmem>>
          %dma_start3A_248 = tpu.memref_squeeze %dma_start3A_247 : memref<1x128xi32, #tpu.memory_space<vmem>> -> memref<128xi32, #tpu.memory_space<vmem>>
          %dma_start3A_249 = arith.constant 0 : i32
          %dma_start3A_250 = arith.constant 0 : i32
          %dma_start3A_251 = tpu.memref_slice %arg2[%dma_start3A_249, %dma_start3A_250] : memref<50000x48xf32, #tpu.memory_space<hbm>> -> memref<50000x48xf32, #tpu.memory_space<hbm>>
          tpu.enqueue_indirect_dma source(%dma_start3A_251 : memref<50000x48xf32, #tpu.memory_space<hbm>>) target(%dma_start3A_245 : memref<128x48xf32, #tpu.memory_space<vmem>>) offsets(%dma_start3A_248 : memref<128xi32, #tpu.memory_space<vmem>>) semaphore(%arg23 : memref<!tpu.dma_semaphore, #tpu.memory_space<semaphore_mem>>)
        } else {
        }
        %dma_wait3A = arith.constant 0 : i32
        %dma_wait3A_208 = arith.constant 0 : i32
        %dma_wait3A_209 = arith.constant 0 : i32
        %dma_wait3A_210 = arith.constant 0 : i32
        %dma_wait3A_211 = tpu.memref_slice %arg20[%dma_wait3A_208, %dma_wait3A_209, %dma_wait3A_210] : memref<2x128x48xf32, #tpu.memory_space<vmem>> -> memref<1x128x48xf32, #tpu.memory_space<vmem>>
        %dma_wait3A_212 = tpu.memref_squeeze %dma_wait3A_211 : memref<1x128x48xf32, #tpu.memory_space<vmem>> -> memref<128x48xf32, #tpu.memory_space<vmem>>
        %dma_wait3A_213 = arith.constant 0 : i32
        %dma_wait3A_214 = tpu.memref_slice %arg19[%dma_wait3A, %dma_wait3A_213] : memref<2x128xi32, #tpu.memory_space<vmem>> -> memref<1x128xi32, #tpu.memory_space<vmem>>
        %dma_wait3A_215 = tpu.memref_squeeze %dma_wait3A_214 : memref<1x128xi32, #tpu.memory_space<vmem>> -> memref<128xi32, #tpu.memory_space<vmem>>
        %dma_wait3A_216 = arith.constant 0 : i32
        %dma_wait3A_217 = arith.constant 0 : i32
        %dma_wait3A_218 = tpu.memref_slice %arg2[%dma_wait3A_216, %dma_wait3A_217] : memref<50000x48xf32, #tpu.memory_space<hbm>> -> memref<50000x48xf32, #tpu.memory_space<hbm>>
        tpu.wait_indirect_dma semaphore(%arg22 : memref<!tpu.dma_semaphore, #tpu.memory_space<semaphore_mem>>) src(%dma_wait3A_218 : memref<50000x48xf32, #tpu.memory_space<hbm>>) dst(%dma_wait3A_212 : memref<128x48xf32, #tpu.memory_space<vmem>>)
        %mul3A_219 = arith.constant 128 : i32
        %mul3A_220 = arith.muli %mul3A_184, %mul3A_219 : i32
        %scan3A_221 = arith.constant 0 : i32
        %scan3A_222 = arith.constant 0 : i32
        %scan3A_223 = arith.constant 8 : i32
        %scan3A_224 = arith.addi %scan3A_222, %scan3A_223 : i32
        %scan3A_225 = arith.constant 1 : i32
        %scan3A_226 = scf.for %scan3A_233 = %scan3A_222 to %scan3A_224 step %scan3A_225 iter_args(%scan3A_234 = %scan3A_221) -> (i32)  : i32 {
          %mul3A_235 = arith.constant 16 : i32
          %mul3A_236 = arith.muli %scan3A_233, %mul3A_235 : i32
          %add3A_237 = arith.addi %mul3A_220, %mul3A_236 : i32
          %add3A_238 = vector.broadcast %add3A_237 : i32 to vector<16xi32>
          %add3A_239 = arith.addi %add3A_238, %iota3A : vector<16xi32>
          %lt3A_240 = vector.broadcast %scan3A_14 : i32 to vector<16xi32>
          %lt3A_241 = arith.cmpi slt, %add3A_239, %lt3A_240 : vector<16xi32>
          %get3A = arith.index_cast %add3A_237 : i32 to index
          %get3A_242 = tpu.vector_load %arg11[%get3A] {strides = array<i32>} : memref<23040xf32, #tpu.memory_space<vmem>>, vector<16xf32>,
          %get3A_243 = arith.index_cast %add3A_237 : i32 to index
          %get3A_244 = tpu.vector_load %arg10[%get3A_243] {strides = array<i32>} : memref<23040xi32, #tpu.memory_space<vmem>>, vector<16xi32>,
          %jit3A_245 = arith.constant 320 : i32
          %broadcast_in_dim3A = vector.broadcast %jit3A_245 : i32 to vector<16xi32>
          %select_n3A_246 = arith.select %lt3A_241, %get3A_244, %broadcast_in_dim3A : vector<16xi1>, vector<16xi32>
          %slice3A = vector.extract_strided_slice %get3A_242 {offsets = [0], sizes = [1], strides = [1]} : vector<16xf32> to vector<1xf32>
          %squeeze3A = vector.extract %slice3A[0] : f32 from vector<1xf32>
          %slice3A_247 = vector.extract_strided_slice %select_n3A_246 {offsets = [0], sizes = [1], strides = [1]} : vector<16xi32> to vector<1xi32>
          %squeeze3A_248 = vector.extract %slice3A_247[0] : i32 from vector<1xi32>
          %mul3A_249 = arith.constant 48 : i32
          %mul3A_250 = arith.muli %squeeze3A_248, %mul3A_249 : i32
          %mul3A_251 = arith.constant 16 : i32
          %mul3A_252 = arith.muli %scan3A_233, %mul3A_251 : i32
          %add3A_253 = arith.constant 0 : i32
          %add3A_254 = arith.addi %mul3A_252, %add3A_253 : i32
          %get3A_255 = arith.constant 0 : i32
          %get3A_256 = arith.index_cast %get3A_255 : i32 to index
          %get3A_257 = arith.index_cast %add3A_254 : i32 to index
          %get3A_258 = arith.constant 0 : index
          %get3A_259 = tpu.vector_load %arg20[%get3A_256, %get3A_257, %get3A_258] {strides = array<i32>} : memref<2x128x48xf32, #tpu.memory_space<vmem>>, vector<16xf32>,
          %add3A_260 = arith.constant 0 : i32
          %add3A_261 = arith.addi %mul3A_250, %add3A_260 : i32
          %get3A_262 = arith.index_cast %add3A_261 : i32 to index
          %get3A_263 = tpu.vector_load %arg15[%get3A_262] {strides = array<i32>} : memref<15408xf32, #tpu.memory_space<vmem>>, vector<16xf32>,
          %mul3A_264 = vector.broadcast %squeeze3A : f32 to vector<16xf32>
          %mul3A_265 = arith.mulf %mul3A_264, %get3A_259 : vector<16xf32>
          %max3A = arith.maximumf %get3A_263, %mul3A_265 : vector<16xf32>
          %add3A_266 = arith.constant 0 : i32
          %add3A_267 = arith.addi %mul3A_250, %add3A_266 : i32
          %swap3A = arith.index_cast %add3A_267 : i32 to index
          %swap3A_268 = tpu.vector_load %arg15[%swap3A] {strides = array<i32>} : memref<15408xf32, #tpu.memory_space<vmem>>, vector<16xf32>,
          tpu.vector_store %arg15[%swap3A], %max3A {strides = array<i32>} : memref<15408xf32, #tpu.memory_space<vmem>>, vector<16xf32>,
          %get3A_269 = arith.constant 0 : i32
          %get3A_270 = arith.index_cast %get3A_269 : i32 to index
          %get3A_271 = arith.index_cast %add3A_254 : i32 to index
          %get3A_272 = arith.constant 16 : index
          %get3A_273 = tpu.vector_load %arg20[%get3A_270, %get3A_271, %get3A_272] {strides = array<i32>} : memref<2x128x48xf32, #tpu.memory_space<vmem>>, vector<16xf32>,
          %add3A_274 = arith.constant 16 : i32
          %add3A_275 = arith.addi %mul3A_250, %add3A_274 : i32
          %get3A_276 = arith.index_cast %add3A_275 : i32 to index
          %get3A_277 = tpu.vector_load %arg15[%get3A_276] {strides = array<i32>} : memref<15408xf32, #tpu.memory_space<vmem>>, vector<16xf32>,
          %mul3A_278 = vector.broadcast %squeeze3A : f32 to vector<16xf32>
          %mul3A_279 = arith.mulf %mul3A_278, %get3A_273 : vector<16xf32>
          %max3A_280 = arith.maximumf %get3A_277, %mul3A_279 : vector<16xf32>
          %add3A_281 = arith.constant 16 : i32
          %add3A_282 = arith.addi %mul3A_250, %add3A_281 : i32
          %swap3A_283 = arith.index_cast %add3A_282 : i32 to index
          %swap3A_284 = tpu.vector_load %arg15[%swap3A_283] {strides = array<i32>} : memref<15408xf32, #tpu.memory_space<vmem>>, vector<16xf32>,
          tpu.vector_store %arg15[%swap3A_283], %max3A_280 {strides = array<i32>} : memref<15408xf32, #tpu.memory_space<vmem>>, vector<16xf32>,
          %get3A_285 = arith.constant 0 : i32
          %get3A_286 = arith.index_cast %get3A_285 : i32 to index
          %get3A_287 = arith.index_cast %add3A_254 : i32 to index
          %get3A_288 = arith.constant 32 : index
          %get3A_289 = tpu.vector_load %arg20[%get3A_286, %get3A_287, %get3A_288] {strides = array<i32>} : memref<2x128x48xf32, #tpu.memory_space<vmem>>, vector<16xf32>,
          %add3A_290 = arith.constant 32 : i32
          %add3A_291 = arith.addi %mul3A_250, %add3A_290 : i32
          %get3A_292 = arith.index_cast %add3A_291 : i32 to index
          %get3A_293 = tpu.vector_load %arg15[%get3A_292] {strides = array<i32>} : memref<15408xf32, #tpu.memory_space<vmem>>, vector<16xf32>,
          %mul3A_294 = vector.broadcast %squeeze3A : f32 to vector<16xf32>
          %mul3A_295 = arith.mulf %mul3A_294, %get3A_289 : vector<16xf32>
          %max3A_296 = arith.maximumf %get3A_293, %mul3A_295 : vector<16xf32>
          %add3A_297 = arith.constant 32 : i32
          %add3A_298 = arith.addi %mul3A_250, %add3A_297 : i32
          %swap3A_299 = arith.index_cast %add3A_298 : i32 to index
          %swap3A_300 = tpu.vector_load %arg15[%swap3A_299] {strides = array<i32>} : memref<15408xf32, #tpu.memory_space<vmem>>, vector<16xf32>,
          tpu.vector_store %arg15[%swap3A_299], %max3A_296 {strides = array<i32>} : memref<15408xf32, #tpu.memory_space<vmem>>, vector<16xf32>,
          %slice3A_301 = vector.extract_strided_slice %get3A_242 {offsets = [1], sizes = [1], strides = [1]} : vector<16xf32> to vector<1xf32>
          %squeeze3A_302 = vector.extract %slice3A_301[0] : f32 from vector<1xf32>
          %slice3A_303 = vector.extract_strided_slice %select_n3A_246 {offsets = [1], sizes = [1], strides = [1]} : vector<16xi32> to vector<1xi32>
          %squeeze3A_304 = vector.extract %slice3A_303[0] : i32 from vector<1xi32>
          %mul3A_305 = arith.constant 48 : i32
          %mul3A_306 = arith.muli %squeeze3A_304, %mul3A_305 : i32
          %mul3A_307 = arith.constant 16 : i32
          %mul3A_308 = arith.muli %scan3A_233, %mul3A_307 : i32
          %add3A_309 = arith.constant 1 : i32
          %add3A_310 = arith.addi %mul3A_308, %add3A_309 : i32
          %get3A_311 = arith.constant 0 : i32
          %get3A_312 = arith.index_cast %get3A_311 : i32 to index
          %get3A_313 = arith.index_cast %add3A_310 : i32 to index
          %get3A_314 = arith.constant 0 : index
          %get3A_315 = tpu.vector_load %arg20[%get3A_312, %get3A_313, %get3A_314] {strides = array<i32>} : memref<2x128x48xf32, #tpu.memory_space<vmem>>, vector<16xf32>,
          %add3A_316 = arith.constant 0 : i32
          %add3A_317 = arith.addi %mul3A_306, %add3A_316 : i32
          %get3A_318 = arith.index_cast %add3A_317 : i32 to index
          %get3A_319 = tpu.vector_load %arg15[%get3A_318] {strides = array<i32>} : memref<15408xf32, #tpu.memory_space<vmem>>, vector<16xf32>,
          %mul3A_320 = vector.broadcast %squeeze3A_302 : f32 to vector<16xf32>
          %mul3A_321 = arith.mulf %mul3A_320, %get3A_315 : vector<16xf32>
          %max3A_322 = arith.maximumf %get3A_319, %mul3A_321 : vector<16xf32>
          %add3A_323 = arith.constant 0 : i32
          %add3A_324 = arith.addi %mul3A_306, %add3A_323 : i32
          %swap3A_325 = arith.index_cast %add3A_324 : i32 to index
          %swap3A_326 = tpu.vector_load %arg15[%swap3A_325] {strides = array<i32>} : memref<15408xf32, #tpu.memory_space<vmem>>, vector<16xf32>,
          tpu.vector_store %arg15[%swap3A_325], %max3A_322 {strides = array<i32>} : memref<15408xf32, #tpu.memory_space<vmem>>, vector<16xf32>,
          %get3A_327 = arith.constant 0 : i32
          %get3A_328 = arith.index_cast %get3A_327 : i32 to index
          %get3A_329 = arith.index_cast %add3A_310 : i32 to index
          %get3A_330 = arith.constant 16 : index
          %get3A_331 = tpu.vector_load %arg20[%get3A_328, %get3A_329, %get3A_330] {strides = array<i32>} : memref<2x128x48xf32, #tpu.memory_space<vmem>>, vector<16xf32>,
          %add3A_332 = arith.constant 16 : i32
          %add3A_333 = arith.addi %mul3A_306, %add3A_332 : i32
          %get3A_334 = arith.index_cast %add3A_333 : i32 to index
          %get3A_335 = tpu.vector_load %arg15[%get3A_334] {strides = array<i32>} : memref<15408xf32, #tpu.memory_space<vmem>>, vector<16xf32>,
          %mul3A_336 = vector.broadcast %squeeze3A_302 : f32 to vector<16xf32>
          %mul3A_337 = arith.mulf %mul3A_336, %get3A_331 : vector<16xf32>
          %max3A_338 = arith.maximumf %get3A_335, %mul3A_337 : vector<16xf32>
          %add3A_339 = arith.constant 16 : i32
          %add3A_340 = arith.addi %mul3A_306, %add3A_339 : i32
          %swap3A_341 = arith.index_cast %add3A_340 : i32 to index
          %swap3A_342 = tpu.vector_load %arg15[%swap3A_341] {strides = array<i32>} : memref<15408xf32, #tpu.memory_space<vmem>>, vector<16xf32>,
          tpu.vector_store %arg15[%swap3A_341], %max3A_338 {strides = array<i32>} : memref<15408xf32, #tpu.memory_space<vmem>>, vector<16xf32>,
          %get3A_343 = arith.constant 0 : i32
          %get3A_344 = arith.index_cast %get3A_343 : i32 to index
          %get3A_345 = arith.index_cast %add3A_310 : i32 to index
          %get3A_346 = arith.constant 32 : index
          %get3A_347 = tpu.vector_load %arg20[%get3A_344, %get3A_345, %get3A_346] {strides = array<i32>} : memref<2x128x48xf32, #tpu.memory_space<vmem>>, vector<16xf32>,
          %add3A_348 = arith.constant 32 : i32
          %add3A_349 = arith.addi %mul3A_306, %add3A_348 : i32
          %get3A_350 = arith.index_cast %add3A_349 : i32 to index
          %get3A_351 = tpu.vector_load %arg15[%get3A_350] {strides = array<i32>} : memref<15408xf32, #tpu.memory_space<vmem>>, vector<16xf32>,
          %mul3A_352 = vector.broadcast %squeeze3A_302 : f32 to vector<16xf32>
          %mul3A_353 = arith.mulf %mul3A_352, %get3A_347 : vector<16xf32>
          %max3A_354 = arith.maximumf %get3A_351, %mul3A_353 : vector<16xf32>
          %add3A_355 = arith.constant 32 : i32
          %add3A_356 = arith.addi %mul3A_306, %add3A_355 : i32
          %swap3A_357 = arith.index_cast %add3A_356 : i32 to index
          %swap3A_358 = tpu.vector_load %arg15[%swap3A_357] {strides = array<i32>} : memref<15408xf32, #tpu.memory_space<vmem>>, vector<16xf32>,
          tpu.vector_store %arg15[%swap3A_357], %max3A_354 {strides = array<i32>} : memref<15408xf32, #tpu.memory_space<vmem>>, vector<16xf32>,
          %slice3A_359 = vector.extract_strided_slice %get3A_242 {offsets = [2], sizes = [1], strides = [1]} : vector<16xf32> to vector<1xf32>
          %squeeze3A_360 = vector.extract %slice3A_359[0] : f32 from vector<1xf32>
          %slice3A_361 = vector.extract_strided_slice %select_n3A_246 {offsets = [2], sizes = [1], strides = [1]} : vector<16xi32> to vector<1xi32>
          %squeeze3A_362 = vector.extract %slice3A_361[0] : i32 from vector<1xi32>
          %mul3A_363 = arith.constant 48 : i32
          %mul3A_364 = arith.muli %squeeze3A_362, %mul3A_363 : i32
          %mul3A_365 = arith.constant 16 : i32
          %mul3A_366 = arith.muli %scan3A_233, %mul3A_365 : i32
          %add3A_367 = arith.constant 2 : i32
          %add3A_368 = arith.addi %mul3A_366, %add3A_367 : i32
          %get3A_369 = arith.constant 0 : i32
          %get3A_370 = arith.index_cast %get3A_369 : i32 to index
          %get3A_371 = arith.index_cast %add3A_368 : i32 to index
          %get3A_372 = arith.constant 0 : index
          %get3A_373 = tpu.vector_load %arg20[%get3A_370, %get3A_371, %get3A_372] {strides = array<i32>} : memref<2x128x48xf32, #tpu.memory_space<vmem>>, vector<16xf32>,
          %add3A_374 = arith.constant 0 : i32
          %add3A_375 = arith.addi %mul3A_364, %add3A_374 : i32
          %get3A_376 = arith.index_cast %add3A_375 : i32 to index
          %get3A_377 = tpu.vector_load %arg15[%get3A_376] {strides = array<i32>} : memref<15408xf32, #tpu.memory_space<vmem>>, vector<16xf32>,
          %mul3A_378 = vector.broadcast %squeeze3A_360 : f32 to vector<16xf32>
          %mul3A_379 = arith.mulf %mul3A_378, %get3A_373 : vector<16xf32>
          %max3A_380 = arith.maximumf %get3A_377, %mul3A_379 : vector<16xf32>
          %add3A_381 = arith.constant 0 : i32
          %add3A_382 = arith.addi %mul3A_364, %add3A_381 : i32
          %swap3A_383 = arith.index_cast %add3A_382 : i32 to index
          %swap3A_384 = tpu.vector_load %arg15[%swap3A_383] {strides = array<i32>} : memref<15408xf32, #tpu.memory_space<vmem>>, vector<16xf32>,
          tpu.vector_store %arg15[%swap3A_383], %max3A_380 {strides = array<i32>} : memref<15408xf32, #tpu.memory_space<vmem>>, vector<16xf32>,
          %get3A_385 = arith.constant 0 : i32
          %get3A_386 = arith.index_cast %get3A_385 : i32 to index
          %get3A_387 = arith.index_cast %add3A_368 : i32 to index
          %get3A_388 = arith.constant 16 : index
          %get3A_389 = tpu.vector_load %arg20[%get3A_386, %get3A_387, %get3A_388] {strides = array<i32>} : memref<2x128x48xf32, #tpu.memory_space<vmem>>, vector<16xf32>,
          %add3A_390 = arith.constant 16 : i32
          %add3A_391 = arith.addi %mul3A_364, %add3A_390 : i32
          %get3A_392 = arith.index_cast %add3A_391 : i32 to index
          %get3A_393 = tpu.vector_load %arg15[%get3A_392] {strides = array<i32>} : memref<15408xf32, #tpu.memory_space<vmem>>, vector<16xf32>,
          %mul3A_394 = vector.broadcast %squeeze3A_360 : f32 to vector<16xf32>
          %mul3A_395 = arith.mulf %mul3A_394, %get3A_389 : vector<16xf32>
          %max3A_396 = arith.maximumf %get3A_393, %mul3A_395 : vector<16xf32>
          %add3A_397 = arith.constant 16 : i32
          %add3A_398 = arith.addi %mul3A_364, %add3A_397 : i32
          %swap3A_399 = arith.index_cast %add3A_398 : i32 to index
          %swap3A_400 = tpu.vector_load %arg15[%swap3A_399] {strides = array<i32>} : memref<15408xf32, #tpu.memory_space<vmem>>, vector<16xf32>,
          tpu.vector_store %arg15[%swap3A_399], %max3A_396 {strides = array<i32>} : memref<15408xf32, #tpu.memory_space<vmem>>, vector<16xf32>,
          %get3A_401 = arith.constant 0 : i32
          %get3A_402 = arith.index_cast %get3A_401 : i32 to index
          %get3A_403 = arith.index_cast %add3A_368 : i32 to index
          %get3A_404 = arith.constant 32 : index
          %get3A_405 = tpu.vector_load %arg20[%get3A_402, %get3A_403, %get3A_404] {strides = array<i32>} : memref<2x128x48xf32, #tpu.memory_space<vmem>>, vector<16xf32>,
          %add3A_406 = arith.constant 32 : i32
          %add3A_407 = arith.addi %mul3A_364, %add3A_406 : i32
          %get3A_408 = arith.index_cast %add3A_407 : i32 to index
          %get3A_409 = tpu.vector_load %arg15[%get3A_408] {strides = array<i32>} : memref<15408xf32, #tpu.memory_space<vmem>>, vector<16xf32>,
          %mul3A_410 = vector.broadcast %squeeze3A_360 : f32 to vector<16xf32>
          %mul3A_411 = arith.mulf %mul3A_410, %get3A_405 : vector<16xf32>
          %max3A_412 = arith.maximumf %get3A_409, %mul3A_411 : vector<16xf32>
          %add3A_413 = arith.constant 32 : i32
          %add3A_414 = arith.addi %mul3A_364, %add3A_413 : i32
          %swap3A_415 = arith.index_cast %add3A_414 : i32 to index
          %swap3A_416 = tpu.vector_load %arg15[%swap3A_415] {strides = array<i32>} : memref<15408xf32, #tpu.memory_space<vmem>>, vector<16xf32>,
          tpu.vector_store %arg15[%swap3A_415], %max3A_412 {strides = array<i32>} : memref<15408xf32, #tpu.memory_space<vmem>>, vector<16xf32>,
          %slice3A_417 = vector.extract_strided_slice %get3A_242 {offsets = [3], sizes = [1], strides = [1]} : vector<16xf32> to vector<1xf32>
          %squeeze3A_418 = vector.extract %slice3A_417[0] : f32 from vector<1xf32>
          %slice3A_419 = vector.extract_strided_slice %select_n3A_246 {offsets = [3], sizes = [1], strides = [1]} : vector<16xi32> to vector<1xi32>
          %squeeze3A_420 = vector.extract %slice3A_419[0] : i32 from vector<1xi32>
          %mul3A_421 = arith.constant 48 : i32
          %mul3A_422 = arith.muli %squeeze3A_420, %mul3A_421 : i32
          %mul3A_423 = arith.constant 16 : i32
          %mul3A_424 = arith.muli %scan3A_233, %mul3A_423 : i32
          %add3A_425 = arith.constant 3 : i32
          %add3A_426 = arith.addi %mul3A_424, %add3A_425 : i32
          %get3A_427 = arith.constant 0 : i32
          %get3A_428 = arith.index_cast %get3A_427 : i32 to index
          %get3A_429 = arith.index_cast %add3A_426 : i32 to index
          %get3A_430 = arith.constant 0 : index
          %get3A_431 = tpu.vector_load %arg20[%get3A_428, %get3A_429, %get3A_430] {strides = array<i32>} : memref<2x128x48xf32, #tpu.memory_space<vmem>>, vector<16xf32>,
          %add3A_432 = arith.constant 0 : i32
          %add3A_433 = arith.addi %mul3A_422, %add3A_432 : i32
          %get3A_434 = arith.index_cast %add3A_433 : i32 to index
          %get3A_435 = tpu.vector_load %arg15[%get3A_434] {strides = array<i32>} : memref<15408xf32, #tpu.memory_space<vmem>>, vector<16xf32>,
          %mul3A_436 = vector.broadcast %squeeze3A_418 : f32 to vector<16xf32>
          %mul3A_437 = arith.mulf %mul3A_436, %get3A_431 : vector<16xf32>
          %max3A_438 = arith.maximumf %get3A_435, %mul3A_437 : vector<16xf32>
          %add3A_439 = arith.constant 0 : i32
          %add3A_440 = arith.addi %mul3A_422, %add3A_439 : i32
          %swap3A_441 = arith.index_cast %add3A_440 : i32 to index
          %swap3A_442 = tpu.vector_load %arg15[%swap3A_441] {strides = array<i32>} : memref<15408xf32, #tpu.memory_space<vmem>>, vector<16xf32>,
          tpu.vector_store %arg15[%swap3A_441], %max3A_438 {strides = array<i32>} : memref<15408xf32, #tpu.memory_space<vmem>>, vector<16xf32>,
          %get3A_443 = arith.constant 0 : i32
          %get3A_444 = arith.index_cast %get3A_443 : i32 to index
          %get3A_445 = arith.index_cast %add3A_426 : i32 to index
          %get3A_446 = arith.constant 16 : index
          %get3A_447 = tpu.vector_load %arg20[%get3A_444, %get3A_445, %get3A_446] {strides = array<i32>} : memref<2x128x48xf32, #tpu.memory_space<vmem>>, vector<16xf32>,
          %add3A_448 = arith.constant 16 : i32
          %add3A_449 = arith.addi %mul3A_422, %add3A_448 : i32
          %get3A_450 = arith.index_cast %add3A_449 : i32 to index
          %get3A_451 = tpu.vector_load %arg15[%get3A_450] {strides = array<i32>} : memref<15408xf32, #tpu.memory_space<vmem>>, vector<16xf32>,
          %mul3A_452 = vector.broadcast %squeeze3A_418 : f32 to vector<16xf32>
          %mul3A_453 = arith.mulf %mul3A_452, %get3A_447 : vector<16xf32>
          %max3A_454 = arith.maximumf %get3A_451, %mul3A_453 : vector<16xf32>
          %add3A_455 = arith.constant 16 : i32
          %add3A_456 = arith.addi %mul3A_422, %add3A_455 : i32
          %swap3A_457 = arith.index_cast %add3A_456 : i32 to index
          %swap3A_458 = tpu.vector_load %arg15[%swap3A_457] {strides = array<i32>} : memref<15408xf32, #tpu.memory_space<vmem>>, vector<16xf32>,
          tpu.vector_store %arg15[%swap3A_457], %max3A_454 {strides = array<i32>} : memref<15408xf32, #tpu.memory_space<vmem>>, vector<16xf32>,
          %get3A_459 = arith.constant 0 : i32
          %get3A_460 = arith.index_cast %get3A_459 : i32 to index
          %get3A_461 = arith.index_cast %add3A_426 : i32 to index
          %get3A_462 = arith.constant 32 : index
          %get3A_463 = tpu.vector_load %arg20[%get3A_460, %get3A_461, %get3A_462] {strides = array<i32>} : memref<2x128x48xf32, #tpu.memory_space<vmem>>, vector<16xf32>,
          %add3A_464 = arith.constant 32 : i32
          %add3A_465 = arith.addi %mul3A_422, %add3A_464 : i32
          %get3A_466 = arith.index_cast %add3A_465 : i32 to index
          %get3A_467 = tpu.vector_load %arg15[%get3A_466] {strides = array<i32>} : memref<15408xf32, #tpu.memory_space<vmem>>, vector<16xf32>,
          %mul3A_468 = vector.broadcast %squeeze3A_418 : f32 to vector<16xf32>
          %mul3A_469 = arith.mulf %mul3A_468, %get3A_463 : vector<16xf32>
          %max3A_470 = arith.maximumf %get3A_467, %mul3A_469 : vector<16xf32>
          %add3A_471 = arith.constant 32 : i32
          %add3A_472 = arith.addi %mul3A_422, %add3A_471 : i32
          %swap3A_473 = arith.index_cast %add3A_472 : i32 to index
          %swap3A_474 = tpu.vector_load %arg15[%swap3A_473] {strides = array<i32>} : memref<15408xf32, #tpu.memory_space<vmem>>, vector<16xf32>,
          tpu.vector_store %arg15[%swap3A_473], %max3A_470 {strides = array<i32>} : memref<15408xf32, #tpu.memory_space<vmem>>, vector<16xf32>,
          %slice3A_475 = vector.extract_strided_slice %get3A_242 {offsets = [4], sizes = [1], strides = [1]} : vector<16xf32> to vector<1xf32>
          %squeeze3A_476 = vector.extract %slice3A_475[0] : f32 from vector<1xf32>
          %slice3A_477 = vector.extract_strided_slice %select_n3A_246 {offsets = [4], sizes = [1], strides = [1]} : vector<16xi32> to vector<1xi32>
          %squeeze3A_478 = vector.extract %slice3A_477[0] : i32 from vector<1xi32>
          %mul3A_479 = arith.constant 48 : i32
          %mul3A_480 = arith.muli %squeeze3A_478, %mul3A_479 : i32
          %mul3A_481 = arith.constant 16 : i32
          %mul3A_482 = arith.muli %scan3A_233, %mul3A_481 : i32
          %add3A_483 = arith.constant 4 : i32
          %add3A_484 = arith.addi %mul3A_482, %add3A_483 : i32
          %get3A_485 = arith.constant 0 : i32
          %get3A_486 = arith.index_cast %get3A_485 : i32 to index
          %get3A_487 = arith.index_cast %add3A_484 : i32 to index
          %get3A_488 = arith.constant 0 : index
          %get3A_489 = tpu.vector_load %arg20[%get3A_486, %get3A_487, %get3A_488] {strides = array<i32>} : memref<2x128x48xf32, #tpu.memory_space<vmem>>, vector<16xf32>,
          %add3A_490 = arith.constant 0 : i32
          %add3A_491 = arith.addi %mul3A_480, %add3A_490 : i32
          %get3A_492 = arith.index_cast %add3A_491 : i32 to index
          %get3A_493 = tpu.vector_load %arg15[%get3A_492] {strides = array<i32>} : memref<15408xf32, #tpu.memory_space<vmem>>, vector<16xf32>,
          %mul3A_494 = vector.broadcast %squeeze3A_476 : f32 to vector<16xf32>
          %mul3A_495 = arith.mulf %mul3A_494, %get3A_489 : vector<16xf32>
          %max3A_496 = arith.maximumf %get3A_493, %mul3A_495 : vector<16xf32>
          %add3A_497 = arith.constant 0 : i32
          %add3A_498 = arith.addi %mul3A_480, %add3A_497 : i32
          %swap3A_499 = arith.index_cast %add3A_498 : i32 to index
          %swap3A_500 = tpu.vector_load %arg15[%swap3A_499] {strides = array<i32>} : memref<15408xf32, #tpu.memory_space<vmem>>, vector<16xf32>,
          tpu.vector_store %arg15[%swap3A_499], %max3A_496 {strides = array<i32>} : memref<15408xf32, #tpu.memory_space<vmem>>, vector<16xf32>,
          %get3A_501 = arith.constant 0 : i32
          %get3A_502 = arith.index_cast %get3A_501 : i32 to index
          %get3A_503 = arith.index_cast %add3A_484 : i32 to index
          %get3A_504 = arith.constant 16 : index
          %get3A_505 = tpu.vector_load %arg20[%get3A_502, %get3A_503, %get3A_504] {strides = array<i32>} : memref<2x128x48xf32, #tpu.memory_space<vmem>>, vector<16xf32>,
          %add3A_506 = arith.constant 16 : i32
          %add3A_507 = arith.addi %mul3A_480, %add3A_506 : i32
          %get3A_508 = arith.index_cast %add3A_507 : i32 to index
          %get3A_509 = tpu.vector_load %arg15[%get3A_508] {strides = array<i32>} : memref<15408xf32, #tpu.memory_space<vmem>>, vector<16xf32>,
          %mul3A_510 = vector.broadcast %squeeze3A_476 : f32 to vector<16xf32>
          %mul3A_511 = arith.mulf %mul3A_510, %get3A_505 : vector<16xf32>
          %max3A_512 = arith.maximumf %get3A_509, %mul3A_511 : vector<16xf32>
          %add3A_513 = arith.constant 16 : i32
          %add3A_514 = arith.addi %mul3A_480, %add3A_513 : i32
          %swap3A_515 = arith.index_cast %add3A_514 : i32 to index
          %swap3A_516 = tpu.vector_load %arg15[%swap3A_515] {strides = array<i32>} : memref<15408xf32, #tpu.memory_space<vmem>>, vector<16xf32>,
          tpu.vector_store %arg15[%swap3A_515], %max3A_512 {strides = array<i32>} : memref<15408xf32, #tpu.memory_space<vmem>>, vector<16xf32>,
          %get3A_517 = arith.constant 0 : i32
          %get3A_518 = arith.index_cast %get3A_517 : i32 to index
          %get3A_519 = arith.index_cast %add3A_484 : i32 to index
          %get3A_520 = arith.constant 32 : index
          %get3A_521 = tpu.vector_load %arg20[%get3A_518, %get3A_519, %get3A_520] {strides = array<i32>} : memref<2x128x48xf32, #tpu.memory_space<vmem>>, vector<16xf32>,
          %add3A_522 = arith.constant 32 : i32
          %add3A_523 = arith.addi %mul3A_480, %add3A_522 : i32
          %get3A_524 = arith.index_cast %add3A_523 : i32 to index
          %get3A_525 = tpu.vector_load %arg15[%get3A_524] {strides = array<i32>} : memref<15408xf32, #tpu.memory_space<vmem>>, vector<16xf32>,
          %mul3A_526 = vector.broadcast %squeeze3A_476 : f32 to vector<16xf32>
          %mul3A_527 = arith.mulf %mul3A_526, %get3A_521 : vector<16xf32>
          %max3A_528 = arith.maximumf %get3A_525, %mul3A_527 : vector<16xf32>
          %add3A_529 = arith.constant 32 : i32
          %add3A_530 = arith.addi %mul3A_480, %add3A_529 : i32
          %swap3A_531 = arith.index_cast %add3A_530 : i32 to index
          %swap3A_532 = tpu.vector_load %arg15[%swap3A_531] {strides = array<i32>} : memref<15408xf32, #tpu.memory_space<vmem>>, vector<16xf32>,
          tpu.vector_store %arg15[%swap3A_531], %max3A_528 {strides = array<i32>} : memref<15408xf32, #tpu.memory_space<vmem>>, vector<16xf32>,
          %slice3A_533 = vector.extract_strided_slice %get3A_242 {offsets = [5], sizes = [1], strides = [1]} : vector<16xf32> to vector<1xf32>
          %squeeze3A_534 = vector.extract %slice3A_533[0] : f32 from vector<1xf32>
          %slice3A_535 = vector.extract_strided_slice %select_n3A_246 {offsets = [5], sizes = [1], strides = [1]} : vector<16xi32> to vector<1xi32>
          %squeeze3A_536 = vector.extract %slice3A_535[0] : i32 from vector<1xi32>
          %mul3A_537 = arith.constant 48 : i32
          %mul3A_538 = arith.muli %squeeze3A_536, %mul3A_537 : i32
          %mul3A_539 = arith.constant 16 : i32
          %mul3A_540 = arith.muli %scan3A_233, %mul3A_539 : i32
          %add3A_541 = arith.constant 5 : i32
          %add3A_542 = arith.addi %mul3A_540, %add3A_541 : i32
          %get3A_543 = arith.constant 0 : i32
          %get3A_544 = arith.index_cast %get3A_543 : i32 to index
          %get3A_545 = arith.index_cast %add3A_542 : i32 to index
          %get3A_546 = arith.constant 0 : index
          %get3A_547 = tpu.vector_load %arg20[%get3A_544, %get3A_545, %get3A_546] {strides = array<i32>} : memref<2x128x48xf32, #tpu.memory_space<vmem>>, vector<16xf32>,
          %add3A_548 = arith.constant 0 : i32
          %add3A_549 = arith.addi %mul3A_538, %add3A_548 : i32
          %get3A_550 = arith.index_cast %add3A_549 : i32 to index
          %get3A_551 = tpu.vector_load %arg15[%get3A_550] {strides = array<i32>} : memref<15408xf32, #tpu.memory_space<vmem>>, vector<16xf32>,
          %mul3A_552 = vector.broadcast %squeeze3A_534 : f32 to vector<16xf32>
          %mul3A_553 = arith.mulf %mul3A_552, %get3A_547 : vector<16xf32>
          %max3A_554 = arith.maximumf %get3A_551, %mul3A_553 : vector<16xf32>
          %add3A_555 = arith.constant 0 : i32
          %add3A_556 = arith.addi %mul3A_538, %add3A_555 : i32
          %swap3A_557 = arith.index_cast %add3A_556 : i32 to index
          %swap3A_558 = tpu.vector_load %arg15[%swap3A_557] {strides = array<i32>} : memref<15408xf32, #tpu.memory_space<vmem>>, vector<16xf32>,
          tpu.vector_store %arg15[%swap3A_557], %max3A_554 {strides = array<i32>} : memref<15408xf32, #tpu.memory_space<vmem>>, vector<16xf32>,
          %get3A_559 = arith.constant 0 : i32
          %get3A_560 = arith.index_cast %get3A_559 : i32 to index
          %get3A_561 = arith.index_cast %add3A_542 : i32 to index
          %get3A_562 = arith.constant 16 : index
          %get3A_563 = tpu.vector_load %arg20[%get3A_560, %get3A_561, %get3A_562] {strides = array<i32>} : memref<2x128x48xf32, #tpu.memory_space<vmem>>, vector<16xf32>,
          %add3A_564 = arith.constant 16 : i32
          %add3A_565 = arith.addi %mul3A_538, %add3A_564 : i32
          %get3A_566 = arith.index_cast %add3A_565 : i32 to index
          %get3A_567 = tpu.vector_load %arg15[%get3A_566] {strides = array<i32>} : memref<15408xf32, #tpu.memory_space<vmem>>, vector<16xf32>,
          %mul3A_568 = vector.broadcast %squeeze3A_534 : f32 to vector<16xf32>
          %mul3A_569 = arith.mulf %mul3A_568, %get3A_563 : vector<16xf32>
          %max3A_570 = arith.maximumf %get3A_567, %mul3A_569 : vector<16xf32>
          %add3A_571 = arith.constant 16 : i32
          %add3A_572 = arith.addi %mul3A_538, %add3A_571 : i32
          %swap3A_573 = arith.index_cast %add3A_572 : i32 to index
          %swap3A_574 = tpu.vector_load %arg15[%swap3A_573] {strides = array<i32>} : memref<15408xf32, #tpu.memory_space<vmem>>, vector<16xf32>,
          tpu.vector_store %arg15[%swap3A_573], %max3A_570 {strides = array<i32>} : memref<15408xf32, #tpu.memory_space<vmem>>, vector<16xf32>,
          %get3A_575 = arith.constant 0 : i32
          %get3A_576 = arith.index_cast %get3A_575 : i32 to index
          %get3A_577 = arith.index_cast %add3A_542 : i32 to index
          %get3A_578 = arith.constant 32 : index
          %get3A_579 = tpu.vector_load %arg20[%get3A_576, %get3A_577, %get3A_578] {strides = array<i32>} : memref<2x128x48xf32, #tpu.memory_space<vmem>>, vector<16xf32>,
          %add3A_580 = arith.constant 32 : i32
          %add3A_581 = arith.addi %mul3A_538, %add3A_580 : i32
          %get3A_582 = arith.index_cast %add3A_581 : i32 to index
          %get3A_583 = tpu.vector_load %arg15[%get3A_582] {strides = array<i32>} : memref<15408xf32, #tpu.memory_space<vmem>>, vector<16xf32>,
          %mul3A_584 = vector.broadcast %squeeze3A_534 : f32 to vector<16xf32>
          %mul3A_585 = arith.mulf %mul3A_584, %get3A_579 : vector<16xf32>
          %max3A_586 = arith.maximumf %get3A_583, %mul3A_585 : vector<16xf32>
          %add3A_587 = arith.constant 32 : i32
          %add3A_588 = arith.addi %mul3A_538, %add3A_587 : i32
          %swap3A_589 = arith.index_cast %add3A_588 : i32 to index
          %swap3A_590 = tpu.vector_load %arg15[%swap3A_589] {strides = array<i32>} : memref<15408xf32, #tpu.memory_space<vmem>>, vector<16xf32>,
          tpu.vector_store %arg15[%swap3A_589], %max3A_586 {strides = array<i32>} : memref<15408xf32, #tpu.memory_space<vmem>>, vector<16xf32>,
          %slice3A_591 = vector.extract_strided_slice %get3A_242 {offsets = [6], sizes = [1], strides = [1]} : vector<16xf32> to vector<1xf32>
          %squeeze3A_592 = vector.extract %slice3A_591[0] : f32 from vector<1xf32>
          %slice3A_593 = vector.extract_strided_slice %select_n3A_246 {offsets = [6], sizes = [1], strides = [1]} : vector<16xi32> to vector<1xi32>
          %squeeze3A_594 = vector.extract %slice3A_593[0] : i32 from vector<1xi32>
          %mul3A_595 = arith.constant 48 : i32
          %mul3A_596 = arith.muli %squeeze3A_594, %mul3A_595 : i32
          %mul3A_597 = arith.constant 16 : i32
          %mul3A_598 = arith.muli %scan3A_233, %mul3A_597 : i32
          %add3A_599 = arith.constant 6 : i32
          %add3A_600 = arith.addi %mul3A_598, %add3A_599 : i32
          %get3A_601 = arith.constant 0 : i32
          %get3A_602 = arith.index_cast %get3A_601 : i32 to index
          %get3A_603 = arith.index_cast %add3A_600 : i32 to index
          %get3A_604 = arith.constant 0 : index
          %get3A_605 = tpu.vector_load %arg20[%get3A_602, %get3A_603, %get3A_604] {strides = array<i32>} : memref<2x128x48xf32, #tpu.memory_space<vmem>>, vector<16xf32>,
          %add3A_606 = arith.constant 0 : i32
          %add3A_607 = arith.addi %mul3A_596, %add3A_606 : i32
          %get3A_608 = arith.index_cast %add3A_607 : i32 to index
          %get3A_609 = tpu.vector_load %arg15[%get3A_608] {strides = array<i32>} : memref<15408xf32, #tpu.memory_space<vmem>>, vector<16xf32>,
          %mul3A_610 = vector.broadcast %squeeze3A_592 : f32 to vector<16xf32>
          %mul3A_611 = arith.mulf %mul3A_610, %get3A_605 : vector<16xf32>
          %max3A_612 = arith.maximumf %get3A_609, %mul3A_611 : vector<16xf32>
          %add3A_613 = arith.constant 0 : i32
          %add3A_614 = arith.addi %mul3A_596, %add3A_613 : i32
          %swap3A_615 = arith.index_cast %add3A_614 : i32 to index
          %swap3A_616 = tpu.vector_load %arg15[%swap3A_615] {strides = array<i32>} : memref<15408xf32, #tpu.memory_space<vmem>>, vector<16xf32>,
          tpu.vector_store %arg15[%swap3A_615], %max3A_612 {strides = array<i32>} : memref<15408xf32, #tpu.memory_space<vmem>>, vector<16xf32>,
          %get3A_617 = arith.constant 0 : i32
          %get3A_618 = arith.index_cast %get3A_617 : i32 to index
          %get3A_619 = arith.index_cast %add3A_600 : i32 to index
          %get3A_620 = arith.constant 16 : index
          %get3A_621 = tpu.vector_load %arg20[%get3A_618, %get3A_619, %get3A_620] {strides = array<i32>} : memref<2x128x48xf32, #tpu.memory_space<vmem>>, vector<16xf32>,
          %add3A_622 = arith.constant 16 : i32
          %add3A_623 = arith.addi %mul3A_596, %add3A_622 : i32
          %get3A_624 = arith.index_cast %add3A_623 : i32 to index
          %get3A_625 = tpu.vector_load %arg15[%get3A_624] {strides = array<i32>} : memref<15408xf32, #tpu.memory_space<vmem>>, vector<16xf32>,
          %mul3A_626 = vector.broadcast %squeeze3A_592 : f32 to vector<16xf32>
          %mul3A_627 = arith.mulf %mul3A_626, %get3A_621 : vector<16xf32>
          %max3A_628 = arith.maximumf %get3A_625, %mul3A_627 : vector<16xf32>
          %add3A_629 = arith.constant 16 : i32
          %add3A_630 = arith.addi %mul3A_596, %add3A_629 : i32
          %swap3A_631 = arith.index_cast %add3A_630 : i32 to index
          %swap3A_632 = tpu.vector_load %arg15[%swap3A_631] {strides = array<i32>} : memref<15408xf32, #tpu.memory_space<vmem>>, vector<16xf32>,
          tpu.vector_store %arg15[%swap3A_631], %max3A_628 {strides = array<i32>} : memref<15408xf32, #tpu.memory_space<vmem>>, vector<16xf32>,
          %get3A_633 = arith.constant 0 : i32
          %get3A_634 = arith.index_cast %get3A_633 : i32 to index
          %get3A_635 = arith.index_cast %add3A_600 : i32 to index
          %get3A_636 = arith.constant 32 : index
          %get3A_637 = tpu.vector_load %arg20[%get3A_634, %get3A_635, %get3A_636] {strides = array<i32>} : memref<2x128x48xf32, #tpu.memory_space<vmem>>, vector<16xf32>,
          %add3A_638 = arith.constant 32 : i32
          %add3A_639 = arith.addi %mul3A_596, %add3A_638 : i32
          %get3A_640 = arith.index_cast %add3A_639 : i32 to index
          %get3A_641 = tpu.vector_load %arg15[%get3A_640] {strides = array<i32>} : memref<15408xf32, #tpu.memory_space<vmem>>, vector<16xf32>,
          %mul3A_642 = vector.broadcast %squeeze3A_592 : f32 to vector<16xf32>
          %mul3A_643 = arith.mulf %mul3A_642, %get3A_637 : vector<16xf32>
          %max3A_644 = arith.maximumf %get3A_641, %mul3A_643 : vector<16xf32>
          %add3A_645 = arith.constant 32 : i32
          %add3A_646 = arith.addi %mul3A_596, %add3A_645 : i32
          %swap3A_647 = arith.index_cast %add3A_646 : i32 to index
          %swap3A_648 = tpu.vector_load %arg15[%swap3A_647] {strides = array<i32>} : memref<15408xf32, #tpu.memory_space<vmem>>, vector<16xf32>,
          tpu.vector_store %arg15[%swap3A_647], %max3A_644 {strides = array<i32>} : memref<15408xf32, #tpu.memory_space<vmem>>, vector<16xf32>,
          %slice3A_649 = vector.extract_strided_slice %get3A_242 {offsets = [7], sizes = [1], strides = [1]} : vector<16xf32> to vector<1xf32>
          %squeeze3A_650 = vector.extract %slice3A_649[0] : f32 from vector<1xf32>
          %slice3A_651 = vector.extract_strided_slice %select_n3A_246 {offsets = [7], sizes = [1], strides = [1]} : vector<16xi32> to vector<1xi32>
          %squeeze3A_652 = vector.extract %slice3A_651[0] : i32 from vector<1xi32>
          %mul3A_653 = arith.constant 48 : i32
          %mul3A_654 = arith.muli %squeeze3A_652, %mul3A_653 : i32
          %mul3A_655 = arith.constant 16 : i32
          %mul3A_656 = arith.muli %scan3A_233, %mul3A_655 : i32
          %add3A_657 = arith.constant 7 : i32
          %add3A_658 = arith.addi %mul3A_656, %add3A_657 : i32
          %get3A_659 = arith.constant 0 : i32
          %get3A_660 = arith.index_cast %get3A_659 : i32 to index
          %get3A_661 = arith.index_cast %add3A_658 : i32 to index
          %get3A_662 = arith.constant 0 : index
          %get3A_663 = tpu.vector_load %arg20[%get3A_660, %get3A_661, %get3A_662] {strides = array<i32>} : memref<2x128x48xf32, #tpu.memory_space<vmem>>, vector<16xf32>,
          %add3A_664 = arith.constant 0 : i32
          %add3A_665 = arith.addi %mul3A_654, %add3A_664 : i32
          %get3A_666 = arith.index_cast %add3A_665 : i32 to index
          %get3A_667 = tpu.vector_load %arg15[%get3A_666] {strides = array<i32>} : memref<15408xf32, #tpu.memory_space<vmem>>, vector<16xf32>,
          %mul3A_668 = vector.broadcast %squeeze3A_650 : f32 to vector<16xf32>
          %mul3A_669 = arith.mulf %mul3A_668, %get3A_663 : vector<16xf32>
          %max3A_670 = arith.maximumf %get3A_667, %mul3A_669 : vector<16xf32>
          %add3A_671 = arith.constant 0 : i32
          %add3A_672 = arith.addi %mul3A_654, %add3A_671 : i32
          %swap3A_673 = arith.index_cast %add3A_672 : i32 to index
          %swap3A_674 = tpu.vector_load %arg15[%swap3A_673] {strides = array<i32>} : memref<15408xf32, #tpu.memory_space<vmem>>, vector<16xf32>,
          tpu.vector_store %arg15[%swap3A_673], %max3A_670 {strides = array<i32>} : memref<15408xf32, #tpu.memory_space<vmem>>, vector<16xf32>,
          %get3A_675 = arith.constant 0 : i32
          %get3A_676 = arith.index_cast %get3A_675 : i32 to index
          %get3A_677 = arith.index_cast %add3A_658 : i32 to index
          %get3A_678 = arith.constant 16 : index
          %get3A_679 = tpu.vector_load %arg20[%get3A_676, %get3A_677, %get3A_678] {strides = array<i32>} : memref<2x128x48xf32, #tpu.memory_space<vmem>>, vector<16xf32>,
          %add3A_680 = arith.constant 16 : i32
          %add3A_681 = arith.addi %mul3A_654, %add3A_680 : i32
          %get3A_682 = arith.index_cast %add3A_681 : i32 to index
          %get3A_683 = tpu.vector_load %arg15[%get3A_682] {strides = array<i32>} : memref<15408xf32, #tpu.memory_space<vmem>>, vector<16xf32>,
          %mul3A_684 = vector.broadcast %squeeze3A_650 : f32 to vector<16xf32>
          %mul3A_685 = arith.mulf %mul3A_684, %get3A_679 : vector<16xf32>
          %max3A_686 = arith.maximumf %get3A_683, %mul3A_685 : vector<16xf32>
          %add3A_687 = arith.constant 16 : i32
          %add3A_688 = arith.addi %mul3A_654, %add3A_687 : i32
          %swap3A_689 = arith.index_cast %add3A_688 : i32 to index
          %swap3A_690 = tpu.vector_load %arg15[%swap3A_689] {strides = array<i32>} : memref<15408xf32, #tpu.memory_space<vmem>>, vector<16xf32>,
          tpu.vector_store %arg15[%swap3A_689], %max3A_686 {strides = array<i32>} : memref<15408xf32, #tpu.memory_space<vmem>>, vector<16xf32>,
          %get3A_691 = arith.constant 0 : i32
          %get3A_692 = arith.index_cast %get3A_691 : i32 to index
          %get3A_693 = arith.index_cast %add3A_658 : i32 to index
          %get3A_694 = arith.constant 32 : index
          %get3A_695 = tpu.vector_load %arg20[%get3A_692, %get3A_693, %get3A_694] {strides = array<i32>} : memref<2x128x48xf32, #tpu.memory_space<vmem>>, vector<16xf32>,
          %add3A_696 = arith.constant 32 : i32
          %add3A_697 = arith.addi %mul3A_654, %add3A_696 : i32
          %get3A_698 = arith.index_cast %add3A_697 : i32 to index
          %get3A_699 = tpu.vector_load %arg15[%get3A_698] {strides = array<i32>} : memref<15408xf32, #tpu.memory_space<vmem>>, vector<16xf32>,
          %mul3A_700 = vector.broadcast %squeeze3A_650 : f32 to vector<16xf32>
          %mul3A_701 = arith.mulf %mul3A_700, %get3A_695 : vector<16xf32>
          %max3A_702 = arith.maximumf %get3A_699, %mul3A_701 : vector<16xf32>
          %add3A_703 = arith.constant 32 : i32
          %add3A_704 = arith.addi %mul3A_654, %add3A_703 : i32
          %swap3A_705 = arith.index_cast %add3A_704 : i32 to index
          %swap3A_706 = tpu.vector_load %arg15[%swap3A_705] {strides = array<i32>} : memref<15408xf32, #tpu.memory_space<vmem>>, vector<16xf32>,
          tpu.vector_store %arg15[%swap3A_705], %max3A_702 {strides = array<i32>} : memref<15408xf32, #tpu.memory_space<vmem>>, vector<16xf32>,
          %slice3A_707 = vector.extract_strided_slice %get3A_242 {offsets = [8], sizes = [1], strides = [1]} : vector<16xf32> to vector<1xf32>
          %squeeze3A_708 = vector.extract %slice3A_707[0] : f32 from vector<1xf32>
          %slice3A_709 = vector.extract_strided_slice %select_n3A_246 {offsets = [8], sizes = [1], strides = [1]} : vector<16xi32> to vector<1xi32>
          %squeeze3A_710 = vector.extract %slice3A_709[0] : i32 from vector<1xi32>
          %mul3A_711 = arith.constant 48 : i32
          %mul3A_712 = arith.muli %squeeze3A_710, %mul3A_711 : i32
          %mul3A_713 = arith.constant 16 : i32
          %mul3A_714 = arith.muli %scan3A_233, %mul3A_713 : i32
          %add3A_715 = arith.constant 8 : i32
          %add3A_716 = arith.addi %mul3A_714, %add3A_715 : i32
          %get3A_717 = arith.constant 0 : i32
          %get3A_718 = arith.index_cast %get3A_717 : i32 to index
          %get3A_719 = arith.index_cast %add3A_716 : i32 to index
          %get3A_720 = arith.constant 0 : index
          %get3A_721 = tpu.vector_load %arg20[%get3A_718, %get3A_719, %get3A_720] {strides = array<i32>} : memref<2x128x48xf32, #tpu.memory_space<vmem>>, vector<16xf32>,
          %add3A_722 = arith.constant 0 : i32
          %add3A_723 = arith.addi %mul3A_712, %add3A_722 : i32
          %get3A_724 = arith.index_cast %add3A_723 : i32 to index
          %get3A_725 = tpu.vector_load %arg15[%get3A_724] {strides = array<i32>} : memref<15408xf32, #tpu.memory_space<vmem>>, vector<16xf32>,
          %mul3A_726 = vector.broadcast %squeeze3A_708 : f32 to vector<16xf32>
          %mul3A_727 = arith.mulf %mul3A_726, %get3A_721 : vector<16xf32>
          %max3A_728 = arith.maximumf %get3A_725, %mul3A_727 : vector<16xf32>
          %add3A_729 = arith.constant 0 : i32
          %add3A_730 = arith.addi %mul3A_712, %add3A_729 : i32
          %swap3A_731 = arith.index_cast %add3A_730 : i32 to index
          %swap3A_732 = tpu.vector_load %arg15[%swap3A_731] {strides = array<i32>} : memref<15408xf32, #tpu.memory_space<vmem>>, vector<16xf32>,
          tpu.vector_store %arg15[%swap3A_731], %max3A_728 {strides = array<i32>} : memref<15408xf32, #tpu.memory_space<vmem>>, vector<16xf32>,
          %get3A_733 = arith.constant 0 : i32
          %get3A_734 = arith.index_cast %get3A_733 : i32 to index
          %get3A_735 = arith.index_cast %add3A_716 : i32 to index
          %get3A_736 = arith.constant 16 : index
          %get3A_737 = tpu.vector_load %arg20[%get3A_734, %get3A_735, %get3A_736] {strides = array<i32>} : memref<2x128x48xf32, #tpu.memory_space<vmem>>, vector<16xf32>,
          %add3A_738 = arith.constant 16 : i32
          %add3A_739 = arith.addi %mul3A_712, %add3A_738 : i32
          %get3A_740 = arith.index_cast %add3A_739 : i32 to index
          %get3A_741 = tpu.vector_load %arg15[%get3A_740] {strides = array<i32>} : memref<15408xf32, #tpu.memory_space<vmem>>, vector<16xf32>,
          %mul3A_742 = vector.broadcast %squeeze3A_708 : f32 to vector<16xf32>
          %mul3A_743 = arith.mulf %mul3A_742, %get3A_737 : vector<16xf32>
          %max3A_744 = arith.maximumf %get3A_741, %mul3A_743 : vector<16xf32>
          %add3A_745 = arith.constant 16 : i32
          %add3A_746 = arith.addi %mul3A_712, %add3A_745 : i32
          %swap3A_747 = arith.index_cast %add3A_746 : i32 to index
          %swap3A_748 = tpu.vector_load %arg15[%swap3A_747] {strides = array<i32>} : memref<15408xf32, #tpu.memory_space<vmem>>, vector<16xf32>,
          tpu.vector_store %arg15[%swap3A_747], %max3A_744 {strides = array<i32>} : memref<15408xf32, #tpu.memory_space<vmem>>, vector<16xf32>,
          %get3A_749 = arith.constant 0 : i32
          %get3A_750 = arith.index_cast %get3A_749 : i32 to index
          %get3A_751 = arith.index_cast %add3A_716 : i32 to index
          %get3A_752 = arith.constant 32 : index
          %get3A_753 = tpu.vector_load %arg20[%get3A_750, %get3A_751, %get3A_752] {strides = array<i32>} : memref<2x128x48xf32, #tpu.memory_space<vmem>>, vector<16xf32>,
          %add3A_754 = arith.constant 32 : i32
          %add3A_755 = arith.addi %mul3A_712, %add3A_754 : i32
          %get3A_756 = arith.index_cast %add3A_755 : i32 to index
          %get3A_757 = tpu.vector_load %arg15[%get3A_756] {strides = array<i32>} : memref<15408xf32, #tpu.memory_space<vmem>>, vector<16xf32>,
          %mul3A_758 = vector.broadcast %squeeze3A_708 : f32 to vector<16xf32>
          %mul3A_759 = arith.mulf %mul3A_758, %get3A_753 : vector<16xf32>
          %max3A_760 = arith.maximumf %get3A_757, %mul3A_759 : vector<16xf32>
          %add3A_761 = arith.constant 32 : i32
          %add3A_762 = arith.addi %mul3A_712, %add3A_761 : i32
          %swap3A_763 = arith.index_cast %add3A_762 : i32 to index
          %swap3A_764 = tpu.vector_load %arg15[%swap3A_763] {strides = array<i32>} : memref<15408xf32, #tpu.memory_space<vmem>>, vector<16xf32>,
          tpu.vector_store %arg15[%swap3A_763], %max3A_760 {strides = array<i32>} : memref<15408xf32, #tpu.memory_space<vmem>>, vector<16xf32>,
          %slice3A_765 = vector.extract_strided_slice %get3A_242 {offsets = [9], sizes = [1], strides = [1]} : vector<16xf32> to vector<1xf32>
          %squeeze3A_766 = vector.extract %slice3A_765[0] : f32 from vector<1xf32>
          %slice3A_767 = vector.extract_strided_slice %select_n3A_246 {offsets = [9], sizes = [1], strides = [1]} : vector<16xi32> to vector<1xi32>
          %squeeze3A_768 = vector.extract %slice3A_767[0] : i32 from vector<1xi32>
          %mul3A_769 = arith.constant 48 : i32
          %mul3A_770 = arith.muli %squeeze3A_768, %mul3A_769 : i32
          %mul3A_771 = arith.constant 16 : i32
          %mul3A_772 = arith.muli %scan3A_233, %mul3A_771 : i32
          %add3A_773 = arith.constant 9 : i32
          %add3A_774 = arith.addi %mul3A_772, %add3A_773 : i32
          %get3A_775 = arith.constant 0 : i32
          %get3A_776 = arith.index_cast %get3A_775 : i32 to index
          %get3A_777 = arith.index_cast %add3A_774 : i32 to index
          %get3A_778 = arith.constant 0 : index
          %get3A_779 = tpu.vector_load %arg20[%get3A_776, %get3A_777, %get3A_778] {strides = array<i32>} : memref<2x128x48xf32, #tpu.memory_space<vmem>>, vector<16xf32>,
          %add3A_780 = arith.constant 0 : i32
          %add3A_781 = arith.addi %mul3A_770, %add3A_780 : i32
          %get3A_782 = arith.index_cast %add3A_781 : i32 to index
          %get3A_783 = tpu.vector_load %arg15[%get3A_782] {strides = array<i32>} : memref<15408xf32, #tpu.memory_space<vmem>>, vector<16xf32>,
          %mul3A_784 = vector.broadcast %squeeze3A_766 : f32 to vector<16xf32>
          %mul3A_785 = arith.mulf %mul3A_784, %get3A_779 : vector<16xf32>
          %max3A_786 = arith.maximumf %get3A_783, %mul3A_785 : vector<16xf32>
          %add3A_787 = arith.constant 0 : i32
          %add3A_788 = arith.addi %mul3A_770, %add3A_787 : i32
          %swap3A_789 = arith.index_cast %add3A_788 : i32 to index
          %swap3A_790 = tpu.vector_load %arg15[%swap3A_789] {strides = array<i32>} : memref<15408xf32, #tpu.memory_space<vmem>>, vector<16xf32>,
          tpu.vector_store %arg15[%swap3A_789], %max3A_786 {strides = array<i32>} : memref<15408xf32, #tpu.memory_space<vmem>>, vector<16xf32>,
          %get3A_791 = arith.constant 0 : i32
          %get3A_792 = arith.index_cast %get3A_791 : i32 to index
          %get3A_793 = arith.index_cast %add3A_774 : i32 to index
          %get3A_794 = arith.constant 16 : index
          %get3A_795 = tpu.vector_load %arg20[%get3A_792, %get3A_793, %get3A_794] {strides = array<i32>} : memref<2x128x48xf32, #tpu.memory_space<vmem>>, vector<16xf32>,
          %add3A_796 = arith.constant 16 : i32
          %add3A_797 = arith.addi %mul3A_770, %add3A_796 : i32
          %get3A_798 = arith.index_cast %add3A_797 : i32 to index
          %get3A_799 = tpu.vector_load %arg15[%get3A_798] {strides = array<i32>} : memref<15408xf32, #tpu.memory_space<vmem>>, vector<16xf32>,
          %mul3A_800 = vector.broadcast %squeeze3A_766 : f32 to vector<16xf32>
          %mul3A_801 = arith.mulf %mul3A_800, %get3A_795 : vector<16xf32>
          %max3A_802 = arith.maximumf %get3A_799, %mul3A_801 : vector<16xf32>
          %add3A_803 = arith.constant 16 : i32
          %add3A_804 = arith.addi %mul3A_770, %add3A_803 : i32
          %swap3A_805 = arith.index_cast %add3A_804 : i32 to index
          %swap3A_806 = tpu.vector_load %arg15[%swap3A_805] {strides = array<i32>} : memref<15408xf32, #tpu.memory_space<vmem>>, vector<16xf32>,
          tpu.vector_store %arg15[%swap3A_805], %max3A_802 {strides = array<i32>} : memref<15408xf32, #tpu.memory_space<vmem>>, vector<16xf32>,
          %get3A_807 = arith.constant 0 : i32
          %get3A_808 = arith.index_cast %get3A_807 : i32 to index
          %get3A_809 = arith.index_cast %add3A_774 : i32 to index
          %get3A_810 = arith.constant 32 : index
          %get3A_811 = tpu.vector_load %arg20[%get3A_808, %get3A_809, %get3A_810] {strides = array<i32>} : memref<2x128x48xf32, #tpu.memory_space<vmem>>, vector<16xf32>,
          %add3A_812 = arith.constant 32 : i32
          %add3A_813 = arith.addi %mul3A_770, %add3A_812 : i32
          %get3A_814 = arith.index_cast %add3A_813 : i32 to index
          %get3A_815 = tpu.vector_load %arg15[%get3A_814] {strides = array<i32>} : memref<15408xf32, #tpu.memory_space<vmem>>, vector<16xf32>,
          %mul3A_816 = vector.broadcast %squeeze3A_766 : f32 to vector<16xf32>
          %mul3A_817 = arith.mulf %mul3A_816, %get3A_811 : vector<16xf32>
          %max3A_818 = arith.maximumf %get3A_815, %mul3A_817 : vector<16xf32>
          %add3A_819 = arith.constant 32 : i32
          %add3A_820 = arith.addi %mul3A_770, %add3A_819 : i32
          %swap3A_821 = arith.index_cast %add3A_820 : i32 to index
          %swap3A_822 = tpu.vector_load %arg15[%swap3A_821] {strides = array<i32>} : memref<15408xf32, #tpu.memory_space<vmem>>, vector<16xf32>,
          tpu.vector_store %arg15[%swap3A_821], %max3A_818 {strides = array<i32>} : memref<15408xf32, #tpu.memory_space<vmem>>, vector<16xf32>,
          %slice3A_823 = vector.extract_strided_slice %get3A_242 {offsets = [10], sizes = [1], strides = [1]} : vector<16xf32> to vector<1xf32>
          %squeeze3A_824 = vector.extract %slice3A_823[0] : f32 from vector<1xf32>
          %slice3A_825 = vector.extract_strided_slice %select_n3A_246 {offsets = [10], sizes = [1], strides = [1]} : vector<16xi32> to vector<1xi32>
          %squeeze3A_826 = vector.extract %slice3A_825[0] : i32 from vector<1xi32>
          %mul3A_827 = arith.constant 48 : i32
          %mul3A_828 = arith.muli %squeeze3A_826, %mul3A_827 : i32
          %mul3A_829 = arith.constant 16 : i32
          %mul3A_830 = arith.muli %scan3A_233, %mul3A_829 : i32
          %add3A_831 = arith.constant 10 : i32
          %add3A_832 = arith.addi %mul3A_830, %add3A_831 : i32
          %get3A_833 = arith.constant 0 : i32
          %get3A_834 = arith.index_cast %get3A_833 : i32 to index
          %get3A_835 = arith.index_cast %add3A_832 : i32 to index
          %get3A_836 = arith.constant 0 : index
          %get3A_837 = tpu.vector_load %arg20[%get3A_834, %get3A_835, %get3A_836] {strides = array<i32>} : memref<2x128x48xf32, #tpu.memory_space<vmem>>, vector<16xf32>,
          %add3A_838 = arith.constant 0 : i32
          %add3A_839 = arith.addi %mul3A_828, %add3A_838 : i32
          %get3A_840 = arith.index_cast %add3A_839 : i32 to index
          %get3A_841 = tpu.vector_load %arg15[%get3A_840] {strides = array<i32>} : memref<15408xf32, #tpu.memory_space<vmem>>, vector<16xf32>,
          %mul3A_842 = vector.broadcast %squeeze3A_824 : f32 to vector<16xf32>
          %mul3A_843 = arith.mulf %mul3A_842, %get3A_837 : vector<16xf32>
          %max3A_844 = arith.maximumf %get3A_841, %mul3A_843 : vector<16xf32>
          %add3A_845 = arith.constant 0 : i32
          %add3A_846 = arith.addi %mul3A_828, %add3A_845 : i32
          %swap3A_847 = arith.index_cast %add3A_846 : i32 to index
          %swap3A_848 = tpu.vector_load %arg15[%swap3A_847] {strides = array<i32>} : memref<15408xf32, #tpu.memory_space<vmem>>, vector<16xf32>,
          tpu.vector_store %arg15[%swap3A_847], %max3A_844 {strides = array<i32>} : memref<15408xf32, #tpu.memory_space<vmem>>, vector<16xf32>,
          %get3A_849 = arith.constant 0 : i32
          %get3A_850 = arith.index_cast %get3A_849 : i32 to index
          %get3A_851 = arith.index_cast %add3A_832 : i32 to index
          %get3A_852 = arith.constant 16 : index
          %get3A_853 = tpu.vector_load %arg20[%get3A_850, %get3A_851, %get3A_852] {strides = array<i32>} : memref<2x128x48xf32, #tpu.memory_space<vmem>>, vector<16xf32>,
          %add3A_854 = arith.constant 16 : i32
          %add3A_855 = arith.addi %mul3A_828, %add3A_854 : i32
          %get3A_856 = arith.index_cast %add3A_855 : i32 to index
          %get3A_857 = tpu.vector_load %arg15[%get3A_856] {strides = array<i32>} : memref<15408xf32, #tpu.memory_space<vmem>>, vector<16xf32>,
          %mul3A_858 = vector.broadcast %squeeze3A_824 : f32 to vector<16xf32>
          %mul3A_859 = arith.mulf %mul3A_858, %get3A_853 : vector<16xf32>
          %max3A_860 = arith.maximumf %get3A_857, %mul3A_859 : vector<16xf32>
          %add3A_861 = arith.constant 16 : i32
          %add3A_862 = arith.addi %mul3A_828, %add3A_861 : i32
          %swap3A_863 = arith.index_cast %add3A_862 : i32 to index
          %swap3A_864 = tpu.vector_load %arg15[%swap3A_863] {strides = array<i32>} : memref<15408xf32, #tpu.memory_space<vmem>>, vector<16xf32>,
          tpu.vector_store %arg15[%swap3A_863], %max3A_860 {strides = array<i32>} : memref<15408xf32, #tpu.memory_space<vmem>>, vector<16xf32>,
          %get3A_865 = arith.constant 0 : i32
          %get3A_866 = arith.index_cast %get3A_865 : i32 to index
          %get3A_867 = arith.index_cast %add3A_832 : i32 to index
          %get3A_868 = arith.constant 32 : index
          %get3A_869 = tpu.vector_load %arg20[%get3A_866, %get3A_867, %get3A_868] {strides = array<i32>} : memref<2x128x48xf32, #tpu.memory_space<vmem>>, vector<16xf32>,
          %add3A_870 = arith.constant 32 : i32
          %add3A_871 = arith.addi %mul3A_828, %add3A_870 : i32
          %get3A_872 = arith.index_cast %add3A_871 : i32 to index
          %get3A_873 = tpu.vector_load %arg15[%get3A_872] {strides = array<i32>} : memref<15408xf32, #tpu.memory_space<vmem>>, vector<16xf32>,
          %mul3A_874 = vector.broadcast %squeeze3A_824 : f32 to vector<16xf32>
          %mul3A_875 = arith.mulf %mul3A_874, %get3A_869 : vector<16xf32>
          %max3A_876 = arith.maximumf %get3A_873, %mul3A_875 : vector<16xf32>
          %add3A_877 = arith.constant 32 : i32
          %add3A_878 = arith.addi %mul3A_828, %add3A_877 : i32
          %swap3A_879 = arith.index_cast %add3A_878 : i32 to index
          %swap3A_880 = tpu.vector_load %arg15[%swap3A_879] {strides = array<i32>} : memref<15408xf32, #tpu.memory_space<vmem>>, vector<16xf32>,
          tpu.vector_store %arg15[%swap3A_879], %max3A_876 {strides = array<i32>} : memref<15408xf32, #tpu.memory_space<vmem>>, vector<16xf32>,
          %slice3A_881 = vector.extract_strided_slice %get3A_242 {offsets = [11], sizes = [1], strides = [1]} : vector<16xf32> to vector<1xf32>
          %squeeze3A_882 = vector.extract %slice3A_881[0] : f32 from vector<1xf32>
          %slice3A_883 = vector.extract_strided_slice %select_n3A_246 {offsets = [11], sizes = [1], strides = [1]} : vector<16xi32> to vector<1xi32>
          %squeeze3A_884 = vector.extract %slice3A_883[0] : i32 from vector<1xi32>
          %mul3A_885 = arith.constant 48 : i32
          %mul3A_886 = arith.muli %squeeze3A_884, %mul3A_885 : i32
          %mul3A_887 = arith.constant 16 : i32
          %mul3A_888 = arith.muli %scan3A_233, %mul3A_887 : i32
          %add3A_889 = arith.constant 11 : i32
          %add3A_890 = arith.addi %mul3A_888, %add3A_889 : i32
          %get3A_891 = arith.constant 0 : i32
          %get3A_892 = arith.index_cast %get3A_891 : i32 to index
          %get3A_893 = arith.index_cast %add3A_890 : i32 to index
          %get3A_894 = arith.constant 0 : index
          %get3A_895 = tpu.vector_load %arg20[%get3A_892, %get3A_893, %get3A_894] {strides = array<i32>} : memref<2x128x48xf32, #tpu.memory_space<vmem>>, vector<16xf32>,
          %add3A_896 = arith.constant 0 : i32
          %add3A_897 = arith.addi %mul3A_886, %add3A_896 : i32
          %get3A_898 = arith.index_cast %add3A_897 : i32 to index
          %get3A_899 = tpu.vector_load %arg15[%get3A_898] {strides = array<i32>} : memref<15408xf32, #tpu.memory_space<vmem>>, vector<16xf32>,
          %mul3A_900 = vector.broadcast %squeeze3A_882 : f32 to vector<16xf32>
          %mul3A_901 = arith.mulf %mul3A_900, %get3A_895 : vector<16xf32>
          %max3A_902 = arith.maximumf %get3A_899, %mul3A_901 : vector<16xf32>
          %add3A_903 = arith.constant 0 : i32
          %add3A_904 = arith.addi %mul3A_886, %add3A_903 : i32
          %swap3A_905 = arith.index_cast %add3A_904 : i32 to index
          %swap3A_906 = tpu.vector_load %arg15[%swap3A_905] {strides = array<i32>} : memref<15408xf32, #tpu.memory_space<vmem>>, vector<16xf32>,
          tpu.vector_store %arg15[%swap3A_905], %max3A_902 {strides = array<i32>} : memref<15408xf32, #tpu.memory_space<vmem>>, vector<16xf32>,
          %get3A_907 = arith.constant 0 : i32
          %get3A_908 = arith.index_cast %get3A_907 : i32 to index
          %get3A_909 = arith.index_cast %add3A_890 : i32 to index
          %get3A_910 = arith.constant 16 : index
          %get3A_911 = tpu.vector_load %arg20[%get3A_908, %get3A_909, %get3A_910] {strides = array<i32>} : memref<2x128x48xf32, #tpu.memory_space<vmem>>, vector<16xf32>,
          %add3A_912 = arith.constant 16 : i32
          %add3A_913 = arith.addi %mul3A_886, %add3A_912 : i32
          %get3A_914 = arith.index_cast %add3A_913 : i32 to index
          %get3A_915 = tpu.vector_load %arg15[%get3A_914] {strides = array<i32>} : memref<15408xf32, #tpu.memory_space<vmem>>, vector<16xf32>,
          %mul3A_916 = vector.broadcast %squeeze3A_882 : f32 to vector<16xf32>
          %mul3A_917 = arith.mulf %mul3A_916, %get3A_911 : vector<16xf32>
          %max3A_918 = arith.maximumf %get3A_915, %mul3A_917 : vector<16xf32>
          %add3A_919 = arith.constant 16 : i32
          %add3A_920 = arith.addi %mul3A_886, %add3A_919 : i32
          %swap3A_921 = arith.index_cast %add3A_920 : i32 to index
          %swap3A_922 = tpu.vector_load %arg15[%swap3A_921] {strides = array<i32>} : memref<15408xf32, #tpu.memory_space<vmem>>, vector<16xf32>,
          tpu.vector_store %arg15[%swap3A_921], %max3A_918 {strides = array<i32>} : memref<15408xf32, #tpu.memory_space<vmem>>, vector<16xf32>,
          %get3A_923 = arith.constant 0 : i32
          %get3A_924 = arith.index_cast %get3A_923 : i32 to index
          %get3A_925 = arith.index_cast %add3A_890 : i32 to index
          %get3A_926 = arith.constant 32 : index
          %get3A_927 = tpu.vector_load %arg20[%get3A_924, %get3A_925, %get3A_926] {strides = array<i32>} : memref<2x128x48xf32, #tpu.memory_space<vmem>>, vector<16xf32>,
          %add3A_928 = arith.constant 32 : i32
          %add3A_929 = arith.addi %mul3A_886, %add3A_928 : i32
          %get3A_930 = arith.index_cast %add3A_929 : i32 to index
          %get3A_931 = tpu.vector_load %arg15[%get3A_930] {strides = array<i32>} : memref<15408xf32, #tpu.memory_space<vmem>>, vector<16xf32>,
          %mul3A_932 = vector.broadcast %squeeze3A_882 : f32 to vector<16xf32>
          %mul3A_933 = arith.mulf %mul3A_932, %get3A_927 : vector<16xf32>
          %max3A_934 = arith.maximumf %get3A_931, %mul3A_933 : vector<16xf32>
          %add3A_935 = arith.constant 32 : i32
          %add3A_936 = arith.addi %mul3A_886, %add3A_935 : i32
          %swap3A_937 = arith.index_cast %add3A_936 : i32 to index
          %swap3A_938 = tpu.vector_load %arg15[%swap3A_937] {strides = array<i32>} : memref<15408xf32, #tpu.memory_space<vmem>>, vector<16xf32>,
          tpu.vector_store %arg15[%swap3A_937], %max3A_934 {strides = array<i32>} : memref<15408xf32, #tpu.memory_space<vmem>>, vector<16xf32>,
          %slice3A_939 = vector.extract_strided_slice %get3A_242 {offsets = [12], sizes = [1], strides = [1]} : vector<16xf32> to vector<1xf32>
          %squeeze3A_940 = vector.extract %slice3A_939[0] : f32 from vector<1xf32>
          %slice3A_941 = vector.extract_strided_slice %select_n3A_246 {offsets = [12], sizes = [1], strides = [1]} : vector<16xi32> to vector<1xi32>
          %squeeze3A_942 = vector.extract %slice3A_941[0] : i32 from vector<1xi32>
          %mul3A_943 = arith.constant 48 : i32
          %mul3A_944 = arith.muli %squeeze3A_942, %mul3A_943 : i32
          %mul3A_945 = arith.constant 16 : i32
          %mul3A_946 = arith.muli %scan3A_233, %mul3A_945 : i32
          %add3A_947 = arith.constant 12 : i32
          %add3A_948 = arith.addi %mul3A_946, %add3A_947 : i32
          %get3A_949 = arith.constant 0 : i32
          %get3A_950 = arith.index_cast %get3A_949 : i32 to index
          %get3A_951 = arith.index_cast %add3A_948 : i32 to index
          %get3A_952 = arith.constant 0 : index
          %get3A_953 = tpu.vector_load %arg20[%get3A_950, %get3A_951, %get3A_952] {strides = array<i32>} : memref<2x128x48xf32, #tpu.memory_space<vmem>>, vector<16xf32>,
          %add3A_954 = arith.constant 0 : i32
          %add3A_955 = arith.addi %mul3A_944, %add3A_954 : i32
          %get3A_956 = arith.index_cast %add3A_955 : i32 to index
          %get3A_957 = tpu.vector_load %arg15[%get3A_956] {strides = array<i32>} : memref<15408xf32, #tpu.memory_space<vmem>>, vector<16xf32>,
          %mul3A_958 = vector.broadcast %squeeze3A_940 : f32 to vector<16xf32>
          %mul3A_959 = arith.mulf %mul3A_958, %get3A_953 : vector<16xf32>
          %max3A_960 = arith.maximumf %get3A_957, %mul3A_959 : vector<16xf32>
          %add3A_961 = arith.constant 0 : i32
          %add3A_962 = arith.addi %mul3A_944, %add3A_961 : i32
          %swap3A_963 = arith.index_cast %add3A_962 : i32 to index
          %swap3A_964 = tpu.vector_load %arg15[%swap3A_963] {strides = array<i32>} : memref<15408xf32, #tpu.memory_space<vmem>>, vector<16xf32>,
          tpu.vector_store %arg15[%swap3A_963], %max3A_960 {strides = array<i32>} : memref<15408xf32, #tpu.memory_space<vmem>>, vector<16xf32>,
          %get3A_965 = arith.constant 0 : i32
          %get3A_966 = arith.index_cast %get3A_965 : i32 to index
          %get3A_967 = arith.index_cast %add3A_948 : i32 to index
          %get3A_968 = arith.constant 16 : index
          %get3A_969 = tpu.vector_load %arg20[%get3A_966, %get3A_967, %get3A_968] {strides = array<i32>} : memref<2x128x48xf32, #tpu.memory_space<vmem>>, vector<16xf32>,
          %add3A_970 = arith.constant 16 : i32
          %add3A_971 = arith.addi %mul3A_944, %add3A_970 : i32
          %get3A_972 = arith.index_cast %add3A_971 : i32 to index
          %get3A_973 = tpu.vector_load %arg15[%get3A_972] {strides = array<i32>} : memref<15408xf32, #tpu.memory_space<vmem>>, vector<16xf32>,
          %mul3A_974 = vector.broadcast %squeeze3A_940 : f32 to vector<16xf32>
          %mul3A_975 = arith.mulf %mul3A_974, %get3A_969 : vector<16xf32>
          %max3A_976 = arith.maximumf %get3A_973, %mul3A_975 : vector<16xf32>
          %add3A_977 = arith.constant 16 : i32
          %add3A_978 = arith.addi %mul3A_944, %add3A_977 : i32
          %swap3A_979 = arith.index_cast %add3A_978 : i32 to index
          %swap3A_980 = tpu.vector_load %arg15[%swap3A_979] {strides = array<i32>} : memref<15408xf32, #tpu.memory_space<vmem>>, vector<16xf32>,
          tpu.vector_store %arg15[%swap3A_979], %max3A_976 {strides = array<i32>} : memref<15408xf32, #tpu.memory_space<vmem>>, vector<16xf32>,
          %get3A_981 = arith.constant 0 : i32
          %get3A_982 = arith.index_cast %get3A_981 : i32 to index
          %get3A_983 = arith.index_cast %add3A_948 : i32 to index
          %get3A_984 = arith.constant 32 : index
          %get3A_985 = tpu.vector_load %arg20[%get3A_982, %get3A_983, %get3A_984] {strides = array<i32>} : memref<2x128x48xf32, #tpu.memory_space<vmem>>, vector<16xf32>,
          %add3A_986 = arith.constant 32 : i32
          %add3A_987 = arith.addi %mul3A_944, %add3A_986 : i32
          %get3A_988 = arith.index_cast %add3A_987 : i32 to index
          %get3A_989 = tpu.vector_load %arg15[%get3A_988] {strides = array<i32>} : memref<15408xf32, #tpu.memory_space<vmem>>, vector<16xf32>,
          %mul3A_990 = vector.broadcast %squeeze3A_940 : f32 to vector<16xf32>
          %mul3A_991 = arith.mulf %mul3A_990, %get3A_985 : vector<16xf32>
          %max3A_992 = arith.maximumf %get3A_989, %mul3A_991 : vector<16xf32>
          %add3A_993 = arith.constant 32 : i32
          %add3A_994 = arith.addi %mul3A_944, %add3A_993 : i32
          %swap3A_995 = arith.index_cast %add3A_994 : i32 to index
          %swap3A_996 = tpu.vector_load %arg15[%swap3A_995] {strides = array<i32>} : memref<15408xf32, #tpu.memory_space<vmem>>, vector<16xf32>,
          tpu.vector_store %arg15[%swap3A_995], %max3A_992 {strides = array<i32>} : memref<15408xf32, #tpu.memory_space<vmem>>, vector<16xf32>,
          %slice3A_997 = vector.extract_strided_slice %get3A_242 {offsets = [13], sizes = [1], strides = [1]} : vector<16xf32> to vector<1xf32>
          %squeeze3A_998 = vector.extract %slice3A_997[0] : f32 from vector<1xf32>
          %slice3A_999 = vector.extract_strided_slice %select_n3A_246 {offsets = [13], sizes = [1], strides = [1]} : vector<16xi32> to vector<1xi32>
          %squeeze3A_1000 = vector.extract %slice3A_999[0] : i32 from vector<1xi32>
          %mul3A_1001 = arith.constant 48 : i32
          %mul3A_1002 = arith.muli %squeeze3A_1000, %mul3A_1001 : i32
          %mul3A_1003 = arith.constant 16 : i32
          %mul3A_1004 = arith.muli %scan3A_233, %mul3A_1003 : i32
          %add3A_1005 = arith.constant 13 : i32
          %add3A_1006 = arith.addi %mul3A_1004, %add3A_1005 : i32
          %get3A_1007 = arith.constant 0 : i32
          %get3A_1008 = arith.index_cast %get3A_1007 : i32 to index
          %get3A_1009 = arith.index_cast %add3A_1006 : i32 to index
          %get3A_1010 = arith.constant 0 : index
          %get3A_1011 = tpu.vector_load %arg20[%get3A_1008, %get3A_1009, %get3A_1010] {strides = array<i32>} : memref<2x128x48xf32, #tpu.memory_space<vmem>>, vector<16xf32>,
          %add3A_1012 = arith.constant 0 : i32
          %add3A_1013 = arith.addi %mul3A_1002, %add3A_1012 : i32
          %get3A_1014 = arith.index_cast %add3A_1013 : i32 to index
          %get3A_1015 = tpu.vector_load %arg15[%get3A_1014] {strides = array<i32>} : memref<15408xf32, #tpu.memory_space<vmem>>, vector<16xf32>,
          %mul3A_1016 = vector.broadcast %squeeze3A_998 : f32 to vector<16xf32>
          %mul3A_1017 = arith.mulf %mul3A_1016, %get3A_1011 : vector<16xf32>
          %max3A_1018 = arith.maximumf %get3A_1015, %mul3A_1017 : vector<16xf32>
          %add3A_1019 = arith.constant 0 : i32
          %add3A_1020 = arith.addi %mul3A_1002, %add3A_1019 : i32
          %swap3A_1021 = arith.index_cast %add3A_1020 : i32 to index
          %swap3A_1022 = tpu.vector_load %arg15[%swap3A_1021] {strides = array<i32>} : memref<15408xf32, #tpu.memory_space<vmem>>, vector<16xf32>,
          tpu.vector_store %arg15[%swap3A_1021], %max3A_1018 {strides = array<i32>} : memref<15408xf32, #tpu.memory_space<vmem>>, vector<16xf32>,
          %get3A_1023 = arith.constant 0 : i32
          %get3A_1024 = arith.index_cast %get3A_1023 : i32 to index
          %get3A_1025 = arith.index_cast %add3A_1006 : i32 to index
          %get3A_1026 = arith.constant 16 : index
          %get3A_1027 = tpu.vector_load %arg20[%get3A_1024, %get3A_1025, %get3A_1026] {strides = array<i32>} : memref<2x128x48xf32, #tpu.memory_space<vmem>>, vector<16xf32>,
          %add3A_1028 = arith.constant 16 : i32
          %add3A_1029 = arith.addi %mul3A_1002, %add3A_1028 : i32
          %get3A_1030 = arith.index_cast %add3A_1029 : i32 to index
          %get3A_1031 = tpu.vector_load %arg15[%get3A_1030] {strides = array<i32>} : memref<15408xf32, #tpu.memory_space<vmem>>, vector<16xf32>,
          %mul3A_1032 = vector.broadcast %squeeze3A_998 : f32 to vector<16xf32>
          %mul3A_1033 = arith.mulf %mul3A_1032, %get3A_1027 : vector<16xf32>
          %max3A_1034 = arith.maximumf %get3A_1031, %mul3A_1033 : vector<16xf32>
          %add3A_1035 = arith.constant 16 : i32
          %add3A_1036 = arith.addi %mul3A_1002, %add3A_1035 : i32
          %swap3A_1037 = arith.index_cast %add3A_1036 : i32 to index
          %swap3A_1038 = tpu.vector_load %arg15[%swap3A_1037] {strides = array<i32>} : memref<15408xf32, #tpu.memory_space<vmem>>, vector<16xf32>,
          tpu.vector_store %arg15[%swap3A_1037], %max3A_1034 {strides = array<i32>} : memref<15408xf32, #tpu.memory_space<vmem>>, vector<16xf32>,
          %get3A_1039 = arith.constant 0 : i32
          %get3A_1040 = arith.index_cast %get3A_1039 : i32 to index
          %get3A_1041 = arith.index_cast %add3A_1006 : i32 to index
          %get3A_1042 = arith.constant 32 : index
          %get3A_1043 = tpu.vector_load %arg20[%get3A_1040, %get3A_1041, %get3A_1042] {strides = array<i32>} : memref<2x128x48xf32, #tpu.memory_space<vmem>>, vector<16xf32>,
          %add3A_1044 = arith.constant 32 : i32
          %add3A_1045 = arith.addi %mul3A_1002, %add3A_1044 : i32
          %get3A_1046 = arith.index_cast %add3A_1045 : i32 to index
          %get3A_1047 = tpu.vector_load %arg15[%get3A_1046] {strides = array<i32>} : memref<15408xf32, #tpu.memory_space<vmem>>, vector<16xf32>,
          %mul3A_1048 = vector.broadcast %squeeze3A_998 : f32 to vector<16xf32>
          %mul3A_1049 = arith.mulf %mul3A_1048, %get3A_1043 : vector<16xf32>
          %max3A_1050 = arith.maximumf %get3A_1047, %mul3A_1049 : vector<16xf32>
          %add3A_1051 = arith.constant 32 : i32
          %add3A_1052 = arith.addi %mul3A_1002, %add3A_1051 : i32
          %swap3A_1053 = arith.index_cast %add3A_1052 : i32 to index
          %swap3A_1054 = tpu.vector_load %arg15[%swap3A_1053] {strides = array<i32>} : memref<15408xf32, #tpu.memory_space<vmem>>, vector<16xf32>,
          tpu.vector_store %arg15[%swap3A_1053], %max3A_1050 {strides = array<i32>} : memref<15408xf32, #tpu.memory_space<vmem>>, vector<16xf32>,
          %slice3A_1055 = vector.extract_strided_slice %get3A_242 {offsets = [14], sizes = [1], strides = [1]} : vector<16xf32> to vector<1xf32>
          %squeeze3A_1056 = vector.extract %slice3A_1055[0] : f32 from vector<1xf32>
          %slice3A_1057 = vector.extract_strided_slice %select_n3A_246 {offsets = [14], sizes = [1], strides = [1]} : vector<16xi32> to vector<1xi32>
          %squeeze3A_1058 = vector.extract %slice3A_1057[0] : i32 from vector<1xi32>
          %mul3A_1059 = arith.constant 48 : i32
          %mul3A_1060 = arith.muli %squeeze3A_1058, %mul3A_1059 : i32
          %mul3A_1061 = arith.constant 16 : i32
          %mul3A_1062 = arith.muli %scan3A_233, %mul3A_1061 : i32
          %add3A_1063 = arith.constant 14 : i32
          %add3A_1064 = arith.addi %mul3A_1062, %add3A_1063 : i32
          %get3A_1065 = arith.constant 0 : i32
          %get3A_1066 = arith.index_cast %get3A_1065 : i32 to index
          %get3A_1067 = arith.index_cast %add3A_1064 : i32 to index
          %get3A_1068 = arith.constant 0 : index
          %get3A_1069 = tpu.vector_load %arg20[%get3A_1066, %get3A_1067, %get3A_1068] {strides = array<i32>} : memref<2x128x48xf32, #tpu.memory_space<vmem>>, vector<16xf32>,
          %add3A_1070 = arith.constant 0 : i32
          %add3A_1071 = arith.addi %mul3A_1060, %add3A_1070 : i32
          %get3A_1072 = arith.index_cast %add3A_1071 : i32 to index
          %get3A_1073 = tpu.vector_load %arg15[%get3A_1072] {strides = array<i32>} : memref<15408xf32, #tpu.memory_space<vmem>>, vector<16xf32>,
          %mul3A_1074 = vector.broadcast %squeeze3A_1056 : f32 to vector<16xf32>
          %mul3A_1075 = arith.mulf %mul3A_1074, %get3A_1069 : vector<16xf32>
          %max3A_1076 = arith.maximumf %get3A_1073, %mul3A_1075 : vector<16xf32>
          %add3A_1077 = arith.constant 0 : i32
          %add3A_1078 = arith.addi %mul3A_1060, %add3A_1077 : i32
          %swap3A_1079 = arith.index_cast %add3A_1078 : i32 to index
          %swap3A_1080 = tpu.vector_load %arg15[%swap3A_1079] {strides = array<i32>} : memref<15408xf32, #tpu.memory_space<vmem>>, vector<16xf32>,
          tpu.vector_store %arg15[%swap3A_1079], %max3A_1076 {strides = array<i32>} : memref<15408xf32, #tpu.memory_space<vmem>>, vector<16xf32>,
          %get3A_1081 = arith.constant 0 : i32
          %get3A_1082 = arith.index_cast %get3A_1081 : i32 to index
          %get3A_1083 = arith.index_cast %add3A_1064 : i32 to index
          %get3A_1084 = arith.constant 16 : index
          %get3A_1085 = tpu.vector_load %arg20[%get3A_1082, %get3A_1083, %get3A_1084] {strides = array<i32>} : memref<2x128x48xf32, #tpu.memory_space<vmem>>, vector<16xf32>,
          %add3A_1086 = arith.constant 16 : i32
          %add3A_1087 = arith.addi %mul3A_1060, %add3A_1086 : i32
          %get3A_1088 = arith.index_cast %add3A_1087 : i32 to index
          %get3A_1089 = tpu.vector_load %arg15[%get3A_1088] {strides = array<i32>} : memref<15408xf32, #tpu.memory_space<vmem>>, vector<16xf32>,
          %mul3A_1090 = vector.broadcast %squeeze3A_1056 : f32 to vector<16xf32>
          %mul3A_1091 = arith.mulf %mul3A_1090, %get3A_1085 : vector<16xf32>
          %max3A_1092 = arith.maximumf %get3A_1089, %mul3A_1091 : vector<16xf32>
          %add3A_1093 = arith.constant 16 : i32
          %add3A_1094 = arith.addi %mul3A_1060, %add3A_1093 : i32
          %swap3A_1095 = arith.index_cast %add3A_1094 : i32 to index
          %swap3A_1096 = tpu.vector_load %arg15[%swap3A_1095] {strides = array<i32>} : memref<15408xf32, #tpu.memory_space<vmem>>, vector<16xf32>,
          tpu.vector_store %arg15[%swap3A_1095], %max3A_1092 {strides = array<i32>} : memref<15408xf32, #tpu.memory_space<vmem>>, vector<16xf32>,
          %get3A_1097 = arith.constant 0 : i32
          %get3A_1098 = arith.index_cast %get3A_1097 : i32 to index
          %get3A_1099 = arith.index_cast %add3A_1064 : i32 to index
          %get3A_1100 = arith.constant 32 : index
          %get3A_1101 = tpu.vector_load %arg20[%get3A_1098, %get3A_1099, %get3A_1100] {strides = array<i32>} : memref<2x128x48xf32, #tpu.memory_space<vmem>>, vector<16xf32>,
          %add3A_1102 = arith.constant 32 : i32
          %add3A_1103 = arith.addi %mul3A_1060, %add3A_1102 : i32
          %get3A_1104 = arith.index_cast %add3A_1103 : i32 to index
          %get3A_1105 = tpu.vector_load %arg15[%get3A_1104] {strides = array<i32>} : memref<15408xf32, #tpu.memory_space<vmem>>, vector<16xf32>,
          %mul3A_1106 = vector.broadcast %squeeze3A_1056 : f32 to vector<16xf32>
          %mul3A_1107 = arith.mulf %mul3A_1106, %get3A_1101 : vector<16xf32>
          %max3A_1108 = arith.maximumf %get3A_1105, %mul3A_1107 : vector<16xf32>
          %add3A_1109 = arith.constant 32 : i32
          %add3A_1110 = arith.addi %mul3A_1060, %add3A_1109 : i32
          %swap3A_1111 = arith.index_cast %add3A_1110 : i32 to index
          %swap3A_1112 = tpu.vector_load %arg15[%swap3A_1111] {strides = array<i32>} : memref<15408xf32, #tpu.memory_space<vmem>>, vector<16xf32>,
          tpu.vector_store %arg15[%swap3A_1111], %max3A_1108 {strides = array<i32>} : memref<15408xf32, #tpu.memory_space<vmem>>, vector<16xf32>,
          %slice3A_1113 = vector.extract_strided_slice %get3A_242 {offsets = [15], sizes = [1], strides = [1]} : vector<16xf32> to vector<1xf32>
          %squeeze3A_1114 = vector.extract %slice3A_1113[0] : f32 from vector<1xf32>
          %slice3A_1115 = vector.extract_strided_slice %select_n3A_246 {offsets = [15], sizes = [1], strides = [1]} : vector<16xi32> to vector<1xi32>
          %squeeze3A_1116 = vector.extract %slice3A_1115[0] : i32 from vector<1xi32>
          %mul3A_1117 = arith.constant 48 : i32
          %mul3A_1118 = arith.muli %squeeze3A_1116, %mul3A_1117 : i32
          %mul3A_1119 = arith.constant 16 : i32
          %mul3A_1120 = arith.muli %scan3A_233, %mul3A_1119 : i32
          %add3A_1121 = arith.constant 15 : i32
          %add3A_1122 = arith.addi %mul3A_1120, %add3A_1121 : i32
          %get3A_1123 = arith.constant 0 : i32
          %get3A_1124 = arith.index_cast %get3A_1123 : i32 to index
          %get3A_1125 = arith.index_cast %add3A_1122 : i32 to index
          %get3A_1126 = arith.constant 0 : index
          %get3A_1127 = tpu.vector_load %arg20[%get3A_1124, %get3A_1125, %get3A_1126] {strides = array<i32>} : memref<2x128x48xf32, #tpu.memory_space<vmem>>, vector<16xf32>,
          %add3A_1128 = arith.constant 0 : i32
          %add3A_1129 = arith.addi %mul3A_1118, %add3A_1128 : i32
          %get3A_1130 = arith.index_cast %add3A_1129 : i32 to index
          %get3A_1131 = tpu.vector_load %arg15[%get3A_1130] {strides = array<i32>} : memref<15408xf32, #tpu.memory_space<vmem>>, vector<16xf32>,
          %mul3A_1132 = vector.broadcast %squeeze3A_1114 : f32 to vector<16xf32>
          %mul3A_1133 = arith.mulf %mul3A_1132, %get3A_1127 : vector<16xf32>
          %max3A_1134 = arith.maximumf %get3A_1131, %mul3A_1133 : vector<16xf32>
          %add3A_1135 = arith.constant 0 : i32
          %add3A_1136 = arith.addi %mul3A_1118, %add3A_1135 : i32
          %swap3A_1137 = arith.index_cast %add3A_1136 : i32 to index
          %swap3A_1138 = tpu.vector_load %arg15[%swap3A_1137] {strides = array<i32>} : memref<15408xf32, #tpu.memory_space<vmem>>, vector<16xf32>,
          tpu.vector_store %arg15[%swap3A_1137], %max3A_1134 {strides = array<i32>} : memref<15408xf32, #tpu.memory_space<vmem>>, vector<16xf32>,
          %get3A_1139 = arith.constant 0 : i32
          %get3A_1140 = arith.index_cast %get3A_1139 : i32 to index
          %get3A_1141 = arith.index_cast %add3A_1122 : i32 to index
          %get3A_1142 = arith.constant 16 : index
          %get3A_1143 = tpu.vector_load %arg20[%get3A_1140, %get3A_1141, %get3A_1142] {strides = array<i32>} : memref<2x128x48xf32, #tpu.memory_space<vmem>>, vector<16xf32>,
          %add3A_1144 = arith.constant 16 : i32
          %add3A_1145 = arith.addi %mul3A_1118, %add3A_1144 : i32
          %get3A_1146 = arith.index_cast %add3A_1145 : i32 to index
          %get3A_1147 = tpu.vector_load %arg15[%get3A_1146] {strides = array<i32>} : memref<15408xf32, #tpu.memory_space<vmem>>, vector<16xf32>,
          %mul3A_1148 = vector.broadcast %squeeze3A_1114 : f32 to vector<16xf32>
          %mul3A_1149 = arith.mulf %mul3A_1148, %get3A_1143 : vector<16xf32>
          %max3A_1150 = arith.maximumf %get3A_1147, %mul3A_1149 : vector<16xf32>
          %add3A_1151 = arith.constant 16 : i32
          %add3A_1152 = arith.addi %mul3A_1118, %add3A_1151 : i32
          %swap3A_1153 = arith.index_cast %add3A_1152 : i32 to index
          %swap3A_1154 = tpu.vector_load %arg15[%swap3A_1153] {strides = array<i32>} : memref<15408xf32, #tpu.memory_space<vmem>>, vector<16xf32>,
          tpu.vector_store %arg15[%swap3A_1153], %max3A_1150 {strides = array<i32>} : memref<15408xf32, #tpu.memory_space<vmem>>, vector<16xf32>,
          %get3A_1155 = arith.constant 0 : i32
          %get3A_1156 = arith.index_cast %get3A_1155 : i32 to index
          %get3A_1157 = arith.index_cast %add3A_1122 : i32 to index
          %get3A_1158 = arith.constant 32 : index
          %get3A_1159 = tpu.vector_load %arg20[%get3A_1156, %get3A_1157, %get3A_1158] {strides = array<i32>} : memref<2x128x48xf32, #tpu.memory_space<vmem>>, vector<16xf32>,
          %add3A_1160 = arith.constant 32 : i32
          %add3A_1161 = arith.addi %mul3A_1118, %add3A_1160 : i32
          %get3A_1162 = arith.index_cast %add3A_1161 : i32 to index
          %get3A_1163 = tpu.vector_load %arg15[%get3A_1162] {strides = array<i32>} : memref<15408xf32, #tpu.memory_space<vmem>>, vector<16xf32>,
          %mul3A_1164 = vector.broadcast %squeeze3A_1114 : f32 to vector<16xf32>
          %mul3A_1165 = arith.mulf %mul3A_1164, %get3A_1159 : vector<16xf32>
          %max3A_1166 = arith.maximumf %get3A_1163, %mul3A_1165 : vector<16xf32>
          %add3A_1167 = arith.constant 32 : i32
          %add3A_1168 = arith.addi %mul3A_1118, %add3A_1167 : i32
          %swap3A_1169 = arith.index_cast %add3A_1168 : i32 to index
          %swap3A_1170 = tpu.vector_load %arg15[%swap3A_1169] {strides = array<i32>} : memref<15408xf32, #tpu.memory_space<vmem>>, vector<16xf32>,
          tpu.vector_store %arg15[%swap3A_1169], %max3A_1166 {strides = array<i32>} : memref<15408xf32, #tpu.memory_space<vmem>>, vector<16xf32>,
          %scan3A_1171 = arith.constant 0 : i32
          scf.yield %scan3A_1171 : i32
        }
        %scan3A_227 = arith.constant 8 : i32
        %lt3A_228 = arith.cmpi slt, %add3A_186, %select_n3A_112 : i32
        %convert_element_type3A_229 = arith.extui %lt3A_228 : i1 to i32
        %cond3A_230 = arith.constant 0 : i32
        %cond3A_231 = arith.cmpi ne, %convert_element_type3A_229, %cond3A_230 : i32
        scf.if %cond3A_231 {
          %dma_wait3A_233 = arith.constant 1 : i32
          %dma_wait3A_234 = arith.constant 1 : i32
          %dma_wait3A_235 = arith.constant 0 : i32
          %dma_wait3A_236 = arith.constant 0 : i32
          %dma_wait3A_237 = tpu.memref_slice %arg20[%dma_wait3A_234, %dma_wait3A_235, %dma_wait3A_236] : memref<2x128x48xf32, #tpu.memory_space<vmem>> -> memref<1x128x48xf32, #tpu.memory_space<vmem>>
          %dma_wait3A_238 = tpu.memref_squeeze %dma_wait3A_237 : memref<1x128x48xf32, #tpu.memory_space<vmem>> -> memref<128x48xf32, #tpu.memory_space<vmem>>
          %dma_wait3A_239 = arith.constant 0 : i32
          %dma_wait3A_240 = tpu.memref_slice %arg19[%dma_wait3A_233, %dma_wait3A_239] : memref<2x128xi32, #tpu.memory_space<vmem>> -> memref<1x128xi32, #tpu.memory_space<vmem>>
          %dma_wait3A_241 = tpu.memref_squeeze %dma_wait3A_240 : memref<1x128xi32, #tpu.memory_space<vmem>> -> memref<128xi32, #tpu.memory_space<vmem>>
          %dma_wait3A_242 = arith.constant 0 : i32
          %dma_wait3A_243 = arith.constant 0 : i32
          %dma_wait3A_244 = tpu.memref_slice %arg2[%dma_wait3A_242, %dma_wait3A_243] : memref<50000x48xf32, #tpu.memory_space<hbm>> -> memref<50000x48xf32, #tpu.memory_space<hbm>>
          tpu.wait_indirect_dma semaphore(%arg23 : memref<!tpu.dma_semaphore, #tpu.memory_space<semaphore_mem>>) src(%dma_wait3A_244 : memref<50000x48xf32, #tpu.memory_space<hbm>>) dst(%dma_wait3A_238 : memref<128x48xf32, #tpu.memory_space<vmem>>)
          %mul3A_245 = arith.constant 128 : i32
          %mul3A_246 = arith.muli %add3A_186, %mul3A_245 : i32
          %scan3A_247 = arith.constant 0 : i32
          %scan3A_248 = arith.constant 0 : i32
          %scan3A_249 = arith.constant 8 : i32
          %scan3A_250 = arith.addi %scan3A_248, %scan3A_249 : i32
          %scan3A_251 = arith.constant 1 : i32
          %scan3A_252 = scf.for %scan3A_254 = %scan3A_248 to %scan3A_250 step %scan3A_251 iter_args(%scan3A_255 = %scan3A_247) -> (i32)  : i32 {
            %mul3A_256 = arith.constant 16 : i32
            %mul3A_257 = arith.muli %scan3A_254, %mul3A_256 : i32
            %add3A_258 = arith.addi %mul3A_246, %mul3A_257 : i32
            %add3A_259 = vector.broadcast %add3A_258 : i32 to vector<16xi32>
            %add3A_260 = arith.addi %add3A_259, %iota3A : vector<16xi32>
            %lt3A_261 = vector.broadcast %scan3A_14 : i32 to vector<16xi32>
            %lt3A_262 = arith.cmpi slt, %add3A_260, %lt3A_261 : vector<16xi32>
            %get3A = arith.index_cast %add3A_258 : i32 to index
            %get3A_263 = tpu.vector_load %arg11[%get3A] {strides = array<i32>} : memref<23040xf32, #tpu.memory_space<vmem>>, vector<16xf32>,
            %get3A_264 = arith.index_cast %add3A_258 : i32 to index
            %get3A_265 = tpu.vector_load %arg10[%get3A_264] {strides = array<i32>} : memref<23040xi32, #tpu.memory_space<vmem>>, vector<16xi32>,
            %jit3A_266 = arith.constant 320 : i32
            %broadcast_in_dim3A = vector.broadcast %jit3A_266 : i32 to vector<16xi32>
            %select_n3A_267 = arith.select %lt3A_262, %get3A_265, %broadcast_in_dim3A : vector<16xi1>, vector<16xi32>
            %slice3A = vector.extract_strided_slice %get3A_263 {offsets = [0], sizes = [1], strides = [1]} : vector<16xf32> to vector<1xf32>
            %squeeze3A = vector.extract %slice3A[0] : f32 from vector<1xf32>
            %slice3A_268 = vector.extract_strided_slice %select_n3A_267 {offsets = [0], sizes = [1], strides = [1]} : vector<16xi32> to vector<1xi32>
            %squeeze3A_269 = vector.extract %slice3A_268[0] : i32 from vector<1xi32>
            %mul3A_270 = arith.constant 48 : i32
            %mul3A_271 = arith.muli %squeeze3A_269, %mul3A_270 : i32
            %mul3A_272 = arith.constant 16 : i32
            %mul3A_273 = arith.muli %scan3A_254, %mul3A_272 : i32
            %add3A_274 = arith.constant 0 : i32
            %add3A_275 = arith.addi %mul3A_273, %add3A_274 : i32
            %get3A_276 = arith.constant 1 : i32
            %get3A_277 = arith.index_cast %get3A_276 : i32 to index
            %get3A_278 = arith.index_cast %add3A_275 : i32 to index
            %get3A_279 = arith.constant 0 : index
            %get3A_280 = tpu.vector_load %arg20[%get3A_277, %get3A_278, %get3A_279] {strides = array<i32>} : memref<2x128x48xf32, #tpu.memory_space<vmem>>, vector<16xf32>,
            %add3A_281 = arith.constant 0 : i32
            %add3A_282 = arith.addi %mul3A_271, %add3A_281 : i32
            %get3A_283 = arith.index_cast %add3A_282 : i32 to index
            %get3A_284 = tpu.vector_load %arg15[%get3A_283] {strides = array<i32>} : memref<15408xf32, #tpu.memory_space<vmem>>, vector<16xf32>,
            %mul3A_285 = vector.broadcast %squeeze3A : f32 to vector<16xf32>
            %mul3A_286 = arith.mulf %mul3A_285, %get3A_280 : vector<16xf32>
            %max3A = arith.maximumf %get3A_284, %mul3A_286 : vector<16xf32>
            %add3A_287 = arith.constant 0 : i32
            %add3A_288 = arith.addi %mul3A_271, %add3A_287 : i32
            %swap3A = arith.index_cast %add3A_288 : i32 to index
            %swap3A_289 = tpu.vector_load %arg15[%swap3A] {strides = array<i32>} : memref<15408xf32, #tpu.memory_space<vmem>>, vector<16xf32>,
            tpu.vector_store %arg15[%swap3A], %max3A {strides = array<i32>} : memref<15408xf32, #tpu.memory_space<vmem>>, vector<16xf32>,
            %get3A_290 = arith.constant 1 : i32
            %get3A_291 = arith.index_cast %get3A_290 : i32 to index
            %get3A_292 = arith.index_cast %add3A_275 : i32 to index
            %get3A_293 = arith.constant 16 : index
            %get3A_294 = tpu.vector_load %arg20[%get3A_291, %get3A_292, %get3A_293] {strides = array<i32>} : memref<2x128x48xf32, #tpu.memory_space<vmem>>, vector<16xf32>,
            %add3A_295 = arith.constant 16 : i32
            %add3A_296 = arith.addi %mul3A_271, %add3A_295 : i32
            %get3A_297 = arith.index_cast %add3A_296 : i32 to index
            %get3A_298 = tpu.vector_load %arg15[%get3A_297] {strides = array<i32>} : memref<15408xf32, #tpu.memory_space<vmem>>, vector<16xf32>,
            %mul3A_299 = vector.broadcast %squeeze3A : f32 to vector<16xf32>
            %mul3A_300 = arith.mulf %mul3A_299, %get3A_294 : vector<16xf32>
            %max3A_301 = arith.maximumf %get3A_298, %mul3A_300 : vector<16xf32>
            %add3A_302 = arith.constant 16 : i32
            %add3A_303 = arith.addi %mul3A_271, %add3A_302 : i32
            %swap3A_304 = arith.index_cast %add3A_303 : i32 to index
            %swap3A_305 = tpu.vector_load %arg15[%swap3A_304] {strides = array<i32>} : memref<15408xf32, #tpu.memory_space<vmem>>, vector<16xf32>,
            tpu.vector_store %arg15[%swap3A_304], %max3A_301 {strides = array<i32>} : memref<15408xf32, #tpu.memory_space<vmem>>, vector<16xf32>,
            %get3A_306 = arith.constant 1 : i32
            %get3A_307 = arith.index_cast %get3A_306 : i32 to index
            %get3A_308 = arith.index_cast %add3A_275 : i32 to index
            %get3A_309 = arith.constant 32 : index
            %get3A_310 = tpu.vector_load %arg20[%get3A_307, %get3A_308, %get3A_309] {strides = array<i32>} : memref<2x128x48xf32, #tpu.memory_space<vmem>>, vector<16xf32>,
            %add3A_311 = arith.constant 32 : i32
            %add3A_312 = arith.addi %mul3A_271, %add3A_311 : i32
            %get3A_313 = arith.index_cast %add3A_312 : i32 to index
            %get3A_314 = tpu.vector_load %arg15[%get3A_313] {strides = array<i32>} : memref<15408xf32, #tpu.memory_space<vmem>>, vector<16xf32>,
            %mul3A_315 = vector.broadcast %squeeze3A : f32 to vector<16xf32>
            %mul3A_316 = arith.mulf %mul3A_315, %get3A_310 : vector<16xf32>
            %max3A_317 = arith.maximumf %get3A_314, %mul3A_316 : vector<16xf32>
            %add3A_318 = arith.constant 32 : i32
            %add3A_319 = arith.addi %mul3A_271, %add3A_318 : i32
            %swap3A_320 = arith.index_cast %add3A_319 : i32 to index
            %swap3A_321 = tpu.vector_load %arg15[%swap3A_320] {strides = array<i32>} : memref<15408xf32, #tpu.memory_space<vmem>>, vector<16xf32>,
            tpu.vector_store %arg15[%swap3A_320], %max3A_317 {strides = array<i32>} : memref<15408xf32, #tpu.memory_space<vmem>>, vector<16xf32>,
            %slice3A_322 = vector.extract_strided_slice %get3A_263 {offsets = [1], sizes = [1], strides = [1]} : vector<16xf32> to vector<1xf32>
            %squeeze3A_323 = vector.extract %slice3A_322[0] : f32 from vector<1xf32>
            %slice3A_324 = vector.extract_strided_slice %select_n3A_267 {offsets = [1], sizes = [1], strides = [1]} : vector<16xi32> to vector<1xi32>
            %squeeze3A_325 = vector.extract %slice3A_324[0] : i32 from vector<1xi32>
            %mul3A_326 = arith.constant 48 : i32
            %mul3A_327 = arith.muli %squeeze3A_325, %mul3A_326 : i32
            %mul3A_328 = arith.constant 16 : i32
            %mul3A_329 = arith.muli %scan3A_254, %mul3A_328 : i32
            %add3A_330 = arith.constant 1 : i32
            %add3A_331 = arith.addi %mul3A_329, %add3A_330 : i32
            %get3A_332 = arith.constant 1 : i32
            %get3A_333 = arith.index_cast %get3A_332 : i32 to index
            %get3A_334 = arith.index_cast %add3A_331 : i32 to index
            %get3A_335 = arith.constant 0 : index
            %get3A_336 = tpu.vector_load %arg20[%get3A_333, %get3A_334, %get3A_335] {strides = array<i32>} : memref<2x128x48xf32, #tpu.memory_space<vmem>>, vector<16xf32>,
            %add3A_337 = arith.constant 0 : i32
            %add3A_338 = arith.addi %mul3A_327, %add3A_337 : i32
            %get3A_339 = arith.index_cast %add3A_338 : i32 to index
            %get3A_340 = tpu.vector_load %arg15[%get3A_339] {strides = array<i32>} : memref<15408xf32, #tpu.memory_space<vmem>>, vector<16xf32>,
            %mul3A_341 = vector.broadcast %squeeze3A_323 : f32 to vector<16xf32>
            %mul3A_342 = arith.mulf %mul3A_341, %get3A_336 : vector<16xf32>
            %max3A_343 = arith.maximumf %get3A_340, %mul3A_342 : vector<16xf32>
            %add3A_344 = arith.constant 0 : i32
            %add3A_345 = arith.addi %mul3A_327, %add3A_344 : i32
            %swap3A_346 = arith.index_cast %add3A_345 : i32 to index
            %swap3A_347 = tpu.vector_load %arg15[%swap3A_346] {strides = array<i32>} : memref<15408xf32, #tpu.memory_space<vmem>>, vector<16xf32>,
            tpu.vector_store %arg15[%swap3A_346], %max3A_343 {strides = array<i32>} : memref<15408xf32, #tpu.memory_space<vmem>>, vector<16xf32>,
            %get3A_348 = arith.constant 1 : i32
            %get3A_349 = arith.index_cast %get3A_348 : i32 to index
            %get3A_350 = arith.index_cast %add3A_331 : i32 to index
            %get3A_351 = arith.constant 16 : index
            %get3A_352 = tpu.vector_load %arg20[%get3A_349, %get3A_350, %get3A_351] {strides = array<i32>} : memref<2x128x48xf32, #tpu.memory_space<vmem>>, vector<16xf32>,
            %add3A_353 = arith.constant 16 : i32
            %add3A_354 = arith.addi %mul3A_327, %add3A_353 : i32
            %get3A_355 = arith.index_cast %add3A_354 : i32 to index
            %get3A_356 = tpu.vector_load %arg15[%get3A_355] {strides = array<i32>} : memref<15408xf32, #tpu.memory_space<vmem>>, vector<16xf32>,
            %mul3A_357 = vector.broadcast %squeeze3A_323 : f32 to vector<16xf32>
            %mul3A_358 = arith.mulf %mul3A_357, %get3A_352 : vector<16xf32>
            %max3A_359 = arith.maximumf %get3A_356, %mul3A_358 : vector<16xf32>
            %add3A_360 = arith.constant 16 : i32
            %add3A_361 = arith.addi %mul3A_327, %add3A_360 : i32
            %swap3A_362 = arith.index_cast %add3A_361 : i32 to index
            %swap3A_363 = tpu.vector_load %arg15[%swap3A_362] {strides = array<i32>} : memref<15408xf32, #tpu.memory_space<vmem>>, vector<16xf32>,
            tpu.vector_store %arg15[%swap3A_362], %max3A_359 {strides = array<i32>} : memref<15408xf32, #tpu.memory_space<vmem>>, vector<16xf32>,
            %get3A_364 = arith.constant 1 : i32
            %get3A_365 = arith.index_cast %get3A_364 : i32 to index
            %get3A_366 = arith.index_cast %add3A_331 : i32 to index
            %get3A_367 = arith.constant 32 : index
            %get3A_368 = tpu.vector_load %arg20[%get3A_365, %get3A_366, %get3A_367] {strides = array<i32>} : memref<2x128x48xf32, #tpu.memory_space<vmem>>, vector<16xf32>,
            %add3A_369 = arith.constant 32 : i32
            %add3A_370 = arith.addi %mul3A_327, %add3A_369 : i32
            %get3A_371 = arith.index_cast %add3A_370 : i32 to index
            %get3A_372 = tpu.vector_load %arg15[%get3A_371] {strides = array<i32>} : memref<15408xf32, #tpu.memory_space<vmem>>, vector<16xf32>,
            %mul3A_373 = vector.broadcast %squeeze3A_323 : f32 to vector<16xf32>
            %mul3A_374 = arith.mulf %mul3A_373, %get3A_368 : vector<16xf32>
            %max3A_375 = arith.maximumf %get3A_372, %mul3A_374 : vector<16xf32>
            %add3A_376 = arith.constant 32 : i32
            %add3A_377 = arith.addi %mul3A_327, %add3A_376 : i32
            %swap3A_378 = arith.index_cast %add3A_377 : i32 to index
            %swap3A_379 = tpu.vector_load %arg15[%swap3A_378] {strides = array<i32>} : memref<15408xf32, #tpu.memory_space<vmem>>, vector<16xf32>,
            tpu.vector_store %arg15[%swap3A_378], %max3A_375 {strides = array<i32>} : memref<15408xf32, #tpu.memory_space<vmem>>, vector<16xf32>,
            %slice3A_380 = vector.extract_strided_slice %get3A_263 {offsets = [2], sizes = [1], strides = [1]} : vector<16xf32> to vector<1xf32>
            %squeeze3A_381 = vector.extract %slice3A_380[0] : f32 from vector<1xf32>
            %slice3A_382 = vector.extract_strided_slice %select_n3A_267 {offsets = [2], sizes = [1], strides = [1]} : vector<16xi32> to vector<1xi32>
            %squeeze3A_383 = vector.extract %slice3A_382[0] : i32 from vector<1xi32>
            %mul3A_384 = arith.constant 48 : i32
            %mul3A_385 = arith.muli %squeeze3A_383, %mul3A_384 : i32
            %mul3A_386 = arith.constant 16 : i32
            %mul3A_387 = arith.muli %scan3A_254, %mul3A_386 : i32
            %add3A_388 = arith.constant 2 : i32
            %add3A_389 = arith.addi %mul3A_387, %add3A_388 : i32
            %get3A_390 = arith.constant 1 : i32
            %get3A_391 = arith.index_cast %get3A_390 : i32 to index
            %get3A_392 = arith.index_cast %add3A_389 : i32 to index
            %get3A_393 = arith.constant 0 : index
            %get3A_394 = tpu.vector_load %arg20[%get3A_391, %get3A_392, %get3A_393] {strides = array<i32>} : memref<2x128x48xf32, #tpu.memory_space<vmem>>, vector<16xf32>,
            %add3A_395 = arith.constant 0 : i32
            %add3A_396 = arith.addi %mul3A_385, %add3A_395 : i32
            %get3A_397 = arith.index_cast %add3A_396 : i32 to index
            %get3A_398 = tpu.vector_load %arg15[%get3A_397] {strides = array<i32>} : memref<15408xf32, #tpu.memory_space<vmem>>, vector<16xf32>,
            %mul3A_399 = vector.broadcast %squeeze3A_381 : f32 to vector<16xf32>
            %mul3A_400 = arith.mulf %mul3A_399, %get3A_394 : vector<16xf32>
            %max3A_401 = arith.maximumf %get3A_398, %mul3A_400 : vector<16xf32>
            %add3A_402 = arith.constant 0 : i32
            %add3A_403 = arith.addi %mul3A_385, %add3A_402 : i32
            %swap3A_404 = arith.index_cast %add3A_403 : i32 to index
            %swap3A_405 = tpu.vector_load %arg15[%swap3A_404] {strides = array<i32>} : memref<15408xf32, #tpu.memory_space<vmem>>, vector<16xf32>,
            tpu.vector_store %arg15[%swap3A_404], %max3A_401 {strides = array<i32>} : memref<15408xf32, #tpu.memory_space<vmem>>, vector<16xf32>,
            %get3A_406 = arith.constant 1 : i32
            %get3A_407 = arith.index_cast %get3A_406 : i32 to index
            %get3A_408 = arith.index_cast %add3A_389 : i32 to index
            %get3A_409 = arith.constant 16 : index
            %get3A_410 = tpu.vector_load %arg20[%get3A_407, %get3A_408, %get3A_409] {strides = array<i32>} : memref<2x128x48xf32, #tpu.memory_space<vmem>>, vector<16xf32>,
            %add3A_411 = arith.constant 16 : i32
            %add3A_412 = arith.addi %mul3A_385, %add3A_411 : i32
            %get3A_413 = arith.index_cast %add3A_412 : i32 to index
            %get3A_414 = tpu.vector_load %arg15[%get3A_413] {strides = array<i32>} : memref<15408xf32, #tpu.memory_space<vmem>>, vector<16xf32>,
            %mul3A_415 = vector.broadcast %squeeze3A_381 : f32 to vector<16xf32>
            %mul3A_416 = arith.mulf %mul3A_415, %get3A_410 : vector<16xf32>
            %max3A_417 = arith.maximumf %get3A_414, %mul3A_416 : vector<16xf32>
            %add3A_418 = arith.constant 16 : i32
            %add3A_419 = arith.addi %mul3A_385, %add3A_418 : i32
            %swap3A_420 = arith.index_cast %add3A_419 : i32 to index
            %swap3A_421 = tpu.vector_load %arg15[%swap3A_420] {strides = array<i32>} : memref<15408xf32, #tpu.memory_space<vmem>>, vector<16xf32>,
            tpu.vector_store %arg15[%swap3A_420], %max3A_417 {strides = array<i32>} : memref<15408xf32, #tpu.memory_space<vmem>>, vector<16xf32>,
            %get3A_422 = arith.constant 1 : i32
            %get3A_423 = arith.index_cast %get3A_422 : i32 to index
            %get3A_424 = arith.index_cast %add3A_389 : i32 to index
            %get3A_425 = arith.constant 32 : index
            %get3A_426 = tpu.vector_load %arg20[%get3A_423, %get3A_424, %get3A_425] {strides = array<i32>} : memref<2x128x48xf32, #tpu.memory_space<vmem>>, vector<16xf32>,
            %add3A_427 = arith.constant 32 : i32
            %add3A_428 = arith.addi %mul3A_385, %add3A_427 : i32
            %get3A_429 = arith.index_cast %add3A_428 : i32 to index
            %get3A_430 = tpu.vector_load %arg15[%get3A_429] {strides = array<i32>} : memref<15408xf32, #tpu.memory_space<vmem>>, vector<16xf32>,
            %mul3A_431 = vector.broadcast %squeeze3A_381 : f32 to vector<16xf32>
            %mul3A_432 = arith.mulf %mul3A_431, %get3A_426 : vector<16xf32>
            %max3A_433 = arith.maximumf %get3A_430, %mul3A_432 : vector<16xf32>
            %add3A_434 = arith.constant 32 : i32
            %add3A_435 = arith.addi %mul3A_385, %add3A_434 : i32
            %swap3A_436 = arith.index_cast %add3A_435 : i32 to index
            %swap3A_437 = tpu.vector_load %arg15[%swap3A_436] {strides = array<i32>} : memref<15408xf32, #tpu.memory_space<vmem>>, vector<16xf32>,
            tpu.vector_store %arg15[%swap3A_436], %max3A_433 {strides = array<i32>} : memref<15408xf32, #tpu.memory_space<vmem>>, vector<16xf32>,
            %slice3A_438 = vector.extract_strided_slice %get3A_263 {offsets = [3], sizes = [1], strides = [1]} : vector<16xf32> to vector<1xf32>
            %squeeze3A_439 = vector.extract %slice3A_438[0] : f32 from vector<1xf32>
            %slice3A_440 = vector.extract_strided_slice %select_n3A_267 {offsets = [3], sizes = [1], strides = [1]} : vector<16xi32> to vector<1xi32>
            %squeeze3A_441 = vector.extract %slice3A_440[0] : i32 from vector<1xi32>
            %mul3A_442 = arith.constant 48 : i32
            %mul3A_443 = arith.muli %squeeze3A_441, %mul3A_442 : i32
            %mul3A_444 = arith.constant 16 : i32
            %mul3A_445 = arith.muli %scan3A_254, %mul3A_444 : i32
            %add3A_446 = arith.constant 3 : i32
            %add3A_447 = arith.addi %mul3A_445, %add3A_446 : i32
            %get3A_448 = arith.constant 1 : i32
            %get3A_449 = arith.index_cast %get3A_448 : i32 to index
            %get3A_450 = arith.index_cast %add3A_447 : i32 to index
            %get3A_451 = arith.constant 0 : index
            %get3A_452 = tpu.vector_load %arg20[%get3A_449, %get3A_450, %get3A_451] {strides = array<i32>} : memref<2x128x48xf32, #tpu.memory_space<vmem>>, vector<16xf32>,
            %add3A_453 = arith.constant 0 : i32
            %add3A_454 = arith.addi %mul3A_443, %add3A_453 : i32
            %get3A_455 = arith.index_cast %add3A_454 : i32 to index
            %get3A_456 = tpu.vector_load %arg15[%get3A_455] {strides = array<i32>} : memref<15408xf32, #tpu.memory_space<vmem>>, vector<16xf32>,
            %mul3A_457 = vector.broadcast %squeeze3A_439 : f32 to vector<16xf32>
            %mul3A_458 = arith.mulf %mul3A_457, %get3A_452 : vector<16xf32>
            %max3A_459 = arith.maximumf %get3A_456, %mul3A_458 : vector<16xf32>
            %add3A_460 = arith.constant 0 : i32
            %add3A_461 = arith.addi %mul3A_443, %add3A_460 : i32
            %swap3A_462 = arith.index_cast %add3A_461 : i32 to index
            %swap3A_463 = tpu.vector_load %arg15[%swap3A_462] {strides = array<i32>} : memref<15408xf32, #tpu.memory_space<vmem>>, vector<16xf32>,
            tpu.vector_store %arg15[%swap3A_462], %max3A_459 {strides = array<i32>} : memref<15408xf32, #tpu.memory_space<vmem>>, vector<16xf32>,
            %get3A_464 = arith.constant 1 : i32
            %get3A_465 = arith.index_cast %get3A_464 : i32 to index
            %get3A_466 = arith.index_cast %add3A_447 : i32 to index
            %get3A_467 = arith.constant 16 : index
            %get3A_468 = tpu.vector_load %arg20[%get3A_465, %get3A_466, %get3A_467] {strides = array<i32>} : memref<2x128x48xf32, #tpu.memory_space<vmem>>, vector<16xf32>,
            %add3A_469 = arith.constant 16 : i32
            %add3A_470 = arith.addi %mul3A_443, %add3A_469 : i32
            %get3A_471 = arith.index_cast %add3A_470 : i32 to index
            %get3A_472 = tpu.vector_load %arg15[%get3A_471] {strides = array<i32>} : memref<15408xf32, #tpu.memory_space<vmem>>, vector<16xf32>,
            %mul3A_473 = vector.broadcast %squeeze3A_439 : f32 to vector<16xf32>
            %mul3A_474 = arith.mulf %mul3A_473, %get3A_468 : vector<16xf32>
            %max3A_475 = arith.maximumf %get3A_472, %mul3A_474 : vector<16xf32>
            %add3A_476 = arith.constant 16 : i32
            %add3A_477 = arith.addi %mul3A_443, %add3A_476 : i32
            %swap3A_478 = arith.index_cast %add3A_477 : i32 to index
            %swap3A_479 = tpu.vector_load %arg15[%swap3A_478] {strides = array<i32>} : memref<15408xf32, #tpu.memory_space<vmem>>, vector<16xf32>,
            tpu.vector_store %arg15[%swap3A_478], %max3A_475 {strides = array<i32>} : memref<15408xf32, #tpu.memory_space<vmem>>, vector<16xf32>,
            %get3A_480 = arith.constant 1 : i32
            %get3A_481 = arith.index_cast %get3A_480 : i32 to index
            %get3A_482 = arith.index_cast %add3A_447 : i32 to index
            %get3A_483 = arith.constant 32 : index
            %get3A_484 = tpu.vector_load %arg20[%get3A_481, %get3A_482, %get3A_483] {strides = array<i32>} : memref<2x128x48xf32, #tpu.memory_space<vmem>>, vector<16xf32>,
            %add3A_485 = arith.constant 32 : i32
            %add3A_486 = arith.addi %mul3A_443, %add3A_485 : i32
            %get3A_487 = arith.index_cast %add3A_486 : i32 to index
            %get3A_488 = tpu.vector_load %arg15[%get3A_487] {strides = array<i32>} : memref<15408xf32, #tpu.memory_space<vmem>>, vector<16xf32>,
            %mul3A_489 = vector.broadcast %squeeze3A_439 : f32 to vector<16xf32>
            %mul3A_490 = arith.mulf %mul3A_489, %get3A_484 : vector<16xf32>
            %max3A_491 = arith.maximumf %get3A_488, %mul3A_490 : vector<16xf32>
            %add3A_492 = arith.constant 32 : i32
            %add3A_493 = arith.addi %mul3A_443, %add3A_492 : i32
            %swap3A_494 = arith.index_cast %add3A_493 : i32 to index
            %swap3A_495 = tpu.vector_load %arg15[%swap3A_494] {strides = array<i32>} : memref<15408xf32, #tpu.memory_space<vmem>>, vector<16xf32>,
            tpu.vector_store %arg15[%swap3A_494], %max3A_491 {strides = array<i32>} : memref<15408xf32, #tpu.memory_space<vmem>>, vector<16xf32>,
            %slice3A_496 = vector.extract_strided_slice %get3A_263 {offsets = [4], sizes = [1], strides = [1]} : vector<16xf32> to vector<1xf32>
            %squeeze3A_497 = vector.extract %slice3A_496[0] : f32 from vector<1xf32>
            %slice3A_498 = vector.extract_strided_slice %select_n3A_267 {offsets = [4], sizes = [1], strides = [1]} : vector<16xi32> to vector<1xi32>
            %squeeze3A_499 = vector.extract %slice3A_498[0] : i32 from vector<1xi32>
            %mul3A_500 = arith.constant 48 : i32
            %mul3A_501 = arith.muli %squeeze3A_499, %mul3A_500 : i32
            %mul3A_502 = arith.constant 16 : i32
            %mul3A_503 = arith.muli %scan3A_254, %mul3A_502 : i32
            %add3A_504 = arith.constant 4 : i32
            %add3A_505 = arith.addi %mul3A_503, %add3A_504 : i32
            %get3A_506 = arith.constant 1 : i32
            %get3A_507 = arith.index_cast %get3A_506 : i32 to index
            %get3A_508 = arith.index_cast %add3A_505 : i32 to index
            %get3A_509 = arith.constant 0 : index
            %get3A_510 = tpu.vector_load %arg20[%get3A_507, %get3A_508, %get3A_509] {strides = array<i32>} : memref<2x128x48xf32, #tpu.memory_space<vmem>>, vector<16xf32>,
            %add3A_511 = arith.constant 0 : i32
            %add3A_512 = arith.addi %mul3A_501, %add3A_511 : i32
            %get3A_513 = arith.index_cast %add3A_512 : i32 to index
            %get3A_514 = tpu.vector_load %arg15[%get3A_513] {strides = array<i32>} : memref<15408xf32, #tpu.memory_space<vmem>>, vector<16xf32>,
            %mul3A_515 = vector.broadcast %squeeze3A_497 : f32 to vector<16xf32>
            %mul3A_516 = arith.mulf %mul3A_515, %get3A_510 : vector<16xf32>
            %max3A_517 = arith.maximumf %get3A_514, %mul3A_516 : vector<16xf32>
            %add3A_518 = arith.constant 0 : i32
            %add3A_519 = arith.addi %mul3A_501, %add3A_518 : i32
            %swap3A_520 = arith.index_cast %add3A_519 : i32 to index
            %swap3A_521 = tpu.vector_load %arg15[%swap3A_520] {strides = array<i32>} : memref<15408xf32, #tpu.memory_space<vmem>>, vector<16xf32>,
            tpu.vector_store %arg15[%swap3A_520], %max3A_517 {strides = array<i32>} : memref<15408xf32, #tpu.memory_space<vmem>>, vector<16xf32>,
            %get3A_522 = arith.constant 1 : i32
            %get3A_523 = arith.index_cast %get3A_522 : i32 to index
            %get3A_524 = arith.index_cast %add3A_505 : i32 to index
            %get3A_525 = arith.constant 16 : index
            %get3A_526 = tpu.vector_load %arg20[%get3A_523, %get3A_524, %get3A_525] {strides = array<i32>} : memref<2x128x48xf32, #tpu.memory_space<vmem>>, vector<16xf32>,
            %add3A_527 = arith.constant 16 : i32
            %add3A_528 = arith.addi %mul3A_501, %add3A_527 : i32
            %get3A_529 = arith.index_cast %add3A_528 : i32 to index
            %get3A_530 = tpu.vector_load %arg15[%get3A_529] {strides = array<i32>} : memref<15408xf32, #tpu.memory_space<vmem>>, vector<16xf32>,
            %mul3A_531 = vector.broadcast %squeeze3A_497 : f32 to vector<16xf32>
            %mul3A_532 = arith.mulf %mul3A_531, %get3A_526 : vector<16xf32>
            %max3A_533 = arith.maximumf %get3A_530, %mul3A_532 : vector<16xf32>
            %add3A_534 = arith.constant 16 : i32
            %add3A_535 = arith.addi %mul3A_501, %add3A_534 : i32
            %swap3A_536 = arith.index_cast %add3A_535 : i32 to index
            %swap3A_537 = tpu.vector_load %arg15[%swap3A_536] {strides = array<i32>} : memref<15408xf32, #tpu.memory_space<vmem>>, vector<16xf32>,
            tpu.vector_store %arg15[%swap3A_536], %max3A_533 {strides = array<i32>} : memref<15408xf32, #tpu.memory_space<vmem>>, vector<16xf32>,
            %get3A_538 = arith.constant 1 : i32
            %get3A_539 = arith.index_cast %get3A_538 : i32 to index
            %get3A_540 = arith.index_cast %add3A_505 : i32 to index
            %get3A_541 = arith.constant 32 : index
            %get3A_542 = tpu.vector_load %arg20[%get3A_539, %get3A_540, %get3A_541] {strides = array<i32>} : memref<2x128x48xf32, #tpu.memory_space<vmem>>, vector<16xf32>,
            %add3A_543 = arith.constant 32 : i32
            %add3A_544 = arith.addi %mul3A_501, %add3A_543 : i32
            %get3A_545 = arith.index_cast %add3A_544 : i32 to index
            %get3A_546 = tpu.vector_load %arg15[%get3A_545] {strides = array<i32>} : memref<15408xf32, #tpu.memory_space<vmem>>, vector<16xf32>,
            %mul3A_547 = vector.broadcast %squeeze3A_497 : f32 to vector<16xf32>
            %mul3A_548 = arith.mulf %mul3A_547, %get3A_542 : vector<16xf32>
            %max3A_549 = arith.maximumf %get3A_546, %mul3A_548 : vector<16xf32>
            %add3A_550 = arith.constant 32 : i32
            %add3A_551 = arith.addi %mul3A_501, %add3A_550 : i32
            %swap3A_552 = arith.index_cast %add3A_551 : i32 to index
            %swap3A_553 = tpu.vector_load %arg15[%swap3A_552] {strides = array<i32>} : memref<15408xf32, #tpu.memory_space<vmem>>, vector<16xf32>,
            tpu.vector_store %arg15[%swap3A_552], %max3A_549 {strides = array<i32>} : memref<15408xf32, #tpu.memory_space<vmem>>, vector<16xf32>,
            %slice3A_554 = vector.extract_strided_slice %get3A_263 {offsets = [5], sizes = [1], strides = [1]} : vector<16xf32> to vector<1xf32>
            %squeeze3A_555 = vector.extract %slice3A_554[0] : f32 from vector<1xf32>
            %slice3A_556 = vector.extract_strided_slice %select_n3A_267 {offsets = [5], sizes = [1], strides = [1]} : vector<16xi32> to vector<1xi32>
            %squeeze3A_557 = vector.extract %slice3A_556[0] : i32 from vector<1xi32>
            %mul3A_558 = arith.constant 48 : i32
            %mul3A_559 = arith.muli %squeeze3A_557, %mul3A_558 : i32
            %mul3A_560 = arith.constant 16 : i32
            %mul3A_561 = arith.muli %scan3A_254, %mul3A_560 : i32
            %add3A_562 = arith.constant 5 : i32
            %add3A_563 = arith.addi %mul3A_561, %add3A_562 : i32
            %get3A_564 = arith.constant 1 : i32
            %get3A_565 = arith.index_cast %get3A_564 : i32 to index
            %get3A_566 = arith.index_cast %add3A_563 : i32 to index
            %get3A_567 = arith.constant 0 : index
            %get3A_568 = tpu.vector_load %arg20[%get3A_565, %get3A_566, %get3A_567] {strides = array<i32>} : memref<2x128x48xf32, #tpu.memory_space<vmem>>, vector<16xf32>,
            %add3A_569 = arith.constant 0 : i32
            %add3A_570 = arith.addi %mul3A_559, %add3A_569 : i32
            %get3A_571 = arith.index_cast %add3A_570 : i32 to index
            %get3A_572 = tpu.vector_load %arg15[%get3A_571] {strides = array<i32>} : memref<15408xf32, #tpu.memory_space<vmem>>, vector<16xf32>,
            %mul3A_573 = vector.broadcast %squeeze3A_555 : f32 to vector<16xf32>
            %mul3A_574 = arith.mulf %mul3A_573, %get3A_568 : vector<16xf32>
            %max3A_575 = arith.maximumf %get3A_572, %mul3A_574 : vector<16xf32>
            %add3A_576 = arith.constant 0 : i32
            %add3A_577 = arith.addi %mul3A_559, %add3A_576 : i32
            %swap3A_578 = arith.index_cast %add3A_577 : i32 to index
            %swap3A_579 = tpu.vector_load %arg15[%swap3A_578] {strides = array<i32>} : memref<15408xf32, #tpu.memory_space<vmem>>, vector<16xf32>,
            tpu.vector_store %arg15[%swap3A_578], %max3A_575 {strides = array<i32>} : memref<15408xf32, #tpu.memory_space<vmem>>, vector<16xf32>,
            %get3A_580 = arith.constant 1 : i32
            %get3A_581 = arith.index_cast %get3A_580 : i32 to index
            %get3A_582 = arith.index_cast %add3A_563 : i32 to index
            %get3A_583 = arith.constant 16 : index
            %get3A_584 = tpu.vector_load %arg20[%get3A_581, %get3A_582, %get3A_583] {strides = array<i32>} : memref<2x128x48xf32, #tpu.memory_space<vmem>>, vector<16xf32>,
            %add3A_585 = arith.constant 16 : i32
            %add3A_586 = arith.addi %mul3A_559, %add3A_585 : i32
            %get3A_587 = arith.index_cast %add3A_586 : i32 to index
            %get3A_588 = tpu.vector_load %arg15[%get3A_587] {strides = array<i32>} : memref<15408xf32, #tpu.memory_space<vmem>>, vector<16xf32>,
            %mul3A_589 = vector.broadcast %squeeze3A_555 : f32 to vector<16xf32>
            %mul3A_590 = arith.mulf %mul3A_589, %get3A_584 : vector<16xf32>
            %max3A_591 = arith.maximumf %get3A_588, %mul3A_590 : vector<16xf32>
            %add3A_592 = arith.constant 16 : i32
            %add3A_593 = arith.addi %mul3A_559, %add3A_592 : i32
            %swap3A_594 = arith.index_cast %add3A_593 : i32 to index
            %swap3A_595 = tpu.vector_load %arg15[%swap3A_594] {strides = array<i32>} : memref<15408xf32, #tpu.memory_space<vmem>>, vector<16xf32>,
            tpu.vector_store %arg15[%swap3A_594], %max3A_591 {strides = array<i32>} : memref<15408xf32, #tpu.memory_space<vmem>>, vector<16xf32>,
            %get3A_596 = arith.constant 1 : i32
            %get3A_597 = arith.index_cast %get3A_596 : i32 to index
            %get3A_598 = arith.index_cast %add3A_563 : i32 to index
            %get3A_599 = arith.constant 32 : index
            %get3A_600 = tpu.vector_load %arg20[%get3A_597, %get3A_598, %get3A_599] {strides = array<i32>} : memref<2x128x48xf32, #tpu.memory_space<vmem>>, vector<16xf32>,
            %add3A_601 = arith.constant 32 : i32
            %add3A_602 = arith.addi %mul3A_559, %add3A_601 : i32
            %get3A_603 = arith.index_cast %add3A_602 : i32 to index
            %get3A_604 = tpu.vector_load %arg15[%get3A_603] {strides = array<i32>} : memref<15408xf32, #tpu.memory_space<vmem>>, vector<16xf32>,
            %mul3A_605 = vector.broadcast %squeeze3A_555 : f32 to vector<16xf32>
            %mul3A_606 = arith.mulf %mul3A_605, %get3A_600 : vector<16xf32>
            %max3A_607 = arith.maximumf %get3A_604, %mul3A_606 : vector<16xf32>
            %add3A_608 = arith.constant 32 : i32
            %add3A_609 = arith.addi %mul3A_559, %add3A_608 : i32
            %swap3A_610 = arith.index_cast %add3A_609 : i32 to index
            %swap3A_611 = tpu.vector_load %arg15[%swap3A_610] {strides = array<i32>} : memref<15408xf32, #tpu.memory_space<vmem>>, vector<16xf32>,
            tpu.vector_store %arg15[%swap3A_610], %max3A_607 {strides = array<i32>} : memref<15408xf32, #tpu.memory_space<vmem>>, vector<16xf32>,
            %slice3A_612 = vector.extract_strided_slice %get3A_263 {offsets = [6], sizes = [1], strides = [1]} : vector<16xf32> to vector<1xf32>
            %squeeze3A_613 = vector.extract %slice3A_612[0] : f32 from vector<1xf32>
            %slice3A_614 = vector.extract_strided_slice %select_n3A_267 {offsets = [6], sizes = [1], strides = [1]} : vector<16xi32> to vector<1xi32>
            %squeeze3A_615 = vector.extract %slice3A_614[0] : i32 from vector<1xi32>
            %mul3A_616 = arith.constant 48 : i32
            %mul3A_617 = arith.muli %squeeze3A_615, %mul3A_616 : i32
            %mul3A_618 = arith.constant 16 : i32
            %mul3A_619 = arith.muli %scan3A_254, %mul3A_618 : i32
            %add3A_620 = arith.constant 6 : i32
            %add3A_621 = arith.addi %mul3A_619, %add3A_620 : i32
            %get3A_622 = arith.constant 1 : i32
            %get3A_623 = arith.index_cast %get3A_622 : i32 to index
            %get3A_624 = arith.index_cast %add3A_621 : i32 to index
            %get3A_625 = arith.constant 0 : index
            %get3A_626 = tpu.vector_load %arg20[%get3A_623, %get3A_624, %get3A_625] {strides = array<i32>} : memref<2x128x48xf32, #tpu.memory_space<vmem>>, vector<16xf32>,
            %add3A_627 = arith.constant 0 : i32
            %add3A_628 = arith.addi %mul3A_617, %add3A_627 : i32
            %get3A_629 = arith.index_cast %add3A_628 : i32 to index
            %get3A_630 = tpu.vector_load %arg15[%get3A_629] {strides = array<i32>} : memref<15408xf32, #tpu.memory_space<vmem>>, vector<16xf32>,
            %mul3A_631 = vector.broadcast %squeeze3A_613 : f32 to vector<16xf32>
            %mul3A_632 = arith.mulf %mul3A_631, %get3A_626 : vector<16xf32>
            %max3A_633 = arith.maximumf %get3A_630, %mul3A_632 : vector<16xf32>
            %add3A_634 = arith.constant 0 : i32
            %add3A_635 = arith.addi %mul3A_617, %add3A_634 : i32
            %swap3A_636 = arith.index_cast %add3A_635 : i32 to index
            %swap3A_637 = tpu.vector_load %arg15[%swap3A_636] {strides = array<i32>} : memref<15408xf32, #tpu.memory_space<vmem>>, vector<16xf32>,
            tpu.vector_store %arg15[%swap3A_636], %max3A_633 {strides = array<i32>} : memref<15408xf32, #tpu.memory_space<vmem>>, vector<16xf32>,
            %get3A_638 = arith.constant 1 : i32
            %get3A_639 = arith.index_cast %get3A_638 : i32 to index
            %get3A_640 = arith.index_cast %add3A_621 : i32 to index
            %get3A_641 = arith.constant 16 : index
            %get3A_642 = tpu.vector_load %arg20[%get3A_639, %get3A_640, %get3A_641] {strides = array<i32>} : memref<2x128x48xf32, #tpu.memory_space<vmem>>, vector<16xf32>,
            %add3A_643 = arith.constant 16 : i32
            %add3A_644 = arith.addi %mul3A_617, %add3A_643 : i32
            %get3A_645 = arith.index_cast %add3A_644 : i32 to index
            %get3A_646 = tpu.vector_load %arg15[%get3A_645] {strides = array<i32>} : memref<15408xf32, #tpu.memory_space<vmem>>, vector<16xf32>,
            %mul3A_647 = vector.broadcast %squeeze3A_613 : f32 to vector<16xf32>
            %mul3A_648 = arith.mulf %mul3A_647, %get3A_642 : vector<16xf32>
            %max3A_649 = arith.maximumf %get3A_646, %mul3A_648 : vector<16xf32>
            %add3A_650 = arith.constant 16 : i32
            %add3A_651 = arith.addi %mul3A_617, %add3A_650 : i32
            %swap3A_652 = arith.index_cast %add3A_651 : i32 to index
            %swap3A_653 = tpu.vector_load %arg15[%swap3A_652] {strides = array<i32>} : memref<15408xf32, #tpu.memory_space<vmem>>, vector<16xf32>,
            tpu.vector_store %arg15[%swap3A_652], %max3A_649 {strides = array<i32>} : memref<15408xf32, #tpu.memory_space<vmem>>, vector<16xf32>,
            %get3A_654 = arith.constant 1 : i32
            %get3A_655 = arith.index_cast %get3A_654 : i32 to index
            %get3A_656 = arith.index_cast %add3A_621 : i32 to index
            %get3A_657 = arith.constant 32 : index
            %get3A_658 = tpu.vector_load %arg20[%get3A_655, %get3A_656, %get3A_657] {strides = array<i32>} : memref<2x128x48xf32, #tpu.memory_space<vmem>>, vector<16xf32>,
            %add3A_659 = arith.constant 32 : i32
            %add3A_660 = arith.addi %mul3A_617, %add3A_659 : i32
            %get3A_661 = arith.index_cast %add3A_660 : i32 to index
            %get3A_662 = tpu.vector_load %arg15[%get3A_661] {strides = array<i32>} : memref<15408xf32, #tpu.memory_space<vmem>>, vector<16xf32>,
            %mul3A_663 = vector.broadcast %squeeze3A_613 : f32 to vector<16xf32>
            %mul3A_664 = arith.mulf %mul3A_663, %get3A_658 : vector<16xf32>
            %max3A_665 = arith.maximumf %get3A_662, %mul3A_664 : vector<16xf32>
            %add3A_666 = arith.constant 32 : i32
            %add3A_667 = arith.addi %mul3A_617, %add3A_666 : i32
            %swap3A_668 = arith.index_cast %add3A_667 : i32 to index
            %swap3A_669 = tpu.vector_load %arg15[%swap3A_668] {strides = array<i32>} : memref<15408xf32, #tpu.memory_space<vmem>>, vector<16xf32>,
            tpu.vector_store %arg15[%swap3A_668], %max3A_665 {strides = array<i32>} : memref<15408xf32, #tpu.memory_space<vmem>>, vector<16xf32>,
            %slice3A_670 = vector.extract_strided_slice %get3A_263 {offsets = [7], sizes = [1], strides = [1]} : vector<16xf32> to vector<1xf32>
            %squeeze3A_671 = vector.extract %slice3A_670[0] : f32 from vector<1xf32>
            %slice3A_672 = vector.extract_strided_slice %select_n3A_267 {offsets = [7], sizes = [1], strides = [1]} : vector<16xi32> to vector<1xi32>
            %squeeze3A_673 = vector.extract %slice3A_672[0] : i32 from vector<1xi32>
            %mul3A_674 = arith.constant 48 : i32
            %mul3A_675 = arith.muli %squeeze3A_673, %mul3A_674 : i32
            %mul3A_676 = arith.constant 16 : i32
            %mul3A_677 = arith.muli %scan3A_254, %mul3A_676 : i32
            %add3A_678 = arith.constant 7 : i32
            %add3A_679 = arith.addi %mul3A_677, %add3A_678 : i32
            %get3A_680 = arith.constant 1 : i32
            %get3A_681 = arith.index_cast %get3A_680 : i32 to index
            %get3A_682 = arith.index_cast %add3A_679 : i32 to index
            %get3A_683 = arith.constant 0 : index
            %get3A_684 = tpu.vector_load %arg20[%get3A_681, %get3A_682, %get3A_683] {strides = array<i32>} : memref<2x128x48xf32, #tpu.memory_space<vmem>>, vector<16xf32>,
            %add3A_685 = arith.constant 0 : i32
            %add3A_686 = arith.addi %mul3A_675, %add3A_685 : i32
            %get3A_687 = arith.index_cast %add3A_686 : i32 to index
            %get3A_688 = tpu.vector_load %arg15[%get3A_687] {strides = array<i32>} : memref<15408xf32, #tpu.memory_space<vmem>>, vector<16xf32>,
            %mul3A_689 = vector.broadcast %squeeze3A_671 : f32 to vector<16xf32>
            %mul3A_690 = arith.mulf %mul3A_689, %get3A_684 : vector<16xf32>
            %max3A_691 = arith.maximumf %get3A_688, %mul3A_690 : vector<16xf32>
            %add3A_692 = arith.constant 0 : i32
            %add3A_693 = arith.addi %mul3A_675, %add3A_692 : i32
            %swap3A_694 = arith.index_cast %add3A_693 : i32 to index
            %swap3A_695 = tpu.vector_load %arg15[%swap3A_694] {strides = array<i32>} : memref<15408xf32, #tpu.memory_space<vmem>>, vector<16xf32>,
            tpu.vector_store %arg15[%swap3A_694], %max3A_691 {strides = array<i32>} : memref<15408xf32, #tpu.memory_space<vmem>>, vector<16xf32>,
            %get3A_696 = arith.constant 1 : i32
            %get3A_697 = arith.index_cast %get3A_696 : i32 to index
            %get3A_698 = arith.index_cast %add3A_679 : i32 to index
            %get3A_699 = arith.constant 16 : index
            %get3A_700 = tpu.vector_load %arg20[%get3A_697, %get3A_698, %get3A_699] {strides = array<i32>} : memref<2x128x48xf32, #tpu.memory_space<vmem>>, vector<16xf32>,
            %add3A_701 = arith.constant 16 : i32
            %add3A_702 = arith.addi %mul3A_675, %add3A_701 : i32
            %get3A_703 = arith.index_cast %add3A_702 : i32 to index
            %get3A_704 = tpu.vector_load %arg15[%get3A_703] {strides = array<i32>} : memref<15408xf32, #tpu.memory_space<vmem>>, vector<16xf32>,
            %mul3A_705 = vector.broadcast %squeeze3A_671 : f32 to vector<16xf32>
            %mul3A_706 = arith.mulf %mul3A_705, %get3A_700 : vector<16xf32>
            %max3A_707 = arith.maximumf %get3A_704, %mul3A_706 : vector<16xf32>
            %add3A_708 = arith.constant 16 : i32
            %add3A_709 = arith.addi %mul3A_675, %add3A_708 : i32
            %swap3A_710 = arith.index_cast %add3A_709 : i32 to index
            %swap3A_711 = tpu.vector_load %arg15[%swap3A_710] {strides = array<i32>} : memref<15408xf32, #tpu.memory_space<vmem>>, vector<16xf32>,
            tpu.vector_store %arg15[%swap3A_710], %max3A_707 {strides = array<i32>} : memref<15408xf32, #tpu.memory_space<vmem>>, vector<16xf32>,
            %get3A_712 = arith.constant 1 : i32
            %get3A_713 = arith.index_cast %get3A_712 : i32 to index
            %get3A_714 = arith.index_cast %add3A_679 : i32 to index
            %get3A_715 = arith.constant 32 : index
            %get3A_716 = tpu.vector_load %arg20[%get3A_713, %get3A_714, %get3A_715] {strides = array<i32>} : memref<2x128x48xf32, #tpu.memory_space<vmem>>, vector<16xf32>,
            %add3A_717 = arith.constant 32 : i32
            %add3A_718 = arith.addi %mul3A_675, %add3A_717 : i32
            %get3A_719 = arith.index_cast %add3A_718 : i32 to index
            %get3A_720 = tpu.vector_load %arg15[%get3A_719] {strides = array<i32>} : memref<15408xf32, #tpu.memory_space<vmem>>, vector<16xf32>,
            %mul3A_721 = vector.broadcast %squeeze3A_671 : f32 to vector<16xf32>
            %mul3A_722 = arith.mulf %mul3A_721, %get3A_716 : vector<16xf32>
            %max3A_723 = arith.maximumf %get3A_720, %mul3A_722 : vector<16xf32>
            %add3A_724 = arith.constant 32 : i32
            %add3A_725 = arith.addi %mul3A_675, %add3A_724 : i32
            %swap3A_726 = arith.index_cast %add3A_725 : i32 to index
            %swap3A_727 = tpu.vector_load %arg15[%swap3A_726] {strides = array<i32>} : memref<15408xf32, #tpu.memory_space<vmem>>, vector<16xf32>,
            tpu.vector_store %arg15[%swap3A_726], %max3A_723 {strides = array<i32>} : memref<15408xf32, #tpu.memory_space<vmem>>, vector<16xf32>,
            %slice3A_728 = vector.extract_strided_slice %get3A_263 {offsets = [8], sizes = [1], strides = [1]} : vector<16xf32> to vector<1xf32>
            %squeeze3A_729 = vector.extract %slice3A_728[0] : f32 from vector<1xf32>
            %slice3A_730 = vector.extract_strided_slice %select_n3A_267 {offsets = [8], sizes = [1], strides = [1]} : vector<16xi32> to vector<1xi32>
            %squeeze3A_731 = vector.extract %slice3A_730[0] : i32 from vector<1xi32>
            %mul3A_732 = arith.constant 48 : i32
            %mul3A_733 = arith.muli %squeeze3A_731, %mul3A_732 : i32
            %mul3A_734 = arith.constant 16 : i32
            %mul3A_735 = arith.muli %scan3A_254, %mul3A_734 : i32
            %add3A_736 = arith.constant 8 : i32
            %add3A_737 = arith.addi %mul3A_735, %add3A_736 : i32
            %get3A_738 = arith.constant 1 : i32
            %get3A_739 = arith.index_cast %get3A_738 : i32 to index
            %get3A_740 = arith.index_cast %add3A_737 : i32 to index
            %get3A_741 = arith.constant 0 : index
            %get3A_742 = tpu.vector_load %arg20[%get3A_739, %get3A_740, %get3A_741] {strides = array<i32>} : memref<2x128x48xf32, #tpu.memory_space<vmem>>, vector<16xf32>,
            %add3A_743 = arith.constant 0 : i32
            %add3A_744 = arith.addi %mul3A_733, %add3A_743 : i32
            %get3A_745 = arith.index_cast %add3A_744 : i32 to index
            %get3A_746 = tpu.vector_load %arg15[%get3A_745] {strides = array<i32>} : memref<15408xf32, #tpu.memory_space<vmem>>, vector<16xf32>,
            %mul3A_747 = vector.broadcast %squeeze3A_729 : f32 to vector<16xf32>
            %mul3A_748 = arith.mulf %mul3A_747, %get3A_742 : vector<16xf32>
            %max3A_749 = arith.maximumf %get3A_746, %mul3A_748 : vector<16xf32>
            %add3A_750 = arith.constant 0 : i32
            %add3A_751 = arith.addi %mul3A_733, %add3A_750 : i32
            %swap3A_752 = arith.index_cast %add3A_751 : i32 to index
            %swap3A_753 = tpu.vector_load %arg15[%swap3A_752] {strides = array<i32>} : memref<15408xf32, #tpu.memory_space<vmem>>, vector<16xf32>,
            tpu.vector_store %arg15[%swap3A_752], %max3A_749 {strides = array<i32>} : memref<15408xf32, #tpu.memory_space<vmem>>, vector<16xf32>,
            %get3A_754 = arith.constant 1 : i32
            %get3A_755 = arith.index_cast %get3A_754 : i32 to index
            %get3A_756 = arith.index_cast %add3A_737 : i32 to index
            %get3A_757 = arith.constant 16 : index
            %get3A_758 = tpu.vector_load %arg20[%get3A_755, %get3A_756, %get3A_757] {strides = array<i32>} : memref<2x128x48xf32, #tpu.memory_space<vmem>>, vector<16xf32>,
            %add3A_759 = arith.constant 16 : i32
            %add3A_760 = arith.addi %mul3A_733, %add3A_759 : i32
            %get3A_761 = arith.index_cast %add3A_760 : i32 to index
            %get3A_762 = tpu.vector_load %arg15[%get3A_761] {strides = array<i32>} : memref<15408xf32, #tpu.memory_space<vmem>>, vector<16xf32>,
            %mul3A_763 = vector.broadcast %squeeze3A_729 : f32 to vector<16xf32>
            %mul3A_764 = arith.mulf %mul3A_763, %get3A_758 : vector<16xf32>
            %max3A_765 = arith.maximumf %get3A_762, %mul3A_764 : vector<16xf32>
            %add3A_766 = arith.constant 16 : i32
            %add3A_767 = arith.addi %mul3A_733, %add3A_766 : i32
            %swap3A_768 = arith.index_cast %add3A_767 : i32 to index
            %swap3A_769 = tpu.vector_load %arg15[%swap3A_768] {strides = array<i32>} : memref<15408xf32, #tpu.memory_space<vmem>>, vector<16xf32>,
            tpu.vector_store %arg15[%swap3A_768], %max3A_765 {strides = array<i32>} : memref<15408xf32, #tpu.memory_space<vmem>>, vector<16xf32>,
            %get3A_770 = arith.constant 1 : i32
            %get3A_771 = arith.index_cast %get3A_770 : i32 to index
            %get3A_772 = arith.index_cast %add3A_737 : i32 to index
            %get3A_773 = arith.constant 32 : index
            %get3A_774 = tpu.vector_load %arg20[%get3A_771, %get3A_772, %get3A_773] {strides = array<i32>} : memref<2x128x48xf32, #tpu.memory_space<vmem>>, vector<16xf32>,
            %add3A_775 = arith.constant 32 : i32
            %add3A_776 = arith.addi %mul3A_733, %add3A_775 : i32
            %get3A_777 = arith.index_cast %add3A_776 : i32 to index
            %get3A_778 = tpu.vector_load %arg15[%get3A_777] {strides = array<i32>} : memref<15408xf32, #tpu.memory_space<vmem>>, vector<16xf32>,
            %mul3A_779 = vector.broadcast %squeeze3A_729 : f32 to vector<16xf32>
            %mul3A_780 = arith.mulf %mul3A_779, %get3A_774 : vector<16xf32>
            %max3A_781 = arith.maximumf %get3A_778, %mul3A_780 : vector<16xf32>
            %add3A_782 = arith.constant 32 : i32
            %add3A_783 = arith.addi %mul3A_733, %add3A_782 : i32
            %swap3A_784 = arith.index_cast %add3A_783 : i32 to index
            %swap3A_785 = tpu.vector_load %arg15[%swap3A_784] {strides = array<i32>} : memref<15408xf32, #tpu.memory_space<vmem>>, vector<16xf32>,
            tpu.vector_store %arg15[%swap3A_784], %max3A_781 {strides = array<i32>} : memref<15408xf32, #tpu.memory_space<vmem>>, vector<16xf32>,
            %slice3A_786 = vector.extract_strided_slice %get3A_263 {offsets = [9], sizes = [1], strides = [1]} : vector<16xf32> to vector<1xf32>
            %squeeze3A_787 = vector.extract %slice3A_786[0] : f32 from vector<1xf32>
            %slice3A_788 = vector.extract_strided_slice %select_n3A_267 {offsets = [9], sizes = [1], strides = [1]} : vector<16xi32> to vector<1xi32>
            %squeeze3A_789 = vector.extract %slice3A_788[0] : i32 from vector<1xi32>
            %mul3A_790 = arith.constant 48 : i32
            %mul3A_791 = arith.muli %squeeze3A_789, %mul3A_790 : i32
            %mul3A_792 = arith.constant 16 : i32
            %mul3A_793 = arith.muli %scan3A_254, %mul3A_792 : i32
            %add3A_794 = arith.constant 9 : i32
            %add3A_795 = arith.addi %mul3A_793, %add3A_794 : i32
            %get3A_796 = arith.constant 1 : i32
            %get3A_797 = arith.index_cast %get3A_796 : i32 to index
            %get3A_798 = arith.index_cast %add3A_795 : i32 to index
            %get3A_799 = arith.constant 0 : index
            %get3A_800 = tpu.vector_load %arg20[%get3A_797, %get3A_798, %get3A_799] {strides = array<i32>} : memref<2x128x48xf32, #tpu.memory_space<vmem>>, vector<16xf32>,
            %add3A_801 = arith.constant 0 : i32
            %add3A_802 = arith.addi %mul3A_791, %add3A_801 : i32
            %get3A_803 = arith.index_cast %add3A_802 : i32 to index
            %get3A_804 = tpu.vector_load %arg15[%get3A_803] {strides = array<i32>} : memref<15408xf32, #tpu.memory_space<vmem>>, vector<16xf32>,
            %mul3A_805 = vector.broadcast %squeeze3A_787 : f32 to vector<16xf32>
            %mul3A_806 = arith.mulf %mul3A_805, %get3A_800 : vector<16xf32>
            %max3A_807 = arith.maximumf %get3A_804, %mul3A_806 : vector<16xf32>
            %add3A_808 = arith.constant 0 : i32
            %add3A_809 = arith.addi %mul3A_791, %add3A_808 : i32
            %swap3A_810 = arith.index_cast %add3A_809 : i32 to index
            %swap3A_811 = tpu.vector_load %arg15[%swap3A_810] {strides = array<i32>} : memref<15408xf32, #tpu.memory_space<vmem>>, vector<16xf32>,
            tpu.vector_store %arg15[%swap3A_810], %max3A_807 {strides = array<i32>} : memref<15408xf32, #tpu.memory_space<vmem>>, vector<16xf32>,
            %get3A_812 = arith.constant 1 : i32
            %get3A_813 = arith.index_cast %get3A_812 : i32 to index
            %get3A_814 = arith.index_cast %add3A_795 : i32 to index
            %get3A_815 = arith.constant 16 : index
            %get3A_816 = tpu.vector_load %arg20[%get3A_813, %get3A_814, %get3A_815] {strides = array<i32>} : memref<2x128x48xf32, #tpu.memory_space<vmem>>, vector<16xf32>,
            %add3A_817 = arith.constant 16 : i32
            %add3A_818 = arith.addi %mul3A_791, %add3A_817 : i32
            %get3A_819 = arith.index_cast %add3A_818 : i32 to index
            %get3A_820 = tpu.vector_load %arg15[%get3A_819] {strides = array<i32>} : memref<15408xf32, #tpu.memory_space<vmem>>, vector<16xf32>,
            %mul3A_821 = vector.broadcast %squeeze3A_787 : f32 to vector<16xf32>
            %mul3A_822 = arith.mulf %mul3A_821, %get3A_816 : vector<16xf32>
            %max3A_823 = arith.maximumf %get3A_820, %mul3A_822 : vector<16xf32>
            %add3A_824 = arith.constant 16 : i32
            %add3A_825 = arith.addi %mul3A_791, %add3A_824 : i32
            %swap3A_826 = arith.index_cast %add3A_825 : i32 to index
            %swap3A_827 = tpu.vector_load %arg15[%swap3A_826] {strides = array<i32>} : memref<15408xf32, #tpu.memory_space<vmem>>, vector<16xf32>,
            tpu.vector_store %arg15[%swap3A_826], %max3A_823 {strides = array<i32>} : memref<15408xf32, #tpu.memory_space<vmem>>, vector<16xf32>,
            %get3A_828 = arith.constant 1 : i32
            %get3A_829 = arith.index_cast %get3A_828 : i32 to index
            %get3A_830 = arith.index_cast %add3A_795 : i32 to index
            %get3A_831 = arith.constant 32 : index
            %get3A_832 = tpu.vector_load %arg20[%get3A_829, %get3A_830, %get3A_831] {strides = array<i32>} : memref<2x128x48xf32, #tpu.memory_space<vmem>>, vector<16xf32>,
            %add3A_833 = arith.constant 32 : i32
            %add3A_834 = arith.addi %mul3A_791, %add3A_833 : i32
            %get3A_835 = arith.index_cast %add3A_834 : i32 to index
            %get3A_836 = tpu.vector_load %arg15[%get3A_835] {strides = array<i32>} : memref<15408xf32, #tpu.memory_space<vmem>>, vector<16xf32>,
            %mul3A_837 = vector.broadcast %squeeze3A_787 : f32 to vector<16xf32>
            %mul3A_838 = arith.mulf %mul3A_837, %get3A_832 : vector<16xf32>
            %max3A_839 = arith.maximumf %get3A_836, %mul3A_838 : vector<16xf32>
            %add3A_840 = arith.constant 32 : i32
            %add3A_841 = arith.addi %mul3A_791, %add3A_840 : i32
            %swap3A_842 = arith.index_cast %add3A_841 : i32 to index
            %swap3A_843 = tpu.vector_load %arg15[%swap3A_842] {strides = array<i32>} : memref<15408xf32, #tpu.memory_space<vmem>>, vector<16xf32>,
            tpu.vector_store %arg15[%swap3A_842], %max3A_839 {strides = array<i32>} : memref<15408xf32, #tpu.memory_space<vmem>>, vector<16xf32>,
            %slice3A_844 = vector.extract_strided_slice %get3A_263 {offsets = [10], sizes = [1], strides = [1]} : vector<16xf32> to vector<1xf32>
            %squeeze3A_845 = vector.extract %slice3A_844[0] : f32 from vector<1xf32>
            %slice3A_846 = vector.extract_strided_slice %select_n3A_267 {offsets = [10], sizes = [1], strides = [1]} : vector<16xi32> to vector<1xi32>
            %squeeze3A_847 = vector.extract %slice3A_846[0] : i32 from vector<1xi32>
            %mul3A_848 = arith.constant 48 : i32
            %mul3A_849 = arith.muli %squeeze3A_847, %mul3A_848 : i32
            %mul3A_850 = arith.constant 16 : i32
            %mul3A_851 = arith.muli %scan3A_254, %mul3A_850 : i32
            %add3A_852 = arith.constant 10 : i32
            %add3A_853 = arith.addi %mul3A_851, %add3A_852 : i32
            %get3A_854 = arith.constant 1 : i32
            %get3A_855 = arith.index_cast %get3A_854 : i32 to index
            %get3A_856 = arith.index_cast %add3A_853 : i32 to index
            %get3A_857 = arith.constant 0 : index
            %get3A_858 = tpu.vector_load %arg20[%get3A_855, %get3A_856, %get3A_857] {strides = array<i32>} : memref<2x128x48xf32, #tpu.memory_space<vmem>>, vector<16xf32>,
            %add3A_859 = arith.constant 0 : i32
            %add3A_860 = arith.addi %mul3A_849, %add3A_859 : i32
            %get3A_861 = arith.index_cast %add3A_860 : i32 to index
            %get3A_862 = tpu.vector_load %arg15[%get3A_861] {strides = array<i32>} : memref<15408xf32, #tpu.memory_space<vmem>>, vector<16xf32>,
            %mul3A_863 = vector.broadcast %squeeze3A_845 : f32 to vector<16xf32>
            %mul3A_864 = arith.mulf %mul3A_863, %get3A_858 : vector<16xf32>
            %max3A_865 = arith.maximumf %get3A_862, %mul3A_864 : vector<16xf32>
            %add3A_866 = arith.constant 0 : i32
            %add3A_867 = arith.addi %mul3A_849, %add3A_866 : i32
            %swap3A_868 = arith.index_cast %add3A_867 : i32 to index
            %swap3A_869 = tpu.vector_load %arg15[%swap3A_868] {strides = array<i32>} : memref<15408xf32, #tpu.memory_space<vmem>>, vector<16xf32>,
            tpu.vector_store %arg15[%swap3A_868], %max3A_865 {strides = array<i32>} : memref<15408xf32, #tpu.memory_space<vmem>>, vector<16xf32>,
            %get3A_870 = arith.constant 1 : i32
            %get3A_871 = arith.index_cast %get3A_870 : i32 to index
            %get3A_872 = arith.index_cast %add3A_853 : i32 to index
            %get3A_873 = arith.constant 16 : index
            %get3A_874 = tpu.vector_load %arg20[%get3A_871, %get3A_872, %get3A_873] {strides = array<i32>} : memref<2x128x48xf32, #tpu.memory_space<vmem>>, vector<16xf32>,
            %add3A_875 = arith.constant 16 : i32
            %add3A_876 = arith.addi %mul3A_849, %add3A_875 : i32
            %get3A_877 = arith.index_cast %add3A_876 : i32 to index
            %get3A_878 = tpu.vector_load %arg15[%get3A_877] {strides = array<i32>} : memref<15408xf32, #tpu.memory_space<vmem>>, vector<16xf32>,
            %mul3A_879 = vector.broadcast %squeeze3A_845 : f32 to vector<16xf32>
            %mul3A_880 = arith.mulf %mul3A_879, %get3A_874 : vector<16xf32>
            %max3A_881 = arith.maximumf %get3A_878, %mul3A_880 : vector<16xf32>
            %add3A_882 = arith.constant 16 : i32
            %add3A_883 = arith.addi %mul3A_849, %add3A_882 : i32
            %swap3A_884 = arith.index_cast %add3A_883 : i32 to index
            %swap3A_885 = tpu.vector_load %arg15[%swap3A_884] {strides = array<i32>} : memref<15408xf32, #tpu.memory_space<vmem>>, vector<16xf32>,
            tpu.vector_store %arg15[%swap3A_884], %max3A_881 {strides = array<i32>} : memref<15408xf32, #tpu.memory_space<vmem>>, vector<16xf32>,
            %get3A_886 = arith.constant 1 : i32
            %get3A_887 = arith.index_cast %get3A_886 : i32 to index
            %get3A_888 = arith.index_cast %add3A_853 : i32 to index
            %get3A_889 = arith.constant 32 : index
            %get3A_890 = tpu.vector_load %arg20[%get3A_887, %get3A_888, %get3A_889] {strides = array<i32>} : memref<2x128x48xf32, #tpu.memory_space<vmem>>, vector<16xf32>,
            %add3A_891 = arith.constant 32 : i32
            %add3A_892 = arith.addi %mul3A_849, %add3A_891 : i32
            %get3A_893 = arith.index_cast %add3A_892 : i32 to index
            %get3A_894 = tpu.vector_load %arg15[%get3A_893] {strides = array<i32>} : memref<15408xf32, #tpu.memory_space<vmem>>, vector<16xf32>,
            %mul3A_895 = vector.broadcast %squeeze3A_845 : f32 to vector<16xf32>
            %mul3A_896 = arith.mulf %mul3A_895, %get3A_890 : vector<16xf32>
            %max3A_897 = arith.maximumf %get3A_894, %mul3A_896 : vector<16xf32>
            %add3A_898 = arith.constant 32 : i32
            %add3A_899 = arith.addi %mul3A_849, %add3A_898 : i32
            %swap3A_900 = arith.index_cast %add3A_899 : i32 to index
            %swap3A_901 = tpu.vector_load %arg15[%swap3A_900] {strides = array<i32>} : memref<15408xf32, #tpu.memory_space<vmem>>, vector<16xf32>,
            tpu.vector_store %arg15[%swap3A_900], %max3A_897 {strides = array<i32>} : memref<15408xf32, #tpu.memory_space<vmem>>, vector<16xf32>,
            %slice3A_902 = vector.extract_strided_slice %get3A_263 {offsets = [11], sizes = [1], strides = [1]} : vector<16xf32> to vector<1xf32>
            %squeeze3A_903 = vector.extract %slice3A_902[0] : f32 from vector<1xf32>
            %slice3A_904 = vector.extract_strided_slice %select_n3A_267 {offsets = [11], sizes = [1], strides = [1]} : vector<16xi32> to vector<1xi32>
            %squeeze3A_905 = vector.extract %slice3A_904[0] : i32 from vector<1xi32>
            %mul3A_906 = arith.constant 48 : i32
            %mul3A_907 = arith.muli %squeeze3A_905, %mul3A_906 : i32
            %mul3A_908 = arith.constant 16 : i32
            %mul3A_909 = arith.muli %scan3A_254, %mul3A_908 : i32
            %add3A_910 = arith.constant 11 : i32
            %add3A_911 = arith.addi %mul3A_909, %add3A_910 : i32
            %get3A_912 = arith.constant 1 : i32
            %get3A_913 = arith.index_cast %get3A_912 : i32 to index
            %get3A_914 = arith.index_cast %add3A_911 : i32 to index
            %get3A_915 = arith.constant 0 : index
            %get3A_916 = tpu.vector_load %arg20[%get3A_913, %get3A_914, %get3A_915] {strides = array<i32>} : memref<2x128x48xf32, #tpu.memory_space<vmem>>, vector<16xf32>,
            %add3A_917 = arith.constant 0 : i32
            %add3A_918 = arith.addi %mul3A_907, %add3A_917 : i32
            %get3A_919 = arith.index_cast %add3A_918 : i32 to index
            %get3A_920 = tpu.vector_load %arg15[%get3A_919] {strides = array<i32>} : memref<15408xf32, #tpu.memory_space<vmem>>, vector<16xf32>,
            %mul3A_921 = vector.broadcast %squeeze3A_903 : f32 to vector<16xf32>
            %mul3A_922 = arith.mulf %mul3A_921, %get3A_916 : vector<16xf32>
            %max3A_923 = arith.maximumf %get3A_920, %mul3A_922 : vector<16xf32>
            %add3A_924 = arith.constant 0 : i32
            %add3A_925 = arith.addi %mul3A_907, %add3A_924 : i32
            %swap3A_926 = arith.index_cast %add3A_925 : i32 to index
            %swap3A_927 = tpu.vector_load %arg15[%swap3A_926] {strides = array<i32>} : memref<15408xf32, #tpu.memory_space<vmem>>, vector<16xf32>,
            tpu.vector_store %arg15[%swap3A_926], %max3A_923 {strides = array<i32>} : memref<15408xf32, #tpu.memory_space<vmem>>, vector<16xf32>,
            %get3A_928 = arith.constant 1 : i32
            %get3A_929 = arith.index_cast %get3A_928 : i32 to index
            %get3A_930 = arith.index_cast %add3A_911 : i32 to index
            %get3A_931 = arith.constant 16 : index
            %get3A_932 = tpu.vector_load %arg20[%get3A_929, %get3A_930, %get3A_931] {strides = array<i32>} : memref<2x128x48xf32, #tpu.memory_space<vmem>>, vector<16xf32>,
            %add3A_933 = arith.constant 16 : i32
            %add3A_934 = arith.addi %mul3A_907, %add3A_933 : i32
            %get3A_935 = arith.index_cast %add3A_934 : i32 to index
            %get3A_936 = tpu.vector_load %arg15[%get3A_935] {strides = array<i32>} : memref<15408xf32, #tpu.memory_space<vmem>>, vector<16xf32>,
            %mul3A_937 = vector.broadcast %squeeze3A_903 : f32 to vector<16xf32>
            %mul3A_938 = arith.mulf %mul3A_937, %get3A_932 : vector<16xf32>
            %max3A_939 = arith.maximumf %get3A_936, %mul3A_938 : vector<16xf32>
            %add3A_940 = arith.constant 16 : i32
            %add3A_941 = arith.addi %mul3A_907, %add3A_940 : i32
            %swap3A_942 = arith.index_cast %add3A_941 : i32 to index
            %swap3A_943 = tpu.vector_load %arg15[%swap3A_942] {strides = array<i32>} : memref<15408xf32, #tpu.memory_space<vmem>>, vector<16xf32>,
            tpu.vector_store %arg15[%swap3A_942], %max3A_939 {strides = array<i32>} : memref<15408xf32, #tpu.memory_space<vmem>>, vector<16xf32>,
            %get3A_944 = arith.constant 1 : i32
            %get3A_945 = arith.index_cast %get3A_944 : i32 to index
            %get3A_946 = arith.index_cast %add3A_911 : i32 to index
            %get3A_947 = arith.constant 32 : index
            %get3A_948 = tpu.vector_load %arg20[%get3A_945, %get3A_946, %get3A_947] {strides = array<i32>} : memref<2x128x48xf32, #tpu.memory_space<vmem>>, vector<16xf32>,
            %add3A_949 = arith.constant 32 : i32
            %add3A_950 = arith.addi %mul3A_907, %add3A_949 : i32
            %get3A_951 = arith.index_cast %add3A_950 : i32 to index
            %get3A_952 = tpu.vector_load %arg15[%get3A_951] {strides = array<i32>} : memref<15408xf32, #tpu.memory_space<vmem>>, vector<16xf32>,
            %mul3A_953 = vector.broadcast %squeeze3A_903 : f32 to vector<16xf32>
            %mul3A_954 = arith.mulf %mul3A_953, %get3A_948 : vector<16xf32>
            %max3A_955 = arith.maximumf %get3A_952, %mul3A_954 : vector<16xf32>
            %add3A_956 = arith.constant 32 : i32
            %add3A_957 = arith.addi %mul3A_907, %add3A_956 : i32
            %swap3A_958 = arith.index_cast %add3A_957 : i32 to index
            %swap3A_959 = tpu.vector_load %arg15[%swap3A_958] {strides = array<i32>} : memref<15408xf32, #tpu.memory_space<vmem>>, vector<16xf32>,
            tpu.vector_store %arg15[%swap3A_958], %max3A_955 {strides = array<i32>} : memref<15408xf32, #tpu.memory_space<vmem>>, vector<16xf32>,
            %slice3A_960 = vector.extract_strided_slice %get3A_263 {offsets = [12], sizes = [1], strides = [1]} : vector<16xf32> to vector<1xf32>
            %squeeze3A_961 = vector.extract %slice3A_960[0] : f32 from vector<1xf32>
            %slice3A_962 = vector.extract_strided_slice %select_n3A_267 {offsets = [12], sizes = [1], strides = [1]} : vector<16xi32> to vector<1xi32>
            %squeeze3A_963 = vector.extract %slice3A_962[0] : i32 from vector<1xi32>
            %mul3A_964 = arith.constant 48 : i32
            %mul3A_965 = arith.muli %squeeze3A_963, %mul3A_964 : i32
            %mul3A_966 = arith.constant 16 : i32
            %mul3A_967 = arith.muli %scan3A_254, %mul3A_966 : i32
            %add3A_968 = arith.constant 12 : i32
            %add3A_969 = arith.addi %mul3A_967, %add3A_968 : i32
            %get3A_970 = arith.constant 1 : i32
            %get3A_971 = arith.index_cast %get3A_970 : i32 to index
            %get3A_972 = arith.index_cast %add3A_969 : i32 to index
            %get3A_973 = arith.constant 0 : index
            %get3A_974 = tpu.vector_load %arg20[%get3A_971, %get3A_972, %get3A_973] {strides = array<i32>} : memref<2x128x48xf32, #tpu.memory_space<vmem>>, vector<16xf32>,
            %add3A_975 = arith.constant 0 : i32
            %add3A_976 = arith.addi %mul3A_965, %add3A_975 : i32
            %get3A_977 = arith.index_cast %add3A_976 : i32 to index
            %get3A_978 = tpu.vector_load %arg15[%get3A_977] {strides = array<i32>} : memref<15408xf32, #tpu.memory_space<vmem>>, vector<16xf32>,
            %mul3A_979 = vector.broadcast %squeeze3A_961 : f32 to vector<16xf32>
            %mul3A_980 = arith.mulf %mul3A_979, %get3A_974 : vector<16xf32>
            %max3A_981 = arith.maximumf %get3A_978, %mul3A_980 : vector<16xf32>
            %add3A_982 = arith.constant 0 : i32
            %add3A_983 = arith.addi %mul3A_965, %add3A_982 : i32
            %swap3A_984 = arith.index_cast %add3A_983 : i32 to index
            %swap3A_985 = tpu.vector_load %arg15[%swap3A_984] {strides = array<i32>} : memref<15408xf32, #tpu.memory_space<vmem>>, vector<16xf32>,
            tpu.vector_store %arg15[%swap3A_984], %max3A_981 {strides = array<i32>} : memref<15408xf32, #tpu.memory_space<vmem>>, vector<16xf32>,
            %get3A_986 = arith.constant 1 : i32
            %get3A_987 = arith.index_cast %get3A_986 : i32 to index
            %get3A_988 = arith.index_cast %add3A_969 : i32 to index
            %get3A_989 = arith.constant 16 : index
            %get3A_990 = tpu.vector_load %arg20[%get3A_987, %get3A_988, %get3A_989] {strides = array<i32>} : memref<2x128x48xf32, #tpu.memory_space<vmem>>, vector<16xf32>,
            %add3A_991 = arith.constant 16 : i32
            %add3A_992 = arith.addi %mul3A_965, %add3A_991 : i32
            %get3A_993 = arith.index_cast %add3A_992 : i32 to index
            %get3A_994 = tpu.vector_load %arg15[%get3A_993] {strides = array<i32>} : memref<15408xf32, #tpu.memory_space<vmem>>, vector<16xf32>,
            %mul3A_995 = vector.broadcast %squeeze3A_961 : f32 to vector<16xf32>
            %mul3A_996 = arith.mulf %mul3A_995, %get3A_990 : vector<16xf32>
            %max3A_997 = arith.maximumf %get3A_994, %mul3A_996 : vector<16xf32>
            %add3A_998 = arith.constant 16 : i32
            %add3A_999 = arith.addi %mul3A_965, %add3A_998 : i32
            %swap3A_1000 = arith.index_cast %add3A_999 : i32 to index
            %swap3A_1001 = tpu.vector_load %arg15[%swap3A_1000] {strides = array<i32>} : memref<15408xf32, #tpu.memory_space<vmem>>, vector<16xf32>,
            tpu.vector_store %arg15[%swap3A_1000], %max3A_997 {strides = array<i32>} : memref<15408xf32, #tpu.memory_space<vmem>>, vector<16xf32>,
            %get3A_1002 = arith.constant 1 : i32
            %get3A_1003 = arith.index_cast %get3A_1002 : i32 to index
            %get3A_1004 = arith.index_cast %add3A_969 : i32 to index
            %get3A_1005 = arith.constant 32 : index
            %get3A_1006 = tpu.vector_load %arg20[%get3A_1003, %get3A_1004, %get3A_1005] {strides = array<i32>} : memref<2x128x48xf32, #tpu.memory_space<vmem>>, vector<16xf32>,
            %add3A_1007 = arith.constant 32 : i32
            %add3A_1008 = arith.addi %mul3A_965, %add3A_1007 : i32
            %get3A_1009 = arith.index_cast %add3A_1008 : i32 to index
            %get3A_1010 = tpu.vector_load %arg15[%get3A_1009] {strides = array<i32>} : memref<15408xf32, #tpu.memory_space<vmem>>, vector<16xf32>,
            %mul3A_1011 = vector.broadcast %squeeze3A_961 : f32 to vector<16xf32>
            %mul3A_1012 = arith.mulf %mul3A_1011, %get3A_1006 : vector<16xf32>
            %max3A_1013 = arith.maximumf %get3A_1010, %mul3A_1012 : vector<16xf32>
            %add3A_1014 = arith.constant 32 : i32
            %add3A_1015 = arith.addi %mul3A_965, %add3A_1014 : i32
            %swap3A_1016 = arith.index_cast %add3A_1015 : i32 to index
            %swap3A_1017 = tpu.vector_load %arg15[%swap3A_1016] {strides = array<i32>} : memref<15408xf32, #tpu.memory_space<vmem>>, vector<16xf32>,
            tpu.vector_store %arg15[%swap3A_1016], %max3A_1013 {strides = array<i32>} : memref<15408xf32, #tpu.memory_space<vmem>>, vector<16xf32>,
            %slice3A_1018 = vector.extract_strided_slice %get3A_263 {offsets = [13], sizes = [1], strides = [1]} : vector<16xf32> to vector<1xf32>
            %squeeze3A_1019 = vector.extract %slice3A_1018[0] : f32 from vector<1xf32>
            %slice3A_1020 = vector.extract_strided_slice %select_n3A_267 {offsets = [13], sizes = [1], strides = [1]} : vector<16xi32> to vector<1xi32>
            %squeeze3A_1021 = vector.extract %slice3A_1020[0] : i32 from vector<1xi32>
            %mul3A_1022 = arith.constant 48 : i32
            %mul3A_1023 = arith.muli %squeeze3A_1021, %mul3A_1022 : i32
            %mul3A_1024 = arith.constant 16 : i32
            %mul3A_1025 = arith.muli %scan3A_254, %mul3A_1024 : i32
            %add3A_1026 = arith.constant 13 : i32
            %add3A_1027 = arith.addi %mul3A_1025, %add3A_1026 : i32
            %get3A_1028 = arith.constant 1 : i32
            %get3A_1029 = arith.index_cast %get3A_1028 : i32 to index
            %get3A_1030 = arith.index_cast %add3A_1027 : i32 to index
            %get3A_1031 = arith.constant 0 : index
            %get3A_1032 = tpu.vector_load %arg20[%get3A_1029, %get3A_1030, %get3A_1031] {strides = array<i32>} : memref<2x128x48xf32, #tpu.memory_space<vmem>>, vector<16xf32>,
            %add3A_1033 = arith.constant 0 : i32
            %add3A_1034 = arith.addi %mul3A_1023, %add3A_1033 : i32
            %get3A_1035 = arith.index_cast %add3A_1034 : i32 to index
            %get3A_1036 = tpu.vector_load %arg15[%get3A_1035] {strides = array<i32>} : memref<15408xf32, #tpu.memory_space<vmem>>, vector<16xf32>,
            %mul3A_1037 = vector.broadcast %squeeze3A_1019 : f32 to vector<16xf32>
            %mul3A_1038 = arith.mulf %mul3A_1037, %get3A_1032 : vector<16xf32>
            %max3A_1039 = arith.maximumf %get3A_1036, %mul3A_1038 : vector<16xf32>
            %add3A_1040 = arith.constant 0 : i32
            %add3A_1041 = arith.addi %mul3A_1023, %add3A_1040 : i32
            %swap3A_1042 = arith.index_cast %add3A_1041 : i32 to index
            %swap3A_1043 = tpu.vector_load %arg15[%swap3A_1042] {strides = array<i32>} : memref<15408xf32, #tpu.memory_space<vmem>>, vector<16xf32>,
            tpu.vector_store %arg15[%swap3A_1042], %max3A_1039 {strides = array<i32>} : memref<15408xf32, #tpu.memory_space<vmem>>, vector<16xf32>,
            %get3A_1044 = arith.constant 1 : i32
            %get3A_1045 = arith.index_cast %get3A_1044 : i32 to index
            %get3A_1046 = arith.index_cast %add3A_1027 : i32 to index
            %get3A_1047 = arith.constant 16 : index
            %get3A_1048 = tpu.vector_load %arg20[%get3A_1045, %get3A_1046, %get3A_1047] {strides = array<i32>} : memref<2x128x48xf32, #tpu.memory_space<vmem>>, vector<16xf32>,
            %add3A_1049 = arith.constant 16 : i32
            %add3A_1050 = arith.addi %mul3A_1023, %add3A_1049 : i32
            %get3A_1051 = arith.index_cast %add3A_1050 : i32 to index
            %get3A_1052 = tpu.vector_load %arg15[%get3A_1051] {strides = array<i32>} : memref<15408xf32, #tpu.memory_space<vmem>>, vector<16xf32>,
            %mul3A_1053 = vector.broadcast %squeeze3A_1019 : f32 to vector<16xf32>
            %mul3A_1054 = arith.mulf %mul3A_1053, %get3A_1048 : vector<16xf32>
            %max3A_1055 = arith.maximumf %get3A_1052, %mul3A_1054 : vector<16xf32>
            %add3A_1056 = arith.constant 16 : i32
            %add3A_1057 = arith.addi %mul3A_1023, %add3A_1056 : i32
            %swap3A_1058 = arith.index_cast %add3A_1057 : i32 to index
            %swap3A_1059 = tpu.vector_load %arg15[%swap3A_1058] {strides = array<i32>} : memref<15408xf32, #tpu.memory_space<vmem>>, vector<16xf32>,
            tpu.vector_store %arg15[%swap3A_1058], %max3A_1055 {strides = array<i32>} : memref<15408xf32, #tpu.memory_space<vmem>>, vector<16xf32>,
            %get3A_1060 = arith.constant 1 : i32
            %get3A_1061 = arith.index_cast %get3A_1060 : i32 to index
            %get3A_1062 = arith.index_cast %add3A_1027 : i32 to index
            %get3A_1063 = arith.constant 32 : index
            %get3A_1064 = tpu.vector_load %arg20[%get3A_1061, %get3A_1062, %get3A_1063] {strides = array<i32>} : memref<2x128x48xf32, #tpu.memory_space<vmem>>, vector<16xf32>,
            %add3A_1065 = arith.constant 32 : i32
            %add3A_1066 = arith.addi %mul3A_1023, %add3A_1065 : i32
            %get3A_1067 = arith.index_cast %add3A_1066 : i32 to index
            %get3A_1068 = tpu.vector_load %arg15[%get3A_1067] {strides = array<i32>} : memref<15408xf32, #tpu.memory_space<vmem>>, vector<16xf32>,
            %mul3A_1069 = vector.broadcast %squeeze3A_1019 : f32 to vector<16xf32>
            %mul3A_1070 = arith.mulf %mul3A_1069, %get3A_1064 : vector<16xf32>
            %max3A_1071 = arith.maximumf %get3A_1068, %mul3A_1070 : vector<16xf32>
            %add3A_1072 = arith.constant 32 : i32
            %add3A_1073 = arith.addi %mul3A_1023, %add3A_1072 : i32
            %swap3A_1074 = arith.index_cast %add3A_1073 : i32 to index
            %swap3A_1075 = tpu.vector_load %arg15[%swap3A_1074] {strides = array<i32>} : memref<15408xf32, #tpu.memory_space<vmem>>, vector<16xf32>,
            tpu.vector_store %arg15[%swap3A_1074], %max3A_1071 {strides = array<i32>} : memref<15408xf32, #tpu.memory_space<vmem>>, vector<16xf32>,
            %slice3A_1076 = vector.extract_strided_slice %get3A_263 {offsets = [14], sizes = [1], strides = [1]} : vector<16xf32> to vector<1xf32>
            %squeeze3A_1077 = vector.extract %slice3A_1076[0] : f32 from vector<1xf32>
            %slice3A_1078 = vector.extract_strided_slice %select_n3A_267 {offsets = [14], sizes = [1], strides = [1]} : vector<16xi32> to vector<1xi32>
            %squeeze3A_1079 = vector.extract %slice3A_1078[0] : i32 from vector<1xi32>
            %mul3A_1080 = arith.constant 48 : i32
            %mul3A_1081 = arith.muli %squeeze3A_1079, %mul3A_1080 : i32
            %mul3A_1082 = arith.constant 16 : i32
            %mul3A_1083 = arith.muli %scan3A_254, %mul3A_1082 : i32
            %add3A_1084 = arith.constant 14 : i32
            %add3A_1085 = arith.addi %mul3A_1083, %add3A_1084 : i32
            %get3A_1086 = arith.constant 1 : i32
            %get3A_1087 = arith.index_cast %get3A_1086 : i32 to index
            %get3A_1088 = arith.index_cast %add3A_1085 : i32 to index
            %get3A_1089 = arith.constant 0 : index
            %get3A_1090 = tpu.vector_load %arg20[%get3A_1087, %get3A_1088, %get3A_1089] {strides = array<i32>} : memref<2x128x48xf32, #tpu.memory_space<vmem>>, vector<16xf32>,
            %add3A_1091 = arith.constant 0 : i32
            %add3A_1092 = arith.addi %mul3A_1081, %add3A_1091 : i32
            %get3A_1093 = arith.index_cast %add3A_1092 : i32 to index
            %get3A_1094 = tpu.vector_load %arg15[%get3A_1093] {strides = array<i32>} : memref<15408xf32, #tpu.memory_space<vmem>>, vector<16xf32>,
            %mul3A_1095 = vector.broadcast %squeeze3A_1077 : f32 to vector<16xf32>
            %mul3A_1096 = arith.mulf %mul3A_1095, %get3A_1090 : vector<16xf32>
            %max3A_1097 = arith.maximumf %get3A_1094, %mul3A_1096 : vector<16xf32>
            %add3A_1098 = arith.constant 0 : i32
            %add3A_1099 = arith.addi %mul3A_1081, %add3A_1098 : i32
            %swap3A_1100 = arith.index_cast %add3A_1099 : i32 to index
            %swap3A_1101 = tpu.vector_load %arg15[%swap3A_1100] {strides = array<i32>} : memref<15408xf32, #tpu.memory_space<vmem>>, vector<16xf32>,
            tpu.vector_store %arg15[%swap3A_1100], %max3A_1097 {strides = array<i32>} : memref<15408xf32, #tpu.memory_space<vmem>>, vector<16xf32>,
            %get3A_1102 = arith.constant 1 : i32
            %get3A_1103 = arith.index_cast %get3A_1102 : i32 to index
            %get3A_1104 = arith.index_cast %add3A_1085 : i32 to index
            %get3A_1105 = arith.constant 16 : index
            %get3A_1106 = tpu.vector_load %arg20[%get3A_1103, %get3A_1104, %get3A_1105] {strides = array<i32>} : memref<2x128x48xf32, #tpu.memory_space<vmem>>, vector<16xf32>,
            %add3A_1107 = arith.constant 16 : i32
            %add3A_1108 = arith.addi %mul3A_1081, %add3A_1107 : i32
            %get3A_1109 = arith.index_cast %add3A_1108 : i32 to index
            %get3A_1110 = tpu.vector_load %arg15[%get3A_1109] {strides = array<i32>} : memref<15408xf32, #tpu.memory_space<vmem>>, vector<16xf32>,
            %mul3A_1111 = vector.broadcast %squeeze3A_1077 : f32 to vector<16xf32>
            %mul3A_1112 = arith.mulf %mul3A_1111, %get3A_1106 : vector<16xf32>
            %max3A_1113 = arith.maximumf %get3A_1110, %mul3A_1112 : vector<16xf32>
            %add3A_1114 = arith.constant 16 : i32
            %add3A_1115 = arith.addi %mul3A_1081, %add3A_1114 : i32
            %swap3A_1116 = arith.index_cast %add3A_1115 : i32 to index
            %swap3A_1117 = tpu.vector_load %arg15[%swap3A_1116] {strides = array<i32>} : memref<15408xf32, #tpu.memory_space<vmem>>, vector<16xf32>,
            tpu.vector_store %arg15[%swap3A_1116], %max3A_1113 {strides = array<i32>} : memref<15408xf32, #tpu.memory_space<vmem>>, vector<16xf32>,
            %get3A_1118 = arith.constant 1 : i32
            %get3A_1119 = arith.index_cast %get3A_1118 : i32 to index
            %get3A_1120 = arith.index_cast %add3A_1085 : i32 to index
            %get3A_1121 = arith.constant 32 : index
            %get3A_1122 = tpu.vector_load %arg20[%get3A_1119, %get3A_1120, %get3A_1121] {strides = array<i32>} : memref<2x128x48xf32, #tpu.memory_space<vmem>>, vector<16xf32>,
            %add3A_1123 = arith.constant 32 : i32
            %add3A_1124 = arith.addi %mul3A_1081, %add3A_1123 : i32
            %get3A_1125 = arith.index_cast %add3A_1124 : i32 to index
            %get3A_1126 = tpu.vector_load %arg15[%get3A_1125] {strides = array<i32>} : memref<15408xf32, #tpu.memory_space<vmem>>, vector<16xf32>,
            %mul3A_1127 = vector.broadcast %squeeze3A_1077 : f32 to vector<16xf32>
            %mul3A_1128 = arith.mulf %mul3A_1127, %get3A_1122 : vector<16xf32>
            %max3A_1129 = arith.maximumf %get3A_1126, %mul3A_1128 : vector<16xf32>
            %add3A_1130 = arith.constant 32 : i32
            %add3A_1131 = arith.addi %mul3A_1081, %add3A_1130 : i32
            %swap3A_1132 = arith.index_cast %add3A_1131 : i32 to index
            %swap3A_1133 = tpu.vector_load %arg15[%swap3A_1132] {strides = array<i32>} : memref<15408xf32, #tpu.memory_space<vmem>>, vector<16xf32>,
            tpu.vector_store %arg15[%swap3A_1132], %max3A_1129 {strides = array<i32>} : memref<15408xf32, #tpu.memory_space<vmem>>, vector<16xf32>,
            %slice3A_1134 = vector.extract_strided_slice %get3A_263 {offsets = [15], sizes = [1], strides = [1]} : vector<16xf32> to vector<1xf32>
            %squeeze3A_1135 = vector.extract %slice3A_1134[0] : f32 from vector<1xf32>
            %slice3A_1136 = vector.extract_strided_slice %select_n3A_267 {offsets = [15], sizes = [1], strides = [1]} : vector<16xi32> to vector<1xi32>
            %squeeze3A_1137 = vector.extract %slice3A_1136[0] : i32 from vector<1xi32>
            %mul3A_1138 = arith.constant 48 : i32
            %mul3A_1139 = arith.muli %squeeze3A_1137, %mul3A_1138 : i32
            %mul3A_1140 = arith.constant 16 : i32
            %mul3A_1141 = arith.muli %scan3A_254, %mul3A_1140 : i32
            %add3A_1142 = arith.constant 15 : i32
            %add3A_1143 = arith.addi %mul3A_1141, %add3A_1142 : i32
            %get3A_1144 = arith.constant 1 : i32
            %get3A_1145 = arith.index_cast %get3A_1144 : i32 to index
            %get3A_1146 = arith.index_cast %add3A_1143 : i32 to index
            %get3A_1147 = arith.constant 0 : index
            %get3A_1148 = tpu.vector_load %arg20[%get3A_1145, %get3A_1146, %get3A_1147] {strides = array<i32>} : memref<2x128x48xf32, #tpu.memory_space<vmem>>, vector<16xf32>,
            %add3A_1149 = arith.constant 0 : i32
            %add3A_1150 = arith.addi %mul3A_1139, %add3A_1149 : i32
            %get3A_1151 = arith.index_cast %add3A_1150 : i32 to index
            %get3A_1152 = tpu.vector_load %arg15[%get3A_1151] {strides = array<i32>} : memref<15408xf32, #tpu.memory_space<vmem>>, vector<16xf32>,
            %mul3A_1153 = vector.broadcast %squeeze3A_1135 : f32 to vector<16xf32>
            %mul3A_1154 = arith.mulf %mul3A_1153, %get3A_1148 : vector<16xf32>
            %max3A_1155 = arith.maximumf %get3A_1152, %mul3A_1154 : vector<16xf32>
            %add3A_1156 = arith.constant 0 : i32
            %add3A_1157 = arith.addi %mul3A_1139, %add3A_1156 : i32
            %swap3A_1158 = arith.index_cast %add3A_1157 : i32 to index
            %swap3A_1159 = tpu.vector_load %arg15[%swap3A_1158] {strides = array<i32>} : memref<15408xf32, #tpu.memory_space<vmem>>, vector<16xf32>,
            tpu.vector_store %arg15[%swap3A_1158], %max3A_1155 {strides = array<i32>} : memref<15408xf32, #tpu.memory_space<vmem>>, vector<16xf32>,
            %get3A_1160 = arith.constant 1 : i32
            %get3A_1161 = arith.index_cast %get3A_1160 : i32 to index
            %get3A_1162 = arith.index_cast %add3A_1143 : i32 to index
            %get3A_1163 = arith.constant 16 : index
            %get3A_1164 = tpu.vector_load %arg20[%get3A_1161, %get3A_1162, %get3A_1163] {strides = array<i32>} : memref<2x128x48xf32, #tpu.memory_space<vmem>>, vector<16xf32>,
            %add3A_1165 = arith.constant 16 : i32
            %add3A_1166 = arith.addi %mul3A_1139, %add3A_1165 : i32
            %get3A_1167 = arith.index_cast %add3A_1166 : i32 to index
            %get3A_1168 = tpu.vector_load %arg15[%get3A_1167] {strides = array<i32>} : memref<15408xf32, #tpu.memory_space<vmem>>, vector<16xf32>,
            %mul3A_1169 = vector.broadcast %squeeze3A_1135 : f32 to vector<16xf32>
            %mul3A_1170 = arith.mulf %mul3A_1169, %get3A_1164 : vector<16xf32>
            %max3A_1171 = arith.maximumf %get3A_1168, %mul3A_1170 : vector<16xf32>
            %add3A_1172 = arith.constant 16 : i32
            %add3A_1173 = arith.addi %mul3A_1139, %add3A_1172 : i32
            %swap3A_1174 = arith.index_cast %add3A_1173 : i32 to index
            %swap3A_1175 = tpu.vector_load %arg15[%swap3A_1174] {strides = array<i32>} : memref<15408xf32, #tpu.memory_space<vmem>>, vector<16xf32>,
            tpu.vector_store %arg15[%swap3A_1174], %max3A_1171 {strides = array<i32>} : memref<15408xf32, #tpu.memory_space<vmem>>, vector<16xf32>,
            %get3A_1176 = arith.constant 1 : i32
            %get3A_1177 = arith.index_cast %get3A_1176 : i32 to index
            %get3A_1178 = arith.index_cast %add3A_1143 : i32 to index
            %get3A_1179 = arith.constant 32 : index
            %get3A_1180 = tpu.vector_load %arg20[%get3A_1177, %get3A_1178, %get3A_1179] {strides = array<i32>} : memref<2x128x48xf32, #tpu.memory_space<vmem>>, vector<16xf32>,
            %add3A_1181 = arith.constant 32 : i32
            %add3A_1182 = arith.addi %mul3A_1139, %add3A_1181 : i32
            %get3A_1183 = arith.index_cast %add3A_1182 : i32 to index
            %get3A_1184 = tpu.vector_load %arg15[%get3A_1183] {strides = array<i32>} : memref<15408xf32, #tpu.memory_space<vmem>>, vector<16xf32>,
            %mul3A_1185 = vector.broadcast %squeeze3A_1135 : f32 to vector<16xf32>
            %mul3A_1186 = arith.mulf %mul3A_1185, %get3A_1180 : vector<16xf32>
            %max3A_1187 = arith.maximumf %get3A_1184, %mul3A_1186 : vector<16xf32>
            %add3A_1188 = arith.constant 32 : i32
            %add3A_1189 = arith.addi %mul3A_1139, %add3A_1188 : i32
            %swap3A_1190 = arith.index_cast %add3A_1189 : i32 to index
            %swap3A_1191 = tpu.vector_load %arg15[%swap3A_1190] {strides = array<i32>} : memref<15408xf32, #tpu.memory_space<vmem>>, vector<16xf32>,
            tpu.vector_store %arg15[%swap3A_1190], %max3A_1187 {strides = array<i32>} : memref<15408xf32, #tpu.memory_space<vmem>>, vector<16xf32>,
            %scan3A_1192 = arith.constant 0 : i32
            scf.yield %scan3A_1192 : i32
          }
          %scan3A_253 = arith.constant 8 : i32
        } else {
        }
        %while3A_232 = arith.constant 0 : i32
        scf.yield %while3A_232 : i32
      }
      %scan3A_151 = arith.constant 0 : i32
      %scan3A_152 = arith.constant 0 : i32
      %scan3A_153 = arith.constant 320 : i32
      %scan3A_154 = arith.addi %scan3A_152, %scan3A_153 : i32
      %scan3A_155 = arith.constant 1 : i32
      %scan3A_156 = scf.for %scan3A_181 = %scan3A_152 to %scan3A_154 step %scan3A_155 iter_args(%scan3A_182 = %scan3A_151) -> (i32)  : i32 {
        %mul3A_183 = arith.constant 48 : i32
        %mul3A_184 = arith.muli %scan3A_181, %mul3A_183 : i32
        %add3A_185 = arith.constant 0 : i32
        %add3A_186 = arith.addi %mul3A_184, %add3A_185 : i32
        %get3A = arith.index_cast %add3A_186 : i32 to index
        %get3A_187 = tpu.vector_load %arg15[%get3A] {strides = array<i32>} : memref<15408xf32, #tpu.memory_space<vmem>>, vector<16xf32>,
        %get3A_188 = arith.constant 0 : index
        %get3A_189 = tpu.vector_load %arg21[%get3A_188] {strides = array<i32>} : memref<48xf32, #tpu.memory_space<vmem>>, vector<16xf32>,
        %lt3A = arith.constant -9.99999993E+36 : f32
        %lt3A_190 = vector.broadcast %lt3A : f32 to vector<16xf32>
        %lt3A_191 = arith.cmpf olt, %get3A_187, %lt3A_190 : vector<16xf32>
        %jit3A_192 = arith.constant 0.000000e+00 : f32
        %broadcast_in_dim3A = vector.broadcast %jit3A_192 : f32 to vector<16xf32>
        %select_n3A_193 = arith.select %lt3A_191, %broadcast_in_dim3A, %get3A_187 : vector<16xi1>, vector<16xf32>
        %add3A_194 = arith.addf %select_n3A_193, %get3A_189 : vector<16xf32>
        %max3A = arith.constant 0.000000e+00 : f32
        %max3A_195 = vector.broadcast %max3A : f32 to vector<16xf32>
        %max3A_196 = arith.maximumf %add3A_194, %max3A_195 : vector<16xf32>
        %add3A_197 = arith.constant 0 : i32
        %add3A_198 = arith.addi %mul3A_184, %add3A_197 : i32
        %swap3A = arith.index_cast %add3A_198 : i32 to index
        %swap3A_199 = tpu.vector_load %arg15[%swap3A] {strides = array<i32>} : memref<15408xf32, #tpu.memory_space<vmem>>, vector<16xf32>,
        tpu.vector_store %arg15[%swap3A], %max3A_196 {strides = array<i32>} : memref<15408xf32, #tpu.memory_space<vmem>>, vector<16xf32>,
        %add3A_200 = arith.constant 16 : i32
        %add3A_201 = arith.addi %mul3A_184, %add3A_200 : i32
        %get3A_202 = arith.index_cast %add3A_201 : i32 to index
        %get3A_203 = tpu.vector_load %arg15[%get3A_202] {strides = array<i32>} : memref<15408xf32, #tpu.memory_space<vmem>>, vector<16xf32>,
        %get3A_204 = arith.constant 16 : index
        %get3A_205 = tpu.vector_load %arg21[%get3A_204] {strides = array<i32>} : memref<48xf32, #tpu.memory_space<vmem>>, vector<16xf32>,
        %lt3A_206 = arith.constant -9.99999993E+36 : f32
        %lt3A_207 = vector.broadcast %lt3A_206 : f32 to vector<16xf32>
        %lt3A_208 = arith.cmpf olt, %get3A_203, %lt3A_207 : vector<16xf32>
        %jit3A_209 = arith.constant 0.000000e+00 : f32
        %broadcast_in_dim3A_210 = vector.broadcast %jit3A_209 : f32 to vector<16xf32>
        %select_n3A_211 = arith.select %lt3A_208, %broadcast_in_dim3A_210, %get3A_203 : vector<16xi1>, vector<16xf32>
        %add3A_212 = arith.addf %select_n3A_211, %get3A_205 : vector<16xf32>
        %max3A_213 = arith.constant 0.000000e+00 : f32
        %max3A_214 = vector.broadcast %max3A_213 : f32 to vector<16xf32>
        %max3A_215 = arith.maximumf %add3A_212, %max3A_214 : vector<16xf32>
        %add3A_216 = arith.constant 16 : i32
        %add3A_217 = arith.addi %mul3A_184, %add3A_216 : i32
        %swap3A_218 = arith.index_cast %add3A_217 : i32 to index
        %swap3A_219 = tpu.vector_load %arg15[%swap3A_218] {strides = array<i32>} : memref<15408xf32, #tpu.memory_space<vmem>>, vector<16xf32>,
        tpu.vector_store %arg15[%swap3A_218], %max3A_215 {strides = array<i32>} : memref<15408xf32, #tpu.memory_space<vmem>>, vector<16xf32>,
        %add3A_220 = arith.constant 32 : i32
        %add3A_221 = arith.addi %mul3A_184, %add3A_220 : i32
        %get3A_222 = arith.index_cast %add3A_221 : i32 to index
        %get3A_223 = tpu.vector_load %arg15[%get3A_222] {strides = array<i32>} : memref<15408xf32, #tpu.memory_space<vmem>>, vector<16xf32>,
        %get3A_224 = arith.constant 32 : index
        %get3A_225 = tpu.vector_load %arg21[%get3A_224] {strides = array<i32>} : memref<48xf32, #tpu.memory_space<vmem>>, vector<16xf32>,
        %lt3A_226 = arith.constant -9.99999993E+36 : f32
        %lt3A_227 = vector.broadcast %lt3A_226 : f32 to vector<16xf32>
        %lt3A_228 = arith.cmpf olt, %get3A_223, %lt3A_227 : vector<16xf32>
        %jit3A_229 = arith.constant 0.000000e+00 : f32
        %broadcast_in_dim3A_230 = vector.broadcast %jit3A_229 : f32 to vector<16xf32>
        %select_n3A_231 = arith.select %lt3A_228, %broadcast_in_dim3A_230, %get3A_223 : vector<16xi1>, vector<16xf32>
        %add3A_232 = arith.addf %select_n3A_231, %get3A_225 : vector<16xf32>
        %max3A_233 = arith.constant 0.000000e+00 : f32
        %max3A_234 = vector.broadcast %max3A_233 : f32 to vector<16xf32>
        %max3A_235 = arith.maximumf %add3A_232, %max3A_234 : vector<16xf32>
        %add3A_236 = arith.constant 32 : i32
        %add3A_237 = arith.addi %mul3A_184, %add3A_236 : i32
        %swap3A_238 = arith.index_cast %add3A_237 : i32 to index
        %swap3A_239 = tpu.vector_load %arg15[%swap3A_238] {strides = array<i32>} : memref<15408xf32, #tpu.memory_space<vmem>>, vector<16xf32>,
        tpu.vector_store %arg15[%swap3A_238], %max3A_235 {strides = array<i32>} : memref<15408xf32, #tpu.memory_space<vmem>>, vector<16xf32>,
        %scan3A_240 = arith.constant 0 : i32
        scf.yield %scan3A_240 : i32
      }
      %scan3A_157 = arith.constant 320 : i32
      %scan3A_158 = arith.constant 0 : i32
      %scan3A_159 = arith.constant 0 : i32
      %scan3A_160 = arith.constant 800 : i32
      %scan3A_161 = arith.addi %scan3A_159, %scan3A_160 : i32
      %scan3A_162 = arith.constant 1 : i32
      %scan3A_163 = scf.for %scan3A_181 = %scan3A_159 to %scan3A_161 step %scan3A_162 iter_args(%scan3A_182 = %scan3A_158) -> (i32)  : i32 {
        %mul3A_183 = arith.constant 16 : i32
        %mul3A_184 = arith.muli %scan3A_181, %mul3A_183 : i32
        %add3A_185 = vector.broadcast %mul3A_184 : i32 to vector<16xi32>
        %add3A_186 = arith.addi %add3A_185, %iota3A : vector<16xi32>
        %mul3A_187 = arith.constant 52429 : i32
        %mul3A_188 = vector.broadcast %mul3A_187 : i32 to vector<16xi32>
        %mul3A_189 = arith.muli %add3A_186, %mul3A_188 : vector<16xi32>
        %shift_right_arithmetic3A = arith.constant 21 : i32
        %shift_right_arithmetic3A_190 = vector.broadcast %shift_right_arithmetic3A : i32 to vector<16xi32>
        %shift_right_arithmetic3A_191 = arith.shrsi %mul3A_189, %shift_right_arithmetic3A_190 : vector<16xi32>
        %mul3A_192 = arith.constant 40 : i32
        %mul3A_193 = vector.broadcast %mul3A_192 : i32 to vector<16xi32>
        %mul3A_194 = arith.muli %mul3A_193, %shift_right_arithmetic3A_191 : vector<16xi32>
        %sub3A_195 = arith.subi %add3A_186, %mul3A_194 : vector<16xi32>
        %mul3A_196 = arith.constant 48 : i32
        %mul3A_197 = vector.broadcast %mul3A_196 : i32 to vector<16xi32>
        %mul3A_198 = arith.muli %shift_right_arithmetic3A_191, %mul3A_197 : vector<16xi32>
        %add3A_199 = arith.addi %mul3A_198, %sub3A_195 : vector<16xi32>
        %gather3A = tpu.vector_load_idx %arg15[%add3A_199] : memref<15408xf32, #tpu.memory_space<vmem>>[vector<16xi32>], vector<16xf32>,
        %mul3A_200 = arith.constant 16 : i32
        %mul3A_201 = arith.muli %scan3A_181, %mul3A_200 : i32
        %swap3A = arith.index_cast %mul3A_201 : i32 to index
        %swap3A_202 = tpu.vector_load %arg16[%swap3A] {strides = array<i32>} : memref<12800xf32, #tpu.memory_space<vmem>>, vector<16xf32>,
        tpu.vector_store %arg16[%swap3A], %gather3A {strides = array<i32>} : memref<12800xf32, #tpu.memory_space<vmem>>, vector<16xf32>,
        %scan3A_203 = arith.constant 0 : i32
        scf.yield %scan3A_203 : i32
      }
      %scan3A_164 = arith.constant 800 : i32
      %mul3A_165 = arith.constant 10000 : i32
      %mul3A_166 = arith.muli %scan3A_41, %mul3A_165 : i32
      %add3A_167 = arith.addi %mul3A_166, %mul3A_2 : i32
      %mul3A_168 = arith.constant 40 : i32
      %mul3A_169 = arith.muli %add3A_167, %mul3A_168 : i32
      %add3A_170 = arith.constant 320 : i32
      %add3A_171 = arith.addi %mul3A_2, %add3A_170 : i32
      %le3A = arith.constant 10000 : i32
      %le3A_172 = arith.cmpi sle, %add3A_171, %le3A : i32
      %convert_element_type3A = arith.extui %le3A_172 : i1 to i32
      %cond3A = arith.constant 0 : i32
      %cond3A_173 = arith.cmpi ne, %convert_element_type3A, %cond3A : i32
      scf.if %cond3A_173 {
        "tpu.region"() ({
          %run_scoped3A = tpu.sem_alloc : memref<!tpu.dma_semaphore, #tpu.memory_space<semaphore_mem>>
          %dma_start3A = arith.constant 0 : i32
          %dma_start3A_181 = tpu.memref_slice %arg16[%dma_start3A] : memref<12800xf32, #tpu.memory_space<vmem>> -> memref<12800xf32, #tpu.memory_space<vmem>>
          %dma_start3A_182 = tpu.memref_slice %arg8[%mul3A_169] : memref<2000000xf32, #tpu.memory_space<hbm>> -> memref<12800xf32, #tpu.memory_space<hbm>>
          %dma_start3A_183 = tpu.memref_slice %arg8[%mul3A_169] : memref<2000000xf32, #tpu.memory_space<hbm>> -> memref<12800xf32, #tpu.memory_space<hbm>>
          %dma_start3A_184 = arith.constant 0 : i32
          %dma_start3A_185 = tpu.memref_slice %arg16[%dma_start3A_184] : memref<12800xf32, #tpu.memory_space<vmem>> -> memref<12800xf32, #tpu.memory_space<vmem>>
          tpu.enqueue_dma source(%dma_start3A_185 : memref<12800xf32, #tpu.memory_space<vmem>>) target(%dma_start3A_183 : memref<12800xf32, #tpu.memory_space<hbm>>) target_semaphore(%run_scoped3A : memref<!tpu.dma_semaphore, #tpu.memory_space<semaphore_mem>>)
          %dma_wait3A = arith.constant 0 : i32
          %dma_wait3A_186 = tpu.memref_slice %arg16[%dma_wait3A] : memref<12800xf32, #tpu.memory_space<vmem>> -> memref<12800xf32, #tpu.memory_space<vmem>>
          %dma_wait3A_187 = tpu.memref_slice %arg8[%mul3A_169] : memref<2000000xf32, #tpu.memory_space<hbm>> -> memref<12800xf32, #tpu.memory_space<hbm>>
          %dma_wait3A_188 = tpu.memref_slice %arg8[%mul3A_169] : memref<2000000xf32, #tpu.memory_space<hbm>> -> memref<12800xf32, #tpu.memory_space<hbm>>
          %dma_wait3A_189 = arith.constant 0 : i32
          %dma_wait3A_190 = tpu.memref_slice %arg16[%dma_wait3A_189] : memref<12800xf32, #tpu.memory_space<vmem>> -> memref<12800xf32, #tpu.memory_space<vmem>>
          tpu.wait_dma2 semaphore(%run_scoped3A : memref<!tpu.dma_semaphore, #tpu.memory_space<semaphore_mem>>) src(%dma_wait3A_190 : memref<12800xf32, #tpu.memory_space<vmem>>) dst(%dma_wait3A_188 : memref<12800xf32, #tpu.memory_space<hbm>>)
          tpu.yield
        }) : () -> ()
      } else {
      }
      %add3A_174 = arith.constant 320 : i32
      %add3A_175 = arith.addi %mul3A_2, %add3A_174 : i32
      %gt3A = arith.constant 10000 : i32
      %gt3A_176 = arith.cmpi sgt, %add3A_175, %gt3A : i32
      %convert_element_type3A_177 = arith.extui %gt3A_176 : i1 to i32
      %cond3A_178 = arith.constant 0 : i32
      %cond3A_179 = arith.cmpi ne, %convert_element_type3A_177, %cond3A_178 : i32
      scf.if %cond3A_179 {
        "tpu.region"() ({
          %run_scoped3A = tpu.sem_alloc : memref<!tpu.dma_semaphore, #tpu.memory_space<semaphore_mem>>
          %dma_start3A = arith.constant 0 : i32
          %dma_start3A_181 = tpu.memref_slice %arg16[%dma_start3A] : memref<12800xf32, #tpu.memory_space<vmem>> -> memref<3200xf32, #tpu.memory_space<vmem>>
          %dma_start3A_182 = tpu.memref_slice %arg8[%mul3A_169] : memref<2000000xf32, #tpu.memory_space<hbm>> -> memref<3200xf32, #tpu.memory_space<hbm>>
          %dma_start3A_183 = tpu.memref_slice %arg8[%mul3A_169] : memref<2000000xf32, #tpu.memory_space<hbm>> -> memref<3200xf32, #tpu.memory_space<hbm>>
          %dma_start3A_184 = arith.constant 0 : i32
          %dma_start3A_185 = tpu.memref_slice %arg16[%dma_start3A_184] : memref<12800xf32, #tpu.memory_space<vmem>> -> memref<3200xf32, #tpu.memory_space<vmem>>
          tpu.enqueue_dma source(%dma_start3A_185 : memref<3200xf32, #tpu.memory_space<vmem>>) target(%dma_start3A_183 : memref<3200xf32, #tpu.memory_space<hbm>>) target_semaphore(%run_scoped3A : memref<!tpu.dma_semaphore, #tpu.memory_space<semaphore_mem>>)
          %dma_wait3A = arith.constant 0 : i32
          %dma_wait3A_186 = tpu.memref_slice %arg16[%dma_wait3A] : memref<12800xf32, #tpu.memory_space<vmem>> -> memref<3200xf32, #tpu.memory_space<vmem>>
          %dma_wait3A_187 = tpu.memref_slice %arg8[%mul3A_169] : memref<2000000xf32, #tpu.memory_space<hbm>> -> memref<3200xf32, #tpu.memory_space<hbm>>
          %dma_wait3A_188 = tpu.memref_slice %arg8[%mul3A_169] : memref<2000000xf32, #tpu.memory_space<hbm>> -> memref<3200xf32, #tpu.memory_space<hbm>>
          %dma_wait3A_189 = arith.constant 0 : i32
          %dma_wait3A_190 = tpu.memref_slice %arg16[%dma_wait3A_189] : memref<12800xf32, #tpu.memory_space<vmem>> -> memref<3200xf32, #tpu.memory_space<vmem>>
          tpu.wait_dma2 semaphore(%run_scoped3A : memref<!tpu.dma_semaphore, #tpu.memory_space<semaphore_mem>>) src(%dma_wait3A_190 : memref<3200xf32, #tpu.memory_space<vmem>>) dst(%dma_wait3A_188 : memref<3200xf32, #tpu.memory_space<hbm>>)
          tpu.yield
        }) : () -> ()
      } else {
      }
      %scan3A_180 = arith.constant 0 : i32
      scf.yield %scan3A_180 : i32
    }
    %scan3A_40 = arith.constant 5 : i32
    return
  }
}

module attributes {stable_mosaic.version = 14 : i64} {
  func.func @_cnn_body(%arg0: i32, %arg1: memref<2000x392xf32, #tpu.memory_space<vmem>>, %arg2: memref<4x104x96xf32, #tpu.memory_space<vmem>>, %arg3: memref<4x104x96xf32, #tpu.memory_space<vmem>>, %arg4: memref<96xf32, #tpu.memory_space<vmem>>, %arg5: memref<4x96x80xf32, #tpu.memory_space<vmem>>, %arg6: memref<80xf32, #tpu.memory_space<vmem>>, %arg7: memref<80x40xf32, #tpu.memory_space<vmem>>, %arg8: memref<40xf32, #tpu.memory_space<vmem>>, %arg9: memref<40xf32, #tpu.memory_space<vmem>>, %arg10: memref<2000x48xf32, #tpu.memory_space<vmem>>) attributes {dimension_semantics = [#tpu.dimension_semantics<arbitrary>], iteration_bounds = array<i64: 25>, scalar_prefetch = 0 : i64, scratch_operands = 0 : i64, tpu.core_type = #tpu.core_type<tc>, window_params = [{transform_indices = @transform_0, window_bounds = array<i64: 2000, 392>}, {pipeline_mode = #tpu.pipeline_mode<synchronous>, transform_indices = @transform_1, window_bounds = array<i64: 4, 104, 96>}, {pipeline_mode = #tpu.pipeline_mode<synchronous>, transform_indices = @transform_2, window_bounds = array<i64: 4, 104, 96>}, {pipeline_mode = #tpu.pipeline_mode<synchronous>, transform_indices = @transform_3, window_bounds = array<i64: 96>}, {pipeline_mode = #tpu.pipeline_mode<synchronous>, transform_indices = @transform_4, window_bounds = array<i64: 4, 96, 80>}, {pipeline_mode = #tpu.pipeline_mode<synchronous>, transform_indices = @transform_5, window_bounds = array<i64: 80>}, {pipeline_mode = #tpu.pipeline_mode<synchronous>, transform_indices = @transform_6, window_bounds = array<i64: 80, 40>}, {pipeline_mode = #tpu.pipeline_mode<synchronous>, transform_indices = @transform_7, window_bounds = array<i64: 40>}, {pipeline_mode = #tpu.pipeline_mode<synchronous>, transform_indices = @transform_8, window_bounds = array<i64: 40>}, {transform_indices = @transform_9, window_bounds = array<i64: 2000, 48>}]} {
    %get3A = arith.constant 0 : index
    %get3A_0 = vector.load %arg6[%get3A] : memref<80xf32, #tpu.memory_space<vmem>>, vector<80xf32>
    %broadcast_in_dim3A = vector.shape_cast %get3A_0 : vector<80xf32> to vector<1x80xf32>
    %broadcast_in_dim3A_1 = vector.shape_cast %broadcast_in_dim3A : vector<1x80xf32> to vector<1x80xf32>
    %broadcast_in_dim3A_2 = vector.broadcast %broadcast_in_dim3A_1 : vector<1x80xf32> to vector<2000x80xf32>
    %get3A_3 = arith.constant 0 : index
    %get3A_4 = arith.constant 0 : index
    %get3A_5 = vector.load %arg1[%get3A_3, %get3A_4] : memref<2000x392xf32, #tpu.memory_space<vmem>>, vector<2000x104xf32>
    %get3A_6 = arith.constant 0 : index
    %get3A_7 = arith.constant 0 : index
    %get3A_8 = arith.constant 0 : index
    %get3A_9 = vector.load %arg2[%get3A_6, %get3A_7, %get3A_8] : memref<4x104x96xf32, #tpu.memory_space<vmem>>, vector<1x104x96xf32>
    %get3A_10 = vector.shape_cast %get3A_9 : vector<1x104x96xf32> to vector<104x96xf32>
    %dot_general3A = arith.constant dense<0.000000e+00> : vector<2000x96xf32>
    %dot_general3A_11 = tpu.matmul %get3A_5, %get3A_10, %dot_general3A {dimension_numbers = #tpu.dot_dimension_numbers<[1], [0], [0], [1], [0, 0, 1, 1], [], []>, transpose_lhs_hint = false} : vector<2000x104xf32>, vector<104x96xf32>, vector<2000x96xf32> -> vector<2000x96xf32>
    %get3A_12 = arith.constant 0 : index
    %get3A_13 = vector.load %arg4[%get3A_12] : memref<96xf32, #tpu.memory_space<vmem>>, vector<96xf32>
    %broadcast_in_dim3A_14 = vector.shape_cast %get3A_13 : vector<96xf32> to vector<1x96xf32>
    %add3A = vector.broadcast %broadcast_in_dim3A_14 : vector<1x96xf32> to vector<2000x96xf32>
    %add3A_15 = arith.addf %dot_general3A_11, %add3A : vector<2000x96xf32>
    %get3A_16 = arith.constant 0 : index
    %get3A_17 = arith.constant 0 : index
    %get3A_18 = arith.constant 0 : index
    %get3A_19 = vector.load %arg3[%get3A_16, %get3A_17, %get3A_18] : memref<4x104x96xf32, #tpu.memory_space<vmem>>, vector<1x104x96xf32>
    %get3A_20 = vector.shape_cast %get3A_19 : vector<1x104x96xf32> to vector<104x96xf32>
    %dot_general3A_21 = arith.constant dense<0.000000e+00> : vector<2000x96xf32>
    %dot_general3A_22 = tpu.matmul %get3A_5, %get3A_20, %dot_general3A_21 {dimension_numbers = #tpu.dot_dimension_numbers<[1], [0], [0], [1], [0, 0, 1, 1], [], []>, transpose_lhs_hint = false} : vector<2000x104xf32>, vector<104x96xf32>, vector<2000x96xf32> -> vector<2000x96xf32>
    %get3A_23 = arith.constant 0 : index
    %get3A_24 = vector.load %arg4[%get3A_23] : memref<96xf32, #tpu.memory_space<vmem>>, vector<96xf32>
    %broadcast_in_dim3A_25 = vector.shape_cast %get3A_24 : vector<96xf32> to vector<1x96xf32>
    %add3A_26 = vector.broadcast %broadcast_in_dim3A_25 : vector<1x96xf32> to vector<2000x96xf32>
    %add3A_27 = arith.addf %dot_general3A_22, %add3A_26 : vector<2000x96xf32>
    %max3A = arith.maximumf %add3A_15, %add3A_27 : vector<2000x96xf32>
    %max3A_28 = arith.constant 0.000000e+00 : f32
    %max3A_29 = vector.broadcast %max3A_28 : f32 to vector<2000x96xf32>
    %max3A_30 = arith.maximumf %max3A, %max3A_29 : vector<2000x96xf32>
    %get3A_31 = arith.constant 0 : index
    %get3A_32 = arith.constant 0 : index
    %get3A_33 = arith.constant 0 : index
    %get3A_34 = vector.load %arg5[%get3A_31, %get3A_32, %get3A_33] : memref<4x96x80xf32, #tpu.memory_space<vmem>>, vector<1x96x80xf32>
    %get3A_35 = vector.shape_cast %get3A_34 : vector<1x96x80xf32> to vector<96x80xf32>
    %dot_general3A_36 = arith.constant dense<0.000000e+00> : vector<2000x80xf32>
    %dot_general3A_37 = tpu.matmul %max3A_30, %get3A_35, %dot_general3A_36 {dimension_numbers = #tpu.dot_dimension_numbers<[1], [0], [0], [1], [0, 0, 1, 1], [], []>, transpose_lhs_hint = false} : vector<2000x96xf32>, vector<96x80xf32>, vector<2000x80xf32> -> vector<2000x80xf32>
    %add3A_38 = arith.addf %broadcast_in_dim3A_2, %dot_general3A_37 : vector<2000x80xf32>
    %get3A_39 = arith.constant 0 : index
    %get3A_40 = arith.constant 96 : index
    %get3A_41 = vector.load %arg1[%get3A_39, %get3A_40] : memref<2000x392xf32, #tpu.memory_space<vmem>>, vector<2000x104xf32>
    %get3A_42 = arith.constant 1 : index
    %get3A_43 = arith.constant 0 : index
    %get3A_44 = arith.constant 0 : index
    %get3A_45 = vector.load %arg2[%get3A_42, %get3A_43, %get3A_44] : memref<4x104x96xf32, #tpu.memory_space<vmem>>, vector<1x104x96xf32>
    %get3A_46 = vector.shape_cast %get3A_45 : vector<1x104x96xf32> to vector<104x96xf32>
    %dot_general3A_47 = arith.constant dense<0.000000e+00> : vector<2000x96xf32>
    %dot_general3A_48 = tpu.matmul %get3A_41, %get3A_46, %dot_general3A_47 {dimension_numbers = #tpu.dot_dimension_numbers<[1], [0], [0], [1], [0, 0, 1, 1], [], []>, transpose_lhs_hint = false} : vector<2000x104xf32>, vector<104x96xf32>, vector<2000x96xf32> -> vector<2000x96xf32>
    %get3A_49 = arith.constant 0 : index
    %get3A_50 = vector.load %arg4[%get3A_49] : memref<96xf32, #tpu.memory_space<vmem>>, vector<96xf32>
    %broadcast_in_dim3A_51 = vector.shape_cast %get3A_50 : vector<96xf32> to vector<1x96xf32>
    %add3A_52 = vector.broadcast %broadcast_in_dim3A_51 : vector<1x96xf32> to vector<2000x96xf32>
    %add3A_53 = arith.addf %dot_general3A_48, %add3A_52 : vector<2000x96xf32>
    %get3A_54 = arith.constant 1 : index
    %get3A_55 = arith.constant 0 : index
    %get3A_56 = arith.constant 0 : index
    %get3A_57 = vector.load %arg3[%get3A_54, %get3A_55, %get3A_56] : memref<4x104x96xf32, #tpu.memory_space<vmem>>, vector<1x104x96xf32>
    %get3A_58 = vector.shape_cast %get3A_57 : vector<1x104x96xf32> to vector<104x96xf32>
    %dot_general3A_59 = arith.constant dense<0.000000e+00> : vector<2000x96xf32>
    %dot_general3A_60 = tpu.matmul %get3A_41, %get3A_58, %dot_general3A_59 {dimension_numbers = #tpu.dot_dimension_numbers<[1], [0], [0], [1], [0, 0, 1, 1], [], []>, transpose_lhs_hint = false} : vector<2000x104xf32>, vector<104x96xf32>, vector<2000x96xf32> -> vector<2000x96xf32>
    %get3A_61 = arith.constant 0 : index
    %get3A_62 = vector.load %arg4[%get3A_61] : memref<96xf32, #tpu.memory_space<vmem>>, vector<96xf32>
    %broadcast_in_dim3A_63 = vector.shape_cast %get3A_62 : vector<96xf32> to vector<1x96xf32>
    %add3A_64 = vector.broadcast %broadcast_in_dim3A_63 : vector<1x96xf32> to vector<2000x96xf32>
    %add3A_65 = arith.addf %dot_general3A_60, %add3A_64 : vector<2000x96xf32>
    %max3A_66 = arith.maximumf %add3A_53, %add3A_65 : vector<2000x96xf32>
    %max3A_67 = arith.constant 0.000000e+00 : f32
    %max3A_68 = vector.broadcast %max3A_67 : f32 to vector<2000x96xf32>
    %max3A_69 = arith.maximumf %max3A_66, %max3A_68 : vector<2000x96xf32>
    %get3A_70 = arith.constant 1 : index
    %get3A_71 = arith.constant 0 : index
    %get3A_72 = arith.constant 0 : index
    %get3A_73 = vector.load %arg5[%get3A_70, %get3A_71, %get3A_72] : memref<4x96x80xf32, #tpu.memory_space<vmem>>, vector<1x96x80xf32>
    %get3A_74 = vector.shape_cast %get3A_73 : vector<1x96x80xf32> to vector<96x80xf32>
    %dot_general3A_75 = arith.constant dense<0.000000e+00> : vector<2000x80xf32>
    %dot_general3A_76 = tpu.matmul %max3A_69, %get3A_74, %dot_general3A_75 {dimension_numbers = #tpu.dot_dimension_numbers<[1], [0], [0], [1], [0, 0, 1, 1], [], []>, transpose_lhs_hint = false} : vector<2000x96xf32>, vector<96x80xf32>, vector<2000x80xf32> -> vector<2000x80xf32>
    %add3A_77 = arith.addf %add3A_38, %dot_general3A_76 : vector<2000x80xf32>
    %get3A_78 = arith.constant 0 : index
    %get3A_79 = arith.constant 192 : index
    %get3A_80 = vector.load %arg1[%get3A_78, %get3A_79] : memref<2000x392xf32, #tpu.memory_space<vmem>>, vector<2000x104xf32>
    %get3A_81 = arith.constant 2 : index
    %get3A_82 = arith.constant 0 : index
    %get3A_83 = arith.constant 0 : index
    %get3A_84 = vector.load %arg2[%get3A_81, %get3A_82, %get3A_83] : memref<4x104x96xf32, #tpu.memory_space<vmem>>, vector<1x104x96xf32>
    %get3A_85 = vector.shape_cast %get3A_84 : vector<1x104x96xf32> to vector<104x96xf32>
    %dot_general3A_86 = arith.constant dense<0.000000e+00> : vector<2000x96xf32>
    %dot_general3A_87 = tpu.matmul %get3A_80, %get3A_85, %dot_general3A_86 {dimension_numbers = #tpu.dot_dimension_numbers<[1], [0], [0], [1], [0, 0, 1, 1], [], []>, transpose_lhs_hint = false} : vector<2000x104xf32>, vector<104x96xf32>, vector<2000x96xf32> -> vector<2000x96xf32>
    %get3A_88 = arith.constant 0 : index
    %get3A_89 = vector.load %arg4[%get3A_88] : memref<96xf32, #tpu.memory_space<vmem>>, vector<96xf32>
    %broadcast_in_dim3A_90 = vector.shape_cast %get3A_89 : vector<96xf32> to vector<1x96xf32>
    %add3A_91 = vector.broadcast %broadcast_in_dim3A_90 : vector<1x96xf32> to vector<2000x96xf32>
    %add3A_92 = arith.addf %dot_general3A_87, %add3A_91 : vector<2000x96xf32>
    %get3A_93 = arith.constant 2 : index
    %get3A_94 = arith.constant 0 : index
    %get3A_95 = arith.constant 0 : index
    %get3A_96 = vector.load %arg3[%get3A_93, %get3A_94, %get3A_95] : memref<4x104x96xf32, #tpu.memory_space<vmem>>, vector<1x104x96xf32>
    %get3A_97 = vector.shape_cast %get3A_96 : vector<1x104x96xf32> to vector<104x96xf32>
    %dot_general3A_98 = arith.constant dense<0.000000e+00> : vector<2000x96xf32>
    %dot_general3A_99 = tpu.matmul %get3A_80, %get3A_97, %dot_general3A_98 {dimension_numbers = #tpu.dot_dimension_numbers<[1], [0], [0], [1], [0, 0, 1, 1], [], []>, transpose_lhs_hint = false} : vector<2000x104xf32>, vector<104x96xf32>, vector<2000x96xf32> -> vector<2000x96xf32>
    %get3A_100 = arith.constant 0 : index
    %get3A_101 = vector.load %arg4[%get3A_100] : memref<96xf32, #tpu.memory_space<vmem>>, vector<96xf32>
    %broadcast_in_dim3A_102 = vector.shape_cast %get3A_101 : vector<96xf32> to vector<1x96xf32>
    %add3A_103 = vector.broadcast %broadcast_in_dim3A_102 : vector<1x96xf32> to vector<2000x96xf32>
    %add3A_104 = arith.addf %dot_general3A_99, %add3A_103 : vector<2000x96xf32>
    %max3A_105 = arith.maximumf %add3A_92, %add3A_104 : vector<2000x96xf32>
    %max3A_106 = arith.constant 0.000000e+00 : f32
    %max3A_107 = vector.broadcast %max3A_106 : f32 to vector<2000x96xf32>
    %max3A_108 = arith.maximumf %max3A_105, %max3A_107 : vector<2000x96xf32>
    %get3A_109 = arith.constant 2 : index
    %get3A_110 = arith.constant 0 : index
    %get3A_111 = arith.constant 0 : index
    %get3A_112 = vector.load %arg5[%get3A_109, %get3A_110, %get3A_111] : memref<4x96x80xf32, #tpu.memory_space<vmem>>, vector<1x96x80xf32>
    %get3A_113 = vector.shape_cast %get3A_112 : vector<1x96x80xf32> to vector<96x80xf32>
    %dot_general3A_114 = arith.constant dense<0.000000e+00> : vector<2000x80xf32>
    %dot_general3A_115 = tpu.matmul %max3A_108, %get3A_113, %dot_general3A_114 {dimension_numbers = #tpu.dot_dimension_numbers<[1], [0], [0], [1], [0, 0, 1, 1], [], []>, transpose_lhs_hint = false} : vector<2000x96xf32>, vector<96x80xf32>, vector<2000x80xf32> -> vector<2000x80xf32>
    %add3A_116 = arith.addf %add3A_77, %dot_general3A_115 : vector<2000x80xf32>
    %get3A_117 = arith.constant 0 : index
    %get3A_118 = arith.constant 288 : index
    %get3A_119 = vector.load %arg1[%get3A_117, %get3A_118] : memref<2000x392xf32, #tpu.memory_space<vmem>>, vector<2000x104xf32>
    %get3A_120 = arith.constant 3 : index
    %get3A_121 = arith.constant 0 : index
    %get3A_122 = arith.constant 0 : index
    %get3A_123 = vector.load %arg2[%get3A_120, %get3A_121, %get3A_122] : memref<4x104x96xf32, #tpu.memory_space<vmem>>, vector<1x104x96xf32>
    %get3A_124 = vector.shape_cast %get3A_123 : vector<1x104x96xf32> to vector<104x96xf32>
    %dot_general3A_125 = arith.constant dense<0.000000e+00> : vector<2000x96xf32>
    %dot_general3A_126 = tpu.matmul %get3A_119, %get3A_124, %dot_general3A_125 {dimension_numbers = #tpu.dot_dimension_numbers<[1], [0], [0], [1], [0, 0, 1, 1], [], []>, transpose_lhs_hint = false} : vector<2000x104xf32>, vector<104x96xf32>, vector<2000x96xf32> -> vector<2000x96xf32>
    %get3A_127 = arith.constant 0 : index
    %get3A_128 = vector.load %arg4[%get3A_127] : memref<96xf32, #tpu.memory_space<vmem>>, vector<96xf32>
    %broadcast_in_dim3A_129 = vector.shape_cast %get3A_128 : vector<96xf32> to vector<1x96xf32>
    %add3A_130 = vector.broadcast %broadcast_in_dim3A_129 : vector<1x96xf32> to vector<2000x96xf32>
    %add3A_131 = arith.addf %dot_general3A_126, %add3A_130 : vector<2000x96xf32>
    %get3A_132 = arith.constant 3 : index
    %get3A_133 = arith.constant 0 : index
    %get3A_134 = arith.constant 0 : index
    %get3A_135 = vector.load %arg3[%get3A_132, %get3A_133, %get3A_134] : memref<4x104x96xf32, #tpu.memory_space<vmem>>, vector<1x104x96xf32>
    %get3A_136 = vector.shape_cast %get3A_135 : vector<1x104x96xf32> to vector<104x96xf32>
    %dot_general3A_137 = arith.constant dense<0.000000e+00> : vector<2000x96xf32>
    %dot_general3A_138 = tpu.matmul %get3A_119, %get3A_136, %dot_general3A_137 {dimension_numbers = #tpu.dot_dimension_numbers<[1], [0], [0], [1], [0, 0, 1, 1], [], []>, transpose_lhs_hint = false} : vector<2000x104xf32>, vector<104x96xf32>, vector<2000x96xf32> -> vector<2000x96xf32>
    %get3A_139 = arith.constant 0 : index
    %get3A_140 = vector.load %arg4[%get3A_139] : memref<96xf32, #tpu.memory_space<vmem>>, vector<96xf32>
    %broadcast_in_dim3A_141 = vector.shape_cast %get3A_140 : vector<96xf32> to vector<1x96xf32>
    %add3A_142 = vector.broadcast %broadcast_in_dim3A_141 : vector<1x96xf32> to vector<2000x96xf32>
    %add3A_143 = arith.addf %dot_general3A_138, %add3A_142 : vector<2000x96xf32>
    %max3A_144 = arith.maximumf %add3A_131, %add3A_143 : vector<2000x96xf32>
    %max3A_145 = arith.constant 0.000000e+00 : f32
    %max3A_146 = vector.broadcast %max3A_145 : f32 to vector<2000x96xf32>
    %max3A_147 = arith.maximumf %max3A_144, %max3A_146 : vector<2000x96xf32>
    %get3A_148 = arith.constant 3 : index
    %get3A_149 = arith.constant 0 : index
    %get3A_150 = arith.constant 0 : index
    %get3A_151 = vector.load %arg5[%get3A_148, %get3A_149, %get3A_150] : memref<4x96x80xf32, #tpu.memory_space<vmem>>, vector<1x96x80xf32>
    %get3A_152 = vector.shape_cast %get3A_151 : vector<1x96x80xf32> to vector<96x80xf32>
    %dot_general3A_153 = arith.constant dense<0.000000e+00> : vector<2000x80xf32>
    %dot_general3A_154 = tpu.matmul %max3A_147, %get3A_152, %dot_general3A_153 {dimension_numbers = #tpu.dot_dimension_numbers<[1], [0], [0], [1], [0, 0, 1, 1], [], []>, transpose_lhs_hint = false} : vector<2000x96xf32>, vector<96x80xf32>, vector<2000x80xf32> -> vector<2000x80xf32>
    %add3A_155 = arith.addf %add3A_116, %dot_general3A_154 : vector<2000x80xf32>
    %max3A_156 = arith.constant 0.000000e+00 : f32
    %max3A_157 = vector.broadcast %max3A_156 : f32 to vector<2000x80xf32>
    %max3A_158 = arith.maximumf %add3A_155, %max3A_157 : vector<2000x80xf32>
    %get3A_159 = arith.constant 0 : index
    %get3A_160 = arith.constant 0 : index
    %get3A_161 = vector.load %arg7[%get3A_159, %get3A_160] : memref<80x40xf32, #tpu.memory_space<vmem>>, vector<80x40xf32>
    %dot_general3A_162 = arith.constant dense<0.000000e+00> : vector<2000x40xf32>
    %dot_general3A_163 = tpu.matmul %max3A_158, %get3A_161, %dot_general3A_162 {dimension_numbers = #tpu.dot_dimension_numbers<[1], [0], [0], [1], [0, 0, 1, 1], [], []>, transpose_lhs_hint = false} : vector<2000x80xf32>, vector<80x40xf32>, vector<2000x40xf32> -> vector<2000x40xf32>
    %get3A_164 = arith.constant 0 : index
    %get3A_165 = vector.load %arg8[%get3A_164] : memref<40xf32, #tpu.memory_space<vmem>>, vector<40xf32>
    %broadcast_in_dim3A_166 = vector.shape_cast %get3A_165 : vector<40xf32> to vector<1x40xf32>
    %mul3A = vector.broadcast %broadcast_in_dim3A_166 : vector<1x40xf32> to vector<2000x40xf32>
    %mul3A_167 = arith.mulf %dot_general3A_163, %mul3A : vector<2000x40xf32>
    %reduce_sum3A = arith.constant dense<0.000000e+00> : vector<2000xf32>
    %reduce_sum3A_168 = vector.multi_reduction <add>, %mul3A_167, %reduce_sum3A [1] : vector<2000x40xf32> to vector<2000xf32>
    %broadcast_in_dim3A_169 = vector.shape_cast %reduce_sum3A_168 : vector<2000xf32> to vector<2000x1xf32>
    %get3A_170 = arith.constant 0 : index
    %get3A_171 = vector.load %arg9[%get3A_170] : memref<40xf32, #tpu.memory_space<vmem>>, vector<40xf32>
    %broadcast_in_dim3A_172 = vector.shape_cast %get3A_171 : vector<40xf32> to vector<1x40xf32>
    %mul3A_173 = vector.broadcast %broadcast_in_dim3A_172 : vector<1x40xf32> to vector<2000x40xf32>
    %mul3A_174 = arith.mulf %dot_general3A_163, %mul3A_173 : vector<2000x40xf32>
    %reduce_sum3A_175 = arith.constant dense<0.000000e+00> : vector<2000xf32>
    %reduce_sum3A_176 = vector.multi_reduction <add>, %mul3A_174, %reduce_sum3A_175 [1] : vector<2000x40xf32> to vector<2000xf32>
    %broadcast_in_dim3A_177 = vector.shape_cast %reduce_sum3A_176 : vector<2000xf32> to vector<2000x1xf32>
    %swap3A = arith.constant 0 : index
    %swap3A_178 = arith.constant 0 : index
    %swap3A_179 = vector.load %arg10[%swap3A, %swap3A_178] : memref<2000x48xf32, #tpu.memory_space<vmem>>, vector<2000x40xf32>
    tpu.vector_store %arg10[%swap3A, %swap3A_178], %dot_general3A_163 {strides = array<i32>} : memref<2000x48xf32, #tpu.memory_space<vmem>>, vector<2000x40xf32>,
    %swap3A_180 = arith.constant 0 : index
    %swap3A_181 = arith.constant 40 : index
    %swap3A_182 = vector.load %arg10[%swap3A_180, %swap3A_181] : memref<2000x48xf32, #tpu.memory_space<vmem>>, vector<2000x1xf32>
    tpu.vector_store %arg10[%swap3A_180, %swap3A_181], %broadcast_in_dim3A_169 {strides = array<i32>} : memref<2000x48xf32, #tpu.memory_space<vmem>>, vector<2000x1xf32>,
    %swap3A_183 = arith.constant 0 : index
    %swap3A_184 = arith.constant 41 : index
    %swap3A_185 = vector.load %arg10[%swap3A_183, %swap3A_184] : memref<2000x48xf32, #tpu.memory_space<vmem>>, vector<2000x1xf32>
    tpu.vector_store %arg10[%swap3A_183, %swap3A_184], %broadcast_in_dim3A_177 {strides = array<i32>} : memref<2000x48xf32, #tpu.memory_space<vmem>>, vector<2000x1xf32>,
    %broadcast_in_dim3A_186 = arith.constant 0.000000e+00 : f32
    %broadcast_in_dim3A_187 = vector.broadcast %broadcast_in_dim3A_186 : f32 to vector<2000x6xf32>
    %swap3A_188 = arith.constant 0 : index
    %swap3A_189 = arith.constant 42 : index
    %swap3A_190 = vector.load %arg10[%swap3A_188, %swap3A_189] : memref<2000x48xf32, #tpu.memory_space<vmem>>, vector<2000x6xf32>
    tpu.vector_store %arg10[%swap3A_188, %swap3A_189], %broadcast_in_dim3A_187 {strides = array<i32>} : memref<2000x48xf32, #tpu.memory_space<vmem>>, vector<2000x6xf32>,
    return
  }
  func.func @transform_0(%arg0: i32) -> (i32, i32) {
    %c0_i32 = arith.constant 0 : i32
    %c0_i32_0 = arith.constant 0 : i32
    return %arg0, %c0_i32 : i32, i32
  }
  func.func @transform_1(%arg0: i32) -> (i32, i32, i32) {
    %c0_i32 = arith.constant 0 : i32
    %c0_i32_0 = arith.constant 0 : i32
    %c0_i32_1 = arith.constant 0 : i32
    %c0_i32_2 = arith.constant 0 : i32
    return %c0_i32, %c0_i32_0, %c0_i32_1 : i32, i32, i32
  }
  func.func @transform_2(%arg0: i32) -> (i32, i32, i32) {
    %c0_i32 = arith.constant 0 : i32
    %c0_i32_0 = arith.constant 0 : i32
    %c0_i32_1 = arith.constant 0 : i32
    %c0_i32_2 = arith.constant 0 : i32
    return %c0_i32, %c0_i32_0, %c0_i32_1 : i32, i32, i32
  }
  func.func @transform_3(%arg0: i32) -> i32 {
    %c0_i32 = arith.constant 0 : i32
    %c0_i32_0 = arith.constant 0 : i32
    return %c0_i32 : i32
  }
  func.func @transform_4(%arg0: i32) -> (i32, i32, i32) {
    %c0_i32 = arith.constant 0 : i32
    %c0_i32_0 = arith.constant 0 : i32
    %c0_i32_1 = arith.constant 0 : i32
    %c0_i32_2 = arith.constant 0 : i32
    return %c0_i32, %c0_i32_0, %c0_i32_1 : i32, i32, i32
  }
  func.func @transform_5(%arg0: i32) -> i32 {
    %c0_i32 = arith.constant 0 : i32
    %c0_i32_0 = arith.constant 0 : i32
    return %c0_i32 : i32
  }
  func.func @transform_6(%arg0: i32) -> (i32, i32) {
    %c0_i32 = arith.constant 0 : i32
    %c0_i32_0 = arith.constant 0 : i32
    %c0_i32_1 = arith.constant 0 : i32
    return %c0_i32, %c0_i32_0 : i32, i32
  }
  func.func @transform_7(%arg0: i32) -> i32 {
    %c0_i32 = arith.constant 0 : i32
    %c0_i32_0 = arith.constant 0 : i32
    return %c0_i32 : i32
  }
  func.func @transform_8(%arg0: i32) -> i32 {
    %c0_i32 = arith.constant 0 : i32
    %c0_i32_0 = arith.constant 0 : i32
    return %c0_i32 : i32
  }
  func.func @transform_9(%arg0: i32) -> (i32, i32) {
    %c0_i32 = arith.constant 0 : i32
    %c0_i32_0 = arith.constant 0 : i32
    return %arg0, %c0_i32 : i32, i32
  }
}

</mosaic_0001>

<sc_bundles>
// kernel: kernel.4.cloned.1.call-start
scs
__scs_entry_jumppad:
0x0: {  	(pc) =	sbr.rel $0x88, $3  }
0x1: {  	(tag) =	ssettag $0x0;
	lr =	simm.s32 $0x1  }
0x2: {  	[smem:$0x3F97] =	sst lr;
	_ =	strace $0xD0000000  }
0x3: {  	_ = 	snop  }
0x4: {  	_ = 	snop  }
0x5: {  	_ = 	snop  }
0x6: {  	_ = 	snop  }
0x7: {  	_ = 	snop  }
__scs_overlays_trampoline_lowered:
0x8: {  	[smem:$0x3FA6] =	sst s0  }
0x9: {  	[smem:$0x3FA7] =	sst s1  }
0xa: {  	[smem:$0x3FA8] =	sst s2  }
0xb: {  	[smem:$0x3FA9] =	sst s3  }
0xc: {  	[smem:$0x3FAA] =	sst s4  }
0xd: {  	[smem:$0x3FAB] =	sst s5  }
0xe: {  	[smem:$0x3FAC] =	sst s6  }
0xf: {  	[smem:$0x3FAD] =	sst s7  }
0x10: {  	[smem:$0x3FAE] =	sst s8  }
0x11: {  	[smem:$0x3FAF] =	sst s9;
	s0 =	simm.s32 @!p0 $0x0  }
0x12: {  	s1 =	sld [smem:$0x3F95];
	s0 =	simm.s32 @p0 $0x1  }
0x13: {  	[smem:$0x3FB0] =	sst s0;
	s0 =	simm.s32 @!p1 $0x0  }
0x14: {  	s2 =	sld [smem:$0x3F94];
	s0 =	simm.s32 @p1 $0x1  }
0x15: {  	[smem:$0x3FB1] =	sst s0;
	s0 =	simm.s32 @!p2 $0x0  }
0x16: {  	s3 =	sld [smem:$0x3FDB];
	s0 =	simm.s32 @p2 $0x1  }
0x17: {  	s4 =	simm.s32 $0x1BF5;
	[smem:$0x3FB3] =	sst s0  }
0x18: {  	s0 =	sld [smem:$0x3F96];
	_ =	swait.ge [sflag:s4], $0x0  }
0x19: {  	s7 =	sld [smem:$0x3F97]  }
0x1a: {  	s8 =	sadd.s32 $0xFFFFE003, lr  }
0x1b: {  	s9 =	sadd.s32 $0xFFFFFEF7, lr;
	s5 =	simm.s32 $0xFFFFFFFF;
	p2 =	slt.u32 s8, $0xFFFFF086  }
0x1c: {  	p1 =	slt.u32 s9, $0xF7A;
	s5 =	simm.s32 @!p2 $0x0  }
0x1d: {  	s5 =	simm.s32 @p1 $0x1;
	p0 =	seq.s32 s7, s2  }
0x1e: {  	s7 =	smul.u32 @!p0 $0xF7A, s2;
	p2 =	seq.s32 @!p0 s5, $0x0  }
0x1f: {  	s9 =	smul.u32 $0xF7A, s1;
	s8 =	simm.s32 @!p0 $0x1BF5;
	p2 =	por !p2, p0  }
0x20: {  	[sflag:s8] =	ssyncset.s32 @!p0 $0xFFFFF086;
	s6 =	sadd.s32 @!p0 s3, s7;
	s7 =	simm.s32 @!p0 $0x108  }
0x21: {  	s3 =	sadd.s32 s3, s9;
	s6 =	sadd.s32 @!p0 $0x88, s6;
	s7 =	simm.s32 @p2 $0x1082  }
0x22: {  	[simem:s7], [sflag:s8] =	dma.local @!p0 [hbm:s6], $0xF7A  }
0x23: {  	s9 =	sor.u32 $0xD0000000, s2;
	s6 =	simm.s32 $0x108;
	_ =	swait.ge @!p0 [sflag:s8], $0x0  }
0x24: {  	s3 =	sadd.s32 $0x88, s3;
	s6 =	simm.s32 @!p1 $0x1082;
	[sflag:s4] =	ssyncset.s32 $0xFFFFF086  }
0x25: {  	[simem:s6], [sflag:s4] =	dma.local [hbm:s3], $0xF7A  }
0x26: {  	[smem:$0x3F97] =	sst s1;
	(tag) =	ssettag s2;
	_ =	strace s9  }
0x27: {  	s1 =	sld [smem:$0x3FA7]  }
0x28: {  	s2 =	sld [smem:$0x3FA8]  }
0x29: {  	s4 =	sld [smem:$0x3FAA]  }
0x2a: {  	p0 =	seq.s32 s5, $0x0;
	s5 =	sld [smem:$0x3FAB]  }
0x2b: {  	s6 =	sld [smem:$0x3FAC]  }
0x2c: {  	s7 =	sld [smem:$0x3FAD]  }
0x2d: {  	s3 =	simm.s32 $0x108;
	s8 =	sld [smem:$0x3FAE]  }
0x2e: {  	s3 =	simm.s32 @!p0 $0x1082;
	s9 =	sld [smem:$0x3FAF]  }
0x2f: {  	lr =	sadd.s32 s0, s3;
	s0 =	sld [smem:$0x3FA6]  }
0x30: {  	s3 =	sld [smem:$0x3FA9]  }
0x31: {  	[smem:$0x3FB2] =	sst s10  }
0x32: {  	s10 =	sld [smem:$0x3FB0];
	_ =	sdelay $0x3  }
0x33: {  	p0 =	seq.s32 s10, $0x1;
	s10 =	sld [smem:$0x3FB2];
	_ =	sdelay $0x3  }
0x34: {  	[smem:$0x3FB2] =	sst s10  }
0x35: {  	s10 =	sld [smem:$0x3FB1];
	_ =	sdelay $0x3  }
0x36: {  	p1 =	seq.s32 s10, $0x1;
	s10 =	sld [smem:$0x3FB2];
	_ =	sdelay $0x3  }
0x37: {  	[smem:$0x3FB2] =	sst s10  }
0x38: {  	s10 =	sld [smem:$0x3FB3]  }
0x39: {  	_ = 	snop;
	(pc) =	sbr.ind lr, $3  }
0x3a: {  	_ = 	snop  }
0x3b: {  	_ = 	snop  }
0x3c: {  	p2 =	seq.s32 s10, $0x1;
	s10 =	sld [smem:$0x3FB2]  }
0x3d: {  	_ =	shalt  }
0x3e: {  	_ =	shalt  }
0x3f: {  	_ =	shalt  }
0x40: {  	_ =	shalt  }
0x41: {  	_ =	shalt  }
0x42: {  	_ =	shalt  }
0x43: {  	_ =	shalt  }
0x44: {  	_ =	shalt  }
0x45: {  	_ =	shalt  }
0x46: {  	_ =	shalt  }
0x47: {  	_ =	shalt  }
0x48: {  	_ =	shalt  }
0x49: {  	_ =	shalt  }
0x4a: {  	_ =	shalt  }
0x4b: {  	_ =	shalt  }
0x4c: {  	_ =	shalt  }
0x4d: {  	_ =	shalt  }
0x4e: {  	_ =	shalt  }
0x4f: {  	_ =	shalt  }
0x50: {  	_ =	shalt  }
0x51: {  	_ =	shalt  }
0x52: {  	_ =	shalt  }
0x53: {  	_ =	shalt  }
0x54: {  	_ =	shalt  }
0x55: {  	_ =	shalt  }
0x56: {  	_ =	shalt  }
0x57: {  	_ =	shalt  }
0x58: {  	_ =	shalt  }
0x59: {  	_ =	shalt  }
0x5a: {  	_ =	shalt  }
0x5b: {  	_ =	shalt  }
0x5c: {  	_ =	shalt  }
0x5d: {  	_ =	shalt  }
0x5e: {  	_ =	shalt  }
0x5f: {  	_ =	shalt  }
0x60: {  	_ =	shalt  }
0x61: {  	_ =	shalt  }
0x62: {  	_ =	shalt  }
0x63: {  	_ =	shalt  }
0x64: {  	_ =	shalt  }
0x65: {  	_ =	shalt  }
0x66: {  	_ =	shalt  }
0x67: {  	_ =	shalt  }
0x68: {  	_ =	shalt  }
0x69: {  	_ =	shalt  }
0x6a: {  	_ =	shalt  }
0x6b: {  	_ =	shalt  }
0x6c: {  	_ =	shalt  }
0x6d: {  	_ =	shalt  }
0x6e: {  	_ =	shalt  }
0x6f: {  	_ =	shalt  }
0x70: {  	_ =	shalt  }
0x71: {  	_ =	shalt  }
0x72: {  	_ =	shalt  }
0x73: {  	_ =	shalt  }
0x74: {  	_ =	shalt  }
0x75: {  	_ =	shalt  }
0x76: {  	_ =	shalt  }
0x77: {  	_ =	shalt  }
0x78: {  	_ =	shalt  }
0x79: {  	_ =	shalt  }
0x7a: {  	_ =	shalt  }
0x7b: {  	_ =	shalt  }
0x7c: {  	_ =	shalt  }
0x7d: {  	_ =	shalt  }
0x7e: {  	_ =	shalt  }
0x7f: {  	_ =	shalt  }
0x80: {  	_ =	shalt  }
0x81: {  	_ =	shalt  }
0x82: {  	_ =	shalt  }
0x83: {  	_ =	shalt  }
0x84: {  	_ =	shalt  }
0x85: {  	_ =	shalt  }
0x86: {  	_ =	shalt  }
0x87: {  	_ =	shalt  }
.Lfunc_end0:
.L_simem_size_0:
called_computation.1_lowered:
.L_overlay_start_0:
0x88: {  	s2 =	sld [smem:$0x3FD9]  }
0x89: {  	s3 =	sld [smem:$0x3FFE];
	_ =	sdelay $0x1  }
0x8a: {  	s1 =	srdreg.scid  }
0x8b: {  	s0 =	sand.u32 $0x1, s1  }
0x8c: {  	s17 =	sshll.u32 s0, $0xA;
	s2 =	sadd.s32 s3, s2  }
0x8d: {  	s2 =	sadd.s32 s2, s17  }
0x8e: {  	[smem:$0x3FBE] =	sst s2  }
0x8f: {  	_ = 	snop  }
0x90: {  	s2 =	sld [smem:$0x3FD0];
	(tm) =	ssettm $0x1  }
0x91: {  	s18 =	sld [smem:$0x3FFB];
	_ =	sdelay $0x3  }
0x92: {  	_ =	strace s18  }
0x93: {  	s3 =	sld [smem:$0x3FFC];
	_ =	sdelay $0x3  }
0x94: {  	_ =	strace s3  }
0x95: {  	s3 =	sld [smem:$0x3FFD];
	_ =	sdelay $0x3  }
0x96: {  	_ =	strace s3  }
0x97: {  	_ =	strace $0x8FFFFFFF  }
0x98: {  	s19 =	sld [smem:$0x3FDB];
	_ =	sdelay $0x1  }
0x99: {  	s4 =	simm.s32 $_scs_section_size  }
0x9a: {  	s5 =	simm.s32 $_size__tile_overlayer_lowered;
	s6 =	simm.s32 $_tile_overlayer_lowered  }
0x9b: {  	s22 =	simm.s32 $0x1BFF;
	s21 =	sshll.u32 s6, $0x1;
	s3 =	sadd.s32 s4, s19  }
0x9c: {  	s7 =	simm.s32 $0x0;
	s20 =	sshll.u32 s5, $0x1;
	s5 =	sadd.s32 s21, s3  }
0x9d: {  	[timem:s7], [sflag:s22] =	dma.local [hbm:s5], s20  }
0x9e: {  	_ =	swait.ge [sflag:s22], s20  }
0x9f: {  	s4 =	ssub.s32 $0x0, s20;
	[sflag:s22] =	ssyncset.done $0x0  }
0xa0: {  	[sflag:s22] =	ssyncadd.s32 s4;
	_ =	sdelay $0x1  }
0xa1: {  	s23 =	simm.s32 $0x1B8B  }
0xa2: {  	_ =	swait.ge [sflag:s23], $0x1  }
0xa3: {  	[sflag:s23] =	ssyncset.done $0x0  }
0xa4: {  	s25 =	simm.s32 $0x1B8E;
	s24 =	sld [smem:$0x3FFE];
	[sflag:s23] =	ssyncadd.s32 $0xFFFFFFFF  }
0xa5: {  	s26 =	simm.s32 $execute0_lowered;
	[smem:$0x3FD2] =	sst s25  }
0xa6: {  	s5 =	sshll.u32 s26, $0x1;
	_ =	strace $0x80000049;
	[dreg:$0x1] =	wrdreg $0xFFFFFFFF  }
0xa7: {  	s28 =	simm.s32 $_size_execute0_lowered;
	s3 =	sadd.s32 s3, s5;
	[dreg:$0x0] =	wrdreg $0x0  }
0xa8: {  	s5 =	sshll.u32 s28, $0x1;
	[dreg:$0x2] =	wrdreg s3  }
0xa9: {  	[dreg:$0x3] =	wrdreg s5  }
0xaa: {  	[dreg:$0x4] =	wrdreg $0xC0  }
0xab: {  	_ =	task [dreg:s7], $0x5FFFF  }
0xac: {  	[dreg:$0x1] =	wrdreg $0xFFFFFFFF  }
0xad: {  	[dreg:$0x0] =	wrdreg $0x60  }
0xae: {  	[dreg:$0x2] =	wrdreg s24  }
0xaf: {  	[dreg:$0x3] =	wrdreg s2  }
0xb0: {  	[dreg:$0x4] =	wrdreg $0x9  }
0xb1: {  	_ =	task.clear_ibuf [dreg:s7], $0x5FFFF;
	_ =	strace $0x90000049  }
0xb2: {  	s29 =	simm.s32 $0x9;
	_ =	strace $0x8000004B  }
0xb3: {  	_ =	swait.ge [sflag:s29], $0x1  }
0xb4: {  	[sflag:s29] =	ssyncadd.s32 $0xFFFFFFFF  }
0xb5: {  	_ =	strace $0x9000004B  }
0xb6: {  	_ =	sfence  }
0xb7: {  	s30 =	sld [smem:$0x0];
	_ =	sdelay $0x2  }
0xb8: {  	s31 =	sshll.u32 s1, $0xD;
	s1 =	sshrl.u32 s1, $0x2  }
0xb9: {  	s3 =	sand.u32 $0x4000, s31;
	s1 =	sadd.s32 s1, s30  }
0xba: {  	s0 =	sor.u32 s3, s0;
	s1 =	sshll.u32 s1, $0x11  }
0xbb: {  	s0 =	sor.u32 s1, s0  }
0xbc: {  	s0 =	sadd.s32 $0x8F2B, s0  }
0xbd: {  	[sflag:s0] =	ssyncadd.remote.s32 $0x1  }
0xbe: {  	_ =	sfence.sel $0xFFFF  }
0xbf: {  	[dreg:$0x0] =	wrdreg $0xFFFFFFFF;
	(pc) =	sbr.abs _section_cstart, $3  }
0xc0: {  	[dreg:$0x1] =	wrdreg $0xFFFFFFFF  }
0xc1: {  	_ =	task.clear_ibuf [dreg:s7], $0x2FFFF;
	_ =	strace $0x9FFFFFFF  }
0xc2: {  	(tm) =	ssettm $0x7FFFFFFF  }
0xc3: {  	_ =	shalt  }
tec
execute0_lowered:
.L_overlay_start_1:
0x0: {  	(tag) =	ssettag $0x1  }
0x1: {  	s0 =	rddreg [dreg:$0x0];
	s1 =	simm.s32 $0x0  }
0x2: {  	s29 =	srdreg.scid;
	s5 =	stileid.u32;
	s13 =	simm.s32 $0x3  }
0x3: {  	s11 =	simm.s32 $0x1A6B0;
	s12 =	simm.s32 $0x1B650;
	s16 =	simm.s32 $0x1  }
0x4: {  	s17 =	simm.s32 $0x10E00;
	s18 =	simm.s32 $0x4;
	s19 =	simm.s32 $0x13600  }
0x5: {  	s20 =	simm.s32 $0x13740;
	s21 =	simm.s32 $0x80;
	s22 =	simm.s32 $0x1C5F0  }
0x6: {  	s23 =	simm.s32 $0x1C6F0;
	s24 =	simm.s32 $0x2;
	s25 =	simm.s32 $0x13880  }
0x7: {  	[smem:$0x7FF] =	sst s1;
	s3 =	sadd.s32 $0xC5000, s0;
	s6 =	sadd.s32 $0x754200, s0  }
0x8: {  	s9 =	sadd.s32 $0x740800, s0;
	s1 =	sand.u32 $0x1, s29;
	s7 =	sadd.s32 $0x1A00, s0  }
0x9: {  	s8 =	sadd.s32 $0x3400, s0;
	s5 =	sshll.u32 s5, $0x1;
	s0 =	sadd.s32 $0x767C00, s0  }
.Ltmp0:
0xa: {  	_ =	strace $0x8000004A;
	s2 =	ssub.s32 $0x2, s1;
	(pc) =	sbr.rel .LBB2_1-.Ltmp0, $4  }
0xb: {  	[dreg:$0x5] =	wrdreg s0;
	s1 =	sor.u32 s1, s5;
	s4 =	sshrl.u32 s2, $0x1  }
0xc: {  	[dreg:$0x3] =	wrdreg s6;
	s10 =	smul.u32 $0x140, s1;
	s30 =	ssub.s32 s2, s4  }
0xd: {  	v1 =	vimm.s32 $0x0;
	v2 =	vlaneseq.u32;
	v3 =	vimm.f32 $0.0e+00;
	s31 =	simm.s32 $0x0;
	[dreg:$0x4] =	wrdreg s9;
	s0 =	smax.u32 s30, $0x1  }
0xe: {  	v4 =	vimm.f32 $-3.000000010e+38;
	v5 =	vand.u32 $0x7, v2;
	p0 =	seq.s32 s1, $0x1F;
	s1 =	simm.s32 $0x0;
	v0 =	vmov s10;
	[dreg:$0x6] =	wrdreg s0  }
.LBB2_35:
0xf: {  	s1 =	rddreg [dreg:$0x7]  }
0x10: {  	s0 =	rddreg [dreg:$0x6];
	s1 =	sadd.s32 $0x1, s1  }
0x11: {  	p1 =	sne.s32 s1, s0  }
.Ltmp1:
0x12: {  	_ = 	snop;
	(pc) =	sbr.rel @!p1 .LBB2_36-.Ltmp1, $3  }
0x13: {  	_ =	sdelay $0x1  }
0x14: {  	s6 =	rddreg [dreg:$0x3]  }
0x15: {  	s9 =	rddreg [dreg:$0x4];
	s11 =	simm.s32 $0x1A6B0;
	s12 =	simm.s32 $0x1B650  }
.LBB2_1:
0x16: {  	[dreg:$0x7] =	wrdreg s1  }
0x17: {  	s0 =	simm.s32 $0x0;
	s30 =	rddreg [dreg:$0x5];
	s2 =	simm.s32 $0x1F6F0  }
0x18: {  	[tilespmem:s2], [sflag:$0x3] =	stream.linear.gather [hbm4b:s30+s0], $0x30, $0x38;
	[tilespmem:$0x1F720] =	vst v63  }
0x19: {  	_ =	swait.ge [sflag:s13], $0x30  }
0x1a: {  	[sflag:s13] =	ssyncset.done $0x0  }
0x1b: {  	s0 =	simm.s32 $0x40;
	s2 =	simm.s32 $0x0;
	[sflag:s13] =	ssyncadd.s32 $0xFFFFFFD0  }
.LBB2_2:
0x1c: {  	p1 =	sne.s32 s0, $0x167C0;
	[tilespmem:s2+$0x0] =	vst v1;
	s1 =	smov.u32 s0;
	s0 =	sadd.s32 $0x40, s0  }
.Ltmp2:
0x1d: {  	[tilespmem:s2+$0x5A00] =	vst v1;
	(pc) =	sbr.rel @p1 .LBB2_2-.Ltmp2, $2  }
0x1e: {  	_ =	sdelay $0x2  }
0x1f: {  	s2 =	sshra.s32 s1, $0x2  }
0x20: {  	[tilespmem:s2+$0x0] =	vst v1  }
0x21: {  	s1 =	simm.s32 $0x0;
	[tilespmem:s2+$0x5A00] =	vst v1;
	s0 =	simm.s32 $0x0;
	s2 =	simm.s32 $0x0  }
.LBB2_4:
0x22: {  	s4 =	smul.u32 $0x1F4, s2;
	_ =	sdelay $0x1  }
0x23: {  	s5 =	sadd.s32 s6, s4  }
0x24: {  	[tilespmem:s11], [sflag:$0x3] =	stream.linear.gather [hbm4b:s5+s1], $0xFA0, $0x38;
	[tilespmem:$0x1F720] =	vst v63  }
0x25: {  	_ =	swait.ge [sflag:s13], $0xFA0  }
0x26: {  	[sflag:s13] =	ssyncset.done $0x0  }
0x27: {  	s4 =	sadd.s32 s9, s4;
	[sflag:s13] =	ssyncadd.s32 $0xFFFFF060  }
0x28: {  	[tilespmem:s12], [sflag:$0x3] =	stream.linear.gather [hbm4b:s4+s1], $0xFA0, $0x38;
	[tilespmem:$0x1F720] =	vst v63  }
0x29: {  	_ =	swait.ge [sflag:s13], $0xFA0  }
0x2a: {  	[sflag:s13] =	ssyncset.done $0x0  }
0x2b: {  	s30 =	simm.s32 $0x0;
	[sflag:s13] =	ssyncadd.s32 $0xFFFFF060  }
0x2c: {  	v6 =	vld [tilespmem:s30+$0x1B650];
	_ =	sdelay $0x4  }
0x2d: {  	v6 =	vsub.s32 v6, v0  }
0x2e: {  	vm0 =	vlt.u32 v6, $0x140  }
0x2f: {  	v7 =	vsel vm0, $0x1, v1  }
0x30: {  	(xrf0) =	vadd.scan.msk.s32 $0xffff, v7;
	_ =	sdelay $0x1  }
0x31: {  	v7 =	vld [tilespmem:s30+$0x1A6B0];
	_ =	sdelay $0x3  }
0x32: {  	v8, _, _ =	vpop (xrf0)  }
0x33: {  	[tilespmem:s0+$0x0] =	vst.msk vm0, v7;
	(v2sf) =	vpush v8, $0xF  }
0x34: {  	s5 =	simm.s32 $0x10;
	s4 =	simm.s32 $0x80;
	[tilespmem:s0+$0x5A00] =	vst.msk vm0, v6  }
.LBB2_5:
0x35: {  	p1 =	sne.s32 s4, $0x3E40;
	v6 =	vld [tilespmem:s5+$0x1B650];
	_ =	sdelay $0x4  }
0x36: {  	v6 =	vsub.s32 v6, v0  }
0x37: {  	vm0 =	vlt.u32 v6, $0x140  }
0x38: {  	v7 =	vsel vm0, $0x1, v1  }
0x39: {  	(xrf0) =	vadd.scan.msk.s32 $0xffff, v7;
	_ =	sdelay $0x1  }
0x3a: {  	v7 =	vld [tilespmem:s5+$0x1A6B0];
	_ =	sdelay $0x1  }
.Ltmp3:
0x3b: {  	(pc) =	sbr.rel @p1 .LBB2_5-.Ltmp3, $4  }
0x3c: {  	s5 =	spop (v2sf)  }
0x3d: {  	v8, _, _ =	vpop (xrf0);
	s0 =	sadd.s32 s0, s5  }
0x3e: {  	[tilespmem:s0+$0x0] =	vst.msk vm0, v7;
	(v2sf) =	vpush v8, $0xF  }
0x3f: {  	s5 =	sshra.s32 s4, $0x2;
	s4 =	sadd.s32 $0x40, s4;
	[tilespmem:s0+$0x5A00] =	vst.msk vm0, v6  }
0x40: {  	v6 =	vld [tilespmem:s5+$0x1B650];
	_ =	sdelay $0x4  }
0x41: {  	v6 =	vsub.s32 v6, v0  }
0x42: {  	vm0 =	vlt.u32 v6, $0x140  }
0x43: {  	v7 =	vsel vm0, $0x1, v1  }
0x44: {  	(xrf0) =	vadd.scan.msk.s32 $0xffff, v7;
	_ =	sdelay $0x5  }
0x45: {  	v7, _, _ =	vpop (xrf0)  }
0x46: {  	(v2sf) =	vpush v7, $0xF;
	_ =	sdelay $0x9  }
0x47: {  	s2 =	sadd.s32 $0x1, s2;
	v7 =	vld [tilespmem:s5+$0x1A6B0]  }
0x48: {  	p1 =	sne.s32 s2, $0xA0  }
.Ltmp4:
0x49: {  	_ = 	snop;
	(pc) =	sbr.rel @p1 .LBB2_4-.Ltmp4, $4  }
0x4a: {  	s4 =	spop (v2sf)  }
0x4b: {  	s0 =	sadd.s32 s0, s4  }
0x4c: {  	[tilespmem:s0+$0x0] =	vst.msk vm0, v7;
	s30 =	spop (v2sf)  }
0x4d: {  	[tilespmem:s0+$0x5A00] =	vst.msk vm0, v6;
	s0 =	sadd.s32 s0, s30  }
0x4e: {  	s1 =	sadd.s32 $0x7F, s0  }
0x4f: {  	s12 =	sadd.s32 $0xF, s0;
	s2 =	sand.u32 $0x7F, s1  }
0x50: {  	s4 =	sshra.s32 s1, $0x1F;
	p1 =	slt.s32 s1, $0x1;
	p2 =	sne.s32 s2, $0x0  }
0x51: {  	s5 =	sshra.s32 s12, $0x1F;
	s4 =	sshrl.u32 s4, $0x19;
	p1 =	por !p1, !p2  }
0x52: {  	s1 =	sadd.s32 s4, s1;
	s4 =	simm.s32 $0x1;
	p1 =	por !p1, !p1  }
0x53: {  	s5 =	sshrl.u32 s5, $0x1C;
	s1 =	sshra.s32 s1, $0x7;
	s4 =	simm.s32 @!p1 $0x0  }
0x54: {  	s2 =	sand.u32 $0xF, s12;
	s14 =	sadd.s32 s5, s12;
	s28 =	ssub.s32 s1, s4  }
0x55: {  	p2 =	slt.s32 s12, $0x1;
	p5 =	sne.s32 s2, $0x0;
	s4 =	sadd.s32 $0x1, s28  }
0x56: {  	s2 =	simm.s32 $0x1;
	s5 =	simm.s32 $0x1;
	s15 =	sand.u32 $0x1, s4  }
0x57: {  	p1 =	por !p2, !p5;
	p3 =	slt.s32 s28, $0x0;
	p4 =	seq.s32 s15, $0x1  }
0x58: {  	s1 =	sshra.s32 s14, $0x4;
	s26 =	sshrl.u32 s4, $0x1F;
	p6 =	por !p3, !p4  }
0x59: {  	p1 =	por !p1, !p1;
	s4 =	sadd.s32 s26, s4;
	p2 =	por !p6, !p6  }
0x5a: {  	s2 =	simm.s32 @!p1 $0x0;
	s4 =	sshra.s32 s4, $0x1;
	s5 =	simm.s32 @!p2 $0x0  }
0x5b: {  	s29 =	ssub.s32 s1, s2;
	s30 =	ssub.s32 s4, s5  }
0x5c: {  	v6 =	vmov s0;
	s0 =	simm.s32 $0x0;
	p1 =	sgt.s32 s29, $0x0;
	p2 =	slt.s32 s30, $0x1  }
.LBB2_8:
0x5d: {  	s1 =	smul.u32 $0x2800, s0;
	_ =	sdelay $0x1  }
0x5e: {  	s2 =	sshrl.u32 s1, $0x3  }
0x5f: {  	s2 =	sadd.s32 s7, s2  }
0x60: {  	[tilespmem:s17], [sflag:$0x4] =	stream.linear.gather [hbm4b:s2+s31], $0x2800, $0x38;
	[tilespmem:$0x1F720] =	vst v63  }
0x61: {  	s1 =	sadd.s32 s10, s1;
	_ =	swait.ge [sflag:s18], $0x2800  }
0x62: {  	s1 =	sshrl.u32 s1, $0x3;
	[sflag:s18] =	ssyncset.done $0x0  }
0x63: {  	s1 =	sadd.s32 s8, s1;
	[sflag:s18] =	ssyncadd.s32 $0xFFFFD800  }
0x64: {  	[tilespmem:s19], [sflag:$0x4] =	stream.linear.gather [hbm4b:s1+s31], $0x140, $0x38;
	[tilespmem:$0x1F720] =	vst v63  }
0x65: {  	_ =	swait.ge [sflag:s18], $0x140  }
0x66: {  	[sflag:s18] =	ssyncset.done $0x0  }
0x67: {  	[sflag:s18] =	ssyncadd.s32 $0xFFFFFEC0  }
0x68: {  	[tilespmem:$0x13740] =	vst v3  }
0x69: {  	[tilespmem:$0x13750] =	vst v3  }
0x6a: {  	[tilespmem:$0x13760] =	vst v3  }
0x6b: {  	[tilespmem:$0x13770] =	vst v3  }
0x6c: {  	[tilespmem:$0x13780] =	vst v3  }
0x6d: {  	[tilespmem:$0x13790] =	vst v3  }
0x6e: {  	[tilespmem:$0x137A0] =	vst v3  }
0x6f: {  	[tilespmem:$0x137B0] =	vst v3  }
0x70: {  	[tilespmem:$0x137C0] =	vst v3  }
0x71: {  	[tilespmem:$0x137D0] =	vst v3  }
0x72: {  	[tilespmem:$0x137E0] =	vst v3  }
0x73: {  	[tilespmem:$0x137F0] =	vst v3  }
0x74: {  	[tilespmem:$0x13800] =	vst v3  }
0x75: {  	[tilespmem:$0x13810] =	vst v3  }
0x76: {  	[tilespmem:$0x13820] =	vst v3  }
0x77: {  	[tilespmem:$0x13830] =	vst v3  }
0x78: {  	[tilespmem:$0x13840] =	vst v3  }
0x79: {  	[tilespmem:$0x13850] =	vst v3  }
0x7a: {  	[tilespmem:$0x13860] =	vst v3  }
0x7b: {  	s2 =	simm.s32 $0x0;
	s1 =	simm.s32 $0x40;
	[tilespmem:$0x13870] =	vst v3  }
.LBB2_9:
0x7c: {  	p3 =	seq.s32 s1, $0xF080;
	[tilespmem:s2+$0x13880] =	vst v4;
	s2 =	smov.u32 s1;
	s1 =	sadd.s32 $0x40, s1  }
.Ltmp5:
0x7d: {  	(pc) =	sbr.rel @!p3 .LBB2_9-.Ltmp5, $2  }
0x7e: {  	_ =	sdelay $0x2  }
0x7f: {  	s2 =	sshra.s32 s2, $0x2  }
.Ltmp6:
0x80: {  	(pc) =	sbr.rel @!p1 .LBB2_22-.Ltmp6, $2  }
0x81: {  	_ =	sdelay $0x2  }
0x82: {  	[tilespmem:s2+$0x13880] =	vst v4;
	s4 =	simm.s32 $0x0;
	s2 =	simm.s32 $0x5A00;
	s1 =	simm.s32 $0xB400  }
0x83: {  	p4 =	sne.s32 s29, $0x1  }
.Ltmp7:
0x84: {  	_ = 	snop;
	(pc) =	sbr.rel @!p4 .LBB2_12-.Ltmp7, $3  }
0x85: {  	_ =	sdelay $0x1  }
0x86: {  	v7 =	vld [tilespmem:s2+$0x0]  }
0x87: {  	v8 =	vld [tilespmem:s4+$0x0];
	s5 =	sadd.s32 $0xFFFFFFFF, s29;
	p3 =	por $0x0, $0x0  }
0x88: {  	_ =	sdelay $0x6  }
0x89: {  	v9 =	vld.idx.msk [tilespmem:v7+s19+$0x0], $0xffff  }
0x8a: {  	v8 =	vld.idx.msk [tilespmem:v8+s17+$0x0], $0xffff;
	_ =	sdelay $0x4  }
0x8b: {  	v8 =	vadd.f32 v9, v8;
	_ =	sdelay $0x1  }
0x8c: {  	v9 =	vmul.f32 $2.000000030e-01, v8;
	_ =	sdelay $0x1  }
0x8d: {  	v8 =	vmax.f32 v8, v9  }
0x8e: {  	v8 =	vmul.f32 $1.442695020e+00, v8;
	_ =	sdelay $0x1  }
0x8f: {  	(erf) = vpow2.f32 v8;
	_ =	sdelay $0x5  }
0x90: {  	v8 =	vor.u32 s4, v2;
	_ =	sdelay $0x1  }
0x91: {  	p5 =	sne.s32 s5, $0x1  }
.Ltmp8:
0x92: {  	vm0 =	vlt.s32 v8, v6;
	v8 =	vpop (erf);
	(pc) =	sbr.rel @!p5 .LBB2_14-.Ltmp8, $4  }
0x93: {  	[tilespmem:s1+$0x0] =	vst v8;
	v8 =	vnsel vm0, $0x0, v8  }
0x94: {  	s11 =	sadd.s32 $0x10, s2;
	[tilespmem:v7+s20+$0x0] =	vst.idx.add.f32.msk $0xffff, v8  }
0x95: {  	s12 =	sadd.s32 $0x10, s4;
	s14 =	sadd.s32 $0xFFFFFFFF, s5;
	v7 =	vld [tilespmem:s11+$0x0]  }
0x96: {  	p4 =	por $0x1, $0x1;
	s5 =	simm.s32 $0x0;
	s9 =	simm.s32 $0xB400;
	v8 =	vld [tilespmem:s12+$0x0]  }
.LBB2_15:
0x97: {  	p5 =	sne.s32 s14, $0x1;
	_ =	sdelay $0x5  }
0x98: {  	v9 =	vld.idx.msk [tilespmem:v7+s19+$0x0], $0xffff  }
0x99: {  	v8 =	vld.idx.msk [tilespmem:v8+s17+$0x0], $0xffff;
	_ =	sdelay $0x5  }
0x9a: {  	v8 =	vadd.f32 v9, v8;
	_ =	sdelay $0x1  }
0x9b: {  	v9 =	vmul.f32 $2.000000030e-01, v8;
	_ =	sdelay $0x1  }
0x9c: {  	v8 =	vmax.f32 v8, v9  }
0x9d: {  	v8 =	vmul.f32 $1.442695020e+00, v8;
	_ =	sdelay $0x1  }
0x9e: {  	(erf) = vpow2.f32 v8;
	_ =	sdelay $0x6  }
0x9f: {  	s5 =	sadd.s32 $0x10, s5  }
0xa0: {  	v9 =	vor.u32 s5, v2  }
.Ltmp9:
0xa1: {  	s9 =	sadd.s32 $0x10, s9;
	vm0 =	vlt.s32 v9, v6;
	v8 =	vpop (erf);
	(pc) =	sbr.rel @p5 .LBB2_15-.Ltmp9, $4  }
0xa2: {  	[tilespmem:s9+$0x0] =	vst v8;
	v8 =	vnsel vm0, $0x0, v8  }
0xa3: {  	s11 =	sadd.s32 $0x10, s11;
	[tilespmem:v7+s20+$0x0] =	vst.idx.add.f32.msk $0xffff, v8  }
0xa4: {  	s12 =	sadd.s32 $0x10, s12;
	v7 =	vld [tilespmem:s11+$0x0]  }
0xa5: {  	s14 =	sadd.s32 $0xFFFFFFFF, s14;
	v8 =	vld [tilespmem:s12+$0x0]  }
.LBB2_16:
0xa6: {  	_ =	sdelay $0x6  }
0xa7: {  	v9 =	vld.idx.msk [tilespmem:v7+s19+$0x0], $0xffff  }
0xa8: {  	v8 =	vld.idx.msk [tilespmem:v8+s17+$0x0], $0xffff;
	_ =	sdelay $0x4  }
0xa9: {  	v8 =	vadd.f32 v9, v8;
	_ =	sdelay $0x1  }
0xaa: {  	v9 =	vmul.f32 $2.000000030e-01, v8;
	_ =	sdelay $0x1  }
0xab: {  	v8 =	vmax.f32 v8, v9  }
0xac: {  	v8 =	vmul.f32 $1.442695020e+00, v8;
	_ =	sdelay $0x1  }
0xad: {  	(erf) = vpow2.f32 v8;
	_ =	sdelay $0x3  }
0xae: {  	s5 =	sadd.s32 @p4 $0x10, s5  }
0xaf: {  	s4 =	smov.u32 @p4 s5  }
0xb0: {  	s5 =	simm.s32 $0xB400;
	v8 =	vor.u32 s4, v2;
	s4 =	sadd.s32 @p4 $0x10, s9  }
0xb1: {  	s5 =	smov.u32 @p4 s4;
	p4 =	sne.s32 s29, $0x1  }
.Ltmp10:
0xb2: {  	_ = 	snop;
	(pc) =	sbr.rel @!p4 .LBB2_17-.Ltmp10, $4  }
0xb3: {  	vm0 =	vlt.s32 v8, v6;
	v8 =	vpop (erf)  }
0xb4: {  	[tilespmem:s5+$0x0] =	vst v8;
	v8 =	vnsel vm0, $0x0, v8  }
0xb5: {  	[tilespmem:v7+s20+$0x0] =	vst.idx.add.f32.msk $0xffff, v8  }
0xb6: {  	v7 =	vld [tilespmem:s2+$0x0];
	s2 =	sadd.s32 $0xFFFFFFFF, s29  }
0xb7: {  	_ =	sdelay $0x7  }
0xb8: {  	v7 =	vld.idx.msk [tilespmem:v7+s20+$0x0], $0xffff;
	_ =	sdelay $0x4  }
0xb9: {  	v7 =	vadd.f32 $1.000000020e-16, v7;
	_ =	sdelay $0x1  }
0xba: {  	(erf) = vrcp.f32 v7;
	_ =	sdelay $0x4  }
0xbb: {  	v7 =	vld [tilespmem:s1+$0x0];
	_ =	sdelay $0x2  }
0xbc: {  	p4 =	sne.s32 s2, $0x1  }
.Ltmp11:
0xbd: {  	v8 =	vpop (erf);
	(pc) =	sbr.rel @!p4 .LBB2_19-.Ltmp11, $3  }
0xbe: {  	v7 =	vmul.f32 v8, v7;
	_ =	sdelay $0x1  }
0xbf: {  	s4 =	simm.s32 $0x5A10;
	[tilespmem:s1+$0x0] =	vst v7  }
0xc0: {  	s5 =	sadd.s32 $0xFFFFFFFF, s2;
	p3 =	por $0x1, $0x1;
	s2 =	simm.s32 $0xB400;
	v7 =	vld [tilespmem:s4+$0x0]  }
.LBB2_20:
0xc1: {  	p4 =	sne.s32 s5, $0x1;
	_ =	sdelay $0x6  }
0xc2: {  	v7 =	vld.idx.msk [tilespmem:v7+s20+$0x0], $0xffff;
	_ =	sdelay $0x5  }
0xc3: {  	v7 =	vadd.f32 $1.000000020e-16, v7;
	_ =	sdelay $0x1  }
0xc4: {  	(erf) = vrcp.f32 v7;
	_ =	sdelay $0x3  }
0xc5: {  	s2 =	sadd.s32 $0x10, s2  }
0xc6: {  	v7 =	vld [tilespmem:s2+$0x0];
	_ =	sdelay $0x3  }
.Ltmp12:
0xc7: {  	v8 =	vpop (erf);
	(pc) =	sbr.rel @p4 .LBB2_20-.Ltmp12, $3  }
0xc8: {  	v7 =	vmul.f32 v8, v7;
	_ =	sdelay $0x1  }
0xc9: {  	s4 =	sadd.s32 $0x10, s4;
	[tilespmem:s2+$0x0] =	vst v7  }
0xca: {  	s5 =	sadd.s32 $0xFFFFFFFF, s5;
	v7 =	vld [tilespmem:s4+$0x0]  }
.LBB2_21:
0xcb: {  	_ =	sdelay $0x7  }
0xcc: {  	v7 =	vld.idx.msk [tilespmem:v7+s20+$0x0], $0xffff;
	_ =	sdelay $0x4  }
0xcd: {  	v7 =	vadd.f32 $1.000000020e-16, v7;
	_ =	sdelay $0x1  }
0xce: {  	(erf) = vrcp.f32 v7;
	_ =	sdelay $0x2  }
0xcf: {  	s2 =	sadd.s32 @p3 $0x10, s2  }
0xd0: {  	s1 =	smov.u32 @p3 s2  }
0xd1: {  	v7 =	vld [tilespmem:s1+$0x0];
	_ =	sdelay $0x3  }
0xd2: {  	v8 =	vpop (erf)  }
0xd3: {  	v7 =	vmul.f32 v8, v7;
	_ =	sdelay $0x1  }
0xd4: {  	[tilespmem:s1+$0x0] =	vst v7  }
.LBB2_22:
.Ltmp13:
0xd5: {  	(pc) =	sbr.rel @p2 .LBB2_30-.Ltmp13, $1  }
0xd6: {  	_ =	sdelay $0x3  }
.Ltmp14:
0xd7: {  	(pc) =	sbr.rel .LBB2_24-.Ltmp14, $4  }
0xd8: {  	_ = 	snop  }
0xd9: {  	s4 =	simm.s32 $0xB400  }
0xda: {  	s12 =	simm.s32 $0x5A00;
	s2 =	simm.s32 $0x0;
	s9 =	simm.s32 $0xB480  }
0xdb: {  	v7 =	vmov s0;
	s11 =	simm.s32 $0x5A80;
	s26 =	simm.s32 $0x80;
	s1 =	simm.s32 $0x0  }
.LBB2_29:
0xdc: {  	s1 =	sadd.s32 $0x1, s1  }
0xdd: {  	p3 =	sne.s32 s1, s30  }
.Ltmp15:
0xde: {  	_ = 	snop;
	(pc) =	sbr.rel @!p3 .LBB2_30-.Ltmp15, $3  }
0xdf: {  	_ =	sdelay $0x1  }
0xe0: {  	s4 =	sadd.s32 $0x100, s4;
	s12 =	sadd.s32 $0x100, s12;
	s2 =	sadd.s32 $0x100, s2  }
0xe1: {  	s9 =	sadd.s32 $0x100, s9;
	s11 =	sadd.s32 $0x100, s11;
	s26 =	sadd.s32 $0x100, s26  }
.LBB2_24:
0xe2: {  	s5 =	sshll.u32 s1, $0xA  }
0xe3: {  	s5 =	sshra.s32 s5, $0x2  }
0xe4: {  	v8 =	vld [tilespmem:s5+$0x0];
	_ =	sdelay $0x4  }
0xe5: {  	v8 =	vmul.u32 $0x5, v8;
	_ =	sdelay $0x1  }
0xe6: {  	v8 =	vadd.s32 v7, v8  }
0xe7: {  	[tilespmem:$0x1C5F0] =	vst v8  }
0xe8: {  	v8 =	vld [tilespmem:s5+$0x10];
	_ =	sdelay $0x4  }
0xe9: {  	v8 =	vmul.u32 $0x5, v8;
	_ =	sdelay $0x1  }
0xea: {  	v8 =	vadd.s32 v7, v8  }
0xeb: {  	[tilespmem:$0x1C600] =	vst v8  }
0xec: {  	v8 =	vld [tilespmem:s5+$0x20];
	_ =	sdelay $0x4  }
0xed: {  	v8 =	vmul.u32 $0x5, v8;
	_ =	sdelay $0x1  }
0xee: {  	v8 =	vadd.s32 v7, v8  }
0xef: {  	[tilespmem:$0x1C610] =	vst v8  }
0xf0: {  	v8 =	vld [tilespmem:s5+$0x30];
	_ =	sdelay $0x4  }
0xf1: {  	v8 =	vmul.u32 $0x5, v8;
	_ =	sdelay $0x1  }
0xf2: {  	v8 =	vadd.s32 v7, v8  }
0xf3: {  	[tilespmem:$0x1C620] =	vst v8  }
0xf4: {  	v8 =	vld [tilespmem:s5+$0x40];
	_ =	sdelay $0x4  }
0xf5: {  	v8 =	vmul.u32 $0x5, v8;
	_ =	sdelay $0x1  }
0xf6: {  	v8 =	vadd.s32 v7, v8  }
0xf7: {  	[tilespmem:$0x1C630] =	vst v8  }
0xf8: {  	v8 =	vld [tilespmem:s5+$0x50];
	_ =	sdelay $0x4  }
0xf9: {  	v8 =	vmul.u32 $0x5, v8;
	_ =	sdelay $0x1  }
0xfa: {  	v8 =	vadd.s32 v7, v8  }
0xfb: {  	[tilespmem:$0x1C640] =	vst v8  }
0xfc: {  	v8 =	vld [tilespmem:s5+$0x60];
	_ =	sdelay $0x4  }
0xfd: {  	v8 =	vmul.u32 $0x5, v8;
	_ =	sdelay $0x1  }
0xfe: {  	v8 =	vadd.s32 v7, v8  }
0xff: {  	[tilespmem:$0x1C650] =	vst v8  }
0x100: {  	v8 =	vld [tilespmem:s5+$0x70];
	_ =	sdelay $0x4  }
0x101: {  	s5 =	sshllo.u32 s1, $0x1;
	v8 =	vmul.u32 $0x5, v8  }
0x102: {  	p3 =	sge.s32 s5, s28  }
0x103: {  	s5 =	sshll.u32 @!p3 s5, $0x9;
	v8 =	vadd.s32 v7, v8  }
0x104: {  	s5 =	sshra.s32 @!p3 s5, $0x2;
	[tilespmem:$0x1C660] =	vst v8  }
0x105: {  	[tilespmem:s23], [sflag:$0x1] =	stream.indirect.gather [hbm4b:s3+s21], $0x30, s22, s21, $0xb8;
	[tilespmem:$0x1F720] =	vst v63  }
0x106: {  	v8 =	vld @!p3 [tilespmem:s5+$0x0];
	_ =	sdelay $0x4  }
0x107: {  	v8 =	vmul.u32 @!p3 $0x5, v8;
	_ =	sdelay $0x1  }
0x108: {  	v8 =	vadd.s32 @!p3 v7, v8  }
0x109: {  	[tilespmem:$0x1C670] =	vst @!p3 v8  }
0x10a: {  	v8 =	vld @!p3 [tilespmem:s5+$0x10];
	_ =	sdelay $0x4  }
0x10b: {  	v8 =	vmul.u32 @!p3 $0x5, v8;
	_ =	sdelay $0x1  }
0x10c: {  	v8 =	vadd.s32 @!p3 v7, v8  }
0x10d: {  	[tilespmem:$0x1C680] =	vst @!p3 v8  }
0x10e: {  	v8 =	vld @!p3 [tilespmem:s5+$0x20];
	_ =	sdelay $0x4  }
0x10f: {  	v8 =	vmul.u32 @!p3 $0x5, v8;
	_ =	sdelay $0x1  }
0x110: {  	v8 =	vadd.s32 @!p3 v7, v8  }
0x111: {  	[tilespmem:$0x1C690] =	vst @!p3 v8  }
0x112: {  	v8 =	vld @!p3 [tilespmem:s5+$0x30];
	_ =	sdelay $0x4  }
0x113: {  	v8 =	vmul.u32 @!p3 $0x5, v8;
	_ =	sdelay $0x1  }
0x114: {  	v8 =	vadd.s32 @!p3 v7, v8  }
0x115: {  	[tilespmem:$0x1C6A0] =	vst @!p3 v8  }
0x116: {  	v8 =	vld @!p3 [tilespmem:s5+$0x40];
	_ =	sdelay $0x4  }
0x117: {  	v8 =	vmul.u32 @!p3 $0x5, v8;
	_ =	sdelay $0x1  }
0x118: {  	v8 =	vadd.s32 @!p3 v7, v8  }
0x119: {  	[tilespmem:$0x1C6B0] =	vst @!p3 v8  }
0x11a: {  	v8 =	vld @!p3 [tilespmem:s5+$0x50];
	_ =	sdelay $0x4  }
0x11b: {  	v8 =	vmul.u32 @!p3 $0x5, v8;
	_ =	sdelay $0x1  }
0x11c: {  	v8 =	vadd.s32 @!p3 v7, v8  }
0x11d: {  	[tilespmem:$0x1C6C0] =	vst @!p3 v8  }
0x11e: {  	v8 =	vld @!p3 [tilespmem:s5+$0x60];
	_ =	sdelay $0x4  }
0x11f: {  	v8 =	vmul.u32 @!p3 $0x5, v8;
	_ =	sdelay $0x1  }
0x120: {  	v8 =	vadd.s32 @!p3 v7, v8  }
0x121: {  	[tilespmem:$0x1C6D0] =	vst @!p3 v8  }
0x122: {  	v8 =	vld @!p3 [tilespmem:s5+$0x70];
	_ =	sdelay $0x4  }
0x123: {  	v8 =	vmul.u32 @!p3 $0x5, v8;
	_ =	sdelay $0x1  }
0x124: {  	v8 =	vadd.s32 @!p3 v7, v8  }
0x125: {  	s14 =	simm.s32 @!p3 $0x1C670;
	s15 =	simm.s32 @!p3 $0x1DEF0;
	s5 =	simm.s32 @!p3 $0x80;
	[tilespmem:$0x1C6E0] =	vst @!p3 v8  }
0x126: {  	v9 =	vmov s12;
	[tilespmem:s15], [sflag:$0x2] =	stream.indirect.gather @!p3 [hbm4b:s3+s5], $0x30, s14, s5, $0xb8;
	[tilespmem:$0x1F720] =	vst v63  }
0x127: {  	_ =	swait.ge [sflag:s16], $0x1800  }
0x128: {  	s14 =	simm.s32 $0x1C870;
	[sflag:s16] =	ssyncset.done $0x0  }
0x129: {  	v8 =	vmov s4;
	s15 =	smov.u32 s2;
	s5 =	simm.s32 $0x0;
	[sflag:s16] =	ssyncadd.s32 $0xFFFFE800  }
.LBB2_25:
0x12a: {  	s6 =	sshra.s32 s5, $0x2  }
0x12b: {  	v10 =	vld.idx.msk [tilespmem:v9+s6+$0x0 ss:$0x1], $0xffff;
	_ =	sdelay $0x2  }
0x12c: {  	v11 =	vor.u32 s15, v2  }
0x12d: {  	vm0 =	vlt.s32 v11, v6  }
0x12e: {  	v10 =	vnsel vm0, $0x140, v10  }
0x12f: {  	v10 =	vmul.u32 $0xC0, v10;
	_ =	sdelay $0x1  }
0x130: {  	v11 =	vshra.s32 v10, $0x2  }
0x131: {  	(v2sf) =	vpush v11, $0x0;
	_ =	sdelay $0xb  }
0x132: {  	v10 =	vld.idx.msk [tilespmem:v8+s6+$0x0 ss:$0x1], $0xffff;
	_ =	sdelay $0x1  }
0x133: {  	v12 =	vld [tilespmem:s14+$0xFFFFFE80]  }
0x134: {  	s6 =	spop (v2sf)  }
0x135: {  	v13 =	vld [tilespmem:s6+$0x13880]  }
0x136: {  	v14 =	vbroadcast v10, $0x0;
	_ =	sdelay $0x1  }
0x137: {  	v12 =	vmul.f32 v12, v14;
	_ =	sdelay $0x1  }
0x138: {  	v12 =	vmax.f32 v13, v12  }
0x139: {  	[tilespmem:s6+$0x13880] =	vst v12  }
0x13a: {  	v12 =	vld [tilespmem:s14+$0xFFFFFE90];
	_ =	sdelay $0x1  }
0x13b: {  	v51 =	vld [tilespmem:s6+$0x13890];
	_ =	sdelay $0x1  }
0x13c: {  	(v2sf) =	vpush v11, $0x1  }
0x13d: {  	v12 =	vmul.f32 v12, v14;
	_ =	sdelay $0x1  }
0x13e: {  	v12 =	vmax.f32 v51, v12  }
0x13f: {  	[tilespmem:s6+$0x13890] =	vst v12  }
0x140: {  	v12 =	vld [tilespmem:s14+$0xFFFFFEA0];
	_ =	sdelay $0x1  }
0x141: {  	v52 =	vld [tilespmem:s6+$0x138A0];
	_ =	sdelay $0x2  }
0x142: {  	v12 =	vmul.f32 v12, v14;
	_ =	sdelay $0x1  }
0x143: {  	v12 =	vmax.f32 v52, v12  }
0x144: {  	[tilespmem:s6+$0x138A0] =	vst v12  }
0x145: {  	v12 =	vld [tilespmem:s14+$0xFFFFFEB0]  }
0x146: {  	s6 =	spop (v2sf)  }
0x147: {  	v53 =	vld [tilespmem:s6+$0x13880]  }
0x148: {  	v54 =	vbroadcast v10, $0x1;
	_ =	sdelay $0x1  }
0x149: {  	v12 =	vmul.f32 v12, v54;
	_ =	sdelay $0x1  }
0x14a: {  	v12 =	vmax.f32 v53, v12  }
0x14b: {  	[tilespmem:s6+$0x13880] =	vst v12  }
0x14c: {  	v12 =	vld [tilespmem:s14+$0xFFFFFEC0];
	_ =	sdelay $0x1  }
0x14d: {  	v55 =	vld [tilespmem:s6+$0x13890];
	_ =	sdelay $0x1  }
0x14e: {  	(v2sf) =	vpush v11, $0x2  }
0x14f: {  	v12 =	vmul.f32 v12, v54;
	_ =	sdelay $0x1  }
0x150: {  	v12 =	vmax.f32 v55, v12  }
0x151: {  	[tilespmem:s6+$0x13890] =	vst v12  }
0x152: {  	v12 =	vld [tilespmem:s14+$0xFFFFFED0];
	_ =	sdelay $0x1  }
0x153: {  	v56 =	vld [tilespmem:s6+$0x138A0];
	_ =	sdelay $0x2  }
0x154: {  	v12 =	vmul.f32 v12, v54;
	_ =	sdelay $0x1  }
0x155: {  	v12 =	vmax.f32 v56, v12  }
0x156: {  	[tilespmem:s6+$0x138A0] =	vst v12  }
0x157: {  	v12 =	vld [tilespmem:s14+$0xFFFFFEE0]  }
0x158: {  	s6 =	spop (v2sf)  }
0x159: {  	v57 =	vld [tilespmem:s6+$0x13880]  }
0x15a: {  	v58 =	vbroadcast v10, $0x2;
	_ =	sdelay $0x1  }
0x15b: {  	v12 =	vmul.f32 v12, v58;
	_ =	sdelay $0x1  }
0x15c: {  	v12 =	vmax.f32 v57, v12  }
0x15d: {  	[tilespmem:s6+$0x13880] =	vst v12  }
0x15e: {  	v12 =	vld [tilespmem:s14+$0xFFFFFEF0];
	_ =	sdelay $0x1  }
0x15f: {  	v59 =	vld [tilespmem:s6+$0x13890];
	_ =	sdelay $0x1  }
0x160: {  	(v2sf) =	vpush v11, $0x3  }
0x161: {  	v12 =	vmul.f32 v12, v58;
	_ =	sdelay $0x1  }
0x162: {  	v12 =	vmax.f32 v59, v12  }
0x163: {  	[tilespmem:s6+$0x13890] =	vst v12  }
0x164: {  	v12 =	vld [tilespmem:s14+$0xFFFFFF00];
	_ =	sdelay $0x1  }
0x165: {  	v60 =	vld [tilespmem:s6+$0x138A0];
	_ =	sdelay $0x2  }
0x166: {  	v12 =	vmul.f32 v12, v58;
	_ =	sdelay $0x1  }
0x167: {  	v12 =	vmax.f32 v60, v12  }
0x168: {  	[tilespmem:s6+$0x138A0] =	vst v12  }
0x169: {  	v12 =	vld [tilespmem:s14+$0xFFFFFF10]  }
0x16a: {  	s6 =	spop (v2sf)  }
0x16b: {  	v61 =	vld [tilespmem:s6+$0x13880]  }
0x16c: {  	v62 =	vbroadcast v10, $0x3;
	_ =	sdelay $0x1  }
0x16d: {  	v12 =	vmul.f32 v12, v62;
	_ =	sdelay $0x1  }
0x16e: {  	v12 =	vmax.f32 v61, v12  }
0x16f: {  	[tilespmem:s6+$0x13880] =	vst v12  }
0x170: {  	v12 =	vld [tilespmem:s14+$0xFFFFFF20];
	_ =	sdelay $0x1  }
0x171: {  	v63 =	vld [tilespmem:s6+$0x13890];
	_ =	sdelay $0x1  }
0x172: {  	(v2sf) =	vpush v11, $0x4  }
0x173: {  	v12 =	vmul.f32 v12, v62;
	_ =	sdelay $0x1  }
0x174: {  	v12 =	vmax.f32 v63, v12  }
0x175: {  	[tilespmem:s6+$0x13890] =	vst v12  }
0x176: {  	v12 =	vld [tilespmem:s14+$0xFFFFFF30];
	_ =	sdelay $0x1  }
0x177: {  	v16 =	vld [tilespmem:s6+$0x138A0];
	_ =	sdelay $0x2  }
0x178: {  	v12 =	vmul.f32 v12, v62;
	_ =	sdelay $0x1  }
0x179: {  	v12 =	vmax.f32 v16, v12  }
0x17a: {  	[tilespmem:s6+$0x138A0] =	vst v12  }
0x17b: {  	v12 =	vld [tilespmem:s14+$0xFFFFFF40]  }
0x17c: {  	s6 =	spop (v2sf)  }
0x17d: {  	v17 =	vld [tilespmem:s6+$0x13880]  }
0x17e: {  	v18 =	vbroadcast v10, $0x4;
	_ =	sdelay $0x1  }
0x17f: {  	v12 =	vmul.f32 v12, v18;
	_ =	sdelay $0x1  }
0x180: {  	v12 =	vmax.f32 v17, v12  }
0x181: {  	[tilespmem:s6+$0x13880] =	vst v12  }
0x182: {  	v12 =	vld [tilespmem:s14+$0xFFFFFF50];
	_ =	sdelay $0x1  }
0x183: {  	v19 =	vld [tilespmem:s6+$0x13890];
	_ =	sdelay $0x1  }
0x184: {  	(v2sf) =	vpush v11, $0x5  }
0x185: {  	v12 =	vmul.f32 v12, v18;
	_ =	sdelay $0x1  }
0x186: {  	v12 =	vmax.f32 v19, v12  }
0x187: {  	[tilespmem:s6+$0x13890] =	vst v12  }
0x188: {  	v12 =	vld [tilespmem:s14+$0xFFFFFF60];
	_ =	sdelay $0x1  }
0x189: {  	v20 =	vld [tilespmem:s6+$0x138A0];
	_ =	sdelay $0x2  }
0x18a: {  	v12 =	vmul.f32 v12, v18;
	_ =	sdelay $0x1  }
0x18b: {  	v12 =	vmax.f32 v20, v12  }
0x18c: {  	[tilespmem:s6+$0x138A0] =	vst v12  }
0x18d: {  	v12 =	vld [tilespmem:s14+$0xFFFFFF70]  }
0x18e: {  	s6 =	spop (v2sf)  }
0x18f: {  	v21 =	vld [tilespmem:s6+$0x13880]  }
0x190: {  	v22 =	vbroadcast v10, $0x5;
	_ =	sdelay $0x1  }
0x191: {  	v12 =	vmul.f32 v12, v22;
	_ =	sdelay $0x1  }
0x192: {  	v12 =	vmax.f32 v21, v12  }
0x193: {  	[tilespmem:s6+$0x13880] =	vst v12  }
0x194: {  	v12 =	vld [tilespmem:s14+$0xFFFFFF80];
	_ =	sdelay $0x1  }
0x195: {  	v23 =	vld [tilespmem:s6+$0x13890];
	_ =	sdelay $0x1  }
0x196: {  	(v2sf) =	vpush v11, $0x6  }
0x197: {  	v12 =	vmul.f32 v12, v22;
	_ =	sdelay $0x1  }
0x198: {  	v12 =	vmax.f32 v23, v12  }
0x199: {  	[tilespmem:s6+$0x13890] =	vst v12  }
0x19a: {  	v12 =	vld [tilespmem:s14+$0xFFFFFF90];
	_ =	sdelay $0x1  }
0x19b: {  	v24 =	vld [tilespmem:s6+$0x138A0];
	_ =	sdelay $0x2  }
0x19c: {  	v12 =	vmul.f32 v12, v22;
	_ =	sdelay $0x1  }
0x19d: {  	v12 =	vmax.f32 v24, v12  }
0x19e: {  	[tilespmem:s6+$0x138A0] =	vst v12  }
0x19f: {  	v12 =	vld [tilespmem:s14+$0xFFFFFFA0]  }
0x1a0: {  	s6 =	spop (v2sf)  }
0x1a1: {  	v25 =	vld [tilespmem:s6+$0x13880]  }
0x1a2: {  	v26 =	vbroadcast v10, $0x6;
	_ =	sdelay $0x1  }
0x1a3: {  	v12 =	vmul.f32 v12, v26;
	_ =	sdelay $0x1  }
0x1a4: {  	v12 =	vmax.f32 v25, v12  }
0x1a5: {  	[tilespmem:s6+$0x13880] =	vst v12  }
0x1a6: {  	v12 =	vld [tilespmem:s14+$0xFFFFFFB0];
	_ =	sdelay $0x1  }
0x1a7: {  	v27 =	vld [tilespmem:s6+$0x13890];
	_ =	sdelay $0x1  }
0x1a8: {  	(v2sf) =	vpush v11, $0x7  }
0x1a9: {  	v12 =	vmul.f32 v12, v26;
	_ =	sdelay $0x1  }
0x1aa: {  	v12 =	vmax.f32 v27, v12  }
0x1ab: {  	[tilespmem:s6+$0x13890] =	vst v12  }
0x1ac: {  	v12 =	vld [tilespmem:s14+$0xFFFFFFC0];
	_ =	sdelay $0x1  }
0x1ad: {  	v28 =	vld [tilespmem:s6+$0x138A0];
	_ =	sdelay $0x2  }
0x1ae: {  	v12 =	vmul.f32 v12, v26;
	_ =	sdelay $0x1  }
0x1af: {  	v12 =	vmax.f32 v28, v12  }
0x1b0: {  	[tilespmem:s6+$0x138A0] =	vst v12  }
0x1b1: {  	v12 =	vld [tilespmem:s14+$0xFFFFFFD0]  }
0x1b2: {  	s6 =	spop (v2sf)  }
0x1b3: {  	v29 =	vld [tilespmem:s6+$0x13880]  }
0x1b4: {  	v30 =	vbroadcast v10, $0x7;
	_ =	sdelay $0x1  }
0x1b5: {  	v12 =	vmul.f32 v12, v30;
	_ =	sdelay $0x1  }
0x1b6: {  	v12 =	vmax.f32 v29, v12  }
0x1b7: {  	[tilespmem:s6+$0x13880] =	vst v12  }
0x1b8: {  	v12 =	vld [tilespmem:s14+$0xFFFFFFE0];
	_ =	sdelay $0x1  }
0x1b9: {  	v31 =	vld [tilespmem:s6+$0x13890];
	_ =	sdelay $0x1  }
0x1ba: {  	(v2sf) =	vpush v11, $0x8  }
0x1bb: {  	v12 =	vmul.f32 v12, v30;
	_ =	sdelay $0x1  }
0x1bc: {  	v12 =	vmax.f32 v31, v12  }
0x1bd: {  	[tilespmem:s6+$0x13890] =	vst v12  }
0x1be: {  	v12 =	vld [tilespmem:s14+$0xFFFFFFF0];
	_ =	sdelay $0x1  }
0x1bf: {  	v32 =	vld [tilespmem:s6+$0x138A0];
	_ =	sdelay $0x2  }
0x1c0: {  	v12 =	vmul.f32 v12, v30;
	_ =	sdelay $0x1  }
0x1c1: {  	v12 =	vmax.f32 v32, v12  }
0x1c2: {  	[tilespmem:s6+$0x138A0] =	vst v12  }
0x1c3: {  	v12 =	vld [tilespmem:s14+$0x0]  }
0x1c4: {  	s6 =	spop (v2sf)  }
0x1c5: {  	v33 =	vld [tilespmem:s6+$0x13880]  }
0x1c6: {  	v34 =	vbroadcast v10, $0x8;
	_ =	sdelay $0x1  }
0x1c7: {  	v12 =	vmul.f32 v12, v34;
	_ =	sdelay $0x1  }
0x1c8: {  	v12 =	vmax.f32 v33, v12  }
0x1c9: {  	[tilespmem:s6+$0x13880] =	vst v12  }
0x1ca: {  	v12 =	vld [tilespmem:s14+$0x10];
	_ =	sdelay $0x1  }
0x1cb: {  	v35 =	vld [tilespmem:s6+$0x13890];
	_ =	sdelay $0x1  }
0x1cc: {  	(v2sf) =	vpush v11, $0x9  }
0x1cd: {  	v12 =	vmul.f32 v12, v34;
	_ =	sdelay $0x1  }
0x1ce: {  	v12 =	vmax.f32 v35, v12  }
0x1cf: {  	[tilespmem:s6+$0x13890] =	vst v12  }
0x1d0: {  	v12 =	vld [tilespmem:s14+$0x20];
	_ =	sdelay $0x1  }
0x1d1: {  	v36 =	vld [tilespmem:s6+$0x138A0];
	_ =	sdelay $0x2  }
0x1d2: {  	v12 =	vmul.f32 v12, v34;
	_ =	sdelay $0x1  }
0x1d3: {  	v12 =	vmax.f32 v36, v12  }
0x1d4: {  	[tilespmem:s6+$0x138A0] =	vst v12  }
0x1d5: {  	v12 =	vld [tilespmem:s14+$0x30]  }
0x1d6: {  	s6 =	spop (v2sf)  }
0x1d7: {  	v37 =	vld [tilespmem:s6+$0x13880]  }
0x1d8: {  	v38 =	vbroadcast v10, $0x9;
	_ =	sdelay $0x1  }
0x1d9: {  	v12 =	vmul.f32 v12, v38;
	_ =	sdelay $0x1  }
0x1da: {  	v12 =	vmax.f32 v37, v12  }
0x1db: {  	[tilespmem:s6+$0x13880] =	vst v12  }
0x1dc: {  	v12 =	vld [tilespmem:s14+$0x40];
	_ =	sdelay $0x1  }
0x1dd: {  	v39 =	vld [tilespmem:s6+$0x13890];
	_ =	sdelay $0x1  }
0x1de: {  	(v2sf) =	vpush v11, $0xA  }
0x1df: {  	v12 =	vmul.f32 v12, v38;
	_ =	sdelay $0x1  }
0x1e0: {  	v12 =	vmax.f32 v39, v12  }
0x1e1: {  	[tilespmem:s6+$0x13890] =	vst v12  }
0x1e2: {  	v12 =	vld [tilespmem:s14+$0x50];
	_ =	sdelay $0x1  }
0x1e3: {  	v40 =	vld [tilespmem:s6+$0x138A0];
	_ =	sdelay $0x2  }
0x1e4: {  	v12 =	vmul.f32 v12, v38;
	_ =	sdelay $0x1  }
0x1e5: {  	v12 =	vmax.f32 v40, v12  }
0x1e6: {  	[tilespmem:s6+$0x138A0] =	vst v12  }
0x1e7: {  	v12 =	vld [tilespmem:s14+$0x60]  }
0x1e8: {  	s6 =	spop (v2sf)  }
0x1e9: {  	v41 =	vld [tilespmem:s6+$0x13880]  }
0x1ea: {  	v42 =	vbroadcast v10, $0xA;
	_ =	sdelay $0x1  }
0x1eb: {  	v12 =	vmul.f32 v12, v42;
	_ =	sdelay $0x1  }
0x1ec: {  	v12 =	vmax.f32 v41, v12  }
0x1ed: {  	[tilespmem:s6+$0x13880] =	vst v12  }
0x1ee: {  	v12 =	vld [tilespmem:s14+$0x70];
	_ =	sdelay $0x1  }
0x1ef: {  	v43 =	vld [tilespmem:s6+$0x13890];
	_ =	sdelay $0x1  }
0x1f0: {  	(v2sf) =	vpush v11, $0xB  }
0x1f1: {  	v12 =	vmul.f32 v12, v42;
	_ =	sdelay $0x1  }
0x1f2: {  	v12 =	vmax.f32 v43, v12  }
0x1f3: {  	[tilespmem:s6+$0x13890] =	vst v12  }
0x1f4: {  	v12 =	vld [tilespmem:s14+$0x80];
	_ =	sdelay $0x1  }
0x1f5: {  	v44 =	vld [tilespmem:s6+$0x138A0];
	_ =	sdelay $0x2  }
0x1f6: {  	v12 =	vmul.f32 v12, v42;
	_ =	sdelay $0x1  }
0x1f7: {  	v12 =	vmax.f32 v44, v12  }
0x1f8: {  	[tilespmem:s6+$0x138A0] =	vst v12  }
0x1f9: {  	v12 =	vld [tilespmem:s14+$0x90]  }
0x1fa: {  	s6 =	spop (v2sf)  }
0x1fb: {  	v45 =	vld [tilespmem:s6+$0x13880]  }
0x1fc: {  	v46 =	vbroadcast v10, $0xB;
	_ =	sdelay $0x1  }
0x1fd: {  	v12 =	vmul.f32 v12, v46;
	_ =	sdelay $0x1  }
0x1fe: {  	v12 =	vmax.f32 v45, v12  }
0x1ff: {  	[tilespmem:s6+$0x13880] =	vst v12  }
0x200: {  	v12 =	vld [tilespmem:s14+$0xA0];
	_ =	sdelay $0x1  }
0x201: {  	v47 =	vld [tilespmem:s6+$0x13890];
	_ =	sdelay $0x1  }
0x202: {  	(v2sf) =	vpush v11, $0xC  }
0x203: {  	v12 =	vmul.f32 v12, v46;
	_ =	sdelay $0x1  }
0x204: {  	v12 =	vmax.f32 v47, v12  }
0x205: {  	[tilespmem:s6+$0x13890] =	vst v12  }
0x206: {  	v12 =	vld [tilespmem:s14+$0xB0];
	_ =	sdelay $0x1  }
0x207: {  	v48 =	vld [tilespmem:s6+$0x138A0];
	_ =	sdelay $0x2  }
0x208: {  	v12 =	vmul.f32 v12, v46;
	_ =	sdelay $0x1  }
0x209: {  	v12 =	vmax.f32 v48, v12  }
0x20a: {  	[tilespmem:s6+$0x138A0] =	vst v12  }
0x20b: {  	v12 =	vld [tilespmem:s14+$0xC0]  }
0x20c: {  	s6 =	spop (v2sf)  }
0x20d: {  	v49 =	vld [tilespmem:s6+$0x13880]  }
0x20e: {  	v50 =	vbroadcast v10, $0xC;
	_ =	sdelay $0x1  }
0x20f: {  	v12 =	vmul.f32 v12, v50;
	_ =	sdelay $0x1  }
0x210: {  	v12 =	vmax.f32 v49, v12  }
0x211: {  	[tilespmem:s6+$0x13880] =	vst v12  }
0x212: {  	v12 =	vld [tilespmem:s14+$0xD0];
	_ =	sdelay $0x1  }
0x213: {  	v51 =	vld [tilespmem:s6+$0x13890];
	_ =	sdelay $0x1  }
0x214: {  	(v2sf) =	vpush v11, $0xD  }
0x215: {  	v12 =	vmul.f32 v12, v50;
	_ =	sdelay $0x1  }
0x216: {  	v12 =	vmax.f32 v51, v12  }
0x217: {  	[tilespmem:s6+$0x13890] =	vst v12  }
0x218: {  	v12 =	vld [tilespmem:s14+$0xE0];
	_ =	sdelay $0x1  }
0x219: {  	v52 =	vld [tilespmem:s6+$0x138A0];
	_ =	sdelay $0x2  }
0x21a: {  	v12 =	vmul.f32 v12, v50;
	_ =	sdelay $0x1  }
0x21b: {  	v12 =	vmax.f32 v52, v12  }
0x21c: {  	[tilespmem:s6+$0x138A0] =	vst v12  }
0x21d: {  	v12 =	vld [tilespmem:s14+$0xF0]  }
0x21e: {  	s6 =	spop (v2sf)  }
0x21f: {  	v53 =	vld [tilespmem:s6+$0x13880]  }
0x220: {  	v54 =	vbroadcast v10, $0xD;
	_ =	sdelay $0x1  }
0x221: {  	v12 =	vmul.f32 v12, v54;
	_ =	sdelay $0x1  }
0x222: {  	v12 =	vmax.f32 v53, v12  }
0x223: {  	[tilespmem:s6+$0x13880] =	vst v12  }
0x224: {  	v12 =	vld [tilespmem:s14+$0x100];
	_ =	sdelay $0x1  }
0x225: {  	v55 =	vld [tilespmem:s6+$0x13890];
	_ =	sdelay $0x1  }
0x226: {  	(v2sf) =	vpush v11, $0xE  }
0x227: {  	v12 =	vmul.f32 v12, v54;
	_ =	sdelay $0x1  }
0x228: {  	v12 =	vmax.f32 v55, v12  }
0x229: {  	[tilespmem:s6+$0x13890] =	vst v12  }
0x22a: {  	v12 =	vld [tilespmem:s14+$0x110];
	_ =	sdelay $0x1  }
0x22b: {  	v56 =	vld [tilespmem:s6+$0x138A0];
	_ =	sdelay $0x2  }
0x22c: {  	v12 =	vmul.f32 v12, v54;
	_ =	sdelay $0x1  }
0x22d: {  	v12 =	vmax.f32 v56, v12  }
0x22e: {  	[tilespmem:s6+$0x138A0] =	vst v12  }
0x22f: {  	v12 =	vld [tilespmem:s14+$0x120]  }
0x230: {  	s6 =	spop (v2sf)  }
0x231: {  	v57 =	vld [tilespmem:s6+$0x13880]  }
0x232: {  	v58 =	vbroadcast v10, $0xE;
	_ =	sdelay $0x1  }
0x233: {  	v12 =	vmul.f32 v12, v58;
	_ =	sdelay $0x1  }
0x234: {  	v12 =	vmax.f32 v57, v12  }
0x235: {  	[tilespmem:s6+$0x13880] =	vst v12  }
0x236: {  	v12 =	vld [tilespmem:s14+$0x130];
	_ =	sdelay $0x1  }
0x237: {  	v59 =	vld [tilespmem:s6+$0x13890];
	_ =	sdelay $0x1  }
0x238: {  	(v2sf) =	vpush v11, $0xF  }
0x239: {  	v11 =	vmul.f32 v12, v58;
	_ =	sdelay $0x1  }
0x23a: {  	v11 =	vmax.f32 v59, v11  }
0x23b: {  	[tilespmem:s6+$0x13890] =	vst v11  }
0x23c: {  	v11 =	vld [tilespmem:s14+$0x140];
	_ =	sdelay $0x1  }
0x23d: {  	v60 =	vld [tilespmem:s6+$0x138A0];
	_ =	sdelay $0x2  }
0x23e: {  	v11 =	vmul.f32 v11, v58;
	_ =	sdelay $0x1  }
0x23f: {  	v11 =	vmax.f32 v60, v11  }
0x240: {  	[tilespmem:s6+$0x138A0] =	vst v11  }
0x241: {  	v11 =	vld [tilespmem:s14+$0x150]  }
0x242: {  	s6 =	spop (v2sf)  }
0x243: {  	v61 =	vld [tilespmem:s6+$0x13880]  }
0x244: {  	v10 =	vbroadcast v10, $0xF;
	_ =	sdelay $0x1  }
0x245: {  	v11 =	vmul.f32 v11, v10;
	_ =	sdelay $0x1  }
0x246: {  	v11 =	vmax.f32 v61, v11  }
0x247: {  	[tilespmem:s6+$0x13880] =	vst v11  }
0x248: {  	v11 =	vld [tilespmem:s14+$0x160];
	_ =	sdelay $0x1  }
0x249: {  	v62 =	vld [tilespmem:s6+$0x13890];
	_ =	sdelay $0x2  }
0x24a: {  	v11 =	vmul.f32 v11, v10;
	_ =	sdelay $0x1  }
0x24b: {  	v11 =	vmax.f32 v62, v11  }
0x24c: {  	[tilespmem:s6+$0x13890] =	vst v11  }
0x24d: {  	v11 =	vld [tilespmem:s14+$0x170];
	_ =	sdelay $0x1  }
0x24e: {  	v63 =	vld [tilespmem:s6+$0x138A0]  }
0x24f: {  	p4 =	sne.s32 s5, $0x1C0  }
.Ltmp16:
0x250: {  	_ = 	snop;
	(pc) =	sbr.rel @p4 .LBB2_25-.Ltmp16, $3  }
0x251: {  	v10 =	vmul.f32 v11, v10;
	_ =	sdelay $0x1  }
0x252: {  	v10 =	vmax.f32 v63, v10  }
0x253: {  	s15 =	sadd.s32 $0x10, s15;
	s5 =	sadd.s32 $0x40, s5;
	s14 =	sadd.s32 $0x300, s14;
	[tilespmem:s6+$0x138A0] =	vst v10  }
.Ltmp17:
0x254: {  	(pc) =	sbr.rel @p3 .LBB2_29-.Ltmp17, $1  }
0x255: {  	_ =	sdelay $0x3  }
0x256: {  	v9 =	vmov s11  }
0x257: {  	_ =	swait.ge [sflag:s24], $0x1800  }
0x258: {  	s14 =	simm.s32 $0x0;
	[sflag:s24] =	ssyncset.done $0x0  }
0x259: {  	s15 =	simm.s32 $0x1E1E0;
	v8 =	vmov s9;
	s5 =	smov.u32 s26;
	[sflag:s24] =	ssyncadd.s32 $0xFFFFE800  }
.LBB2_28:
0x25a: {  	s6 =	sshra.s32 s14, $0x2  }
0x25b: {  	v10 =	vld.idx.msk [tilespmem:v9+s6+$0x0 ss:$0x1], $0xffff;
	_ =	sdelay $0x2  }
0x25c: {  	v11 =	vor.u32 s5, v2  }
0x25d: {  	vm0 =	vlt.s32 v11, v6  }
0x25e: {  	v10 =	vnsel vm0, $0x140, v10  }
0x25f: {  	v10 =	vmul.u32 $0xC0, v10;
	_ =	sdelay $0x1  }
0x260: {  	v11 =	vshra.s32 v10, $0x2  }
0x261: {  	(v2sf) =	vpush v11, $0x0;
	_ =	sdelay $0xb  }
0x262: {  	v10 =	vld.idx.msk [tilespmem:v8+s6+$0x0 ss:$0x1], $0xffff;
	_ =	sdelay $0x1  }
0x263: {  	v12 =	vld [tilespmem:s15+$0xFFFFFD10]  }
0x264: {  	s6 =	spop (v2sf)  }
0x265: {  	v13 =	vld [tilespmem:s6+$0x13880]  }
0x266: {  	v14 =	vbroadcast v10, $0x0;
	_ =	sdelay $0x1  }
0x267: {  	v12 =	vmul.f32 v12, v14;
	_ =	sdelay $0x1  }
0x268: {  	v12 =	vmax.f32 v13, v12  }
0x269: {  	[tilespmem:s6+$0x13880] =	vst v12  }
0x26a: {  	v12 =	vld [tilespmem:s15+$0xFFFFFD20];
	_ =	sdelay $0x1  }
0x26b: {  	v51 =	vld [tilespmem:s6+$0x13890];
	_ =	sdelay $0x1  }
0x26c: {  	(v2sf) =	vpush v11, $0x1  }
0x26d: {  	v12 =	vmul.f32 v12, v14;
	_ =	sdelay $0x1  }
0x26e: {  	v12 =	vmax.f32 v51, v12  }
0x26f: {  	[tilespmem:s6+$0x13890] =	vst v12  }
0x270: {  	v12 =	vld [tilespmem:s15+$0xFFFFFD30];
	_ =	sdelay $0x1  }
0x271: {  	v52 =	vld [tilespmem:s6+$0x138A0];
	_ =	sdelay $0x2  }
0x272: {  	v12 =	vmul.f32 v12, v14;
	_ =	sdelay $0x1  }
0x273: {  	v12 =	vmax.f32 v52, v12  }
0x274: {  	[tilespmem:s6+$0x138A0] =	vst v12  }
0x275: {  	v12 =	vld [tilespmem:s15+$0xFFFFFD40]  }
0x276: {  	s6 =	spop (v2sf)  }
0x277: {  	v53 =	vld [tilespmem:s6+$0x13880]  }
0x278: {  	v54 =	vbroadcast v10, $0x1;
	_ =	sdelay $0x1  }
0x279: {  	v12 =	vmul.f32 v12, v54;
	_ =	sdelay $0x1  }
0x27a: {  	v12 =	vmax.f32 v53, v12  }
0x27b: {  	[tilespmem:s6+$0x13880] =	vst v12  }
0x27c: {  	v12 =	vld [tilespmem:s15+$0xFFFFFD50];
	_ =	sdelay $0x1  }
0x27d: {  	v55 =	vld [tilespmem:s6+$0x13890];
	_ =	sdelay $0x1  }
0x27e: {  	(v2sf) =	vpush v11, $0x2  }
0x27f: {  	v12 =	vmul.f32 v12, v54;
	_ =	sdelay $0x1  }
0x280: {  	v12 =	vmax.f32 v55, v12  }
0x281: {  	[tilespmem:s6+$0x13890] =	vst v12  }
0x282: {  	v12 =	vld [tilespmem:s15+$0xFFFFFD60];
	_ =	sdelay $0x1  }
0x283: {  	v56 =	vld [tilespmem:s6+$0x138A0];
	_ =	sdelay $0x2  }
0x284: {  	v12 =	vmul.f32 v12, v54;
	_ =	sdelay $0x1  }
0x285: {  	v12 =	vmax.f32 v56, v12  }
0x286: {  	[tilespmem:s6+$0x138A0] =	vst v12  }
0x287: {  	v12 =	vld [tilespmem:s15+$0xFFFFFD70]  }
0x288: {  	s6 =	spop (v2sf)  }
0x289: {  	v57 =	vld [tilespmem:s6+$0x13880]  }
0x28a: {  	v58 =	vbroadcast v10, $0x2;
	_ =	sdelay $0x1  }
0x28b: {  	v12 =	vmul.f32 v12, v58;
	_ =	sdelay $0x1  }
0x28c: {  	v12 =	vmax.f32 v57, v12  }
0x28d: {  	[tilespmem:s6+$0x13880] =	vst v12  }
0x28e: {  	v12 =	vld [tilespmem:s15+$0xFFFFFD80];
	_ =	sdelay $0x1  }
0x28f: {  	v59 =	vld [tilespmem:s6+$0x13890];
	_ =	sdelay $0x1  }
0x290: {  	(v2sf) =	vpush v11, $0x3  }
0x291: {  	v12 =	vmul.f32 v12, v58;
	_ =	sdelay $0x1  }
0x292: {  	v12 =	vmax.f32 v59, v12  }
0x293: {  	[tilespmem:s6+$0x13890] =	vst v12  }
0x294: {  	v12 =	vld [tilespmem:s15+$0xFFFFFD90];
	_ =	sdelay $0x1  }
0x295: {  	v60 =	vld [tilespmem:s6+$0x138A0];
	_ =	sdelay $0x2  }
0x296: {  	v12 =	vmul.f32 v12, v58;
	_ =	sdelay $0x1  }
0x297: {  	v12 =	vmax.f32 v60, v12  }
0x298: {  	[tilespmem:s6+$0x138A0] =	vst v12  }
0x299: {  	v12 =	vld [tilespmem:s15+$0xFFFFFDA0]  }
0x29a: {  	s6 =	spop (v2sf)  }
0x29b: {  	v61 =	vld [tilespmem:s6+$0x13880]  }
0x29c: {  	v62 =	vbroadcast v10, $0x3;
	_ =	sdelay $0x1  }
0x29d: {  	v12 =	vmul.f32 v12, v62;
	_ =	sdelay $0x1  }
0x29e: {  	v12 =	vmax.f32 v61, v12  }
0x29f: {  	[tilespmem:s6+$0x13880] =	vst v12  }
0x2a0: {  	v12 =	vld [tilespmem:s15+$0xFFFFFDB0];
	_ =	sdelay $0x1  }
0x2a1: {  	v63 =	vld [tilespmem:s6+$0x13890];
	_ =	sdelay $0x1  }
0x2a2: {  	(v2sf) =	vpush v11, $0x4  }
0x2a3: {  	v12 =	vmul.f32 v12, v62;
	_ =	sdelay $0x1  }
0x2a4: {  	v12 =	vmax.f32 v63, v12  }
0x2a5: {  	[tilespmem:s6+$0x13890] =	vst v12  }
0x2a6: {  	v12 =	vld [tilespmem:s15+$0xFFFFFDC0];
	_ =	sdelay $0x1  }
0x2a7: {  	v16 =	vld [tilespmem:s6+$0x138A0];
	_ =	sdelay $0x2  }
0x2a8: {  	v12 =	vmul.f32 v12, v62;
	_ =	sdelay $0x1  }
0x2a9: {  	v12 =	vmax.f32 v16, v12  }
0x2aa: {  	[tilespmem:s6+$0x138A0] =	vst v12  }
0x2ab: {  	v12 =	vld [tilespmem:s15+$0xFFFFFDD0]  }
0x2ac: {  	s6 =	spop (v2sf)  }
0x2ad: {  	v17 =	vld [tilespmem:s6+$0x13880]  }
0x2ae: {  	v18 =	vbroadcast v10, $0x4;
	_ =	sdelay $0x1  }
0x2af: {  	v12 =	vmul.f32 v12, v18;
	_ =	sdelay $0x1  }
0x2b0: {  	v12 =	vmax.f32 v17, v12  }
0x2b1: {  	[tilespmem:s6+$0x13880] =	vst v12  }
0x2b2: {  	v12 =	vld [tilespmem:s15+$0xFFFFFDE0];
	_ =	sdelay $0x1  }
0x2b3: {  	v19 =	vld [tilespmem:s6+$0x13890];
	_ =	sdelay $0x1  }
0x2b4: {  	(v2sf) =	vpush v11, $0x5  }
0x2b5: {  	v12 =	vmul.f32 v12, v18;
	_ =	sdelay $0x1  }
0x2b6: {  	v12 =	vmax.f32 v19, v12  }
0x2b7: {  	[tilespmem:s6+$0x13890] =	vst v12  }
0x2b8: {  	v12 =	vld [tilespmem:s15+$0xFFFFFDF0];
	_ =	sdelay $0x1  }
0x2b9: {  	v20 =	vld [tilespmem:s6+$0x138A0];
	_ =	sdelay $0x2  }
0x2ba: {  	v12 =	vmul.f32 v12, v18;
	_ =	sdelay $0x1  }
0x2bb: {  	v12 =	vmax.f32 v20, v12  }
0x2bc: {  	[tilespmem:s6+$0x138A0] =	vst v12  }
0x2bd: {  	v12 =	vld [tilespmem:s15+$0xFFFFFE00]  }
0x2be: {  	s6 =	spop (v2sf)  }
0x2bf: {  	v21 =	vld [tilespmem:s6+$0x13880]  }
0x2c0: {  	v22 =	vbroadcast v10, $0x5;
	_ =	sdelay $0x1  }
0x2c1: {  	v12 =	vmul.f32 v12, v22;
	_ =	sdelay $0x1  }
0x2c2: {  	v12 =	vmax.f32 v21, v12  }
0x2c3: {  	[tilespmem:s6+$0x13880] =	vst v12  }
0x2c4: {  	v12 =	vld [tilespmem:s15+$0xFFFFFE10];
	_ =	sdelay $0x1  }
0x2c5: {  	v23 =	vld [tilespmem:s6+$0x13890];
	_ =	sdelay $0x1  }
0x2c6: {  	(v2sf) =	vpush v11, $0x6  }
0x2c7: {  	v12 =	vmul.f32 v12, v22;
	_ =	sdelay $0x1  }
0x2c8: {  	v12 =	vmax.f32 v23, v12  }
0x2c9: {  	[tilespmem:s6+$0x13890] =	vst v12  }
0x2ca: {  	v12 =	vld [tilespmem:s15+$0xFFFFFE20];
	_ =	sdelay $0x1  }
0x2cb: {  	v24 =	vld [tilespmem:s6+$0x138A0];
	_ =	sdelay $0x2  }
0x2cc: {  	v12 =	vmul.f32 v12, v22;
	_ =	sdelay $0x1  }
0x2cd: {  	v12 =	vmax.f32 v24, v12  }
0x2ce: {  	[tilespmem:s6+$0x138A0] =	vst v12  }
0x2cf: {  	v12 =	vld [tilespmem:s15+$0xFFFFFE30]  }
0x2d0: {  	s6 =	spop (v2sf)  }
0x2d1: {  	v25 =	vld [tilespmem:s6+$0x13880]  }
0x2d2: {  	v26 =	vbroadcast v10, $0x6;
	_ =	sdelay $0x1  }
0x2d3: {  	v12 =	vmul.f32 v12, v26;
	_ =	sdelay $0x1  }
0x2d4: {  	v12 =	vmax.f32 v25, v12  }
0x2d5: {  	[tilespmem:s6+$0x13880] =	vst v12  }
0x2d6: {  	v12 =	vld [tilespmem:s15+$0xFFFFFE40];
	_ =	sdelay $0x1  }
0x2d7: {  	v27 =	vld [tilespmem:s6+$0x13890];
	_ =	sdelay $0x1  }
0x2d8: {  	(v2sf) =	vpush v11, $0x7  }
0x2d9: {  	v12 =	vmul.f32 v12, v26;
	_ =	sdelay $0x1  }
0x2da: {  	v12 =	vmax.f32 v27, v12  }
0x2db: {  	[tilespmem:s6+$0x13890] =	vst v12  }
0x2dc: {  	v12 =	vld [tilespmem:s15+$0xFFFFFE50];
	_ =	sdelay $0x1  }
0x2dd: {  	v28 =	vld [tilespmem:s6+$0x138A0];
	_ =	sdelay $0x2  }
0x2de: {  	v12 =	vmul.f32 v12, v26;
	_ =	sdelay $0x1  }
0x2df: {  	v12 =	vmax.f32 v28, v12  }
0x2e0: {  	[tilespmem:s6+$0x138A0] =	vst v12  }
0x2e1: {  	v12 =	vld [tilespmem:s15+$0xFFFFFE60]  }
0x2e2: {  	s6 =	spop (v2sf)  }
0x2e3: {  	v29 =	vld [tilespmem:s6+$0x13880]  }
0x2e4: {  	v30 =	vbroadcast v10, $0x7;
	_ =	sdelay $0x1  }
0x2e5: {  	v12 =	vmul.f32 v12, v30;
	_ =	sdelay $0x1  }
0x2e6: {  	v12 =	vmax.f32 v29, v12  }
0x2e7: {  	[tilespmem:s6+$0x13880] =	vst v12  }
0x2e8: {  	v12 =	vld [tilespmem:s15+$0xFFFFFE70];
	_ =	sdelay $0x1  }
0x2e9: {  	v31 =	vld [tilespmem:s6+$0x13890];
	_ =	sdelay $0x1  }
0x2ea: {  	(v2sf) =	vpush v11, $0x8  }
0x2eb: {  	v12 =	vmul.f32 v12, v30;
	_ =	sdelay $0x1  }
0x2ec: {  	v12 =	vmax.f32 v31, v12  }
0x2ed: {  	[tilespmem:s6+$0x13890] =	vst v12  }
0x2ee: {  	v12 =	vld [tilespmem:s15+$0xFFFFFE80];
	_ =	sdelay $0x1  }
0x2ef: {  	v32 =	vld [tilespmem:s6+$0x138A0];
	_ =	sdelay $0x2  }
0x2f0: {  	v12 =	vmul.f32 v12, v30;
	_ =	sdelay $0x1  }
0x2f1: {  	v12 =	vmax.f32 v32, v12  }
0x2f2: {  	[tilespmem:s6+$0x138A0] =	vst v12  }
0x2f3: {  	v12 =	vld [tilespmem:s15+$0xFFFFFE90]  }
0x2f4: {  	s6 =	spop (v2sf)  }
0x2f5: {  	v33 =	vld [tilespmem:s6+$0x13880]  }
0x2f6: {  	v34 =	vbroadcast v10, $0x8;
	_ =	sdelay $0x1  }
0x2f7: {  	v12 =	vmul.f32 v12, v34;
	_ =	sdelay $0x1  }
0x2f8: {  	v12 =	vmax.f32 v33, v12  }
0x2f9: {  	[tilespmem:s6+$0x13880] =	vst v12  }
0x2fa: {  	v12 =	vld [tilespmem:s15+$0xFFFFFEA0];
	_ =	sdelay $0x1  }
0x2fb: {  	v35 =	vld [tilespmem:s6+$0x13890];
	_ =	sdelay $0x1  }
0x2fc: {  	(v2sf) =	vpush v11, $0x9  }
0x2fd: {  	v12 =	vmul.f32 v12, v34;
	_ =	sdelay $0x1  }
0x2fe: {  	v12 =	vmax.f32 v35, v12  }
0x2ff: {  	[tilespmem:s6+$0x13890] =	vst v12  }
0x300: {  	v12 =	vld [tilespmem:s15+$0xFFFFFEB0];
	_ =	sdelay $0x1  }
0x301: {  	v36 =	vld [tilespmem:s6+$0x138A0];
	_ =	sdelay $0x2  }
0x302: {  	v12 =	vmul.f32 v12, v34;
	_ =	sdelay $0x1  }
0x303: {  	v12 =	vmax.f32 v36, v12  }
0x304: {  	[tilespmem:s6+$0x138A0] =	vst v12  }
0x305: {  	v12 =	vld [tilespmem:s15+$0xFFFFFEC0]  }
0x306: {  	s6 =	spop (v2sf)  }
0x307: {  	v37 =	vld [tilespmem:s6+$0x13880]  }
0x308: {  	v38 =	vbroadcast v10, $0x9;
	_ =	sdelay $0x1  }
0x309: {  	v12 =	vmul.f32 v12, v38;
	_ =	sdelay $0x1  }
0x30a: {  	v12 =	vmax.f32 v37, v12  }
0x30b: {  	[tilespmem:s6+$0x13880] =	vst v12  }
0x30c: {  	v12 =	vld [tilespmem:s15+$0xFFFFFED0];
	_ =	sdelay $0x1  }
0x30d: {  	v39 =	vld [tilespmem:s6+$0x13890];
	_ =	sdelay $0x1  }
0x30e: {  	(v2sf) =	vpush v11, $0xA  }
0x30f: {  	v12 =	vmul.f32 v12, v38;
	_ =	sdelay $0x1  }
0x310: {  	v12 =	vmax.f32 v39, v12  }
0x311: {  	[tilespmem:s6+$0x13890] =	vst v12  }
0x312: {  	v12 =	vld [tilespmem:s15+$0xFFFFFEE0];
	_ =	sdelay $0x1  }
0x313: {  	v40 =	vld [tilespmem:s6+$0x138A0];
	_ =	sdelay $0x2  }
0x314: {  	v12 =	vmul.f32 v12, v38;
	_ =	sdelay $0x1  }
0x315: {  	v12 =	vmax.f32 v40, v12  }
0x316: {  	[tilespmem:s6+$0x138A0] =	vst v12  }
0x317: {  	v12 =	vld [tilespmem:s15+$0xFFFFFEF0]  }
0x318: {  	s6 =	spop (v2sf)  }
0x319: {  	v41 =	vld [tilespmem:s6+$0x13880]  }
0x31a: {  	v42 =	vbroadcast v10, $0xA;
	_ =	sdelay $0x1  }
0x31b: {  	v12 =	vmul.f32 v12, v42;
	_ =	sdelay $0x1  }
0x31c: {  	v12 =	vmax.f32 v41, v12  }
0x31d: {  	[tilespmem:s6+$0x13880] =	vst v12  }
0x31e: {  	v12 =	vld [tilespmem:s15+$0xFFFFFF00];
	_ =	sdelay $0x1  }
0x31f: {  	v43 =	vld [tilespmem:s6+$0x13890];
	_ =	sdelay $0x1  }
0x320: {  	(v2sf) =	vpush v11, $0xB  }
0x321: {  	v12 =	vmul.f32 v12, v42;
	_ =	sdelay $0x1  }
0x322: {  	v12 =	vmax.f32 v43, v12  }
0x323: {  	[tilespmem:s6+$0x13890] =	vst v12  }
0x324: {  	v12 =	vld [tilespmem:s15+$0xFFFFFF10];
	_ =	sdelay $0x1  }
0x325: {  	v44 =	vld [tilespmem:s6+$0x138A0];
	_ =	sdelay $0x2  }
0x326: {  	v12 =	vmul.f32 v12, v42;
	_ =	sdelay $0x1  }
0x327: {  	v12 =	vmax.f32 v44, v12  }
0x328: {  	[tilespmem:s6+$0x138A0] =	vst v12  }
0x329: {  	v12 =	vld [tilespmem:s15+$0xFFFFFF20]  }
0x32a: {  	s6 =	spop (v2sf)  }
0x32b: {  	v45 =	vld [tilespmem:s6+$0x13880]  }
0x32c: {  	v46 =	vbroadcast v10, $0xB;
	_ =	sdelay $0x1  }
0x32d: {  	v12 =	vmul.f32 v12, v46;
	_ =	sdelay $0x1  }
0x32e: {  	v12 =	vmax.f32 v45, v12  }
0x32f: {  	[tilespmem:s6+$0x13880] =	vst v12  }
0x330: {  	v12 =	vld [tilespmem:s15+$0xFFFFFF30];
	_ =	sdelay $0x1  }
0x331: {  	v47 =	vld [tilespmem:s6+$0x13890];
	_ =	sdelay $0x1  }
0x332: {  	(v2sf) =	vpush v11, $0xC  }
0x333: {  	v12 =	vmul.f32 v12, v46;
	_ =	sdelay $0x1  }
0x334: {  	v12 =	vmax.f32 v47, v12  }
0x335: {  	[tilespmem:s6+$0x13890] =	vst v12  }
0x336: {  	v12 =	vld [tilespmem:s15+$0xFFFFFF40];
	_ =	sdelay $0x1  }
0x337: {  	v48 =	vld [tilespmem:s6+$0x138A0];
	_ =	sdelay $0x2  }
0x338: {  	v12 =	vmul.f32 v12, v46;
	_ =	sdelay $0x1  }
0x339: {  	v12 =	vmax.f32 v48, v12  }
0x33a: {  	[tilespmem:s6+$0x138A0] =	vst v12  }
0x33b: {  	v12 =	vld [tilespmem:s15+$0xFFFFFF50]  }
0x33c: {  	s6 =	spop (v2sf)  }
0x33d: {  	v49 =	vld [tilespmem:s6+$0x13880]  }
0x33e: {  	v50 =	vbroadcast v10, $0xC;
	_ =	sdelay $0x1  }
0x33f: {  	v12 =	vmul.f32 v12, v50;
	_ =	sdelay $0x1  }
0x340: {  	v12 =	vmax.f32 v49, v12  }
0x341: {  	[tilespmem:s6+$0x13880] =	vst v12  }
0x342: {  	v12 =	vld [tilespmem:s15+$0xFFFFFF60];
	_ =	sdelay $0x1  }
0x343: {  	v51 =	vld [tilespmem:s6+$0x13890];
	_ =	sdelay $0x1  }
0x344: {  	(v2sf) =	vpush v11, $0xD  }
0x345: {  	v12 =	vmul.f32 v12, v50;
	_ =	sdelay $0x1  }
0x346: {  	v12 =	vmax.f32 v51, v12  }
0x347: {  	[tilespmem:s6+$0x13890] =	vst v12  }
0x348: {  	v12 =	vld [tilespmem:s15+$0xFFFFFF70];
	_ =	sdelay $0x1  }
0x349: {  	v52 =	vld [tilespmem:s6+$0x138A0];
	_ =	sdelay $0x2  }
0x34a: {  	v12 =	vmul.f32 v12, v50;
	_ =	sdelay $0x1  }
0x34b: {  	v12 =	vmax.f32 v52, v12  }
0x34c: {  	[tilespmem:s6+$0x138A0] =	vst v12  }
0x34d: {  	v12 =	vld [tilespmem:s15+$0xFFFFFF80]  }
0x34e: {  	s6 =	spop (v2sf)  }
0x34f: {  	v53 =	vld [tilespmem:s6+$0x13880]  }
0x350: {  	v54 =	vbroadcast v10, $0xD;
	_ =	sdelay $0x1  }
0x351: {  	v12 =	vmul.f32 v12, v54;
	_ =	sdelay $0x1  }
0x352: {  	v12 =	vmax.f32 v53, v12  }
0x353: {  	[tilespmem:s6+$0x13880] =	vst v12  }
0x354: {  	v12 =	vld [tilespmem:s15+$0xFFFFFF90];
	_ =	sdelay $0x1  }
0x355: {  	v55 =	vld [tilespmem:s6+$0x13890];
	_ =	sdelay $0x1  }
0x356: {  	(v2sf) =	vpush v11, $0xE  }
0x357: {  	v12 =	vmul.f32 v12, v54;
	_ =	sdelay $0x1  }
0x358: {  	v12 =	vmax.f32 v55, v12  }
0x359: {  	[tilespmem:s6+$0x13890] =	vst v12  }
0x35a: {  	v12 =	vld [tilespmem:s15+$0xFFFFFFA0];
	_ =	sdelay $0x1  }
0x35b: {  	v56 =	vld [tilespmem:s6+$0x138A0];
	_ =	sdelay $0x2  }
0x35c: {  	v12 =	vmul.f32 v12, v54;
	_ =	sdelay $0x1  }
0x35d: {  	v12 =	vmax.f32 v56, v12  }
0x35e: {  	[tilespmem:s6+$0x138A0] =	vst v12  }
0x35f: {  	v12 =	vld [tilespmem:s15+$0xFFFFFFB0]  }
0x360: {  	s6 =	spop (v2sf)  }
0x361: {  	v57 =	vld [tilespmem:s6+$0x13880]  }
0x362: {  	v58 =	vbroadcast v10, $0xE;
	_ =	sdelay $0x1  }
0x363: {  	v12 =	vmul.f32 v12, v58;
	_ =	sdelay $0x1  }
0x364: {  	v12 =	vmax.f32 v57, v12  }
0x365: {  	[tilespmem:s6+$0x13880] =	vst v12  }
0x366: {  	v12 =	vld [tilespmem:s15+$0xFFFFFFC0];
	_ =	sdelay $0x1  }
0x367: {  	v59 =	vld [tilespmem:s6+$0x13890];
	_ =	sdelay $0x1  }
0x368: {  	(v2sf) =	vpush v11, $0xF  }
0x369: {  	v11 =	vmul.f32 v12, v58;
	_ =	sdelay $0x1  }
0x36a: {  	v11 =	vmax.f32 v59, v11  }
0x36b: {  	[tilespmem:s6+$0x13890] =	vst v11  }
0x36c: {  	v11 =	vld [tilespmem:s15+$0xFFFFFFD0];
	_ =	sdelay $0x1  }
0x36d: {  	v60 =	vld [tilespmem:s6+$0x138A0];
	_ =	sdelay $0x2  }
0x36e: {  	v11 =	vmul.f32 v11, v58;
	_ =	sdelay $0x1  }
0x36f: {  	v11 =	vmax.f32 v60, v11  }
0x370: {  	[tilespmem:s6+$0x138A0] =	vst v11  }
0x371: {  	v11 =	vld [tilespmem:s15+$0xFFFFFFE0]  }
0x372: {  	s6 =	spop (v2sf)  }
0x373: {  	v61 =	vld [tilespmem:s6+$0x13880]  }
0x374: {  	v10 =	vbroadcast v10, $0xF;
	_ =	sdelay $0x1  }
0x375: {  	v11 =	vmul.f32 v11, v10;
	_ =	sdelay $0x1  }
0x376: {  	v11 =	vmax.f32 v61, v11  }
0x377: {  	[tilespmem:s6+$0x13880] =	vst v11  }
0x378: {  	v11 =	vld [tilespmem:s15+$0xFFFFFFF0];
	_ =	sdelay $0x1  }
0x379: {  	v62 =	vld [tilespmem:s6+$0x13890];
	_ =	sdelay $0x2  }
0x37a: {  	v11 =	vmul.f32 v11, v10;
	_ =	sdelay $0x1  }
0x37b: {  	v11 =	vmax.f32 v62, v11  }
0x37c: {  	[tilespmem:s6+$0x13890] =	vst v11  }
0x37d: {  	v11 =	vld [tilespmem:s15+$0x0];
	_ =	sdelay $0x1  }
0x37e: {  	v63 =	vld [tilespmem:s6+$0x138A0]  }
0x37f: {  	p3 =	sne.s32 s14, $0x1C0  }
.Ltmp18:
0x380: {  	_ = 	snop;
	(pc) =	sbr.rel @p3 .LBB2_28-.Ltmp18, $3  }
0x381: {  	v10 =	vmul.f32 v11, v10;
	_ =	sdelay $0x1  }
0x382: {  	v10 =	vmax.f32 v63, v10  }
0x383: {  	s5 =	sadd.s32 $0x10, s5;
	s14 =	sadd.s32 $0x40, s14;
	s15 =	sadd.s32 $0x300, s15;
	[tilespmem:s6+$0x138A0] =	vst v10  }
.Ltmp19:
0x384: {  	_ = 	snop;
	(pc) =	sbr.rel .LBB2_29-.Ltmp19, $1  }
0x385: {  	_ =	sdelay $0x3  }
.LBB2_30:
0x386: {  	s1 =	simm.s32 $0x0  }
0x387: {  	v7 =	vld [tilespmem:s1+$0x13880];
	_ =	sdelay $0x1  }
0x388: {  	v8 =	vld [tilespmem:$0x1F6F0];
	_ =	sdelay $0x2  }
0x389: {  	vm0 =	vlt.f32 v7, $-9.999999930e+36  }
0x38a: {  	v7 =	vsel vm0, $0x0, v7  }
0x38b: {  	v7 =	vadd.f32 v7, v8;
	_ =	sdelay $0x1  }
0x38c: {  	v8 =	vld [tilespmem:s1+$0x13890];
	v7 =	vmax.f32 v7, $0.0e+00  }
0x38d: {  	[tilespmem:s1+$0x13880] =	vst v7  }
0x38e: {  	v7 =	vld [tilespmem:$0x1F700];
	_ =	sdelay $0x2  }
0x38f: {  	vm14 =	vlt.f32 v8, $-9.999999930e+36  }
0x390: {  	v8 =	vsel vm14, $0x0, v8  }
0x391: {  	v7 =	vadd.f32 v8, v7;
	_ =	sdelay $0x1  }
0x392: {  	v8 =	vld [tilespmem:s1+$0x138A0];
	v7 =	vmax.f32 v7, $0.0e+00  }
0x393: {  	[tilespmem:s1+$0x13890] =	vst v7  }
0x394: {  	v7 =	vld [tilespmem:$0x1F710];
	_ =	sdelay $0x2  }
0x395: {  	vm15 =	vlt.f32 v8, $-9.999999930e+36  }
0x396: {  	v8 =	vsel vm15, $0x0, v8  }
0x397: {  	v7 =	vadd.f32 v8, v7  }
0x398: {  	s2 =	simm.s32 $0x0;
	s5 =	simm.s32 $0x30;
	s4 =	simm.s32 $0x180  }
.LBB2_31:
0x399: {  	p3 =	sne.s32 s4, $0xEF40;
	v8 =	vld [tilespmem:s5+$0x13880];
	v7 =	vmax.f32 v7, $0.0e+00  }
0x39a: {  	[tilespmem:s1+$0x138A0] =	vst v7;
	s1 =	smov.u32 s5  }
0x39b: {  	v7 =	vld [tilespmem:$0x1F6F0];
	_ =	sdelay $0x2  }
0x39c: {  	vm0 =	vlt.f32 v8, $-9.999999930e+36  }
0x39d: {  	v8 =	vsel vm0, $0x0, v8  }
0x39e: {  	v7 =	vadd.f32 v8, v7;
	_ =	sdelay $0x1  }
0x39f: {  	v7 =	vmax.f32 v7, $0.0e+00;
	v8 =	vld [tilespmem:s1+$0x13890]  }
0x3a0: {  	[tilespmem:s1+$0x13880] =	vst v7  }
0x3a1: {  	v7 =	vld [tilespmem:$0x1F700];
	_ =	sdelay $0x2  }
0x3a2: {  	vm0 =	vlt.f32 v8, $-9.999999930e+36  }
0x3a3: {  	v8 =	vsel vm0, $0x0, v8  }
0x3a4: {  	v7 =	vadd.f32 v8, v7;
	_ =	sdelay $0x1  }
0x3a5: {  	v7 =	vmax.f32 v7, $0.0e+00;
	v8 =	vld [tilespmem:s1+$0x138A0]  }
0x3a6: {  	[tilespmem:s1+$0x13890] =	vst v7  }
0x3a7: {  	v7 =	vld [tilespmem:$0x1F710];
	_ =	sdelay $0x1  }
.Ltmp20:
0x3a8: {  	(pc) =	sbr.rel @p3 .LBB2_31-.Ltmp20, $4  }
0x3a9: {  	vm0 =	vlt.f32 v8, $-9.999999930e+36  }
0x3aa: {  	v8 =	vsel vm0, $0x0, v8  }
0x3ab: {  	v7 =	vadd.f32 v8, v7  }
0x3ac: {  	s5 =	sshra.s32 s4, $0x2;
	s4 =	sadd.s32 $0xC0, s4  }
0x3ad: {  	v8 =	vld [tilespmem:s5+$0x13880];
	v7 =	vmax.f32 v7, $0.0e+00  }
0x3ae: {  	[tilespmem:s1+$0x138A0] =	vst v7  }
0x3af: {  	v7 =	vld [tilespmem:$0x1F6F0];
	_ =	sdelay $0x2  }
0x3b0: {  	vm0 =	vlt.f32 v8, $-9.999999930e+36  }
0x3b1: {  	v8 =	vsel vm0, $0x0, v8  }
0x3b2: {  	v7 =	vadd.f32 v8, v7;
	_ =	sdelay $0x1  }
0x3b3: {  	v8 =	vld [tilespmem:s5+$0x13890];
	v7 =	vmax.f32 v7, $0.0e+00  }
0x3b4: {  	[tilespmem:s5+$0x13880] =	vst v7  }
0x3b5: {  	v7 =	vld [tilespmem:$0x1F700];
	_ =	sdelay $0x2  }
0x3b6: {  	vm14 =	vlt.f32 v8, $-9.999999930e+36  }
0x3b7: {  	v8 =	vsel vm14, $0x0, v8  }
0x3b8: {  	v7 =	vadd.f32 v8, v7  }
0x3b9: {  	v8 =	vor.u32 s2, v2  }
0x3ba: {  	v9 =	vld [tilespmem:s5+$0x138A0];
	v10 =	vmul.u32 $0xCCCD, v8;
	v7 =	vmax.f32 v7, $0.0e+00  }
0x3bb: {  	[tilespmem:s5+$0x13890] =	vst v7  }
0x3bc: {  	v10 =	vshrl.u32 v10, $0x12;
	v7 =	vld [tilespmem:$0x1F710]  }
0x3bd: {  	v10 =	vand.u32 $0x1FF8, v10  }
0x3be: {  	s14 =	simm.s32 $0x10;
	v8 =	vadd.s32 v8, v10  }
0x3bf: {  	vm15 =	vlt.f32 v9, $-9.999999930e+36;
	v10 =	vor.u32 s14, v2;
	v8 =	vand.u32 $0xFFFFFFF8, v8  }
0x3c0: {  	v9 =	vsel vm15, $0x0, v9;
	v11 =	vmul.u32 $0xCCCD, v10;
	v8 =	vor.u32 v5, v8  }
0x3c1: {  	v7 =	vadd.f32 v9, v7  }
0x3c2: {  	v9 =	vshrl.u32 v11, $0x12  }
0x3c3: {  	v9 =	vand.u32 $0x1FF8, v9;
	v7 =	vmax.f32 v7, $0.0e+00  }
0x3c4: {  	s15 =	simm.s32 $0x20;
	[tilespmem:s5+$0x138A0] =	vst v7;
	v7 =	vadd.s32 v10, v9  }
0x3c5: {  	v9 =	vor.u32 s15, v2;
	v8 =	vld.idx.msk [tilespmem:v8+s25+$0x0], $0xffff;
	v7 =	vand.u32 $0xFFFFFFF8, v7  }
0x3c6: {  	v10 =	vmul.u32 $0xCCCD, v9;
	v7 =	vor.u32 v5, v7;
	_ =	sdelay $0x1  }
0x3c7: {  	v10 =	vshrl.u32 v10, $0x12  }
0x3c8: {  	s1 =	simm.s32 $0x174B0;
	v10 =	vand.u32 $0x1FF8, v10  }
0x3c9: {  	v9 =	vadd.s32 v9, v10;
	[tilespmem:s1+$0x0] =	vst v8  }
0x3ca: {  	s26 =	simm.s32 $0x30;
	v9 =	vand.u32 $0xFFFFFFF8, v9;
	v7 =	vld.idx.msk [tilespmem:v7+s25+$0x0], $0xffff  }
0x3cb: {  	s2 =	simm.s32 $0x40;
	v8 =	vor.u32 s26, v2;
	v9 =	vor.u32 v5, v9  }
.LBB2_33:
0x3cc: {  	p3 =	sne.s32 s2, $0x31F0;
	v10 =	vmul.u32 $0xCCCD, v8;
	_ =	sdelay $0x1  }
.Ltmp21:
0x3cd: {  	s1 =	sadd.s32 $0x10, s1;
	v10 =	vshrl.u32 v10, $0x12;
	(pc) =	sbr.rel @p3 .LBB2_33-.Ltmp21, $4  }
0x3ce: {  	v10 =	vand.u32 $0x1FF8, v10;
	[tilespmem:s1+$0x0] =	vst v7  }
0x3cf: {  	v8 =	vadd.s32 v8, v10;
	v7 =	vld.idx.msk [tilespmem:v9+s25+$0x0], $0xffff  }
0x3d0: {  	v9 =	vand.u32 $0xFFFFFFF8, v8  }
0x3d1: {  	v8 =	vor.u32 s2, v2;
	s2 =	sadd.s32 $0x10, s2;
	v9 =	vor.u32 v5, v9  }
0x3d2: {  	v10 =	vmul.u32 $0xCCCD, v8;
	_ =	sdelay $0x1  }
0x3d3: {  	v10 =	vshrl.u32 v10, $0x12  }
0x3d4: {  	s1 =	sadd.s32 $0x10, s1;
	v10 =	vand.u32 $0x1FF8, v10  }
0x3d5: {  	[tilespmem:s1+$0x0] =	vst v7;
	v7 =	vadd.s32 v8, v10  }
0x3d6: {  	v8 =	vld.idx.msk [tilespmem:v9+s25+$0x0], $0xffff;
	v7 =	vand.u32 $0xFFFFFFF8, v7  }
0x3d7: {  	v7 =	vor.u32 v5, v7;
	_ =	sdelay $0x2  }
0x3d8: {  	s1 =	sadd.s32 $0x10, s1  }
0x3d9: {  	[tilespmem:s1+$0x0] =	vst v8  }
0x3da: {  	s2 =	smul.u32 $0x2710, s0;
	v7 =	vld.idx.msk [tilespmem:v7+s25+$0x0], $0xffff;
	_ =	sdelay $0x1  }
0x3db: {  	s2 =	sadd.s32 s10, s2  }
0x3dc: {  	s2 =	smul.u32 $0x5, s2  }
0x3dd: {  	s26 =	rddreg [dreg:$0x1];
	s1 =	sadd.s32 $0x10, s1  }
0x3de: {  	s4 =	simm.s32 @p0 $0x174B0;
	[tilespmem:s1+$0x0] =	vst v7;
	s1 =	sadd.s32 s26, s2;
	s2 =	simm.s32 @p0 $0x0  }
0x3df: {  	[hbm4b:s1+s2] =	stream.linear.scatter @p0 [tilespmem:s4], [sflag:$0x3], $0xC80, $0x38;
	[tilespmem:$0x1F720] =	vst v63  }
0x3e0: {  	s2 =	simm.s32 @p0 $0x3  }
0x3e1: {  	s0 =	sadd.s32 $0x1, s0;
	_ =	swait.ge @p0 [sflag:s2], $0xC80  }
0x3e2: {  	p3 =	sne.s32 s0, $0x5;
	[sflag:s2] =	ssyncset.done @p0 $0x0  }
0x3e3: {  	s4 =	simm.s32 @!p0 $0x174B0;
	[sflag:s2] =	ssyncadd.s32 @p0 $0xFFFFF380;
	s2 =	simm.s32 @!p0 $0x0  }
0x3e4: {  	[hbm4b:s1+s2] =	stream.linear.scatter @!p0 [tilespmem:s4], [sflag:$0x4], $0x3200, $0x38;
	[tilespmem:$0x1F720] =	vst v63  }
.Ltmp22:
0x3e5: {  	_ = 	snop;
	(pc) =	sbr.rel @p3 .LBB2_8-.Ltmp22, $4  }
.Ltmp23:
0x3e6: {  	s1 =	simm.s32 @!p0 $0x4;
	(pc) =	sbr.rel @!p3 .LBB2_35-.Ltmp23, $4  }
0x3e7: {  	_ =	swait.ge @!p0 [sflag:s1], $0x3200  }
0x3e8: {  	[sflag:s1] =	ssyncset.done @!p0 $0x0  }
0x3e9: {  	[sflag:s1] =	ssyncadd.s32 @!p0 $0xFFFFCE00  }
0x3ea: {  	_ = 	snop  }
.LBB2_12:
.Ltmp24:
0x3eb: {  	(pc) =	sbr.rel .LBB2_16-.Ltmp24, $2  }
0x3ec: {  	_ =	sdelay $0x2  }
0x3ed: {  	s5 =	simm.s32 $0x0;
	s9 =	simm.s32 $0xB400;
	p4 =	por $0x0, $0x0  }
.LBB2_17:
.Ltmp25:
0x3ee: {  	(pc) =	sbr.rel .LBB2_21-.Ltmp25, $2  }
0x3ef: {  	_ =	sdelay $0x2  }
0x3f0: {  	s2 =	simm.s32 $0xB400  }
.LBB2_14:
.Ltmp26:
0x3f1: {  	(pc) =	sbr.rel .LBB2_16-.Ltmp26, $2  }
0x3f2: {  	_ =	sdelay $0x2  }
0x3f3: {  	s5 =	simm.s32 $0x0;
	s9 =	simm.s32 $0xB400  }
.LBB2_19:
.Ltmp27:
0x3f4: {  	(pc) =	sbr.rel .LBB2_21-.Ltmp27, $2  }
0x3f5: {  	_ =	sdelay $0x2  }
0x3f6: {  	s2 =	simm.s32 $0xB400  }
.LBB2_36:
0x3f7: {  	_ =	sfence.sel $0x180000  }
0x3f8: {  	[bflag:$0x0] =	sbarrier.arrive $0xFFFF  }
0x3f9: {  	_ =	strace $0x9000004A  }
0x3fa: {  	s0 =	stileid.u32;
	[bflag:$0x2] =	sbarrier.arrive $0xFFFF  }
0x3fb: {  	p0 =	sne.s32 s0, $0x0;
	s0 =	rddreg [dreg:$0x2]  }
0x3fc: {  	s0 =	sadd.s32 @!p0 $0x100000, s0  }
0x3fd: {  	[sflag:s0] =	ssyncadd.tile.s32 @!p0 $0x1;
	_ =	shalt  }
.Lfunc_end2:
_tile_overlayer_lowered:
.L_overlay_start_2:
0x3fe: {  	(tag) =	ssettag $0x2  }
0x3ff: {  	s0 =	rddreg [dreg:$0x0];
	s2 =	stileid.u32  }
0x400: {  	s1 =	rddreg [dreg:$0x1];
	p0 =	sne.s32 s2, $0x0  }
0x401: {  	s3 =	rddreg [dreg:$0x2];
	[bflag:$0x3] =	sbarrier.arrive $0xFFFF;
	s2 =	simm.s32 @!p0 $0x1C03  }
0x402: {  	[timem:s3], [sflag:s2] =	dma.local @!p0 [hbm:s0], s1  }
0x403: {  	s0 =	simm.s32 @!p0 $0x3  }
0x404: {  	_ =	swait.ge @!p0 [sflag:s0], s1  }
0x405: {  	s1 =	ssub.s32 @!p0 $0x0, s1;
	[sflag:s0] =	ssyncset.done @!p0 $0x0  }
0x406: {  	[sflag:s0] =	ssyncadd.s32 @!p0 s1  }
0x407: {  	[bflag:$0x3] =	sbarrier.arrive $0xFFFF  }
0x408: {  	_ =	shalt  }

// kernel: sparse-core-data-format-call.cloned.1.call-start
scs
called_computation_lowered:
.L_overlay_start_0:
0x0: {  	s1 =	sld [smem:$0x3FD9]  }
0x1: {  	s2 =	sld [smem:$0x3FFE];
	_ =	sdelay $0x1  }
0x2: {  	s3 =	srdreg.scid  }
0x3: {  	s0 =	sand.u32 $0x1, s3  }
0x4: {  	s17 =	sshll.u32 s0, $0xA;
	s1 =	sadd.s32 s2, s1  }
0x5: {  	s1 =	sadd.s32 s1, s17  }
0x6: {  	[smem:$0x3FBE] =	sst s1  }
0x7: {  	_ = 	snop  }
0x8: {  	(tm) =	ssettm $0x1  }
0x9: {  	s18 =	sld [smem:$0x3FFB];
	_ =	sdelay $0x3  }
0xa: {  	_ =	strace s18  }
0xb: {  	s1 =	sld [smem:$0x3FFC];
	_ =	sdelay $0x3  }
0xc: {  	_ =	strace s1  }
0xd: {  	s1 =	sld [smem:$0x3FFD];
	_ =	sdelay $0x3  }
0xe: {  	_ =	strace s1  }
0xf: {  	_ =	strace $0x8FFFFFFF  }
0x10: {  	s19 =	sld [smem:$0x3FDB];
	_ =	sdelay $0x1  }
0x11: {  	s20 =	simm.s32 $_scs_section_size  }
0x12: {  	s4 =	simm.s32 $_size__tile_overlayer_lowered;
	s5 =	simm.s32 $_tile_overlayer_lowered  }
0x13: {  	s23 =	simm.s32 $0x1BFF;
	s22 =	sshll.u32 s5, $0x1;
	s1 =	sadd.s32 s20, s19  }
0x14: {  	s6 =	simm.s32 $0x0;
	s21 =	sshll.u32 s4, $0x1;
	s4 =	sadd.s32 s22, s1  }
0x15: {  	[timem:s6], [sflag:s23] =	dma.local [hbm:s4], s21  }
0x16: {  	_ =	swait.ge [sflag:s23], s21  }
0x17: {  	s2 =	ssub.s32 $0x0, s21;
	[sflag:s23] =	ssyncset.done $0x0  }
0x18: {  	[sflag:s23] =	ssyncadd.s32 s2;
	_ =	sdelay $0x1  }
0x19: {  	s24 =	simm.s32 $0x1B8B  }
0x1a: {  	_ =	swait.ge [sflag:s24], $0x1  }
0x1b: {  	[sflag:s24] =	ssyncset.done $0x0  }
0x1c: {  	s26 =	simm.s32 $0x1B8E;
	s25 =	sld [smem:$0x3FFE];
	[sflag:s24] =	ssyncadd.s32 $0xFFFFFFFF  }
0x1d: {  	s27 =	simm.s32 $execute0_lowered;
	[smem:$0x3FD2] =	sst s26  }
0x1e: {  	s4 =	sshll.u32 s27, $0x1;
	_ =	strace $0x80000046;
	[dreg:$0x1] =	wrdreg $0xFFFFFFFF  }
0x1f: {  	s28 =	simm.s32 $_size_execute0_lowered;
	s1 =	sadd.s32 s1, s4;
	[dreg:$0x0] =	wrdreg $0x0  }
0x20: {  	s4 =	sshll.u32 s28, $0x1;
	[dreg:$0x2] =	wrdreg s1  }
0x21: {  	[dreg:$0x3] =	wrdreg s4  }
0x22: {  	[dreg:$0x4] =	wrdreg $0xC0  }
0x23: {  	_ =	task [dreg:s6], $0x5FFFF  }
0x24: {  	[dreg:$0x1] =	wrdreg $0xFFFFFFFF  }
0x25: {  	[dreg:$0x0] =	wrdreg $0x60  }
0x26: {  	[dreg:$0x2] =	wrdreg s25  }
0x27: {  	[dreg:$0x3] =	wrdreg $0x9  }
0x28: {  	_ =	task.clear_ibuf [dreg:s6], $0x4FFFF;
	_ =	strace $0x90000046  }
0x29: {  	s29 =	simm.s32 $0x9;
	_ =	strace $0x80000048  }
0x2a: {  	_ =	swait.ge [sflag:s29], $0x1  }
0x2b: {  	[sflag:s29] =	ssyncadd.s32 $0xFFFFFFFF  }
0x2c: {  	_ =	strace $0x90000048  }
0x2d: {  	_ =	sfence  }
0x2e: {  	s30 =	sld [smem:$0x0];
	_ =	sdelay $0x2  }
0x2f: {  	s31 =	sshll.u32 s3, $0xD;
	s3 =	sshrl.u32 s3, $0x2  }
0x30: {  	s2 =	sand.u32 $0x4000, s31;
	s1 =	sadd.s32 s3, s30  }
0x31: {  	s0 =	sor.u32 s2, s0;
	s1 =	sshll.u32 s1, $0x11  }
0x32: {  	s0 =	sor.u32 s1, s0  }
0x33: {  	s0 =	sadd.s32 $0x8F2B, s0  }
0x34: {  	[sflag:s0] =	ssyncadd.remote.s32 $0x1  }
0x35: {  	_ =	sfence.sel $0xFFFF  }
0x36: {  	[dreg:$0x0] =	wrdreg $0xFFFFFFFF;
	(pc) =	sbr.abs _section_cstart, $3  }
0x37: {  	[dreg:$0x1] =	wrdreg $0xFFFFFFFF  }
0x38: {  	_ =	task.clear_ibuf [dreg:s6], $0x2FFFF;
	_ =	strace $0x9FFFFFFF  }
0x39: {  	(tm) =	ssettm $0x7FFFFFFF  }
tec
execute0_lowered:
.L_overlay_start_1:
0x0: {  	(tag) =	ssettag $0x1  }
0x1: {  	s3 =	stileid.u32  }
0x2: {  	s0 =	srdreg.scid;
	s2 =	rddreg [dreg:$0x0]  }
0x3: {  	_ =	strace $0x80000047;
	s29 =	simm.s32 $0x1;
	s30 =	simm.s32 $0x2  }
0x4: {  	s14 =	simm.s32 $0x0;
	s1 =	sshll.u32 s3, $0x5;
	s0 =	sshll.u32 s0, $0x9  }
0x5: {  	p0 =	por $0x0, $0x0;
	s15 =	simm.s32 $0x0;
	s0 =	sor.u32 s1, s0  }
0x6: {  	s16 =	simm.s32 $0x0;
	s7 =	simm.s32 $0x0;
	s4 =	sand.u32 $0x380, s0  }
0x7: {  	s8 =	simm.s32 $0x0;
	s9 =	simm.s32 $0x0;
	s27 =	ssub.s32 $0x2700, s4  }
0x8: {  	s26 =	sadd.s32 $0x1A00, s2;
	s28 =	sshll.u32 s3, $0x7;
	s0 =	sshrl.u32 s27, $0xA  }
0x9: {  	s2 =	sadd.s32 $0x25E800, s2;
	[dreg:$0x3] =	wrdreg s26;
	s0 =	smul.u32 $0x5, s0  }
.Ltmp0:
0xa: {  	[dreg:$0x4] =	wrdreg s2;
	s1 =	sand.u32 $0x180, s28;
	(pc) =	sbr.rel .LBB1_1-.Ltmp0, $4  }
0xb: {  	s12 =	simm.s32 $0x0;
	s13 =	simm.s32 $0x0;
	[dreg:$0x5] =	wrdreg s1  }
0xc: {  	[sflag:s29] =	ssyncpa.u1 $0x0;
	[dreg:$0x2] =	wrdreg s4;
	s31 =	sadd.s32 $0x5, s0  }
0xd: {  	[sflag:s30] =	ssyncpa.u1 $0x0;
	s6 =	sadd.s32 $0x6, s0;
	[dreg:$0x6] =	wrdreg s31  }
0xe: {  	s11 =	smov.u32 s1;
	s10 =	smov.u32 s4;
	[dreg:$0x7] =	wrdreg s6  }
.LBB1_14:
0xf: {  	s9 =	rddreg [dreg:$0xa]  }
0x10: {  	s8 =	rddreg [dreg:$0x9]  }
0x11: {  	s7 =	rddreg [dreg:$0x8]  }
0x12: {  	s3 =	rddreg [dreg:$0x12]  }
0x13: {  	s4 =	rddreg [dreg:$0x13]  }
0x14: {  	s21 =	rddreg [dreg:$0x14]  }
0x15: {  	s24 =	rddreg [dreg:$0x15]  }
0x16: {  	s5 =	rddreg [dreg:$0x4]  }
0x17: {  	s6 =	rddreg [dreg:$0x7]  }
0x18: {  	s10 =	rddreg [dreg:$0xb]  }
0x19: {  	s11 =	rddreg [dreg:$0xc]  }
0x1a: {  	s12 =	rddreg [dreg:$0xd]  }
0x1b: {  	s13 =	rddreg [dreg:$0xe]  }
0x1c: {  	s14 =	rddreg [dreg:$0xf]  }
0x1d: {  	s15 =	rddreg [dreg:$0x10]  }
0x1e: {  	s31 =	simm.s32 $0x1000;
	s16 =	rddreg [dreg:$0x11];
	p1 =	sgt.s32 s9, $0x7  }
0x1f: {  	s0 =	smov.u32 s9;
	s1 =	smov.u32 s8;
	p2 =	sgt.s32 s7, $0x2690  }
0x20: {  	s2 =	smov.u32 s7;
	s25 =	sshll.u32 s9, $0x7;
	s26 =	sand.u32 $0x78, s8  }
0x21: {  	s27 =	sshll.u32 s8, $0x3;
	s0 =	simm.s32 @!p1 $0x7;
	p1 =	sgt.s32 s8, $0x180  }
0x22: {  	s28 =	sshll.u32 s7, $0x9;
	s2 =	simm.s32 @!p2 $0x2690;
	s1 =	simm.s32 @!p1 $0x180  }
0x23: {  	s0 =	sadd.s32 s3, s0;
	s2 =	sadd.s32 s21, s2;
	s1 =	sadd.s32 s4, s1  }
0x24: {  	s3 =	sadd.s32 $0xFFFFFFF9, s0;
	s0 =	ssub.s32 $0x8, s0;
	s22 =	sadd.s32 $0xFFFFFE80, s1  }
0x25: {  	p1 =	sgt.s32 s3, $0x0;
	s1 =	ssub.s32 $0x200, s1;
	p2 =	sgt.s32 s22, $0x7F  }
0x26: {  	s23 =	sadd.s32 $0xFFFFD970, s2;
	s0 =	simm.s32 @p1 $0x0;
	s1 =	simm.s32 @p2 $0x0  }
0x27: {  	s2 =	ssub.s32 $0x2710, s2;
	p1 =	sgt.s32 s23, $0x7F;
	s0 =	smul.u32 s0, s1  }
0x28: {  	s3 =	sand.u32 $0x380, s25;
	s2 =	simm.s32 @p1 $0x0;
	s1 =	smul.u32 $0x4080, s24  }
0x29: {  	s4 =	sand.u32 $0xC00, s27;
	s0 =	smul.u32 s2, s0;
	s2 =	sor.u32 s26, s3  }
0x2a: {  	s29 =	sand.u32 $0x7, s8;
	s3 =	sadd.s32 s5, s28;
	s2 =	sor.u32 s4, s2  }
0x2b: {  	s1 =	sor.u32 $0x8000, s1;
	s4 =	sshll.u32 s29, $0x12;
	s2 =	sshrl.u32 s2, $0x3  }
0x2c: {  	s0 =	sand.u32 $0x3FFFFFFF, s0;
	s30 =	sor.u32 $0x80, s4;
	s2 =	sadd.s32 s2, s3  }
0x2d: {  	[hbm4b:s2+s30] =	stream.strided.scatter [tilespmem:s1], [sflag:$0x2], s0, s31, s30, $0x20;
	[tilespmem:$0x10100] =	vst v63  }
.LBB1_15:
0x2e: {  	p1 =	slt.u32 s13, $0x2;
	s1 =	smov.u32 s16  }
0x2f: {  	s4 =	smov.u32 s14;
	p2 =	sgt.s32 @!p1 s14, $0x2690;
	s0 =	sshra.s32 @!p1 s14, $0x1F  }
0x30: {  	p3 =	sgt.s32 @!p1 s16, $0x7;
	s2 =	sshra.s32 @!p1 s16, $0x1F;
	s3 =	sshra.s32 @!p1 s15, $0x1F  }
0x31: {  	p2 =	por !p2, p1;
	s0 =	sand.u32 @!p1 s0, s14;
	p3 =	por !p3, p1  }
0x32: {  	s2 =	sand.u32 @!p1 s2, s16;
	s1 =	simm.s32 @p3 $0x7;
	p3 =	sgt.s32 @!p1 s15, $0x180  }
0x33: {  	s1 =	ssub.s32 @!p1 s1, s2;
	p3 =	por !p3, p1;
	s2 =	smov.u32 s15  }
0x34: {  	s3 =	sand.u32 @!p1 s3, s15;
	s5 =	sadd.s32 @!p1 $0xFFFFFFF9, s1;
	s2 =	simm.s32 @p3 $0x180  }
0x35: {  	s4 =	simm.s32 @p2 $0x2690;
	p3 =	sgt.s32 @!p1 s5, $0x0;
	s2 =	ssub.s32 @!p1 s2, s3  }
0x36: {  	s1 =	ssub.s32 @!p1 $0x8, s1;
	p2 =	por !p3, p1;
	s3 =	sadd.s32 @!p1 $0xFFFFFE80, s2  }
0x37: {  	s0 =	ssub.s32 @!p1 s4, s0;
	s1 =	simm.s32 @!p2 $0x0;
	p2 =	sgt.s32 @!p1 s3, $0x7F  }
0x38: {  	s2 =	ssub.s32 @!p1 $0x200, s2;
	s3 =	sadd.s32 @!p1 $0xFFFFD970, s0;
	p2 =	por !p2, p1  }
0x39: {  	s4 =	smov.u32 s11;
	s2 =	simm.s32 @!p2 $0x0;
	p2 =	sgt.s32 @!p1 s3, $0x7F  }
0x3a: {  	s0 =	ssub.s32 @!p1 $0x2710, s0;
	p2 =	por !p2, p1;
	s1 =	smul.u32 @!p1 s1, s2  }
0x3b: {  	s3 =	sadd.s32 $0x200, s11;
	s2 =	sadd.s32 $0x400, s10;
	s0 =	simm.s32 @!p2 $0x0  }
0x3c: {  	p2 =	sgt.s32 s2, $0x270F;
	s0 =	smul.u32 @!p1 s0, s1;
	s1 =	rddreg [dreg:$0x2]  }
0x3d: {  	s4 =	smov.u32 @p2 s3;
	s3 =	simm.s32 @!p1 $0x2;
	s2 =	smov.u32 @p2 s1  }
0x3e: {  	p2 =	sgt.s32 s4, $0x187;
	s1 =	simm.s32 $0x1;
	s0 =	sand.u32 @!p1 $0x3FFFFFFF, s0  }
0x3f: {  	s1 =	simm.s32 @!p2 $0x0;
	_ =	swait.ge @!p1 [sflag:s3], s0  }
0x40: {  	s1 =	sadd.s32 s1, s12;
	s5 =	rddreg [dreg:$0x5]  }
0x41: {  	s4 =	smov.u32 @p2 s5;
	p2 =	sgt.s32 s1, $0x4  }
0x42: {  	s1 =	simm.s32 @p2 $0x0;
	p2 =	sne.s32 s13, s6  }
.Ltmp1:
0x43: {  	p0 =	por !p0, !p0;
	s14 =	smov.u32 s7;
	(pc) =	sbr.rel @!p2 .LBB1_16-.Ltmp1, $4  }
0x44: {  	s16 =	smov.u32 s9;
	s7 =	smov.u32 s10;
	s9 =	smov.u32 s12  }
0x45: {  	s15 =	smov.u32 s8;
	s0 =	ssub.s32 @!p1 $0x0, s0;
	[sflag:s3] =	ssyncset.done @!p1 $0x0  }
0x46: {  	s8 =	smov.u32 s11;
	s10 =	smov.u32 s2;
	[sflag:s3] =	ssyncadd.s32 @!p1 s0  }
0x47: {  	s13 =	sadd.s32 $0x1, s13;
	s11 =	smov.u32 s4;
	s12 =	smov.u32 s1  }
.LBB1_1:
0x48: {  	s0 =	rddreg [dreg:$0x6]  }
0x49: {  	p1 =	sge.u32 s13, s0  }
0x4a: {  	s5 =	smov.u32 s10;
	s0 =	sshrl.u32 @!p1 s11, $0x3  }
0x4b: {  	s1 =	sshll.u32 @!p1 s10, $0x3;
	p2 =	sgt.s32 @!p1 s12, $0x4;
	s0 =	smul.u32 @!p1 $0x13C00, s0  }
0x4c: {  	s2 =	sshra.s32 @!p1 s12, $0x1F;
	s3 =	sshll.u32 @!p1 s11, $0x7;
	s1 =	sand.u32 @!p1 $0xFFFFFC00, s1  }
0x4d: {  	p2 =	por !p2, p1;
	s0 =	sadd.s32 @!p1 s0, s1;
	s1 =	smov.u32 s12  }
0x4e: {  	s2 =	sand.u32 @!p1 s2, s12;
	s3 =	sand.u32 @!p1 $0x380, s3;
	s1 =	simm.s32 @p2 $0x4  }
0x4f: {  	p2 =	sgt.s32 @!p1 s11, $0x108;
	s0 =	sor.u32 @!p1 s3, s0;
	s1 =	ssub.s32 @!p1 s1, s2  }
0x50: {  	s3 =	smov.u32 s11;
	p2 =	por !p2, p1;
	s2 =	sadd.s32 @!p1 $0xFFFFFFFC, s1  }
0x51: {  	s3 =	simm.s32 @p2 $0x108;
	p2 =	sgt.s32 @!p1 s2, $0x0;
	s2 =	sshra.s32 @!p1 s11, $0x1F  }
0x52: {  	s1 =	ssub.s32 @!p1 $0x5, s1;
	p2 =	por !p2, p1;
	s2 =	sand.u32 @!p1 s2, s11  }
0x53: {  	s1 =	simm.s32 @!p2 $0x0;
	s2 =	ssub.s32 @!p1 s3, s2;
	p2 =	sgt.s32 @!p1 s10, $0x2700  }
0x54: {  	s3 =	smulhi.u32 @!p1 $0xCF6474A9, s0;
	s4 =	sadd.s32 @!p1 $0xFFFFFEF8, s2;
	p2 =	por !p2, p1  }
0x55: {  	s5 =	simm.s32 @p2 $0x2700;
	p2 =	sgt.s32 @!p1 s4, $0x7F;
	s4 =	sshra.s32 @!p1 s10, $0x1F  }
0x56: {  	s2 =	ssub.s32 @!p1 $0x188, s2;
	p2 =	por !p2, p1;
	s4 =	sand.u32 @!p1 s4, s10  }
0x57: {  	s3 =	sshrl.u32 @!p1 s3, $0xD;
	s4 =	ssub.s32 @!p1 s5, s4;
	s2 =	simm.s32 @!p2 $0x0  }
0x58: {  	s5 =	sand.u32 @!p1 $0x7F, s10;
	s1 =	smul.u32 @!p1 s1, s2;
	s2 =	sadd.s32 @!p1 $0xFFFFD900, s4  }
0x59: {  	s0 =	sor.u32 @!p1 s5, s0;
	s5 =	smulhi.u32 @!p1 $0xA72F06, s3;
	p2 =	sgt.s32 @!p1 s2, $0x7F  }
0x5a: {  	s4 =	ssub.s32 @!p1 $0x2780, s4;
	s2 =	smulhi.u32 @!p1 $0xCF6474A9, s0;
	p2 =	por !p2, p1  }
0x5b: {  	s5 =	smul.u32 @!p1 $0x188, s5;
	s4 =	simm.s32 @!p2 $0x0  }
0x5c: {  	s2 =	sshrl.u32 @!p1 s2, $0xD;
	s1 =	smul.u32 @!p1 s4, s1;
	s4 =	sxor.u32 @!p1 $0xFFFFFFFF, s13  }
0x5d: {  	s2 =	smul.u32 @!p1 $0x2780, s2;
	s4 =	sshll.u32 @!p1 s4, $0xE  }
0x5e: {  	s3 =	ssub.s32 @!p1 s3, s5;
	s5 =	smul.u32 @!p1 $0x78F80, s12;
	s4 =	sand.u32 @!p1 $0x4000, s4  }
0x5f: {  	s0 =	ssub.s32 @!p1 s0, s2;
	s2 =	smul.u32 @!p1 $0x4F0, s3;
	s3 =	rddreg [dreg:$0x3]  }
0x60: {  	s1 =	sand.u32 @!p1 $0x3FFFFFFF, s1;
	s3 =	sadd.s32 @!p1 s3, s5;
	s5 =	sand.u32 @!p1 $0x7, s0  }
0x61: {  	s0 =	sshrl.u32 @!p1 s0, $0x3;
	s2 =	sadd.s32 @!p1 s2, s3;
	s3 =	sshll.u32 @!p1 s5, $0x12  }
0x62: {  	s0 =	sadd.s32 @!p1 s0, s2;
	s2 =	sor.u32 @!p1 $0x400, s3;
	s3 =	simm.s32 @!p1 $0x13C00  }
0x63: {  	[tilespmem:s4], [sflag:$0x1] =	stream.strided.gather @!p1 [hbm4b:s0+s2], s1, s3, s2, $0x38;
	[tilespmem:$0x10100] =	vst v63  }
0x64: {  	p1 =	seq.s32 s13, $0x0  }
0x65: {  	p2 =	sge.u32 @!p1 s13, s6  }
0x66: {  	p1 =	por p1, p2  }
.Ltmp2:
0x67: {  	_ = 	snop;
	(pc) =	sbr.rel @p1 .LBB1_15-.Ltmp2, $1  }
0x68: {  	_ =	sdelay $0x3  }
0x69: {  	[dreg:$0x11] =	wrdreg s16  }
0x6a: {  	[dreg:$0x10] =	wrdreg s15  }
0x6b: {  	[dreg:$0xf] =	wrdreg s14  }
0x6c: {  	s0 =	ssub.s32 $0x0, s9;
	s1 =	sshra.s32 s9, $0x1F;
	p1 =	sgt.s32 s9, $0x4  }
0x6d: {  	s2 =	smov.u32 s9;
	s23 =	ssub.s32 $0x0, s8;
	s24 =	sshra.s32 s8, $0x1F  }
0x6e: {  	s3 =	smov.u32 s8;
	s27 =	ssub.s32 $0x0, s7;
	s28 =	sshra.s32 s7, $0x1F  }
0x6f: {  	s4 =	sand.u32 s0, s1;
	s2 =	simm.s32 @!p1 $0x4;
	p1 =	sgt.s32 s8, $0x108  }
0x70: {  	s1 =	sand.u32 s23, s24;
	s0 =	sand.u32 s27, s28;
	s2 =	sadd.s32 s4, s2  }
0x71: {  	s3 =	simm.s32 @!p1 $0x108;
	[dreg:$0x13] =	wrdreg s1;
	p1 =	sgt.s32 s7, $0x2700  }
0x72: {  	[dreg:$0x14] =	wrdreg s0;
	s25 =	sadd.s32 $0xFFFFFFFC, s2;
	s1 =	sadd.s32 s1, s3  }
0x73: {  	s3 =	smov.u32 s7;
	s2 =	ssub.s32 $0x5, s2;
	p2 =	sgt.s32 s25, $0x0  }
0x74: {  	s26 =	sadd.s32 $0xFFFFFEF8, s1;
	s3 =	simm.s32 @!p1 $0x2700;
	s1 =	ssub.s32 $0x188, s1  }
0x75: {  	p1 =	sgt.s32 s26, $0x7F;
	s2 =	simm.s32 @p2 $0x0;
	s0 =	sadd.s32 s0, s3  }
0x76: {  	s1 =	simm.s32 @p1 $0x0;
	s29 =	sadd.s32 $0xFFFFD900, s0;
	s0 =	ssub.s32 $0x2780, s0  }
0x77: {  	s1 =	smul.u32 s2, s1;
	p1 =	sgt.s32 s29, $0x7F;
	s2 =	sadd.s32 $0x1, s9  }
0x78: {  	s3 =	sadd.s32 $0x80, s8;
	s0 =	simm.s32 @p1 $0x0;
	p1 =	slt.s32 s2, $0x5  }
0x79: {  	[dreg:$0xd] =	wrdreg s12;
	s2 =	simm.s32 @!p1 $0x5;
	p1 =	slt.s32 s3, $0x188  }
0x7a: {  	[dreg:$0xc] =	wrdreg s11;
	s24 =	ssub.s32 s2, s9;
	s3 =	simm.s32 @!p1 $0x188  }
0x7b: {  	[dreg:$0xb] =	wrdreg s10;
	s25 =	ssub.s32 s3, s8;
	p1 =	slt.s32 s24, $0x1  }
0x7c: {  	[dreg:$0x8] =	wrdreg s7;
	p2 =	slt.s32 @!p1 s25, $0x1  }
0x7d: {  	[dreg:$0xa] =	wrdreg s9;
	s0 =	smul.u32 s0, s1;
	p2 =	por p1, p2  }
.Ltmp3:
0x7e: {  	[dreg:$0x9] =	wrdreg s8;
	(pc) =	sbr.rel @p2 .LBB1_14-.Ltmp3, $4  }
0x7f: {  	s30 =	simm.s32 $0x1;
	[dreg:$0x12] =	wrdreg s4;
	s0 =	sand.u32 $0x3FFFFFFF, s0  }
0x80: {  	s31 =	sand.u32 $0x1, s13;
	_ =	swait.ge [sflag:s30], s0  }
0x81: {  	s0 =	ssub.s32 $0x0, s0;
	[dreg:$0xe] =	wrdreg s13;
	[sflag:s30] =	ssyncset.done $0x0  }
0x82: {  	[dreg:$0x15] =	wrdreg s31;
	[sflag:s30] =	ssyncadd.s32 s0  }
0x83: {  	s2 =	rddreg [dreg:$0x8]  }
0x84: {  	s0 =	sadd.s32 $0x80, s2  }
0x85: {  	p2 =	slt.s32 s0, $0x2710  }
0x86: {  	s1 =	simm.s32 $0x1;
	s0 =	simm.s32 @!p2 $0x2710  }
0x87: {  	s1 =	simm.s32 @!p0 $0x0;
	s0 =	ssub.s32 s0, s2  }
0x88: {  	s1 =	smul.u32 $0x10200, s1;
	s0 =	sadd.s32 $0xF, s0  }
0x89: {  	s23 =	sshrl.u32 s0, $0x8  }
0x8a: {  	s4 =	sshrl.u32 s1, $0x2;
	s3 =	smul.u32 $0x20400, s23  }
.Ltmp4:
0x8b: {  	s29 =	sor.u32 $0x8000, s4;
	(pc) =	sbr.rel .LBB1_4-.Ltmp4, $4  }
0x8c: {  	s26 =	sand.u32 $0xFFFFFFF0, s0;
	s27 =	sand.u32 @!p1 $0xFFFFFF00, s0;
	s31 =	sshll.u32 s23, $0xB  }
0x8d: {  	p2 =	sge.s32 s27, s26;
	s1 =	sadd.s32 s1, s3;
	s3 =	rddreg [dreg:$0x15]  }
0x8e: {  	s28 =	sshll.u32 @!p1 s3, $0xE;
	s1 =	sshra.s32 s1, $0x2;
	p1 =	slt.s32 s0, $0x100  }
0x8f: {  	s0 =	simm.s32 $0x0;
	s30 =	sadd.s32 $0x8000, s1;
	s1 =	simm.s32 $0x0  }
.LBB1_13:
0x90: {  	s0 =	sadd.s32 $0x1, s0  }
0x91: {  	p3 =	sne.s32 s0, s24  }
.Ltmp5:
0x92: {  	_ = 	snop;
	(pc) =	sbr.rel @!p3 .LBB1_14-.Ltmp5, $2  }
0x93: {  	_ =	sdelay $0x2  }
0x94: {  	s1 =	sadd.s32 $0x1, s1  }
.LBB1_4:
.Ltmp6:
0x95: {  	s2 =	sand.u32 $0x7, s1;
	(pc) =	sbr.rel .LBB1_5-.Ltmp6, $4  }
0x96: {  	s2 =	smul.u32 $0x204, s2  }
0x97: {  	s3 =	sshll.u32 s0, $0x10;
	s4 =	simm.s32 $0x0;
	s7 =	simm.s32 $0x0  }
0x98: {  	s6 =	simm.s32 $0x0;
	s3 =	sshra.s32 s3, $0x2;
	s2 =	sshrl.u32 s2, $0x2  }
0x99: {  	s9 =	sadd.s32 s3, s28;
	s5 =	sadd.s32 s2, s29;
	s3 =	sadd.s32 s2, s30  }
.LBB1_12:
0x9a: {  	s6 =	sadd.s32 $0x1, s6  }
0x9b: {  	p3 =	sne.s32 s6, s25  }
.Ltmp7:
0x9c: {  	_ = 	snop;
	(pc) =	sbr.rel @!p3 .LBB1_13-.Ltmp7, $2  }
0x9d: {  	_ =	sdelay $0x2  }
0x9e: {  	s7 =	sadd.s32 $0x1, s7;
	s4 =	sadd.s32 $0x80, s4  }
.LBB1_5:
.Ltmp8:
0x9f: {  	(pc) =	sbr.rel @p1 .LBB1_9-.Ltmp8, $2  }
0xa0: {  	_ =	sdelay $0x2  }
0xa1: {  	s8 =	sand.u32 $0x7F, s7;
	s2 =	sshll.u32 s6, $0x7  }
0xa2: {  	s17 =	sand.u32 $0x380, s2  }
0xa3: {  	s18 =	sadd.s32 s17, s9  }
0xa4: {  	s16 =	simm.s32 $0x480;
	s19 =	simm.s32 $0x700;
	s20 =	simm.s32 $0x500;
	v0 =	vmov s18  }
0xa5: {  	s21 =	simm.s32 $0x580;
	s22 =	simm.s32 $0x600;
	s10 =	simm.s32 $0x680  }
0xa6: {  	s15 =	sadd.s32 $0x780, s4;
	p3 =	sgt.s32 s27, $0x100;
	s19 =	sand.u32 $0x3C00, s19  }
0xa7: {  	s17 =	simm.s32 $0x780;
	s19 =	sadd.s32 s2, s19;
	s18 =	sand.u32 $0x3C00, s16  }
0xa8: {  	s20 =	sand.u32 $0x3C00, s20;
	s19 =	sand.u32 $0x3C00, s19;
	s18 =	sadd.s32 s2, s18  }
0xa9: {  	s21 =	sand.u32 $0x3C00, s21;
	s20 =	sadd.s32 s2, s20;
	s18 =	sand.u32 $0x3C00, s18;
	v3 =	vld.idx.msk [tilespmem:v0+s19+$0x60 ss:$0x1], $0xffff  }
0xaa: {  	s10 =	sand.u32 $0x3C00, s10;
	s21 =	sadd.s32 s2, s21;
	s12 =	sand.u32 $0x3C00, s20;
	v7 =	vld.idx.msk [tilespmem:v0+s18+$0x10 ss:$0x1], $0xffff  }
0xab: {  	s11 =	sand.u32 $0x3C00, s22;
	s10 =	sadd.s32 s2, s10;
	s14 =	sand.u32 $0x3C00, s21;
	v1 =	vld.idx.msk [tilespmem:v0+s12+$0x20 ss:$0x1], $0xffff  }
.Ltmp9:
0xac: {  	s13 =	sadd.s32 s2, s11;
	s10 =	sand.u32 $0x3C00, s10;
	v6 =	vld.idx.msk [tilespmem:v0+s14+$0x30 ss:$0x1], $0xffff;
	(pc) =	sbr.rel @!p3 .LBB1_8-.Ltmp9, $4  }
0xad: {  	s16 =	sadd.s32 $0xFFFFF880, s15;
	s17 =	sand.u32 $0x3C00, s17;
	s19 =	sand.u32 $0x3C00, s13;
	v2 =	vld.idx.msk [tilespmem:v0+s10+$0x50 ss:$0x1], $0xffff  }
0xae: {  	s23 =	sadd.s32 s8, s5;
	s22 =	sand.u32 $0x3C00, s16;
	s17 =	sadd.s32 s2, s17;
	v4 =	vld.idx.msk [tilespmem:v0+s19+$0x40 ss:$0x1], $0xffff  }
0xaf: {  	s21 =	simm.s32 $0x100;
	s20 =	sadd.s32 $0xFFFFFC80, s15;
	s17 =	sand.u32 $0x3C00, s17;
	v5 =	vld.idx.msk [tilespmem:v0+s22+$0x10 ss:$0x1], $0xffff;
	[tilespmem:s23+$0x70E0 ss:$0x81] =	vst.msk $0xffff, v3  }
0xb0: {  	s18 =	simm.s32 $0xF80;
	s19 =	sand.u32 $0x3C00, s20;
	s20 =	smov.u32 s23;
	v3 =	vld.idx.msk [tilespmem:v0+s22+$0x0 ss:$0x1], $0xffff;
	[tilespmem:s23+$0x4890 ss:$0x81] =	vst.msk $0xffff, v7  }
.LBB1_7:
0xb1: {  	s10 =	sadd.s32 $0xFFFFFD00, s18;
	s12 =	sadd.s32 $0xFFFFFF80, s18;
	s21 =	sadd.s32 $0x100, s21;
	v7 =	vld.idx.msk [tilespmem:v0+s22+$0x20 ss:$0x1], $0xffff;
	[tilespmem:s23+$0x50A0 ss:$0x81] =	vst.msk $0xffff, v1  }
0xb2: {  	s15 =	sadd.s32 $0xFFFFFD80, s18;
	s12 =	sand.u32 $0x3C00, s12;
	p3 =	slt.s32 s21, s27;
	v1 =	vld.idx.msk [tilespmem:v0+s22+$0x30 ss:$0x1], $0xffff;
	[tilespmem:s23+$0x58B0 ss:$0x81] =	vst.msk $0xffff, v6  }
0xb3: {  	s16 =	sadd.s32 $0xFFFFFE00, s18;
	s13 =	sadd.s32 $0xFFFFFE80, s18;
	s12 =	sadd.s32 s2, s12;
	v6 =	vld.idx.msk [tilespmem:v0+s22+$0x40 ss:$0x1], $0xffff;
	[tilespmem:s23+$0x60C0 ss:$0x81] =	vst.msk $0xffff, v4  }
0xb4: {  	s11 =	sadd.s32 $0xFFFFFF00, s18;
	s10 =	sand.u32 $0x3C00, s10;
	s12 =	sand.u32 $0x3C00, s12;
	v4 =	vld.idx.msk [tilespmem:v0+s22+$0x50 ss:$0x1], $0xffff;
	[tilespmem:s23+$0x68D0 ss:$0x81] =	vst.msk $0xffff, v2  }
0xb5: {  	s15 =	sand.u32 $0x3C00, s15;
	s16 =	sand.u32 $0x3C00, s16;
	s13 =	sand.u32 $0x3C00, s13;
	v2 =	vld.idx.msk [tilespmem:v0+s12+$0x60 ss:$0x1], $0xffff;
	[tilespmem:s23+$0x0 ss:$0x81] =	vst.msk $0xffff, v3  }
0xb6: {  	s14 =	sand.u32 $0x3C00, s18;
	s11 =	sand.u32 $0x3C00, s11;
	s12 =	sadd.s32 s18, s4;
	[tilespmem:s23+$0x810 ss:$0x81] =	vst.msk $0xffff, v5;
	v3 =	vld.idx.msk [tilespmem:v0+s22+$0x60 ss:$0x1], $0xffff  }
0xb7: {  	s10 =	sadd.s32 s2, s10;
	s15 =	sadd.s32 s2, s15;
	s16 =	sadd.s32 s2, s16;
	[tilespmem:s23+$0x1020 ss:$0x81] =	vst.msk $0xffff, v7;
	v5 =	vld.idx.msk [tilespmem:v0+s22+$0x70 ss:$0x1], $0xffff  }
0xb8: {  	s13 =	sadd.s32 s2, s13;
	s11 =	sadd.s32 s2, s11;
	s22 =	sadd.s32 $0xFFFFF880, s12;
	[tilespmem:s23+$0x1830 ss:$0x81] =	vst.msk $0xffff, v1;
	v7 =	vld.idx.msk [tilespmem:v0+s19+$0x0 ss:$0x1], $0xffff  }
0xb9: {  	s14 =	sadd.s32 s2, s14;
	s10 =	sand.u32 $0x3C00, s10;
	s12 =	sadd.s32 $0xFFFFFC80, s12;
	[tilespmem:s23+$0x2040 ss:$0x81] =	vst.msk $0xffff, v6;
	v8 =	vld.idx.msk [tilespmem:v0+s17+$0x70 ss:$0x1], $0xffff  }
0xba: {  	s23 =	sadd.s32 $0x8100, s23;
	v9 =	vld.idx.msk [tilespmem:v0+s10+$0x10 ss:$0x1], $0xffff;
	s10 =	sand.u32 $0x3C00, s15;
	s15 =	sand.u32 $0x3C00, s16;
	[tilespmem:s20+$0x2850 ss:$0x81] =	vst.msk $0xffff, v4  }
0xbb: {  	s11 =	sand.u32 $0x3C00, s11;
	s22 =	sand.u32 $0x3C00, s22;
	v1 =	vld.idx.msk [tilespmem:v0+s10+$0x20 ss:$0x1], $0xffff;
	s10 =	sand.u32 $0x3C00, s13;
	[tilespmem:s23+$0x70E0 ss:$0x81] =	vst.msk $0xffff, v2  }
.Ltmp10:
0xbc: {  	s19 =	sand.u32 $0x3C00, s12;
	s17 =	sand.u32 $0x3C00, s14;
	v6 =	vld.idx.msk [tilespmem:v0+s15+$0x30 ss:$0x1], $0xffff;
	[tilespmem:s20+$0x3060 ss:$0x81] =	vst.msk $0xffff, v3;
	(pc) =	sbr.rel @p3 .LBB1_7-.Ltmp10, $4  }
0xbd: {  	v4 =	vld.idx.msk [tilespmem:v0+s10+$0x40 ss:$0x1], $0xffff;
	[tilespmem:s20+$0x3870 ss:$0x81] =	vst.msk $0xffff, v5  }
0xbe: {  	v2 =	vld.idx.msk [tilespmem:v0+s11+$0x50 ss:$0x1], $0xffff;
	[tilespmem:s20+$0x4080 ss:$0x81] =	vst.msk $0xffff, v7  }
0xbf: {  	v3 =	vld.idx.msk [tilespmem:v0+s22+$0x0 ss:$0x1], $0xffff;
	[tilespmem:s20+$0x78F0 ss:$0x81] =	vst.msk $0xffff, v8;
	s20 =	smov.u32 s23  }
0xc0: {  	s18 =	sadd.s32 $0x800, s18;
	v5 =	vld.idx.msk [tilespmem:v0+s22+$0x10 ss:$0x1], $0xffff;
	[tilespmem:s23+$0x4890 ss:$0x81] =	vst.msk $0xffff, v9  }
.LBB1_8:
0xc1: {  	_ =	sdelay $0x2  }
0xc2: {  	[tilespmem:s23+$0x50A0 ss:$0x81] =	vst.msk $0xffff, v1  }
0xc3: {  	v56 =	vld.idx.msk [tilespmem:v0+s22+$0x20 ss:$0x1], $0xffff;
	[tilespmem:s23+$0x58B0 ss:$0x81] =	vst.msk $0xffff, v6  }
0xc4: {  	v57 =	vld.idx.msk [tilespmem:v0+s22+$0x30 ss:$0x1], $0xffff;
	[tilespmem:s23+$0x60C0 ss:$0x81] =	vst.msk $0xffff, v4  }
0xc5: {  	v58 =	vld.idx.msk [tilespmem:v0+s22+$0x40 ss:$0x1], $0xffff;
	[tilespmem:s23+$0x68D0 ss:$0x81] =	vst.msk $0xffff, v2  }
0xc6: {  	v59 =	vld.idx.msk [tilespmem:v0+s22+$0x50 ss:$0x1], $0xffff;
	[tilespmem:s23+$0x0 ss:$0x81] =	vst.msk $0xffff, v3  }
0xc7: {  	v60 =	vld.idx.msk [tilespmem:v0+s22+$0x60 ss:$0x1], $0xffff;
	[tilespmem:s23+$0x810 ss:$0x81] =	vst.msk $0xffff, v5  }
0xc8: {  	v61 =	vld.idx.msk [tilespmem:v0+s22+$0x70 ss:$0x1], $0xffff;
	[tilespmem:s23+$0x1020 ss:$0x81] =	vst.msk $0xffff, v56  }
0xc9: {  	v62 =	vld.idx.msk [tilespmem:v0+s19+$0x0 ss:$0x1], $0xffff;
	[tilespmem:s23+$0x1830 ss:$0x81] =	vst.msk $0xffff, v57  }
0xca: {  	v63 =	vld.idx.msk [tilespmem:v0+s17+$0x70 ss:$0x1], $0xffff;
	[tilespmem:s23+$0x2040 ss:$0x81] =	vst.msk $0xffff, v58  }
0xcb: {  	[tilespmem:s20+$0x2850 ss:$0x81] =	vst.msk $0xffff, v59  }
0xcc: {  	[tilespmem:s20+$0x3060 ss:$0x81] =	vst.msk $0xffff, v60  }
0xcd: {  	[tilespmem:s20+$0x3870 ss:$0x81] =	vst.msk $0xffff, v61  }
0xce: {  	[tilespmem:s20+$0x4080 ss:$0x81] =	vst.msk $0xffff, v62  }
0xcf: {  	[tilespmem:s20+$0x78F0 ss:$0x81] =	vst.msk $0xffff, v63  }
.LBB1_9:
.Ltmp11:
0xd0: {  	(pc) =	sbr.rel @p2 .LBB1_12-.Ltmp11, $1  }
0xd1: {  	_ =	sdelay $0x3  }
0xd2: {  	s17 =	sand.u32 $0x380, s2;
	s8 =	sadd.s32 s8, s3  }
0xd3: {  	s18 =	smov.u32 s31;
	s19 =	smov.u32 s27;
	s17 =	sadd.s32 s17, s9  }
.LBB1_11:
0xd4: {  	s10 =	sand.u32 $0x3C00, s18  }
0xd5: {  	s10 =	sadd.s32 s2, s10  }
0xd6: {  	s10 =	sand.u32 $0x3C00, s10  }
0xd7: {  	s11 =	sand.u32 $0x70, s19;
	s10 =	sadd.s32 s10, s17  }
0xd8: {  	s19 =	sadd.s32 $0x10, s19;
	s10 =	sadd.s32 s11, s10  }
0xd9: {  	p3 =	slt.s32 s19, s26;
	v0 =	vld [tilespmem:s10+$0x0]  }
.Ltmp12:
0xda: {  	_ = 	snop;
	(pc) =	sbr.rel @p3 .LBB1_11-.Ltmp12, $2  }
0xdb: {  	_ =	sdelay $0x2  }
0xdc: {  	s18 =	sadd.s32 $0x80, s18;
	[tilespmem:s8+$0x0 ss:$0x81] =	vst.msk $0xffff, v0;
	s8 =	sadd.s32 $0x810, s8  }
.Ltmp13:
0xdd: {  	_ = 	snop;
	(pc) =	sbr.rel .LBB1_12-.Ltmp13, $1  }
0xde: {  	_ =	sdelay $0x3  }
.LBB1_16:
0xdf: {  	_ =	sfence.sel $0x180000  }
0xe0: {  	s0 =	simm.s32 $0x1;
	[bflag:$0x0] =	sbarrier.arrive $0xFFFF  }
0xe1: {  	s30 =	simm.s32 $0x2;
	[sflag:s0] =	ssyncpa.u1 $0x1  }
0xe2: {  	[sflag:s30] =	ssyncpa.u1 $0x1  }
0xe3: {  	_ =	strace $0x90000047  }
0xe4: {  	s31 =	stileid.u32;
	[bflag:$0x2] =	sbarrier.arrive $0xFFFF  }
0xe5: {  	p0 =	sne.s32 s31, $0x0;
	s0 =	rddreg [dreg:$0x1]  }
0xe6: {  	s0 =	sadd.s32 @!p0 $0x100000, s0  }
0xe7: {  	[sflag:s0] =	ssyncadd.tile.s32 @!p0 $0x1;
	_ =	shalt  }
.Lfunc_end1:
_tile_overlayer_lowered:
.L_overlay_start_2:
0xe8: {  	(tag) =	ssettag $0x2  }
0xe9: {  	s0 =	rddreg [dreg:$0x0];
	s2 =	stileid.u32  }
0xea: {  	s1 =	rddreg [dreg:$0x1];
	p0 =	sne.s32 s2, $0x0  }
0xeb: {  	s3 =	rddreg [dreg:$0x2];
	[bflag:$0x3] =	sbarrier.arrive $0xFFFF;
	s2 =	simm.s32 @!p0 $0x1C01  }
0xec: {  	[timem:s3], [sflag:s2] =	dma.local @!p0 [hbm:s0], s1  }
0xed: {  	s0 =	simm.s32 @!p0 $0x1  }
0xee: {  	_ =	swait.ge @!p0 [sflag:s0], s1  }
0xef: {  	s1 =	ssub.s32 @!p0 $0x0, s1;
	[sflag:s0] =	ssyncset.done @!p0 $0x0  }
0xf0: {  	[sflag:s0] =	ssyncadd.s32 @!p0 s1  }
0xf1: {  	[bflag:$0x3] =	sbarrier.arrive $0xFFFF  }
0xf2: {  	_ =	shalt  }

</sc_bundles>
